<compile_context>
chip_gen: v7x
topology: tpu7x:2x2x1
jax: 0.10.2.dev20260603
libtpu: 0.0.44.dev20260713+nightly
codegen_flags: <defaults>
</compile_context>

<pallas_src>
import functools

import jax
import jax.numpy as jnp
from jax import lax
from jax.experimental import pallas as pl
from jax.experimental.pallas import tpu as pltpu
from jax.experimental.pallas import tpu_sc as plsc

BATCH = 16384
NS = 5
NFACT = 4
NRULES = NS ** NFACT

_info = plsc.get_sparse_core_info()
_NC, _NSUB, _L = _info.num_cores, _info.num_subcores, _info.num_lanes
NW = _NC * _NSUB
ROWS_PER_W = BATCH // NW
RB = 16
NBLK = ROWS_PER_W // RB
MT_W = NFACT * NS * ROWS_PER_W
BUF_W = RB * NRULES


def _sc_call(mt):
    mesh = plsc.VectorSubcoreMesh(core_axis_name="c", subcore_axis_name="s")

    @functools.partial(
        pl.kernel,
        mesh=mesh,
        out_type=jax.ShapeDtypeStruct((BATCH * NRULES,), jnp.float32),
        compiler_params=pltpu.CompilerParams(needs_layout_passes=False),
        scratch_types=[
            pltpu.VMEM((MT_W,), jnp.float32),
            pltpu.VMEM((2 * BUF_W,), jnp.float32),
            pltpu.SemaphoreType.DMA,
            pltpu.SemaphoreType.DMA,
        ],
    )
    def k(mt_hbm, out_hbm, mt_v, buf_v, sem0, sem1):
        wid = lax.axis_index("s") * _NC + lax.axis_index("c")
        pltpu.sync_copy(mt_hbm.at[pl.ds(wid * MT_W, MT_W)], mt_v)
        lane_off = lax.iota(jnp.int32, _L) * NRULES

        def _drain(sem):
            pltpu.make_async_copy(buf_v.at[pl.ds(0, BUF_W)],
                                  out_hbm.at[pl.ds(0, BUF_W)], sem).wait()

        def block(t, carry):
            par = jnp.bitwise_and(t, 1)
            base_idx = lane_off + par * BUF_W

            @pl.when(t >= 2)
            def _():
                @pl.when(par == 0)
                def _():
                    _drain(sem0)
                @pl.when(par == 1)
                def _():
                    _drain(sem1)

            vs = [[mt_v[pl.ds((j * NS + i) * ROWS_PER_W + t * RB, RB)]
                   for i in range(NS)] for j in range(NFACT)]
            for i0 in range(NS):
                v0 = vs[0][i0]
                for i1 in range(NS):
                    v01 = v0 * vs[1][i1]
                    for i2 in range(NS):
                        v012 = v01 * vs[2][i2]
                        for i3 in range(NS):
                            r = ((i0 * NS + i1) * NS + i2) * NS + i3
                            val = v012 * vs[3][i3]
                            plsc.store_scatter(buf_v, [base_idx + r], val)
            out_off = (wid * ROWS_PER_W + t * RB) * NRULES

            @pl.when(par == 0)
            def _():
                pltpu.async_copy(buf_v.at[pl.ds(0, BUF_W)],
                                 out_hbm.at[pl.ds(out_off, BUF_W)], sem0)

            @pl.when(par == 1)
            def _():
                pltpu.async_copy(buf_v.at[pl.ds(BUF_W, BUF_W)],
                                 out_hbm.at[pl.ds(out_off, BUF_W)], sem1)
            return carry

        lax.fori_loop(0, NBLK, block, 0)
        _drain(sem0)
        _drain(sem1)

    return k(mt)


def kernel(m0, m1, m2, m3):
    mt = jnp.concatenate([m0.T, m1.T, m2.T, m3.T], axis=0)
    mt = mt.reshape(NFACT * NS, NW, ROWS_PER_W).transpose(1, 0, 2)
    return _sc_call(mt.reshape(-1)).reshape(BATCH, NRULES)

# --- scband reference (transcript-rebuilt; emitter-appended) ---
"""Pipeline reference for scband-antecedents-33852932227315 (READ-ONLY COPY).

The authoritative reference and input builder live on the scoring server;
editing this copy changes nothing except your own understanding.
"""

import jax, jax.numpy as jnp
import numpy as np

N_SETS = [5, 5, 5, 5]
BATCH = 16384


def _rule_indices():
    grids = jnp.meshgrid(*[jnp.arange(s) for s in N_SETS], indexing='ij')
    return jnp.stack([g.reshape(-1) for g in grids], axis=1)  # (R, n)


def setup_inputs(seed: int = 0) -> dict:
    key = jax.random.key(seed)
    ks = jax.random.split(key, len(N_SETS))
    inp = {}
    for j in range(len(N_SETS)):
        inp[f"m{j}"] = jax.random.uniform(ks[j], (BATCH, N_SETS[j]), dtype=jnp.float32)
    return inp


def reference(m0, m1, m2, m3):
    memberships = [m0, m1, m2, m3]
    n = len(N_SETS)
    N = m0.shape[0]
    max_sets = max(N_SETS)
    # pad each membership tensor to max_sets along axis 1 (no-op here since all equal)
    padded = [jnp.pad(memberships[j], ((0, 0), (0, max_sets - N_SETS[j]))) for j in range(n)]
    memb_tensor = jnp.stack(padded, axis=0)  # (n, N, max_sets)
    ri = _rule_indices()  # (R, n)
    R = ri.shape[0]
    idx = jnp.broadcast_to(ri.T[:, None, :], (n, N, R))  # (n, N, R)
    gathered = jnp.take_along_axis(memb_tensor, idx, axis=2)  # (n, N, R)
    antecedents = jnp.prod(jnp.transpose(gathered, (1, 2, 0)), axis=2)  # (N, R)
    return antecedents

if __name__ == "__main__":
    import jax
    _d = setup_inputs()
    print(jax.jit(kernel)(*tuple(_d.values())))

</pallas_src>

<mosaic_0001>
#map = affine_map<(d0, d1) -> (0)>
module attributes {stable_mosaic.version = 14 : i64} {
  func.func @k(%arg0: i32, %arg1: i32, %arg2: memref<327680xf32, #tpu.memory_space<hbm>>, %arg3: memref<10240000xf32, #tpu.memory_space<hbm>>, %arg4: memref<10240xf32, #tpu.memory_space<vmem>>, %arg5: memref<20000xf32, #tpu.memory_space<vmem>>, %arg6: memref<!tpu.dma_semaphore, #tpu.memory_space<semaphore_mem>>, %arg7: memref<!tpu.dma_semaphore, #tpu.memory_space<semaphore_mem>>) attributes {dimension_semantics = [#tpu.dimension_semantics<core_parallel>, #tpu.dimension_semantics<subcore_parallel>], iteration_bounds = array<i64: 2, 16>, scalar_prefetch = 0 : i64, scratch_operands = 4 : i64, tpu.core_type = #tpu.core_type<sc_vector_subcore>, window_params = [{transform_indices = #map}, {transform_indices = #map}]} {
    %mul3A = arith.constant 2 : i32
    %mul3A_0 = arith.muli %arg1, %mul3A : i32
    %add3A = arith.addi %mul3A_0, %arg0 : i32
    %mul3A_1 = arith.constant 10240 : i32
    %mul3A_2 = arith.muli %add3A, %mul3A_1 : i32
    "tpu.region"() ({
      %run_scoped3A = tpu.sem_alloc : memref<!tpu.dma_semaphore, #tpu.memory_space<semaphore_mem>>
      %dma_start3A = tpu.memref_slice %arg2[%mul3A_2] : memref<327680xf32, #tpu.memory_space<hbm>> -> memref<10240xf32, #tpu.memory_space<hbm>>
      %dma_start3A_26 = tpu.memref_slice %arg2[%mul3A_2] : memref<327680xf32, #tpu.memory_space<hbm>> -> memref<10240xf32, #tpu.memory_space<hbm>>
      tpu.enqueue_dma source(%dma_start3A_26 : memref<10240xf32, #tpu.memory_space<hbm>>) target(%arg4 : memref<10240xf32, #tpu.memory_space<vmem>>) target_semaphore(%run_scoped3A : memref<!tpu.dma_semaphore, #tpu.memory_space<semaphore_mem>>)
      %dma_wait3A_27 = tpu.memref_slice %arg2[%mul3A_2] : memref<327680xf32, #tpu.memory_space<hbm>> -> memref<10240xf32, #tpu.memory_space<hbm>>
      %dma_wait3A_28 = tpu.memref_slice %arg2[%mul3A_2] : memref<327680xf32, #tpu.memory_space<hbm>> -> memref<10240xf32, #tpu.memory_space<hbm>>
      tpu.wait_dma2 semaphore(%run_scoped3A : memref<!tpu.dma_semaphore, #tpu.memory_space<semaphore_mem>>) src(%dma_wait3A_28 : memref<10240xf32, #tpu.memory_space<hbm>>) dst(%arg4 : memref<10240xf32, #tpu.memory_space<vmem>>)
      tpu.yield
    }) : () -> ()
    %iota3A = tpu.iota {dimensions = array<i32: 0>} : vector<16xi32>
    %mul3A_3 = arith.constant 625 : i32
    %mul3A_4 = vector.broadcast %mul3A_3 : i32 to vector<16xi32>
    %mul3A_5 = arith.muli %iota3A, %mul3A_4 : vector<16xi32>
    %scan3A = arith.constant 0 : i32
    %scan3A_6 = arith.constant 0 : i32
    %scan3A_7 = arith.constant 32 : i32
    %scan3A_8 = arith.addi %scan3A_6, %scan3A_7 : i32
    %scan3A_9 = arith.constant 1 : i32
    scf.for %scan3A_26 = %scan3A_6 to %scan3A_8 step %scan3A_9  : i32 {
      %and3A = arith.constant 1 : i32
      %and3A_27 = arith.andi %scan3A_26, %and3A : i32
      %mul3A_28 = arith.constant 10000 : i32
      %mul3A_29 = arith.muli %and3A_27, %mul3A_28 : i32
      %add3A_30 = vector.broadcast %mul3A_29 : i32 to vector<16xi32>
      %add3A_31 = arith.addi %mul3A_5, %add3A_30 : vector<16xi32>
      %ge3A = arith.constant 2 : i32
      %ge3A_32 = arith.cmpi sge, %scan3A_26, %ge3A : i32
      %convert_element_type3A = arith.extui %ge3A_32 : i1 to i32
      %cond3A = arith.constant 0 : i32
      %cond3A_33 = arith.cmpi ne, %convert_element_type3A, %cond3A : i32
      scf.if %cond3A_33 {
        %eq3A_2819 = arith.constant 0 : i32
        %eq3A_2820 = arith.cmpi eq, %and3A_27, %eq3A_2819 : i32
        %convert_element_type3A_2821 = arith.extui %eq3A_2820 : i1 to i32
        %cond3A_2822 = arith.constant 0 : i32
        %cond3A_2823 = arith.cmpi ne, %convert_element_type3A_2821, %cond3A_2822 : i32
        scf.if %cond3A_2823 {
          %dma_wait3A_2829 = arith.constant 0 : i32
          %dma_wait3A_2830 = tpu.memref_slice %arg5[%dma_wait3A_2829] : memref<20000xf32, #tpu.memory_space<vmem>> -> memref<10000xf32, #tpu.memory_space<vmem>>
          %dma_wait3A_2831 = arith.constant 0 : i32
          %dma_wait3A_2832 = tpu.memref_slice %arg3[%dma_wait3A_2831] : memref<10240000xf32, #tpu.memory_space<hbm>> -> memref<10000xf32, #tpu.memory_space<hbm>>
          %dma_wait3A_2833 = arith.constant 0 : i32
          %dma_wait3A_2834 = tpu.memref_slice %arg3[%dma_wait3A_2833] : memref<10240000xf32, #tpu.memory_space<hbm>> -> memref<10000xf32, #tpu.memory_space<hbm>>
          %dma_wait3A_2835 = arith.constant 0 : i32
          %dma_wait3A_2836 = tpu.memref_slice %arg5[%dma_wait3A_2835] : memref<20000xf32, #tpu.memory_space<vmem>> -> memref<10000xf32, #tpu.memory_space<vmem>>
          tpu.wait_dma2 semaphore(%arg6 : memref<!tpu.dma_semaphore, #tpu.memory_space<semaphore_mem>>) src(%dma_wait3A_2836 : memref<10000xf32, #tpu.memory_space<vmem>>) dst(%dma_wait3A_2834 : memref<10000xf32, #tpu.memory_space<hbm>>)
        } else {
        }
        %eq3A_2824 = arith.constant 1 : i32
        %eq3A_2825 = arith.cmpi eq, %and3A_27, %eq3A_2824 : i32
        %convert_element_type3A_2826 = arith.extui %eq3A_2825 : i1 to i32
        %cond3A_2827 = arith.constant 0 : i32
        %cond3A_2828 = arith.cmpi ne, %convert_element_type3A_2826, %cond3A_2827 : i32
        scf.if %cond3A_2828 {
          %dma_wait3A_2829 = arith.constant 0 : i32
          %dma_wait3A_2830 = tpu.memref_slice %arg5[%dma_wait3A_2829] : memref<20000xf32, #tpu.memory_space<vmem>> -> memref<10000xf32, #tpu.memory_space<vmem>>
          %dma_wait3A_2831 = arith.constant 0 : i32
          %dma_wait3A_2832 = tpu.memref_slice %arg3[%dma_wait3A_2831] : memref<10240000xf32, #tpu.memory_space<hbm>> -> memref<10000xf32, #tpu.memory_space<hbm>>
          %dma_wait3A_2833 = arith.constant 0 : i32
          %dma_wait3A_2834 = tpu.memref_slice %arg3[%dma_wait3A_2833] : memref<10240000xf32, #tpu.memory_space<hbm>> -> memref<10000xf32, #tpu.memory_space<hbm>>
          %dma_wait3A_2835 = arith.constant 0 : i32
          %dma_wait3A_2836 = tpu.memref_slice %arg5[%dma_wait3A_2835] : memref<20000xf32, #tpu.memory_space<vmem>> -> memref<10000xf32, #tpu.memory_space<vmem>>
          tpu.wait_dma2 semaphore(%arg7 : memref<!tpu.dma_semaphore, #tpu.memory_space<semaphore_mem>>) src(%dma_wait3A_2836 : memref<10000xf32, #tpu.memory_space<vmem>>) dst(%dma_wait3A_2834 : memref<10000xf32, #tpu.memory_space<hbm>>)
        } else {
        }
      } else {
      }
      %mul3A_34 = arith.constant 16 : i32
      %mul3A_35 = arith.muli %scan3A_26, %mul3A_34 : i32
      %add3A_36 = arith.constant 0 : i32
      %add3A_37 = arith.addi %add3A_36, %mul3A_35 : i32
      %get3A = arith.index_cast %add3A_37 : i32 to index
      %get3A_38 = tpu.vector_load %arg4[%get3A] {strides = array<i32>} : memref<10240xf32, #tpu.memory_space<vmem>>, vector<16xf32>,
      %mul3A_39 = arith.constant 16 : i32
      %mul3A_40 = arith.muli %scan3A_26, %mul3A_39 : i32
      %add3A_41 = arith.constant 512 : i32
      %add3A_42 = arith.addi %add3A_41, %mul3A_40 : i32
      %get3A_43 = arith.index_cast %add3A_42 : i32 to index
      %get3A_44 = tpu.vector_load %arg4[%get3A_43] {strides = array<i32>} : memref<10240xf32, #tpu.memory_space<vmem>>, vector<16xf32>,
      %mul3A_45 = arith.constant 16 : i32
      %mul3A_46 = arith.muli %scan3A_26, %mul3A_45 : i32
      %add3A_47 = arith.constant 1024 : i32
      %add3A_48 = arith.addi %add3A_47, %mul3A_46 : i32
      %get3A_49 = arith.index_cast %add3A_48 : i32 to index
      %get3A_50 = tpu.vector_load %arg4[%get3A_49] {strides = array<i32>} : memref<10240xf32, #tpu.memory_space<vmem>>, vector<16xf32>,
      %mul3A_51 = arith.constant 16 : i32
      %mul3A_52 = arith.muli %scan3A_26, %mul3A_51 : i32
      %add3A_53 = arith.constant 1536 : i32
      %add3A_54 = arith.addi %add3A_53, %mul3A_52 : i32
      %get3A_55 = arith.index_cast %add3A_54 : i32 to index
      %get3A_56 = tpu.vector_load %arg4[%get3A_55] {strides = array<i32>} : memref<10240xf32, #tpu.memory_space<vmem>>, vector<16xf32>,
      %mul3A_57 = arith.constant 16 : i32
      %mul3A_58 = arith.muli %scan3A_26, %mul3A_57 : i32
      %add3A_59 = arith.constant 2048 : i32
      %add3A_60 = arith.addi %add3A_59, %mul3A_58 : i32
      %get3A_61 = arith.index_cast %add3A_60 : i32 to index
      %get3A_62 = tpu.vector_load %arg4[%get3A_61] {strides = array<i32>} : memref<10240xf32, #tpu.memory_space<vmem>>, vector<16xf32>,
      %mul3A_63 = arith.constant 16 : i32
      %mul3A_64 = arith.muli %scan3A_26, %mul3A_63 : i32
      %add3A_65 = arith.constant 2560 : i32
      %add3A_66 = arith.addi %add3A_65, %mul3A_64 : i32
      %get3A_67 = arith.index_cast %add3A_66 : i32 to index
      %get3A_68 = tpu.vector_load %arg4[%get3A_67] {strides = array<i32>} : memref<10240xf32, #tpu.memory_space<vmem>>, vector<16xf32>,
      %mul3A_69 = arith.constant 16 : i32
      %mul3A_70 = arith.muli %scan3A_26, %mul3A_69 : i32
      %add3A_71 = arith.constant 3072 : i32
      %add3A_72 = arith.addi %add3A_71, %mul3A_70 : i32
      %get3A_73 = arith.index_cast %add3A_72 : i32 to index
      %get3A_74 = tpu.vector_load %arg4[%get3A_73] {strides = array<i32>} : memref<10240xf32, #tpu.memory_space<vmem>>, vector<16xf32>,
      %mul3A_75 = arith.constant 16 : i32
      %mul3A_76 = arith.muli %scan3A_26, %mul3A_75 : i32
      %add3A_77 = arith.constant 3584 : i32
      %add3A_78 = arith.addi %add3A_77, %mul3A_76 : i32
      %get3A_79 = arith.index_cast %add3A_78 : i32 to index
      %get3A_80 = tpu.vector_load %arg4[%get3A_79] {strides = array<i32>} : memref<10240xf32, #tpu.memory_space<vmem>>, vector<16xf32>,
      %mul3A_81 = arith.constant 16 : i32
      %mul3A_82 = arith.muli %scan3A_26, %mul3A_81 : i32
      %add3A_83 = arith.constant 4096 : i32
      %add3A_84 = arith.addi %add3A_83, %mul3A_82 : i32
      %get3A_85 = arith.index_cast %add3A_84 : i32 to index
      %get3A_86 = tpu.vector_load %arg4[%get3A_85] {strides = array<i32>} : memref<10240xf32, #tpu.memory_space<vmem>>, vector<16xf32>,
      %mul3A_87 = arith.constant 16 : i32
      %mul3A_88 = arith.muli %scan3A_26, %mul3A_87 : i32
      %add3A_89 = arith.constant 4608 : i32
      %add3A_90 = arith.addi %add3A_89, %mul3A_88 : i32
      %get3A_91 = arith.index_cast %add3A_90 : i32 to index
      %get3A_92 = tpu.vector_load %arg4[%get3A_91] {strides = array<i32>} : memref<10240xf32, #tpu.memory_space<vmem>>, vector<16xf32>,
      %mul3A_93 = arith.constant 16 : i32
      %mul3A_94 = arith.muli %scan3A_26, %mul3A_93 : i32
      %add3A_95 = arith.constant 5120 : i32
      %add3A_96 = arith.addi %add3A_95, %mul3A_94 : i32
      %get3A_97 = arith.index_cast %add3A_96 : i32 to index
      %get3A_98 = tpu.vector_load %arg4[%get3A_97] {strides = array<i32>} : memref<10240xf32, #tpu.memory_space<vmem>>, vector<16xf32>,
      %mul3A_99 = arith.constant 16 : i32
      %mul3A_100 = arith.muli %scan3A_26, %mul3A_99 : i32
      %add3A_101 = arith.constant 5632 : i32
      %add3A_102 = arith.addi %add3A_101, %mul3A_100 : i32
      %get3A_103 = arith.index_cast %add3A_102 : i32 to index
      %get3A_104 = tpu.vector_load %arg4[%get3A_103] {strides = array<i32>} : memref<10240xf32, #tpu.memory_space<vmem>>, vector<16xf32>,
      %mul3A_105 = arith.constant 16 : i32
      %mul3A_106 = arith.muli %scan3A_26, %mul3A_105 : i32
      %add3A_107 = arith.constant 6144 : i32
      %add3A_108 = arith.addi %add3A_107, %mul3A_106 : i32
      %get3A_109 = arith.index_cast %add3A_108 : i32 to index
      %get3A_110 = tpu.vector_load %arg4[%get3A_109] {strides = array<i32>} : memref<10240xf32, #tpu.memory_space<vmem>>, vector<16xf32>,
      %mul3A_111 = arith.constant 16 : i32
      %mul3A_112 = arith.muli %scan3A_26, %mul3A_111 : i32
      %add3A_113 = arith.constant 6656 : i32
      %add3A_114 = arith.addi %add3A_113, %mul3A_112 : i32
      %get3A_115 = arith.index_cast %add3A_114 : i32 to index
      %get3A_116 = tpu.vector_load %arg4[%get3A_115] {strides = array<i32>} : memref<10240xf32, #tpu.memory_space<vmem>>, vector<16xf32>,
      %mul3A_117 = arith.constant 16 : i32
      %mul3A_118 = arith.muli %scan3A_26, %mul3A_117 : i32
      %add3A_119 = arith.constant 7168 : i32
      %add3A_120 = arith.addi %add3A_119, %mul3A_118 : i32
      %get3A_121 = arith.index_cast %add3A_120 : i32 to index
      %get3A_122 = tpu.vector_load %arg4[%get3A_121] {strides = array<i32>} : memref<10240xf32, #tpu.memory_space<vmem>>, vector<16xf32>,
      %mul3A_123 = arith.constant 16 : i32
      %mul3A_124 = arith.muli %scan3A_26, %mul3A_123 : i32
      %add3A_125 = arith.constant 7680 : i32
      %add3A_126 = arith.addi %add3A_125, %mul3A_124 : i32
      %get3A_127 = arith.index_cast %add3A_126 : i32 to index
      %get3A_128 = tpu.vector_load %arg4[%get3A_127] {strides = array<i32>} : memref<10240xf32, #tpu.memory_space<vmem>>, vector<16xf32>,
      %mul3A_129 = arith.constant 16 : i32
      %mul3A_130 = arith.muli %scan3A_26, %mul3A_129 : i32
      %add3A_131 = arith.constant 8192 : i32
      %add3A_132 = arith.addi %add3A_131, %mul3A_130 : i32
      %get3A_133 = arith.index_cast %add3A_132 : i32 to index
      %get3A_134 = tpu.vector_load %arg4[%get3A_133] {strides = array<i32>} : memref<10240xf32, #tpu.memory_space<vmem>>, vector<16xf32>,
      %mul3A_135 = arith.constant 16 : i32
      %mul3A_136 = arith.muli %scan3A_26, %mul3A_135 : i32
      %add3A_137 = arith.constant 8704 : i32
      %add3A_138 = arith.addi %add3A_137, %mul3A_136 : i32
      %get3A_139 = arith.index_cast %add3A_138 : i32 to index
      %get3A_140 = tpu.vector_load %arg4[%get3A_139] {strides = array<i32>} : memref<10240xf32, #tpu.memory_space<vmem>>, vector<16xf32>,
      %mul3A_141 = arith.constant 16 : i32
      %mul3A_142 = arith.muli %scan3A_26, %mul3A_141 : i32
      %add3A_143 = arith.constant 9216 : i32
      %add3A_144 = arith.addi %add3A_143, %mul3A_142 : i32
      %get3A_145 = arith.index_cast %add3A_144 : i32 to index
      %get3A_146 = tpu.vector_load %arg4[%get3A_145] {strides = array<i32>} : memref<10240xf32, #tpu.memory_space<vmem>>, vector<16xf32>,
      %mul3A_147 = arith.constant 16 : i32
      %mul3A_148 = arith.muli %scan3A_26, %mul3A_147 : i32
      %add3A_149 = arith.constant 9728 : i32
      %add3A_150 = arith.addi %add3A_149, %mul3A_148 : i32
      %get3A_151 = arith.index_cast %add3A_150 : i32 to index
      %get3A_152 = tpu.vector_load %arg4[%get3A_151] {strides = array<i32>} : memref<10240xf32, #tpu.memory_space<vmem>>, vector<16xf32>,
      %mul3A_153 = arith.mulf %get3A_38, %get3A_68 : vector<16xf32>
      %mul3A_154 = arith.mulf %mul3A_153, %get3A_98 : vector<16xf32>
      %mul3A_155 = arith.mulf %mul3A_154, %get3A_128 : vector<16xf32>
      %add3A_156 = arith.constant 0 : i32
      %add3A_157 = vector.broadcast %add3A_156 : i32 to vector<16xi32>
      %add3A_158 = arith.addi %add3A_31, %add3A_157 : vector<16xi32>
      tpu.vector_store_idx %arg5[%add3A_158], %mul3A_155 : memref<20000xf32, #tpu.memory_space<vmem>>[vector<16xi32>], vector<16xf32>,
      %mul3A_159 = arith.mulf %mul3A_154, %get3A_134 : vector<16xf32>
      %add3A_160 = arith.constant 1 : i32
      %add3A_161 = vector.broadcast %add3A_160 : i32 to vector<16xi32>
      %add3A_162 = arith.addi %add3A_31, %add3A_161 : vector<16xi32>
      tpu.vector_store_idx %arg5[%add3A_162], %mul3A_159 : memref<20000xf32, #tpu.memory_space<vmem>>[vector<16xi32>], vector<16xf32>,
      %mul3A_163 = arith.mulf %mul3A_154, %get3A_140 : vector<16xf32>
      %add3A_164 = arith.constant 2 : i32
      %add3A_165 = vector.broadcast %add3A_164 : i32 to vector<16xi32>
      %add3A_166 = arith.addi %add3A_31, %add3A_165 : vector<16xi32>
      tpu.vector_store_idx %arg5[%add3A_166], %mul3A_163 : memref<20000xf32, #tpu.memory_space<vmem>>[vector<16xi32>], vector<16xf32>,
      %mul3A_167 = arith.mulf %mul3A_154, %get3A_146 : vector<16xf32>
      %add3A_168 = arith.constant 3 : i32
      %add3A_169 = vector.broadcast %add3A_168 : i32 to vector<16xi32>
      %add3A_170 = arith.addi %add3A_31, %add3A_169 : vector<16xi32>
      tpu.vector_store_idx %arg5[%add3A_170], %mul3A_167 : memref<20000xf32, #tpu.memory_space<vmem>>[vector<16xi32>], vector<16xf32>,
      %mul3A_171 = arith.mulf %mul3A_154, %get3A_152 : vector<16xf32>
      %add3A_172 = arith.constant 4 : i32
      %add3A_173 = vector.broadcast %add3A_172 : i32 to vector<16xi32>
      %add3A_174 = arith.addi %add3A_31, %add3A_173 : vector<16xi32>
      tpu.vector_store_idx %arg5[%add3A_174], %mul3A_171 : memref<20000xf32, #tpu.memory_space<vmem>>[vector<16xi32>], vector<16xf32>,
      %mul3A_175 = arith.mulf %mul3A_153, %get3A_104 : vector<16xf32>
      %mul3A_176 = arith.mulf %mul3A_175, %get3A_128 : vector<16xf32>
      %add3A_177 = arith.constant 5 : i32
      %add3A_178 = vector.broadcast %add3A_177 : i32 to vector<16xi32>
      %add3A_179 = arith.addi %add3A_31, %add3A_178 : vector<16xi32>
      tpu.vector_store_idx %arg5[%add3A_179], %mul3A_176 : memref<20000xf32, #tpu.memory_space<vmem>>[vector<16xi32>], vector<16xf32>,
      %mul3A_180 = arith.mulf %mul3A_175, %get3A_134 : vector<16xf32>
      %add3A_181 = arith.constant 6 : i32
      %add3A_182 = vector.broadcast %add3A_181 : i32 to vector<16xi32>
      %add3A_183 = arith.addi %add3A_31, %add3A_182 : vector<16xi32>
      tpu.vector_store_idx %arg5[%add3A_183], %mul3A_180 : memref<20000xf32, #tpu.memory_space<vmem>>[vector<16xi32>], vector<16xf32>,
      %mul3A_184 = arith.mulf %mul3A_175, %get3A_140 : vector<16xf32>
      %add3A_185 = arith.constant 7 : i32
      %add3A_186 = vector.broadcast %add3A_185 : i32 to vector<16xi32>
      %add3A_187 = arith.addi %add3A_31, %add3A_186 : vector<16xi32>
      tpu.vector_store_idx %arg5[%add3A_187], %mul3A_184 : memref<20000xf32, #tpu.memory_space<vmem>>[vector<16xi32>], vector<16xf32>,
      %mul3A_188 = arith.mulf %mul3A_175, %get3A_146 : vector<16xf32>
      %add3A_189 = arith.constant 8 : i32
      %add3A_190 = vector.broadcast %add3A_189 : i32 to vector<16xi32>
      %add3A_191 = arith.addi %add3A_31, %add3A_190 : vector<16xi32>
      tpu.vector_store_idx %arg5[%add3A_191], %mul3A_188 : memref<20000xf32, #tpu.memory_space<vmem>>[vector<16xi32>], vector<16xf32>,
      %mul3A_192 = arith.mulf %mul3A_175, %get3A_152 : vector<16xf32>
      %add3A_193 = arith.constant 9 : i32
      %add3A_194 = vector.broadcast %add3A_193 : i32 to vector<16xi32>
      %add3A_195 = arith.addi %add3A_31, %add3A_194 : vector<16xi32>
      tpu.vector_store_idx %arg5[%add3A_195], %mul3A_192 : memref<20000xf32, #tpu.memory_space<vmem>>[vector<16xi32>], vector<16xf32>,
      %mul3A_196 = arith.mulf %mul3A_153, %get3A_110 : vector<16xf32>
      %mul3A_197 = arith.mulf %mul3A_196, %get3A_128 : vector<16xf32>
      %add3A_198 = arith.constant 10 : i32
      %add3A_199 = vector.broadcast %add3A_198 : i32 to vector<16xi32>
      %add3A_200 = arith.addi %add3A_31, %add3A_199 : vector<16xi32>
      tpu.vector_store_idx %arg5[%add3A_200], %mul3A_197 : memref<20000xf32, #tpu.memory_space<vmem>>[vector<16xi32>], vector<16xf32>,
      %mul3A_201 = arith.mulf %mul3A_196, %get3A_134 : vector<16xf32>
      %add3A_202 = arith.constant 11 : i32
      %add3A_203 = vector.broadcast %add3A_202 : i32 to vector<16xi32>
      %add3A_204 = arith.addi %add3A_31, %add3A_203 : vector<16xi32>
      tpu.vector_store_idx %arg5[%add3A_204], %mul3A_201 : memref<20000xf32, #tpu.memory_space<vmem>>[vector<16xi32>], vector<16xf32>,
      %mul3A_205 = arith.mulf %mul3A_196, %get3A_140 : vector<16xf32>
      %add3A_206 = arith.constant 12 : i32
      %add3A_207 = vector.broadcast %add3A_206 : i32 to vector<16xi32>
      %add3A_208 = arith.addi %add3A_31, %add3A_207 : vector<16xi32>
      tpu.vector_store_idx %arg5[%add3A_208], %mul3A_205 : memref<20000xf32, #tpu.memory_space<vmem>>[vector<16xi32>], vector<16xf32>,
      %mul3A_209 = arith.mulf %mul3A_196, %get3A_146 : vector<16xf32>
      %add3A_210 = arith.constant 13 : i32
      %add3A_211 = vector.broadcast %add3A_210 : i32 to vector<16xi32>
      %add3A_212 = arith.addi %add3A_31, %add3A_211 : vector<16xi32>
      tpu.vector_store_idx %arg5[%add3A_212], %mul3A_209 : memref<20000xf32, #tpu.memory_space<vmem>>[vector<16xi32>], vector<16xf32>,
      %mul3A_213 = arith.mulf %mul3A_196, %get3A_152 : vector<16xf32>
      %add3A_214 = arith.constant 14 : i32
      %add3A_215 = vector.broadcast %add3A_214 : i32 to vector<16xi32>
      %add3A_216 = arith.addi %add3A_31, %add3A_215 : vector<16xi32>
      tpu.vector_store_idx %arg5[%add3A_216], %mul3A_213 : memref<20000xf32, #tpu.memory_space<vmem>>[vector<16xi32>], vector<16xf32>,
      %mul3A_217 = arith.mulf %mul3A_153, %get3A_116 : vector<16xf32>
      %mul3A_218 = arith.mulf %mul3A_217, %get3A_128 : vector<16xf32>
      %add3A_219 = arith.constant 15 : i32
      %add3A_220 = vector.broadcast %add3A_219 : i32 to vector<16xi32>
      %add3A_221 = arith.addi %add3A_31, %add3A_220 : vector<16xi32>
      tpu.vector_store_idx %arg5[%add3A_221], %mul3A_218 : memref<20000xf32, #tpu.memory_space<vmem>>[vector<16xi32>], vector<16xf32>,
      %mul3A_222 = arith.mulf %mul3A_217, %get3A_134 : vector<16xf32>
      %add3A_223 = arith.constant 16 : i32
      %add3A_224 = vector.broadcast %add3A_223 : i32 to vector<16xi32>
      %add3A_225 = arith.addi %add3A_31, %add3A_224 : vector<16xi32>
      tpu.vector_store_idx %arg5[%add3A_225], %mul3A_222 : memref<20000xf32, #tpu.memory_space<vmem>>[vector<16xi32>], vector<16xf32>,
      %mul3A_226 = arith.mulf %mul3A_217, %get3A_140 : vector<16xf32>
      %add3A_227 = arith.constant 17 : i32
      %add3A_228 = vector.broadcast %add3A_227 : i32 to vector<16xi32>
      %add3A_229 = arith.addi %add3A_31, %add3A_228 : vector<16xi32>
      tpu.vector_store_idx %arg5[%add3A_229], %mul3A_226 : memref<20000xf32, #tpu.memory_space<vmem>>[vector<16xi32>], vector<16xf32>,
      %mul3A_230 = arith.mulf %mul3A_217, %get3A_146 : vector<16xf32>
      %add3A_231 = arith.constant 18 : i32
      %add3A_232 = vector.broadcast %add3A_231 : i32 to vector<16xi32>
      %add3A_233 = arith.addi %add3A_31, %add3A_232 : vector<16xi32>
      tpu.vector_store_idx %arg5[%add3A_233], %mul3A_230 : memref<20000xf32, #tpu.memory_space<vmem>>[vector<16xi32>], vector<16xf32>,
      %mul3A_234 = arith.mulf %mul3A_217, %get3A_152 : vector<16xf32>
      %add3A_235 = arith.constant 19 : i32
      %add3A_236 = vector.broadcast %add3A_235 : i32 to vector<16xi32>
      %add3A_237 = arith.addi %add3A_31, %add3A_236 : vector<16xi32>
      tpu.vector_store_idx %arg5[%add3A_237], %mul3A_234 : memref<20000xf32, #tpu.memory_space<vmem>>[vector<16xi32>], vector<16xf32>,
      %mul3A_238 = arith.mulf %mul3A_153, %get3A_122 : vector<16xf32>
      %mul3A_239 = arith.mulf %mul3A_238, %get3A_128 : vector<16xf32>
      %add3A_240 = arith.constant 20 : i32
      %add3A_241 = vector.broadcast %add3A_240 : i32 to vector<16xi32>
      %add3A_242 = arith.addi %add3A_31, %add3A_241 : vector<16xi32>
      tpu.vector_store_idx %arg5[%add3A_242], %mul3A_239 : memref<20000xf32, #tpu.memory_space<vmem>>[vector<16xi32>], vector<16xf32>,
      %mul3A_243 = arith.mulf %mul3A_238, %get3A_134 : vector<16xf32>
      %add3A_244 = arith.constant 21 : i32
      %add3A_245 = vector.broadcast %add3A_244 : i32 to vector<16xi32>
      %add3A_246 = arith.addi %add3A_31, %add3A_245 : vector<16xi32>
      tpu.vector_store_idx %arg5[%add3A_246], %mul3A_243 : memref<20000xf32, #tpu.memory_space<vmem>>[vector<16xi32>], vector<16xf32>,
      %mul3A_247 = arith.mulf %mul3A_238, %get3A_140 : vector<16xf32>
      %add3A_248 = arith.constant 22 : i32
      %add3A_249 = vector.broadcast %add3A_248 : i32 to vector<16xi32>
      %add3A_250 = arith.addi %add3A_31, %add3A_249 : vector<16xi32>
      tpu.vector_store_idx %arg5[%add3A_250], %mul3A_247 : memref<20000xf32, #tpu.memory_space<vmem>>[vector<16xi32>], vector<16xf32>,
      %mul3A_251 = arith.mulf %mul3A_238, %get3A_146 : vector<16xf32>
      %add3A_252 = arith.constant 23 : i32
      %add3A_253 = vector.broadcast %add3A_252 : i32 to vector<16xi32>
      %add3A_254 = arith.addi %add3A_31, %add3A_253 : vector<16xi32>
      tpu.vector_store_idx %arg5[%add3A_254], %mul3A_251 : memref<20000xf32, #tpu.memory_space<vmem>>[vector<16xi32>], vector<16xf32>,
      %mul3A_255 = arith.mulf %mul3A_238, %get3A_152 : vector<16xf32>
      %add3A_256 = arith.constant 24 : i32
      %add3A_257 = vector.broadcast %add3A_256 : i32 to vector<16xi32>
      %add3A_258 = arith.addi %add3A_31, %add3A_257 : vector<16xi32>
      tpu.vector_store_idx %arg5[%add3A_258], %mul3A_255 : memref<20000xf32, #tpu.memory_space<vmem>>[vector<16xi32>], vector<16xf32>,
      %mul3A_259 = arith.mulf %get3A_38, %get3A_74 : vector<16xf32>
      %mul3A_260 = arith.mulf %mul3A_259, %get3A_98 : vector<16xf32>
      %mul3A_261 = arith.mulf %mul3A_260, %get3A_128 : vector<16xf32>
      %add3A_262 = arith.constant 25 : i32
      %add3A_263 = vector.broadcast %add3A_262 : i32 to vector<16xi32>
      %add3A_264 = arith.addi %add3A_31, %add3A_263 : vector<16xi32>
      tpu.vector_store_idx %arg5[%add3A_264], %mul3A_261 : memref<20000xf32, #tpu.memory_space<vmem>>[vector<16xi32>], vector<16xf32>,
      %mul3A_265 = arith.mulf %mul3A_260, %get3A_134 : vector<16xf32>
      %add3A_266 = arith.constant 26 : i32
      %add3A_267 = vector.broadcast %add3A_266 : i32 to vector<16xi32>
      %add3A_268 = arith.addi %add3A_31, %add3A_267 : vector<16xi32>
      tpu.vector_store_idx %arg5[%add3A_268], %mul3A_265 : memref<20000xf32, #tpu.memory_space<vmem>>[vector<16xi32>], vector<16xf32>,
      %mul3A_269 = arith.mulf %mul3A_260, %get3A_140 : vector<16xf32>
      %add3A_270 = arith.constant 27 : i32
      %add3A_271 = vector.broadcast %add3A_270 : i32 to vector<16xi32>
      %add3A_272 = arith.addi %add3A_31, %add3A_271 : vector<16xi32>
      tpu.vector_store_idx %arg5[%add3A_272], %mul3A_269 : memref<20000xf32, #tpu.memory_space<vmem>>[vector<16xi32>], vector<16xf32>,
      %mul3A_273 = arith.mulf %mul3A_260, %get3A_146 : vector<16xf32>
      %add3A_274 = arith.constant 28 : i32
      %add3A_275 = vector.broadcast %add3A_274 : i32 to vector<16xi32>
      %add3A_276 = arith.addi %add3A_31, %add3A_275 : vector<16xi32>
      tpu.vector_store_idx %arg5[%add3A_276], %mul3A_273 : memref<20000xf32, #tpu.memory_space<vmem>>[vector<16xi32>], vector<16xf32>,
      %mul3A_277 = arith.mulf %mul3A_260, %get3A_152 : vector<16xf32>
      %add3A_278 = arith.constant 29 : i32
      %add3A_279 = vector.broadcast %add3A_278 : i32 to vector<16xi32>
      %add3A_280 = arith.addi %add3A_31, %add3A_279 : vector<16xi32>
      tpu.vector_store_idx %arg5[%add3A_280], %mul3A_277 : memref<20000xf32, #tpu.memory_space<vmem>>[vector<16xi32>], vector<16xf32>,
      %mul3A_281 = arith.mulf %mul3A_259, %get3A_104 : vector<16xf32>
      %mul3A_282 = arith.mulf %mul3A_281, %get3A_128 : vector<16xf32>
      %add3A_283 = arith.constant 30 : i32
      %add3A_284 = vector.broadcast %add3A_283 : i32 to vector<16xi32>
      %add3A_285 = arith.addi %add3A_31, %add3A_284 : vector<16xi32>
      tpu.vector_store_idx %arg5[%add3A_285], %mul3A_282 : memref<20000xf32, #tpu.memory_space<vmem>>[vector<16xi32>], vector<16xf32>,
      %mul3A_286 = arith.mulf %mul3A_281, %get3A_134 : vector<16xf32>
      %add3A_287 = arith.constant 31 : i32
      %add3A_288 = vector.broadcast %add3A_287 : i32 to vector<16xi32>
      %add3A_289 = arith.addi %add3A_31, %add3A_288 : vector<16xi32>
      tpu.vector_store_idx %arg5[%add3A_289], %mul3A_286 : memref<20000xf32, #tpu.memory_space<vmem>>[vector<16xi32>], vector<16xf32>,
      %mul3A_290 = arith.mulf %mul3A_281, %get3A_140 : vector<16xf32>
      %add3A_291 = arith.constant 32 : i32
      %add3A_292 = vector.broadcast %add3A_291 : i32 to vector<16xi32>
      %add3A_293 = arith.addi %add3A_31, %add3A_292 : vector<16xi32>
      tpu.vector_store_idx %arg5[%add3A_293], %mul3A_290 : memref<20000xf32, #tpu.memory_space<vmem>>[vector<16xi32>], vector<16xf32>,
      %mul3A_294 = arith.mulf %mul3A_281, %get3A_146 : vector<16xf32>
      %add3A_295 = arith.constant 33 : i32
      %add3A_296 = vector.broadcast %add3A_295 : i32 to vector<16xi32>
      %add3A_297 = arith.addi %add3A_31, %add3A_296 : vector<16xi32>
      tpu.vector_store_idx %arg5[%add3A_297], %mul3A_294 : memref<20000xf32, #tpu.memory_space<vmem>>[vector<16xi32>], vector<16xf32>,
      %mul3A_298 = arith.mulf %mul3A_281, %get3A_152 : vector<16xf32>
      %add3A_299 = arith.constant 34 : i32
      %add3A_300 = vector.broadcast %add3A_299 : i32 to vector<16xi32>
      %add3A_301 = arith.addi %add3A_31, %add3A_300 : vector<16xi32>
      tpu.vector_store_idx %arg5[%add3A_301], %mul3A_298 : memref<20000xf32, #tpu.memory_space<vmem>>[vector<16xi32>], vector<16xf32>,
      %mul3A_302 = arith.mulf %mul3A_259, %get3A_110 : vector<16xf32>
      %mul3A_303 = arith.mulf %mul3A_302, %get3A_128 : vector<16xf32>
      %add3A_304 = arith.constant 35 : i32
      %add3A_305 = vector.broadcast %add3A_304 : i32 to vector<16xi32>
      %add3A_306 = arith.addi %add3A_31, %add3A_305 : vector<16xi32>
      tpu.vector_store_idx %arg5[%add3A_306], %mul3A_303 : memref<20000xf32, #tpu.memory_space<vmem>>[vector<16xi32>], vector<16xf32>,
      %mul3A_307 = arith.mulf %mul3A_302, %get3A_134 : vector<16xf32>
      %add3A_308 = arith.constant 36 : i32
      %add3A_309 = vector.broadcast %add3A_308 : i32 to vector<16xi32>
      %add3A_310 = arith.addi %add3A_31, %add3A_309 : vector<16xi32>
      tpu.vector_store_idx %arg5[%add3A_310], %mul3A_307 : memref<20000xf32, #tpu.memory_space<vmem>>[vector<16xi32>], vector<16xf32>,
      %mul3A_311 = arith.mulf %mul3A_302, %get3A_140 : vector<16xf32>
      %add3A_312 = arith.constant 37 : i32
      %add3A_313 = vector.broadcast %add3A_312 : i32 to vector<16xi32>
      %add3A_314 = arith.addi %add3A_31, %add3A_313 : vector<16xi32>
      tpu.vector_store_idx %arg5[%add3A_314], %mul3A_311 : memref<20000xf32, #tpu.memory_space<vmem>>[vector<16xi32>], vector<16xf32>,
      %mul3A_315 = arith.mulf %mul3A_302, %get3A_146 : vector<16xf32>
      %add3A_316 = arith.constant 38 : i32
      %add3A_317 = vector.broadcast %add3A_316 : i32 to vector<16xi32>
      %add3A_318 = arith.addi %add3A_31, %add3A_317 : vector<16xi32>
      tpu.vector_store_idx %arg5[%add3A_318], %mul3A_315 : memref<20000xf32, #tpu.memory_space<vmem>>[vector<16xi32>], vector<16xf32>,
      %mul3A_319 = arith.mulf %mul3A_302, %get3A_152 : vector<16xf32>
      %add3A_320 = arith.constant 39 : i32
      %add3A_321 = vector.broadcast %add3A_320 : i32 to vector<16xi32>
      %add3A_322 = arith.addi %add3A_31, %add3A_321 : vector<16xi32>
      tpu.vector_store_idx %arg5[%add3A_322], %mul3A_319 : memref<20000xf32, #tpu.memory_space<vmem>>[vector<16xi32>], vector<16xf32>,
      %mul3A_323 = arith.mulf %mul3A_259, %get3A_116 : vector<16xf32>
      %mul3A_324 = arith.mulf %mul3A_323, %get3A_128 : vector<16xf32>
      %add3A_325 = arith.constant 40 : i32
      %add3A_326 = vector.broadcast %add3A_325 : i32 to vector<16xi32>
      %add3A_327 = arith.addi %add3A_31, %add3A_326 : vector<16xi32>
      tpu.vector_store_idx %arg5[%add3A_327], %mul3A_324 : memref<20000xf32, #tpu.memory_space<vmem>>[vector<16xi32>], vector<16xf32>,
      %mul3A_328 = arith.mulf %mul3A_323, %get3A_134 : vector<16xf32>
      %add3A_329 = arith.constant 41 : i32
      %add3A_330 = vector.broadcast %add3A_329 : i32 to vector<16xi32>
      %add3A_331 = arith.addi %add3A_31, %add3A_330 : vector<16xi32>
      tpu.vector_store_idx %arg5[%add3A_331], %mul3A_328 : memref<20000xf32, #tpu.memory_space<vmem>>[vector<16xi32>], vector<16xf32>,
      %mul3A_332 = arith.mulf %mul3A_323, %get3A_140 : vector<16xf32>
      %add3A_333 = arith.constant 42 : i32
      %add3A_334 = vector.broadcast %add3A_333 : i32 to vector<16xi32>
      %add3A_335 = arith.addi %add3A_31, %add3A_334 : vector<16xi32>
      tpu.vector_store_idx %arg5[%add3A_335], %mul3A_332 : memref<20000xf32, #tpu.memory_space<vmem>>[vector<16xi32>], vector<16xf32>,
      %mul3A_336 = arith.mulf %mul3A_323, %get3A_146 : vector<16xf32>
      %add3A_337 = arith.constant 43 : i32
      %add3A_338 = vector.broadcast %add3A_337 : i32 to vector<16xi32>
      %add3A_339 = arith.addi %add3A_31, %add3A_338 : vector<16xi32>
      tpu.vector_store_idx %arg5[%add3A_339], %mul3A_336 : memref<20000xf32, #tpu.memory_space<vmem>>[vector<16xi32>], vector<16xf32>,
      %mul3A_340 = arith.mulf %mul3A_323, %get3A_152 : vector<16xf32>
      %add3A_341 = arith.constant 44 : i32
      %add3A_342 = vector.broadcast %add3A_341 : i32 to vector<16xi32>
      %add3A_343 = arith.addi %add3A_31, %add3A_342 : vector<16xi32>
      tpu.vector_store_idx %arg5[%add3A_343], %mul3A_340 : memref<20000xf32, #tpu.memory_space<vmem>>[vector<16xi32>], vector<16xf32>,
      %mul3A_344 = arith.mulf %mul3A_259, %get3A_122 : vector<16xf32>
      %mul3A_345 = arith.mulf %mul3A_344, %get3A_128 : vector<16xf32>
      %add3A_346 = arith.constant 45 : i32
      %add3A_347 = vector.broadcast %add3A_346 : i32 to vector<16xi32>
      %add3A_348 = arith.addi %add3A_31, %add3A_347 : vector<16xi32>
      tpu.vector_store_idx %arg5[%add3A_348], %mul3A_345 : memref<20000xf32, #tpu.memory_space<vmem>>[vector<16xi32>], vector<16xf32>,
      %mul3A_349 = arith.mulf %mul3A_344, %get3A_134 : vector<16xf32>
      %add3A_350 = arith.constant 46 : i32
      %add3A_351 = vector.broadcast %add3A_350 : i32 to vector<16xi32>
      %add3A_352 = arith.addi %add3A_31, %add3A_351 : vector<16xi32>
      tpu.vector_store_idx %arg5[%add3A_352], %mul3A_349 : memref<20000xf32, #tpu.memory_space<vmem>>[vector<16xi32>], vector<16xf32>,
      %mul3A_353 = arith.mulf %mul3A_344, %get3A_140 : vector<16xf32>
      %add3A_354 = arith.constant 47 : i32
      %add3A_355 = vector.broadcast %add3A_354 : i32 to vector<16xi32>
      %add3A_356 = arith.addi %add3A_31, %add3A_355 : vector<16xi32>
      tpu.vector_store_idx %arg5[%add3A_356], %mul3A_353 : memref<20000xf32, #tpu.memory_space<vmem>>[vector<16xi32>], vector<16xf32>,
      %mul3A_357 = arith.mulf %mul3A_344, %get3A_146 : vector<16xf32>
      %add3A_358 = arith.constant 48 : i32
      %add3A_359 = vector.broadcast %add3A_358 : i32 to vector<16xi32>
      %add3A_360 = arith.addi %add3A_31, %add3A_359 : vector<16xi32>
      tpu.vector_store_idx %arg5[%add3A_360], %mul3A_357 : memref<20000xf32, #tpu.memory_space<vmem>>[vector<16xi32>], vector<16xf32>,
      %mul3A_361 = arith.mulf %mul3A_344, %get3A_152 : vector<16xf32>
      %add3A_362 = arith.constant 49 : i32
      %add3A_363 = vector.broadcast %add3A_362 : i32 to vector<16xi32>
      %add3A_364 = arith.addi %add3A_31, %add3A_363 : vector<16xi32>
      tpu.vector_store_idx %arg5[%add3A_364], %mul3A_361 : memref<20000xf32, #tpu.memory_space<vmem>>[vector<16xi32>], vector<16xf32>,
      %mul3A_365 = arith.mulf %get3A_38, %get3A_80 : vector<16xf32>
      %mul3A_366 = arith.mulf %mul3A_365, %get3A_98 : vector<16xf32>
      %mul3A_367 = arith.mulf %mul3A_366, %get3A_128 : vector<16xf32>
      %add3A_368 = arith.constant 50 : i32
      %add3A_369 = vector.broadcast %add3A_368 : i32 to vector<16xi32>
      %add3A_370 = arith.addi %add3A_31, %add3A_369 : vector<16xi32>
      tpu.vector_store_idx %arg5[%add3A_370], %mul3A_367 : memref<20000xf32, #tpu.memory_space<vmem>>[vector<16xi32>], vector<16xf32>,
      %mul3A_371 = arith.mulf %mul3A_366, %get3A_134 : vector<16xf32>
      %add3A_372 = arith.constant 51 : i32
      %add3A_373 = vector.broadcast %add3A_372 : i32 to vector<16xi32>
      %add3A_374 = arith.addi %add3A_31, %add3A_373 : vector<16xi32>
      tpu.vector_store_idx %arg5[%add3A_374], %mul3A_371 : memref<20000xf32, #tpu.memory_space<vmem>>[vector<16xi32>], vector<16xf32>,
      %mul3A_375 = arith.mulf %mul3A_366, %get3A_140 : vector<16xf32>
      %add3A_376 = arith.constant 52 : i32
      %add3A_377 = vector.broadcast %add3A_376 : i32 to vector<16xi32>
      %add3A_378 = arith.addi %add3A_31, %add3A_377 : vector<16xi32>
      tpu.vector_store_idx %arg5[%add3A_378], %mul3A_375 : memref<20000xf32, #tpu.memory_space<vmem>>[vector<16xi32>], vector<16xf32>,
      %mul3A_379 = arith.mulf %mul3A_366, %get3A_146 : vector<16xf32>
      %add3A_380 = arith.constant 53 : i32
      %add3A_381 = vector.broadcast %add3A_380 : i32 to vector<16xi32>
      %add3A_382 = arith.addi %add3A_31, %add3A_381 : vector<16xi32>
      tpu.vector_store_idx %arg5[%add3A_382], %mul3A_379 : memref<20000xf32, #tpu.memory_space<vmem>>[vector<16xi32>], vector<16xf32>,
      %mul3A_383 = arith.mulf %mul3A_366, %get3A_152 : vector<16xf32>
      %add3A_384 = arith.constant 54 : i32
      %add3A_385 = vector.broadcast %add3A_384 : i32 to vector<16xi32>
      %add3A_386 = arith.addi %add3A_31, %add3A_385 : vector<16xi32>
      tpu.vector_store_idx %arg5[%add3A_386], %mul3A_383 : memref<20000xf32, #tpu.memory_space<vmem>>[vector<16xi32>], vector<16xf32>,
      %mul3A_387 = arith.mulf %mul3A_365, %get3A_104 : vector<16xf32>
      %mul3A_388 = arith.mulf %mul3A_387, %get3A_128 : vector<16xf32>
      %add3A_389 = arith.constant 55 : i32
      %add3A_390 = vector.broadcast %add3A_389 : i32 to vector<16xi32>
      %add3A_391 = arith.addi %add3A_31, %add3A_390 : vector<16xi32>
      tpu.vector_store_idx %arg5[%add3A_391], %mul3A_388 : memref<20000xf32, #tpu.memory_space<vmem>>[vector<16xi32>], vector<16xf32>,
      %mul3A_392 = arith.mulf %mul3A_387, %get3A_134 : vector<16xf32>
      %add3A_393 = arith.constant 56 : i32
      %add3A_394 = vector.broadcast %add3A_393 : i32 to vector<16xi32>
      %add3A_395 = arith.addi %add3A_31, %add3A_394 : vector<16xi32>
      tpu.vector_store_idx %arg5[%add3A_395], %mul3A_392 : memref<20000xf32, #tpu.memory_space<vmem>>[vector<16xi32>], vector<16xf32>,
      %mul3A_396 = arith.mulf %mul3A_387, %get3A_140 : vector<16xf32>
      %add3A_397 = arith.constant 57 : i32
      %add3A_398 = vector.broadcast %add3A_397 : i32 to vector<16xi32>
      %add3A_399 = arith.addi %add3A_31, %add3A_398 : vector<16xi32>
      tpu.vector_store_idx %arg5[%add3A_399], %mul3A_396 : memref<20000xf32, #tpu.memory_space<vmem>>[vector<16xi32>], vector<16xf32>,
      %mul3A_400 = arith.mulf %mul3A_387, %get3A_146 : vector<16xf32>
      %add3A_401 = arith.constant 58 : i32
      %add3A_402 = vector.broadcast %add3A_401 : i32 to vector<16xi32>
      %add3A_403 = arith.addi %add3A_31, %add3A_402 : vector<16xi32>
      tpu.vector_store_idx %arg5[%add3A_403], %mul3A_400 : memref<20000xf32, #tpu.memory_space<vmem>>[vector<16xi32>], vector<16xf32>,
      %mul3A_404 = arith.mulf %mul3A_387, %get3A_152 : vector<16xf32>
      %add3A_405 = arith.constant 59 : i32
      %add3A_406 = vector.broadcast %add3A_405 : i32 to vector<16xi32>
      %add3A_407 = arith.addi %add3A_31, %add3A_406 : vector<16xi32>
      tpu.vector_store_idx %arg5[%add3A_407], %mul3A_404 : memref<20000xf32, #tpu.memory_space<vmem>>[vector<16xi32>], vector<16xf32>,
      %mul3A_408 = arith.mulf %mul3A_365, %get3A_110 : vector<16xf32>
      %mul3A_409 = arith.mulf %mul3A_408, %get3A_128 : vector<16xf32>
      %add3A_410 = arith.constant 60 : i32
      %add3A_411 = vector.broadcast %add3A_410 : i32 to vector<16xi32>
      %add3A_412 = arith.addi %add3A_31, %add3A_411 : vector<16xi32>
      tpu.vector_store_idx %arg5[%add3A_412], %mul3A_409 : memref<20000xf32, #tpu.memory_space<vmem>>[vector<16xi32>], vector<16xf32>,
      %mul3A_413 = arith.mulf %mul3A_408, %get3A_134 : vector<16xf32>
      %add3A_414 = arith.constant 61 : i32
      %add3A_415 = vector.broadcast %add3A_414 : i32 to vector<16xi32>
      %add3A_416 = arith.addi %add3A_31, %add3A_415 : vector<16xi32>
      tpu.vector_store_idx %arg5[%add3A_416], %mul3A_413 : memref<20000xf32, #tpu.memory_space<vmem>>[vector<16xi32>], vector<16xf32>,
      %mul3A_417 = arith.mulf %mul3A_408, %get3A_140 : vector<16xf32>
      %add3A_418 = arith.constant 62 : i32
      %add3A_419 = vector.broadcast %add3A_418 : i32 to vector<16xi32>
      %add3A_420 = arith.addi %add3A_31, %add3A_419 : vector<16xi32>
      tpu.vector_store_idx %arg5[%add3A_420], %mul3A_417 : memref<20000xf32, #tpu.memory_space<vmem>>[vector<16xi32>], vector<16xf32>,
      %mul3A_421 = arith.mulf %mul3A_408, %get3A_146 : vector<16xf32>
      %add3A_422 = arith.constant 63 : i32
      %add3A_423 = vector.broadcast %add3A_422 : i32 to vector<16xi32>
      %add3A_424 = arith.addi %add3A_31, %add3A_423 : vector<16xi32>
      tpu.vector_store_idx %arg5[%add3A_424], %mul3A_421 : memref<20000xf32, #tpu.memory_space<vmem>>[vector<16xi32>], vector<16xf32>,
      %mul3A_425 = arith.mulf %mul3A_408, %get3A_152 : vector<16xf32>
      %add3A_426 = arith.constant 64 : i32
      %add3A_427 = vector.broadcast %add3A_426 : i32 to vector<16xi32>
      %add3A_428 = arith.addi %add3A_31, %add3A_427 : vector<16xi32>
      tpu.vector_store_idx %arg5[%add3A_428], %mul3A_425 : memref<20000xf32, #tpu.memory_space<vmem>>[vector<16xi32>], vector<16xf32>,
      %mul3A_429 = arith.mulf %mul3A_365, %get3A_116 : vector<16xf32>
      %mul3A_430 = arith.mulf %mul3A_429, %get3A_128 : vector<16xf32>
      %add3A_431 = arith.constant 65 : i32
      %add3A_432 = vector.broadcast %add3A_431 : i32 to vector<16xi32>
      %add3A_433 = arith.addi %add3A_31, %add3A_432 : vector<16xi32>
      tpu.vector_store_idx %arg5[%add3A_433], %mul3A_430 : memref<20000xf32, #tpu.memory_space<vmem>>[vector<16xi32>], vector<16xf32>,
      %mul3A_434 = arith.mulf %mul3A_429, %get3A_134 : vector<16xf32>
      %add3A_435 = arith.constant 66 : i32
      %add3A_436 = vector.broadcast %add3A_435 : i32 to vector<16xi32>
      %add3A_437 = arith.addi %add3A_31, %add3A_436 : vector<16xi32>
      tpu.vector_store_idx %arg5[%add3A_437], %mul3A_434 : memref<20000xf32, #tpu.memory_space<vmem>>[vector<16xi32>], vector<16xf32>,
      %mul3A_438 = arith.mulf %mul3A_429, %get3A_140 : vector<16xf32>
      %add3A_439 = arith.constant 67 : i32
      %add3A_440 = vector.broadcast %add3A_439 : i32 to vector<16xi32>
      %add3A_441 = arith.addi %add3A_31, %add3A_440 : vector<16xi32>
      tpu.vector_store_idx %arg5[%add3A_441], %mul3A_438 : memref<20000xf32, #tpu.memory_space<vmem>>[vector<16xi32>], vector<16xf32>,
      %mul3A_442 = arith.mulf %mul3A_429, %get3A_146 : vector<16xf32>
      %add3A_443 = arith.constant 68 : i32
      %add3A_444 = vector.broadcast %add3A_443 : i32 to vector<16xi32>
      %add3A_445 = arith.addi %add3A_31, %add3A_444 : vector<16xi32>
      tpu.vector_store_idx %arg5[%add3A_445], %mul3A_442 : memref<20000xf32, #tpu.memory_space<vmem>>[vector<16xi32>], vector<16xf32>,
      %mul3A_446 = arith.mulf %mul3A_429, %get3A_152 : vector<16xf32>
      %add3A_447 = arith.constant 69 : i32
      %add3A_448 = vector.broadcast %add3A_447 : i32 to vector<16xi32>
      %add3A_449 = arith.addi %add3A_31, %add3A_448 : vector<16xi32>
      tpu.vector_store_idx %arg5[%add3A_449], %mul3A_446 : memref<20000xf32, #tpu.memory_space<vmem>>[vector<16xi32>], vector<16xf32>,
      %mul3A_450 = arith.mulf %mul3A_365, %get3A_122 : vector<16xf32>
      %mul3A_451 = arith.mulf %mul3A_450, %get3A_128 : vector<16xf32>
      %add3A_452 = arith.constant 70 : i32
      %add3A_453 = vector.broadcast %add3A_452 : i32 to vector<16xi32>
      %add3A_454 = arith.addi %add3A_31, %add3A_453 : vector<16xi32>
      tpu.vector_store_idx %arg5[%add3A_454], %mul3A_451 : memref<20000xf32, #tpu.memory_space<vmem>>[vector<16xi32>], vector<16xf32>,
      %mul3A_455 = arith.mulf %mul3A_450, %get3A_134 : vector<16xf32>
      %add3A_456 = arith.constant 71 : i32
      %add3A_457 = vector.broadcast %add3A_456 : i32 to vector<16xi32>
      %add3A_458 = arith.addi %add3A_31, %add3A_457 : vector<16xi32>
      tpu.vector_store_idx %arg5[%add3A_458], %mul3A_455 : memref<20000xf32, #tpu.memory_space<vmem>>[vector<16xi32>], vector<16xf32>,
      %mul3A_459 = arith.mulf %mul3A_450, %get3A_140 : vector<16xf32>
      %add3A_460 = arith.constant 72 : i32
      %add3A_461 = vector.broadcast %add3A_460 : i32 to vector<16xi32>
      %add3A_462 = arith.addi %add3A_31, %add3A_461 : vector<16xi32>
      tpu.vector_store_idx %arg5[%add3A_462], %mul3A_459 : memref<20000xf32, #tpu.memory_space<vmem>>[vector<16xi32>], vector<16xf32>,
      %mul3A_463 = arith.mulf %mul3A_450, %get3A_146 : vector<16xf32>
      %add3A_464 = arith.constant 73 : i32
      %add3A_465 = vector.broadcast %add3A_464 : i32 to vector<16xi32>
      %add3A_466 = arith.addi %add3A_31, %add3A_465 : vector<16xi32>
      tpu.vector_store_idx %arg5[%add3A_466], %mul3A_463 : memref<20000xf32, #tpu.memory_space<vmem>>[vector<16xi32>], vector<16xf32>,
      %mul3A_467 = arith.mulf %mul3A_450, %get3A_152 : vector<16xf32>
      %add3A_468 = arith.constant 74 : i32
      %add3A_469 = vector.broadcast %add3A_468 : i32 to vector<16xi32>
      %add3A_470 = arith.addi %add3A_31, %add3A_469 : vector<16xi32>
      tpu.vector_store_idx %arg5[%add3A_470], %mul3A_467 : memref<20000xf32, #tpu.memory_space<vmem>>[vector<16xi32>], vector<16xf32>,
      %mul3A_471 = arith.mulf %get3A_38, %get3A_86 : vector<16xf32>
      %mul3A_472 = arith.mulf %mul3A_471, %get3A_98 : vector<16xf32>
      %mul3A_473 = arith.mulf %mul3A_472, %get3A_128 : vector<16xf32>
      %add3A_474 = arith.constant 75 : i32
      %add3A_475 = vector.broadcast %add3A_474 : i32 to vector<16xi32>
      %add3A_476 = arith.addi %add3A_31, %add3A_475 : vector<16xi32>
      tpu.vector_store_idx %arg5[%add3A_476], %mul3A_473 : memref<20000xf32, #tpu.memory_space<vmem>>[vector<16xi32>], vector<16xf32>,
      %mul3A_477 = arith.mulf %mul3A_472, %get3A_134 : vector<16xf32>
      %add3A_478 = arith.constant 76 : i32
      %add3A_479 = vector.broadcast %add3A_478 : i32 to vector<16xi32>
      %add3A_480 = arith.addi %add3A_31, %add3A_479 : vector<16xi32>
      tpu.vector_store_idx %arg5[%add3A_480], %mul3A_477 : memref<20000xf32, #tpu.memory_space<vmem>>[vector<16xi32>], vector<16xf32>,
      %mul3A_481 = arith.mulf %mul3A_472, %get3A_140 : vector<16xf32>
      %add3A_482 = arith.constant 77 : i32
      %add3A_483 = vector.broadcast %add3A_482 : i32 to vector<16xi32>
      %add3A_484 = arith.addi %add3A_31, %add3A_483 : vector<16xi32>
      tpu.vector_store_idx %arg5[%add3A_484], %mul3A_481 : memref<20000xf32, #tpu.memory_space<vmem>>[vector<16xi32>], vector<16xf32>,
      %mul3A_485 = arith.mulf %mul3A_472, %get3A_146 : vector<16xf32>
      %add3A_486 = arith.constant 78 : i32
      %add3A_487 = vector.broadcast %add3A_486 : i32 to vector<16xi32>
      %add3A_488 = arith.addi %add3A_31, %add3A_487 : vector<16xi32>
      tpu.vector_store_idx %arg5[%add3A_488], %mul3A_485 : memref<20000xf32, #tpu.memory_space<vmem>>[vector<16xi32>], vector<16xf32>,
      %mul3A_489 = arith.mulf %mul3A_472, %get3A_152 : vector<16xf32>
      %add3A_490 = arith.constant 79 : i32
      %add3A_491 = vector.broadcast %add3A_490 : i32 to vector<16xi32>
      %add3A_492 = arith.addi %add3A_31, %add3A_491 : vector<16xi32>
      tpu.vector_store_idx %arg5[%add3A_492], %mul3A_489 : memref<20000xf32, #tpu.memory_space<vmem>>[vector<16xi32>], vector<16xf32>,
      %mul3A_493 = arith.mulf %mul3A_471, %get3A_104 : vector<16xf32>
      %mul3A_494 = arith.mulf %mul3A_493, %get3A_128 : vector<16xf32>
      %add3A_495 = arith.constant 80 : i32
      %add3A_496 = vector.broadcast %add3A_495 : i32 to vector<16xi32>
      %add3A_497 = arith.addi %add3A_31, %add3A_496 : vector<16xi32>
      tpu.vector_store_idx %arg5[%add3A_497], %mul3A_494 : memref<20000xf32, #tpu.memory_space<vmem>>[vector<16xi32>], vector<16xf32>,
      %mul3A_498 = arith.mulf %mul3A_493, %get3A_134 : vector<16xf32>
      %add3A_499 = arith.constant 81 : i32
      %add3A_500 = vector.broadcast %add3A_499 : i32 to vector<16xi32>
      %add3A_501 = arith.addi %add3A_31, %add3A_500 : vector<16xi32>
      tpu.vector_store_idx %arg5[%add3A_501], %mul3A_498 : memref<20000xf32, #tpu.memory_space<vmem>>[vector<16xi32>], vector<16xf32>,
      %mul3A_502 = arith.mulf %mul3A_493, %get3A_140 : vector<16xf32>
      %add3A_503 = arith.constant 82 : i32
      %add3A_504 = vector.broadcast %add3A_503 : i32 to vector<16xi32>
      %add3A_505 = arith.addi %add3A_31, %add3A_504 : vector<16xi32>
      tpu.vector_store_idx %arg5[%add3A_505], %mul3A_502 : memref<20000xf32, #tpu.memory_space<vmem>>[vector<16xi32>], vector<16xf32>,
      %mul3A_506 = arith.mulf %mul3A_493, %get3A_146 : vector<16xf32>
      %add3A_507 = arith.constant 83 : i32
      %add3A_508 = vector.broadcast %add3A_507 : i32 to vector<16xi32>
      %add3A_509 = arith.addi %add3A_31, %add3A_508 : vector<16xi32>
      tpu.vector_store_idx %arg5[%add3A_509], %mul3A_506 : memref<20000xf32, #tpu.memory_space<vmem>>[vector<16xi32>], vector<16xf32>,
      %mul3A_510 = arith.mulf %mul3A_493, %get3A_152 : vector<16xf32>
      %add3A_511 = arith.constant 84 : i32
      %add3A_512 = vector.broadcast %add3A_511 : i32 to vector<16xi32>
      %add3A_513 = arith.addi %add3A_31, %add3A_512 : vector<16xi32>
      tpu.vector_store_idx %arg5[%add3A_513], %mul3A_510 : memref<20000xf32, #tpu.memory_space<vmem>>[vector<16xi32>], vector<16xf32>,
      %mul3A_514 = arith.mulf %mul3A_471, %get3A_110 : vector<16xf32>
      %mul3A_515 = arith.mulf %mul3A_514, %get3A_128 : vector<16xf32>
      %add3A_516 = arith.constant 85 : i32
      %add3A_517 = vector.broadcast %add3A_516 : i32 to vector<16xi32>
      %add3A_518 = arith.addi %add3A_31, %add3A_517 : vector<16xi32>
      tpu.vector_store_idx %arg5[%add3A_518], %mul3A_515 : memref<20000xf32, #tpu.memory_space<vmem>>[vector<16xi32>], vector<16xf32>,
      %mul3A_519 = arith.mulf %mul3A_514, %get3A_134 : vector<16xf32>
      %add3A_520 = arith.constant 86 : i32
      %add3A_521 = vector.broadcast %add3A_520 : i32 to vector<16xi32>
      %add3A_522 = arith.addi %add3A_31, %add3A_521 : vector<16xi32>
      tpu.vector_store_idx %arg5[%add3A_522], %mul3A_519 : memref<20000xf32, #tpu.memory_space<vmem>>[vector<16xi32>], vector<16xf32>,
      %mul3A_523 = arith.mulf %mul3A_514, %get3A_140 : vector<16xf32>
      %add3A_524 = arith.constant 87 : i32
      %add3A_525 = vector.broadcast %add3A_524 : i32 to vector<16xi32>
      %add3A_526 = arith.addi %add3A_31, %add3A_525 : vector<16xi32>
      tpu.vector_store_idx %arg5[%add3A_526], %mul3A_523 : memref<20000xf32, #tpu.memory_space<vmem>>[vector<16xi32>], vector<16xf32>,
      %mul3A_527 = arith.mulf %mul3A_514, %get3A_146 : vector<16xf32>
      %add3A_528 = arith.constant 88 : i32
      %add3A_529 = vector.broadcast %add3A_528 : i32 to vector<16xi32>
      %add3A_530 = arith.addi %add3A_31, %add3A_529 : vector<16xi32>
      tpu.vector_store_idx %arg5[%add3A_530], %mul3A_527 : memref<20000xf32, #tpu.memory_space<vmem>>[vector<16xi32>], vector<16xf32>,
      %mul3A_531 = arith.mulf %mul3A_514, %get3A_152 : vector<16xf32>
      %add3A_532 = arith.constant 89 : i32
      %add3A_533 = vector.broadcast %add3A_532 : i32 to vector<16xi32>
      %add3A_534 = arith.addi %add3A_31, %add3A_533 : vector<16xi32>
      tpu.vector_store_idx %arg5[%add3A_534], %mul3A_531 : memref<20000xf32, #tpu.memory_space<vmem>>[vector<16xi32>], vector<16xf32>,
      %mul3A_535 = arith.mulf %mul3A_471, %get3A_116 : vector<16xf32>
      %mul3A_536 = arith.mulf %mul3A_535, %get3A_128 : vector<16xf32>
      %add3A_537 = arith.constant 90 : i32
      %add3A_538 = vector.broadcast %add3A_537 : i32 to vector<16xi32>
      %add3A_539 = arith.addi %add3A_31, %add3A_538 : vector<16xi32>
      tpu.vector_store_idx %arg5[%add3A_539], %mul3A_536 : memref<20000xf32, #tpu.memory_space<vmem>>[vector<16xi32>], vector<16xf32>,
      %mul3A_540 = arith.mulf %mul3A_535, %get3A_134 : vector<16xf32>
      %add3A_541 = arith.constant 91 : i32
      %add3A_542 = vector.broadcast %add3A_541 : i32 to vector<16xi32>
      %add3A_543 = arith.addi %add3A_31, %add3A_542 : vector<16xi32>
      tpu.vector_store_idx %arg5[%add3A_543], %mul3A_540 : memref<20000xf32, #tpu.memory_space<vmem>>[vector<16xi32>], vector<16xf32>,
      %mul3A_544 = arith.mulf %mul3A_535, %get3A_140 : vector<16xf32>
      %add3A_545 = arith.constant 92 : i32
      %add3A_546 = vector.broadcast %add3A_545 : i32 to vector<16xi32>
      %add3A_547 = arith.addi %add3A_31, %add3A_546 : vector<16xi32>
      tpu.vector_store_idx %arg5[%add3A_547], %mul3A_544 : memref<20000xf32, #tpu.memory_space<vmem>>[vector<16xi32>], vector<16xf32>,
      %mul3A_548 = arith.mulf %mul3A_535, %get3A_146 : vector<16xf32>
      %add3A_549 = arith.constant 93 : i32
      %add3A_550 = vector.broadcast %add3A_549 : i32 to vector<16xi32>
      %add3A_551 = arith.addi %add3A_31, %add3A_550 : vector<16xi32>
      tpu.vector_store_idx %arg5[%add3A_551], %mul3A_548 : memref<20000xf32, #tpu.memory_space<vmem>>[vector<16xi32>], vector<16xf32>,
      %mul3A_552 = arith.mulf %mul3A_535, %get3A_152 : vector<16xf32>
      %add3A_553 = arith.constant 94 : i32
      %add3A_554 = vector.broadcast %add3A_553 : i32 to vector<16xi32>
      %add3A_555 = arith.addi %add3A_31, %add3A_554 : vector<16xi32>
      tpu.vector_store_idx %arg5[%add3A_555], %mul3A_552 : memref<20000xf32, #tpu.memory_space<vmem>>[vector<16xi32>], vector<16xf32>,
      %mul3A_556 = arith.mulf %mul3A_471, %get3A_122 : vector<16xf32>
      %mul3A_557 = arith.mulf %mul3A_556, %get3A_128 : vector<16xf32>
      %add3A_558 = arith.constant 95 : i32
      %add3A_559 = vector.broadcast %add3A_558 : i32 to vector<16xi32>
      %add3A_560 = arith.addi %add3A_31, %add3A_559 : vector<16xi32>
      tpu.vector_store_idx %arg5[%add3A_560], %mul3A_557 : memref<20000xf32, #tpu.memory_space<vmem>>[vector<16xi32>], vector<16xf32>,
      %mul3A_561 = arith.mulf %mul3A_556, %get3A_134 : vector<16xf32>
      %add3A_562 = arith.constant 96 : i32
      %add3A_563 = vector.broadcast %add3A_562 : i32 to vector<16xi32>
      %add3A_564 = arith.addi %add3A_31, %add3A_563 : vector<16xi32>
      tpu.vector_store_idx %arg5[%add3A_564], %mul3A_561 : memref<20000xf32, #tpu.memory_space<vmem>>[vector<16xi32>], vector<16xf32>,
      %mul3A_565 = arith.mulf %mul3A_556, %get3A_140 : vector<16xf32>
      %add3A_566 = arith.constant 97 : i32
      %add3A_567 = vector.broadcast %add3A_566 : i32 to vector<16xi32>
      %add3A_568 = arith.addi %add3A_31, %add3A_567 : vector<16xi32>
      tpu.vector_store_idx %arg5[%add3A_568], %mul3A_565 : memref<20000xf32, #tpu.memory_space<vmem>>[vector<16xi32>], vector<16xf32>,
      %mul3A_569 = arith.mulf %mul3A_556, %get3A_146 : vector<16xf32>
      %add3A_570 = arith.constant 98 : i32
      %add3A_571 = vector.broadcast %add3A_570 : i32 to vector<16xi32>
      %add3A_572 = arith.addi %add3A_31, %add3A_571 : vector<16xi32>
      tpu.vector_store_idx %arg5[%add3A_572], %mul3A_569 : memref<20000xf32, #tpu.memory_space<vmem>>[vector<16xi32>], vector<16xf32>,
      %mul3A_573 = arith.mulf %mul3A_556, %get3A_152 : vector<16xf32>
      %add3A_574 = arith.constant 99 : i32
      %add3A_575 = vector.broadcast %add3A_574 : i32 to vector<16xi32>
      %add3A_576 = arith.addi %add3A_31, %add3A_575 : vector<16xi32>
      tpu.vector_store_idx %arg5[%add3A_576], %mul3A_573 : memref<20000xf32, #tpu.memory_space<vmem>>[vector<16xi32>], vector<16xf32>,
      %mul3A_577 = arith.mulf %get3A_38, %get3A_92 : vector<16xf32>
      %mul3A_578 = arith.mulf %mul3A_577, %get3A_98 : vector<16xf32>
      %mul3A_579 = arith.mulf %mul3A_578, %get3A_128 : vector<16xf32>
      %add3A_580 = arith.constant 100 : i32
      %add3A_581 = vector.broadcast %add3A_580 : i32 to vector<16xi32>
      %add3A_582 = arith.addi %add3A_31, %add3A_581 : vector<16xi32>
      tpu.vector_store_idx %arg5[%add3A_582], %mul3A_579 : memref<20000xf32, #tpu.memory_space<vmem>>[vector<16xi32>], vector<16xf32>,
      %mul3A_583 = arith.mulf %mul3A_578, %get3A_134 : vector<16xf32>
      %add3A_584 = arith.constant 101 : i32
      %add3A_585 = vector.broadcast %add3A_584 : i32 to vector<16xi32>
      %add3A_586 = arith.addi %add3A_31, %add3A_585 : vector<16xi32>
      tpu.vector_store_idx %arg5[%add3A_586], %mul3A_583 : memref<20000xf32, #tpu.memory_space<vmem>>[vector<16xi32>], vector<16xf32>,
      %mul3A_587 = arith.mulf %mul3A_578, %get3A_140 : vector<16xf32>
      %add3A_588 = arith.constant 102 : i32
      %add3A_589 = vector.broadcast %add3A_588 : i32 to vector<16xi32>
      %add3A_590 = arith.addi %add3A_31, %add3A_589 : vector<16xi32>
      tpu.vector_store_idx %arg5[%add3A_590], %mul3A_587 : memref<20000xf32, #tpu.memory_space<vmem>>[vector<16xi32>], vector<16xf32>,
      %mul3A_591 = arith.mulf %mul3A_578, %get3A_146 : vector<16xf32>
      %add3A_592 = arith.constant 103 : i32
      %add3A_593 = vector.broadcast %add3A_592 : i32 to vector<16xi32>
      %add3A_594 = arith.addi %add3A_31, %add3A_593 : vector<16xi32>
      tpu.vector_store_idx %arg5[%add3A_594], %mul3A_591 : memref<20000xf32, #tpu.memory_space<vmem>>[vector<16xi32>], vector<16xf32>,
      %mul3A_595 = arith.mulf %mul3A_578, %get3A_152 : vector<16xf32>
      %add3A_596 = arith.constant 104 : i32
      %add3A_597 = vector.broadcast %add3A_596 : i32 to vector<16xi32>
      %add3A_598 = arith.addi %add3A_31, %add3A_597 : vector<16xi32>
      tpu.vector_store_idx %arg5[%add3A_598], %mul3A_595 : memref<20000xf32, #tpu.memory_space<vmem>>[vector<16xi32>], vector<16xf32>,
      %mul3A_599 = arith.mulf %mul3A_577, %get3A_104 : vector<16xf32>
      %mul3A_600 = arith.mulf %mul3A_599, %get3A_128 : vector<16xf32>
      %add3A_601 = arith.constant 105 : i32
      %add3A_602 = vector.broadcast %add3A_601 : i32 to vector<16xi32>
      %add3A_603 = arith.addi %add3A_31, %add3A_602 : vector<16xi32>
      tpu.vector_store_idx %arg5[%add3A_603], %mul3A_600 : memref<20000xf32, #tpu.memory_space<vmem>>[vector<16xi32>], vector<16xf32>,
      %mul3A_604 = arith.mulf %mul3A_599, %get3A_134 : vector<16xf32>
      %add3A_605 = arith.constant 106 : i32
      %add3A_606 = vector.broadcast %add3A_605 : i32 to vector<16xi32>
      %add3A_607 = arith.addi %add3A_31, %add3A_606 : vector<16xi32>
      tpu.vector_store_idx %arg5[%add3A_607], %mul3A_604 : memref<20000xf32, #tpu.memory_space<vmem>>[vector<16xi32>], vector<16xf32>,
      %mul3A_608 = arith.mulf %mul3A_599, %get3A_140 : vector<16xf32>
      %add3A_609 = arith.constant 107 : i32
      %add3A_610 = vector.broadcast %add3A_609 : i32 to vector<16xi32>
      %add3A_611 = arith.addi %add3A_31, %add3A_610 : vector<16xi32>
      tpu.vector_store_idx %arg5[%add3A_611], %mul3A_608 : memref<20000xf32, #tpu.memory_space<vmem>>[vector<16xi32>], vector<16xf32>,
      %mul3A_612 = arith.mulf %mul3A_599, %get3A_146 : vector<16xf32>
      %add3A_613 = arith.constant 108 : i32
      %add3A_614 = vector.broadcast %add3A_613 : i32 to vector<16xi32>
      %add3A_615 = arith.addi %add3A_31, %add3A_614 : vector<16xi32>
      tpu.vector_store_idx %arg5[%add3A_615], %mul3A_612 : memref<20000xf32, #tpu.memory_space<vmem>>[vector<16xi32>], vector<16xf32>,
      %mul3A_616 = arith.mulf %mul3A_599, %get3A_152 : vector<16xf32>
      %add3A_617 = arith.constant 109 : i32
      %add3A_618 = vector.broadcast %add3A_617 : i32 to vector<16xi32>
      %add3A_619 = arith.addi %add3A_31, %add3A_618 : vector<16xi32>
      tpu.vector_store_idx %arg5[%add3A_619], %mul3A_616 : memref<20000xf32, #tpu.memory_space<vmem>>[vector<16xi32>], vector<16xf32>,
      %mul3A_620 = arith.mulf %mul3A_577, %get3A_110 : vector<16xf32>
      %mul3A_621 = arith.mulf %mul3A_620, %get3A_128 : vector<16xf32>
      %add3A_622 = arith.constant 110 : i32
      %add3A_623 = vector.broadcast %add3A_622 : i32 to vector<16xi32>
      %add3A_624 = arith.addi %add3A_31, %add3A_623 : vector<16xi32>
      tpu.vector_store_idx %arg5[%add3A_624], %mul3A_621 : memref<20000xf32, #tpu.memory_space<vmem>>[vector<16xi32>], vector<16xf32>,
      %mul3A_625 = arith.mulf %mul3A_620, %get3A_134 : vector<16xf32>
      %add3A_626 = arith.constant 111 : i32
      %add3A_627 = vector.broadcast %add3A_626 : i32 to vector<16xi32>
      %add3A_628 = arith.addi %add3A_31, %add3A_627 : vector<16xi32>
      tpu.vector_store_idx %arg5[%add3A_628], %mul3A_625 : memref<20000xf32, #tpu.memory_space<vmem>>[vector<16xi32>], vector<16xf32>,
      %mul3A_629 = arith.mulf %mul3A_620, %get3A_140 : vector<16xf32>
      %add3A_630 = arith.constant 112 : i32
      %add3A_631 = vector.broadcast %add3A_630 : i32 to vector<16xi32>
      %add3A_632 = arith.addi %add3A_31, %add3A_631 : vector<16xi32>
      tpu.vector_store_idx %arg5[%add3A_632], %mul3A_629 : memref<20000xf32, #tpu.memory_space<vmem>>[vector<16xi32>], vector<16xf32>,
      %mul3A_633 = arith.mulf %mul3A_620, %get3A_146 : vector<16xf32>
      %add3A_634 = arith.constant 113 : i32
      %add3A_635 = vector.broadcast %add3A_634 : i32 to vector<16xi32>
      %add3A_636 = arith.addi %add3A_31, %add3A_635 : vector<16xi32>
      tpu.vector_store_idx %arg5[%add3A_636], %mul3A_633 : memref<20000xf32, #tpu.memory_space<vmem>>[vector<16xi32>], vector<16xf32>,
      %mul3A_637 = arith.mulf %mul3A_620, %get3A_152 : vector<16xf32>
      %add3A_638 = arith.constant 114 : i32
      %add3A_639 = vector.broadcast %add3A_638 : i32 to vector<16xi32>
      %add3A_640 = arith.addi %add3A_31, %add3A_639 : vector<16xi32>
      tpu.vector_store_idx %arg5[%add3A_640], %mul3A_637 : memref<20000xf32, #tpu.memory_space<vmem>>[vector<16xi32>], vector<16xf32>,
      %mul3A_641 = arith.mulf %mul3A_577, %get3A_116 : vector<16xf32>
      %mul3A_642 = arith.mulf %mul3A_641, %get3A_128 : vector<16xf32>
      %add3A_643 = arith.constant 115 : i32
      %add3A_644 = vector.broadcast %add3A_643 : i32 to vector<16xi32>
      %add3A_645 = arith.addi %add3A_31, %add3A_644 : vector<16xi32>
      tpu.vector_store_idx %arg5[%add3A_645], %mul3A_642 : memref<20000xf32, #tpu.memory_space<vmem>>[vector<16xi32>], vector<16xf32>,
      %mul3A_646 = arith.mulf %mul3A_641, %get3A_134 : vector<16xf32>
      %add3A_647 = arith.constant 116 : i32
      %add3A_648 = vector.broadcast %add3A_647 : i32 to vector<16xi32>
      %add3A_649 = arith.addi %add3A_31, %add3A_648 : vector<16xi32>
      tpu.vector_store_idx %arg5[%add3A_649], %mul3A_646 : memref<20000xf32, #tpu.memory_space<vmem>>[vector<16xi32>], vector<16xf32>,
      %mul3A_650 = arith.mulf %mul3A_641, %get3A_140 : vector<16xf32>
      %add3A_651 = arith.constant 117 : i32
      %add3A_652 = vector.broadcast %add3A_651 : i32 to vector<16xi32>
      %add3A_653 = arith.addi %add3A_31, %add3A_652 : vector<16xi32>
      tpu.vector_store_idx %arg5[%add3A_653], %mul3A_650 : memref<20000xf32, #tpu.memory_space<vmem>>[vector<16xi32>], vector<16xf32>,
      %mul3A_654 = arith.mulf %mul3A_641, %get3A_146 : vector<16xf32>
      %add3A_655 = arith.constant 118 : i32
      %add3A_656 = vector.broadcast %add3A_655 : i32 to vector<16xi32>
      %add3A_657 = arith.addi %add3A_31, %add3A_656 : vector<16xi32>
      tpu.vector_store_idx %arg5[%add3A_657], %mul3A_654 : memref<20000xf32, #tpu.memory_space<vmem>>[vector<16xi32>], vector<16xf32>,
      %mul3A_658 = arith.mulf %mul3A_641, %get3A_152 : vector<16xf32>
      %add3A_659 = arith.constant 119 : i32
      %add3A_660 = vector.broadcast %add3A_659 : i32 to vector<16xi32>
      %add3A_661 = arith.addi %add3A_31, %add3A_660 : vector<16xi32>
      tpu.vector_store_idx %arg5[%add3A_661], %mul3A_658 : memref<20000xf32, #tpu.memory_space<vmem>>[vector<16xi32>], vector<16xf32>,
      %mul3A_662 = arith.mulf %mul3A_577, %get3A_122 : vector<16xf32>
      %mul3A_663 = arith.mulf %mul3A_662, %get3A_128 : vector<16xf32>
      %add3A_664 = arith.constant 120 : i32
      %add3A_665 = vector.broadcast %add3A_664 : i32 to vector<16xi32>
      %add3A_666 = arith.addi %add3A_31, %add3A_665 : vector<16xi32>
      tpu.vector_store_idx %arg5[%add3A_666], %mul3A_663 : memref<20000xf32, #tpu.memory_space<vmem>>[vector<16xi32>], vector<16xf32>,
      %mul3A_667 = arith.mulf %mul3A_662, %get3A_134 : vector<16xf32>
      %add3A_668 = arith.constant 121 : i32
      %add3A_669 = vector.broadcast %add3A_668 : i32 to vector<16xi32>
      %add3A_670 = arith.addi %add3A_31, %add3A_669 : vector<16xi32>
      tpu.vector_store_idx %arg5[%add3A_670], %mul3A_667 : memref<20000xf32, #tpu.memory_space<vmem>>[vector<16xi32>], vector<16xf32>,
      %mul3A_671 = arith.mulf %mul3A_662, %get3A_140 : vector<16xf32>
      %add3A_672 = arith.constant 122 : i32
      %add3A_673 = vector.broadcast %add3A_672 : i32 to vector<16xi32>
      %add3A_674 = arith.addi %add3A_31, %add3A_673 : vector<16xi32>
      tpu.vector_store_idx %arg5[%add3A_674], %mul3A_671 : memref<20000xf32, #tpu.memory_space<vmem>>[vector<16xi32>], vector<16xf32>,
      %mul3A_675 = arith.mulf %mul3A_662, %get3A_146 : vector<16xf32>
      %add3A_676 = arith.constant 123 : i32
      %add3A_677 = vector.broadcast %add3A_676 : i32 to vector<16xi32>
      %add3A_678 = arith.addi %add3A_31, %add3A_677 : vector<16xi32>
      tpu.vector_store_idx %arg5[%add3A_678], %mul3A_675 : memref<20000xf32, #tpu.memory_space<vmem>>[vector<16xi32>], vector<16xf32>,
      %mul3A_679 = arith.mulf %mul3A_662, %get3A_152 : vector<16xf32>
      %add3A_680 = arith.constant 124 : i32
      %add3A_681 = vector.broadcast %add3A_680 : i32 to vector<16xi32>
      %add3A_682 = arith.addi %add3A_31, %add3A_681 : vector<16xi32>
      tpu.vector_store_idx %arg5[%add3A_682], %mul3A_679 : memref<20000xf32, #tpu.memory_space<vmem>>[vector<16xi32>], vector<16xf32>,
      %mul3A_683 = arith.mulf %get3A_44, %get3A_68 : vector<16xf32>
      %mul3A_684 = arith.mulf %mul3A_683, %get3A_98 : vector<16xf32>
      %mul3A_685 = arith.mulf %mul3A_684, %get3A_128 : vector<16xf32>
      %add3A_686 = arith.constant 125 : i32
      %add3A_687 = vector.broadcast %add3A_686 : i32 to vector<16xi32>
      %add3A_688 = arith.addi %add3A_31, %add3A_687 : vector<16xi32>
      tpu.vector_store_idx %arg5[%add3A_688], %mul3A_685 : memref<20000xf32, #tpu.memory_space<vmem>>[vector<16xi32>], vector<16xf32>,
      %mul3A_689 = arith.mulf %mul3A_684, %get3A_134 : vector<16xf32>
      %add3A_690 = arith.constant 126 : i32
      %add3A_691 = vector.broadcast %add3A_690 : i32 to vector<16xi32>
      %add3A_692 = arith.addi %add3A_31, %add3A_691 : vector<16xi32>
      tpu.vector_store_idx %arg5[%add3A_692], %mul3A_689 : memref<20000xf32, #tpu.memory_space<vmem>>[vector<16xi32>], vector<16xf32>,
      %mul3A_693 = arith.mulf %mul3A_684, %get3A_140 : vector<16xf32>
      %add3A_694 = arith.constant 127 : i32
      %add3A_695 = vector.broadcast %add3A_694 : i32 to vector<16xi32>
      %add3A_696 = arith.addi %add3A_31, %add3A_695 : vector<16xi32>
      tpu.vector_store_idx %arg5[%add3A_696], %mul3A_693 : memref<20000xf32, #tpu.memory_space<vmem>>[vector<16xi32>], vector<16xf32>,
      %mul3A_697 = arith.mulf %mul3A_684, %get3A_146 : vector<16xf32>
      %add3A_698 = arith.constant 128 : i32
      %add3A_699 = vector.broadcast %add3A_698 : i32 to vector<16xi32>
      %add3A_700 = arith.addi %add3A_31, %add3A_699 : vector<16xi32>
      tpu.vector_store_idx %arg5[%add3A_700], %mul3A_697 : memref<20000xf32, #tpu.memory_space<vmem>>[vector<16xi32>], vector<16xf32>,
      %mul3A_701 = arith.mulf %mul3A_684, %get3A_152 : vector<16xf32>
      %add3A_702 = arith.constant 129 : i32
      %add3A_703 = vector.broadcast %add3A_702 : i32 to vector<16xi32>
      %add3A_704 = arith.addi %add3A_31, %add3A_703 : vector<16xi32>
      tpu.vector_store_idx %arg5[%add3A_704], %mul3A_701 : memref<20000xf32, #tpu.memory_space<vmem>>[vector<16xi32>], vector<16xf32>,
      %mul3A_705 = arith.mulf %mul3A_683, %get3A_104 : vector<16xf32>
      %mul3A_706 = arith.mulf %mul3A_705, %get3A_128 : vector<16xf32>
      %add3A_707 = arith.constant 130 : i32
      %add3A_708 = vector.broadcast %add3A_707 : i32 to vector<16xi32>
      %add3A_709 = arith.addi %add3A_31, %add3A_708 : vector<16xi32>
      tpu.vector_store_idx %arg5[%add3A_709], %mul3A_706 : memref<20000xf32, #tpu.memory_space<vmem>>[vector<16xi32>], vector<16xf32>,
      %mul3A_710 = arith.mulf %mul3A_705, %get3A_134 : vector<16xf32>
      %add3A_711 = arith.constant 131 : i32
      %add3A_712 = vector.broadcast %add3A_711 : i32 to vector<16xi32>
      %add3A_713 = arith.addi %add3A_31, %add3A_712 : vector<16xi32>
      tpu.vector_store_idx %arg5[%add3A_713], %mul3A_710 : memref<20000xf32, #tpu.memory_space<vmem>>[vector<16xi32>], vector<16xf32>,
      %mul3A_714 = arith.mulf %mul3A_705, %get3A_140 : vector<16xf32>
      %add3A_715 = arith.constant 132 : i32
      %add3A_716 = vector.broadcast %add3A_715 : i32 to vector<16xi32>
      %add3A_717 = arith.addi %add3A_31, %add3A_716 : vector<16xi32>
      tpu.vector_store_idx %arg5[%add3A_717], %mul3A_714 : memref<20000xf32, #tpu.memory_space<vmem>>[vector<16xi32>], vector<16xf32>,
      %mul3A_718 = arith.mulf %mul3A_705, %get3A_146 : vector<16xf32>
      %add3A_719 = arith.constant 133 : i32
      %add3A_720 = vector.broadcast %add3A_719 : i32 to vector<16xi32>
      %add3A_721 = arith.addi %add3A_31, %add3A_720 : vector<16xi32>
      tpu.vector_store_idx %arg5[%add3A_721], %mul3A_718 : memref<20000xf32, #tpu.memory_space<vmem>>[vector<16xi32>], vector<16xf32>,
      %mul3A_722 = arith.mulf %mul3A_705, %get3A_152 : vector<16xf32>
      %add3A_723 = arith.constant 134 : i32
      %add3A_724 = vector.broadcast %add3A_723 : i32 to vector<16xi32>
      %add3A_725 = arith.addi %add3A_31, %add3A_724 : vector<16xi32>
      tpu.vector_store_idx %arg5[%add3A_725], %mul3A_722 : memref<20000xf32, #tpu.memory_space<vmem>>[vector<16xi32>], vector<16xf32>,
      %mul3A_726 = arith.mulf %mul3A_683, %get3A_110 : vector<16xf32>
      %mul3A_727 = arith.mulf %mul3A_726, %get3A_128 : vector<16xf32>
      %add3A_728 = arith.constant 135 : i32
      %add3A_729 = vector.broadcast %add3A_728 : i32 to vector<16xi32>
      %add3A_730 = arith.addi %add3A_31, %add3A_729 : vector<16xi32>
      tpu.vector_store_idx %arg5[%add3A_730], %mul3A_727 : memref<20000xf32, #tpu.memory_space<vmem>>[vector<16xi32>], vector<16xf32>,
      %mul3A_731 = arith.mulf %mul3A_726, %get3A_134 : vector<16xf32>
      %add3A_732 = arith.constant 136 : i32
      %add3A_733 = vector.broadcast %add3A_732 : i32 to vector<16xi32>
      %add3A_734 = arith.addi %add3A_31, %add3A_733 : vector<16xi32>
      tpu.vector_store_idx %arg5[%add3A_734], %mul3A_731 : memref<20000xf32, #tpu.memory_space<vmem>>[vector<16xi32>], vector<16xf32>,
      %mul3A_735 = arith.mulf %mul3A_726, %get3A_140 : vector<16xf32>
      %add3A_736 = arith.constant 137 : i32
      %add3A_737 = vector.broadcast %add3A_736 : i32 to vector<16xi32>
      %add3A_738 = arith.addi %add3A_31, %add3A_737 : vector<16xi32>
      tpu.vector_store_idx %arg5[%add3A_738], %mul3A_735 : memref<20000xf32, #tpu.memory_space<vmem>>[vector<16xi32>], vector<16xf32>,
      %mul3A_739 = arith.mulf %mul3A_726, %get3A_146 : vector<16xf32>
      %add3A_740 = arith.constant 138 : i32
      %add3A_741 = vector.broadcast %add3A_740 : i32 to vector<16xi32>
      %add3A_742 = arith.addi %add3A_31, %add3A_741 : vector<16xi32>
      tpu.vector_store_idx %arg5[%add3A_742], %mul3A_739 : memref<20000xf32, #tpu.memory_space<vmem>>[vector<16xi32>], vector<16xf32>,
      %mul3A_743 = arith.mulf %mul3A_726, %get3A_152 : vector<16xf32>
      %add3A_744 = arith.constant 139 : i32
      %add3A_745 = vector.broadcast %add3A_744 : i32 to vector<16xi32>
      %add3A_746 = arith.addi %add3A_31, %add3A_745 : vector<16xi32>
      tpu.vector_store_idx %arg5[%add3A_746], %mul3A_743 : memref<20000xf32, #tpu.memory_space<vmem>>[vector<16xi32>], vector<16xf32>,
      %mul3A_747 = arith.mulf %mul3A_683, %get3A_116 : vector<16xf32>
      %mul3A_748 = arith.mulf %mul3A_747, %get3A_128 : vector<16xf32>
      %add3A_749 = arith.constant 140 : i32
      %add3A_750 = vector.broadcast %add3A_749 : i32 to vector<16xi32>
      %add3A_751 = arith.addi %add3A_31, %add3A_750 : vector<16xi32>
      tpu.vector_store_idx %arg5[%add3A_751], %mul3A_748 : memref<20000xf32, #tpu.memory_space<vmem>>[vector<16xi32>], vector<16xf32>,
      %mul3A_752 = arith.mulf %mul3A_747, %get3A_134 : vector<16xf32>
      %add3A_753 = arith.constant 141 : i32
      %add3A_754 = vector.broadcast %add3A_753 : i32 to vector<16xi32>
      %add3A_755 = arith.addi %add3A_31, %add3A_754 : vector<16xi32>
      tpu.vector_store_idx %arg5[%add3A_755], %mul3A_752 : memref<20000xf32, #tpu.memory_space<vmem>>[vector<16xi32>], vector<16xf32>,
      %mul3A_756 = arith.mulf %mul3A_747, %get3A_140 : vector<16xf32>
      %add3A_757 = arith.constant 142 : i32
      %add3A_758 = vector.broadcast %add3A_757 : i32 to vector<16xi32>
      %add3A_759 = arith.addi %add3A_31, %add3A_758 : vector<16xi32>
      tpu.vector_store_idx %arg5[%add3A_759], %mul3A_756 : memref<20000xf32, #tpu.memory_space<vmem>>[vector<16xi32>], vector<16xf32>,
      %mul3A_760 = arith.mulf %mul3A_747, %get3A_146 : vector<16xf32>
      %add3A_761 = arith.constant 143 : i32
      %add3A_762 = vector.broadcast %add3A_761 : i32 to vector<16xi32>
      %add3A_763 = arith.addi %add3A_31, %add3A_762 : vector<16xi32>
      tpu.vector_store_idx %arg5[%add3A_763], %mul3A_760 : memref<20000xf32, #tpu.memory_space<vmem>>[vector<16xi32>], vector<16xf32>,
      %mul3A_764 = arith.mulf %mul3A_747, %get3A_152 : vector<16xf32>
      %add3A_765 = arith.constant 144 : i32
      %add3A_766 = vector.broadcast %add3A_765 : i32 to vector<16xi32>
      %add3A_767 = arith.addi %add3A_31, %add3A_766 : vector<16xi32>
      tpu.vector_store_idx %arg5[%add3A_767], %mul3A_764 : memref<20000xf32, #tpu.memory_space<vmem>>[vector<16xi32>], vector<16xf32>,
      %mul3A_768 = arith.mulf %mul3A_683, %get3A_122 : vector<16xf32>
      %mul3A_769 = arith.mulf %mul3A_768, %get3A_128 : vector<16xf32>
      %add3A_770 = arith.constant 145 : i32
      %add3A_771 = vector.broadcast %add3A_770 : i32 to vector<16xi32>
      %add3A_772 = arith.addi %add3A_31, %add3A_771 : vector<16xi32>
      tpu.vector_store_idx %arg5[%add3A_772], %mul3A_769 : memref<20000xf32, #tpu.memory_space<vmem>>[vector<16xi32>], vector<16xf32>,
      %mul3A_773 = arith.mulf %mul3A_768, %get3A_134 : vector<16xf32>
      %add3A_774 = arith.constant 146 : i32
      %add3A_775 = vector.broadcast %add3A_774 : i32 to vector<16xi32>
      %add3A_776 = arith.addi %add3A_31, %add3A_775 : vector<16xi32>
      tpu.vector_store_idx %arg5[%add3A_776], %mul3A_773 : memref<20000xf32, #tpu.memory_space<vmem>>[vector<16xi32>], vector<16xf32>,
      %mul3A_777 = arith.mulf %mul3A_768, %get3A_140 : vector<16xf32>
      %add3A_778 = arith.constant 147 : i32
      %add3A_779 = vector.broadcast %add3A_778 : i32 to vector<16xi32>
      %add3A_780 = arith.addi %add3A_31, %add3A_779 : vector<16xi32>
      tpu.vector_store_idx %arg5[%add3A_780], %mul3A_777 : memref<20000xf32, #tpu.memory_space<vmem>>[vector<16xi32>], vector<16xf32>,
      %mul3A_781 = arith.mulf %mul3A_768, %get3A_146 : vector<16xf32>
      %add3A_782 = arith.constant 148 : i32
      %add3A_783 = vector.broadcast %add3A_782 : i32 to vector<16xi32>
      %add3A_784 = arith.addi %add3A_31, %add3A_783 : vector<16xi32>
      tpu.vector_store_idx %arg5[%add3A_784], %mul3A_781 : memref<20000xf32, #tpu.memory_space<vmem>>[vector<16xi32>], vector<16xf32>,
      %mul3A_785 = arith.mulf %mul3A_768, %get3A_152 : vector<16xf32>
      %add3A_786 = arith.constant 149 : i32
      %add3A_787 = vector.broadcast %add3A_786 : i32 to vector<16xi32>
      %add3A_788 = arith.addi %add3A_31, %add3A_787 : vector<16xi32>
      tpu.vector_store_idx %arg5[%add3A_788], %mul3A_785 : memref<20000xf32, #tpu.memory_space<vmem>>[vector<16xi32>], vector<16xf32>,
      %mul3A_789 = arith.mulf %get3A_44, %get3A_74 : vector<16xf32>
      %mul3A_790 = arith.mulf %mul3A_789, %get3A_98 : vector<16xf32>
      %mul3A_791 = arith.mulf %mul3A_790, %get3A_128 : vector<16xf32>
      %add3A_792 = arith.constant 150 : i32
      %add3A_793 = vector.broadcast %add3A_792 : i32 to vector<16xi32>
      %add3A_794 = arith.addi %add3A_31, %add3A_793 : vector<16xi32>
      tpu.vector_store_idx %arg5[%add3A_794], %mul3A_791 : memref<20000xf32, #tpu.memory_space<vmem>>[vector<16xi32>], vector<16xf32>,
      %mul3A_795 = arith.mulf %mul3A_790, %get3A_134 : vector<16xf32>
      %add3A_796 = arith.constant 151 : i32
      %add3A_797 = vector.broadcast %add3A_796 : i32 to vector<16xi32>
      %add3A_798 = arith.addi %add3A_31, %add3A_797 : vector<16xi32>
      tpu.vector_store_idx %arg5[%add3A_798], %mul3A_795 : memref<20000xf32, #tpu.memory_space<vmem>>[vector<16xi32>], vector<16xf32>,
      %mul3A_799 = arith.mulf %mul3A_790, %get3A_140 : vector<16xf32>
      %add3A_800 = arith.constant 152 : i32
      %add3A_801 = vector.broadcast %add3A_800 : i32 to vector<16xi32>
      %add3A_802 = arith.addi %add3A_31, %add3A_801 : vector<16xi32>
      tpu.vector_store_idx %arg5[%add3A_802], %mul3A_799 : memref<20000xf32, #tpu.memory_space<vmem>>[vector<16xi32>], vector<16xf32>,
      %mul3A_803 = arith.mulf %mul3A_790, %get3A_146 : vector<16xf32>
      %add3A_804 = arith.constant 153 : i32
      %add3A_805 = vector.broadcast %add3A_804 : i32 to vector<16xi32>
      %add3A_806 = arith.addi %add3A_31, %add3A_805 : vector<16xi32>
      tpu.vector_store_idx %arg5[%add3A_806], %mul3A_803 : memref<20000xf32, #tpu.memory_space<vmem>>[vector<16xi32>], vector<16xf32>,
      %mul3A_807 = arith.mulf %mul3A_790, %get3A_152 : vector<16xf32>
      %add3A_808 = arith.constant 154 : i32
      %add3A_809 = vector.broadcast %add3A_808 : i32 to vector<16xi32>
      %add3A_810 = arith.addi %add3A_31, %add3A_809 : vector<16xi32>
      tpu.vector_store_idx %arg5[%add3A_810], %mul3A_807 : memref<20000xf32, #tpu.memory_space<vmem>>[vector<16xi32>], vector<16xf32>,
      %mul3A_811 = arith.mulf %mul3A_789, %get3A_104 : vector<16xf32>
      %mul3A_812 = arith.mulf %mul3A_811, %get3A_128 : vector<16xf32>
      %add3A_813 = arith.constant 155 : i32
      %add3A_814 = vector.broadcast %add3A_813 : i32 to vector<16xi32>
      %add3A_815 = arith.addi %add3A_31, %add3A_814 : vector<16xi32>
      tpu.vector_store_idx %arg5[%add3A_815], %mul3A_812 : memref<20000xf32, #tpu.memory_space<vmem>>[vector<16xi32>], vector<16xf32>,
      %mul3A_816 = arith.mulf %mul3A_811, %get3A_134 : vector<16xf32>
      %add3A_817 = arith.constant 156 : i32
      %add3A_818 = vector.broadcast %add3A_817 : i32 to vector<16xi32>
      %add3A_819 = arith.addi %add3A_31, %add3A_818 : vector<16xi32>
      tpu.vector_store_idx %arg5[%add3A_819], %mul3A_816 : memref<20000xf32, #tpu.memory_space<vmem>>[vector<16xi32>], vector<16xf32>,
      %mul3A_820 = arith.mulf %mul3A_811, %get3A_140 : vector<16xf32>
      %add3A_821 = arith.constant 157 : i32
      %add3A_822 = vector.broadcast %add3A_821 : i32 to vector<16xi32>
      %add3A_823 = arith.addi %add3A_31, %add3A_822 : vector<16xi32>
      tpu.vector_store_idx %arg5[%add3A_823], %mul3A_820 : memref<20000xf32, #tpu.memory_space<vmem>>[vector<16xi32>], vector<16xf32>,
      %mul3A_824 = arith.mulf %mul3A_811, %get3A_146 : vector<16xf32>
      %add3A_825 = arith.constant 158 : i32
      %add3A_826 = vector.broadcast %add3A_825 : i32 to vector<16xi32>
      %add3A_827 = arith.addi %add3A_31, %add3A_826 : vector<16xi32>
      tpu.vector_store_idx %arg5[%add3A_827], %mul3A_824 : memref<20000xf32, #tpu.memory_space<vmem>>[vector<16xi32>], vector<16xf32>,
      %mul3A_828 = arith.mulf %mul3A_811, %get3A_152 : vector<16xf32>
      %add3A_829 = arith.constant 159 : i32
      %add3A_830 = vector.broadcast %add3A_829 : i32 to vector<16xi32>
      %add3A_831 = arith.addi %add3A_31, %add3A_830 : vector<16xi32>
      tpu.vector_store_idx %arg5[%add3A_831], %mul3A_828 : memref<20000xf32, #tpu.memory_space<vmem>>[vector<16xi32>], vector<16xf32>,
      %mul3A_832 = arith.mulf %mul3A_789, %get3A_110 : vector<16xf32>
      %mul3A_833 = arith.mulf %mul3A_832, %get3A_128 : vector<16xf32>
      %add3A_834 = arith.constant 160 : i32
      %add3A_835 = vector.broadcast %add3A_834 : i32 to vector<16xi32>
      %add3A_836 = arith.addi %add3A_31, %add3A_835 : vector<16xi32>
      tpu.vector_store_idx %arg5[%add3A_836], %mul3A_833 : memref<20000xf32, #tpu.memory_space<vmem>>[vector<16xi32>], vector<16xf32>,
      %mul3A_837 = arith.mulf %mul3A_832, %get3A_134 : vector<16xf32>
      %add3A_838 = arith.constant 161 : i32
      %add3A_839 = vector.broadcast %add3A_838 : i32 to vector<16xi32>
      %add3A_840 = arith.addi %add3A_31, %add3A_839 : vector<16xi32>
      tpu.vector_store_idx %arg5[%add3A_840], %mul3A_837 : memref<20000xf32, #tpu.memory_space<vmem>>[vector<16xi32>], vector<16xf32>,
      %mul3A_841 = arith.mulf %mul3A_832, %get3A_140 : vector<16xf32>
      %add3A_842 = arith.constant 162 : i32
      %add3A_843 = vector.broadcast %add3A_842 : i32 to vector<16xi32>
      %add3A_844 = arith.addi %add3A_31, %add3A_843 : vector<16xi32>
      tpu.vector_store_idx %arg5[%add3A_844], %mul3A_841 : memref<20000xf32, #tpu.memory_space<vmem>>[vector<16xi32>], vector<16xf32>,
      %mul3A_845 = arith.mulf %mul3A_832, %get3A_146 : vector<16xf32>
      %add3A_846 = arith.constant 163 : i32
      %add3A_847 = vector.broadcast %add3A_846 : i32 to vector<16xi32>
      %add3A_848 = arith.addi %add3A_31, %add3A_847 : vector<16xi32>
      tpu.vector_store_idx %arg5[%add3A_848], %mul3A_845 : memref<20000xf32, #tpu.memory_space<vmem>>[vector<16xi32>], vector<16xf32>,
      %mul3A_849 = arith.mulf %mul3A_832, %get3A_152 : vector<16xf32>
      %add3A_850 = arith.constant 164 : i32
      %add3A_851 = vector.broadcast %add3A_850 : i32 to vector<16xi32>
      %add3A_852 = arith.addi %add3A_31, %add3A_851 : vector<16xi32>
      tpu.vector_store_idx %arg5[%add3A_852], %mul3A_849 : memref<20000xf32, #tpu.memory_space<vmem>>[vector<16xi32>], vector<16xf32>,
      %mul3A_853 = arith.mulf %mul3A_789, %get3A_116 : vector<16xf32>
      %mul3A_854 = arith.mulf %mul3A_853, %get3A_128 : vector<16xf32>
      %add3A_855 = arith.constant 165 : i32
      %add3A_856 = vector.broadcast %add3A_855 : i32 to vector<16xi32>
      %add3A_857 = arith.addi %add3A_31, %add3A_856 : vector<16xi32>
      tpu.vector_store_idx %arg5[%add3A_857], %mul3A_854 : memref<20000xf32, #tpu.memory_space<vmem>>[vector<16xi32>], vector<16xf32>,
      %mul3A_858 = arith.mulf %mul3A_853, %get3A_134 : vector<16xf32>
      %add3A_859 = arith.constant 166 : i32
      %add3A_860 = vector.broadcast %add3A_859 : i32 to vector<16xi32>
      %add3A_861 = arith.addi %add3A_31, %add3A_860 : vector<16xi32>
      tpu.vector_store_idx %arg5[%add3A_861], %mul3A_858 : memref<20000xf32, #tpu.memory_space<vmem>>[vector<16xi32>], vector<16xf32>,
      %mul3A_862 = arith.mulf %mul3A_853, %get3A_140 : vector<16xf32>
      %add3A_863 = arith.constant 167 : i32
      %add3A_864 = vector.broadcast %add3A_863 : i32 to vector<16xi32>
      %add3A_865 = arith.addi %add3A_31, %add3A_864 : vector<16xi32>
      tpu.vector_store_idx %arg5[%add3A_865], %mul3A_862 : memref<20000xf32, #tpu.memory_space<vmem>>[vector<16xi32>], vector<16xf32>,
      %mul3A_866 = arith.mulf %mul3A_853, %get3A_146 : vector<16xf32>
      %add3A_867 = arith.constant 168 : i32
      %add3A_868 = vector.broadcast %add3A_867 : i32 to vector<16xi32>
      %add3A_869 = arith.addi %add3A_31, %add3A_868 : vector<16xi32>
      tpu.vector_store_idx %arg5[%add3A_869], %mul3A_866 : memref<20000xf32, #tpu.memory_space<vmem>>[vector<16xi32>], vector<16xf32>,
      %mul3A_870 = arith.mulf %mul3A_853, %get3A_152 : vector<16xf32>
      %add3A_871 = arith.constant 169 : i32
      %add3A_872 = vector.broadcast %add3A_871 : i32 to vector<16xi32>
      %add3A_873 = arith.addi %add3A_31, %add3A_872 : vector<16xi32>
      tpu.vector_store_idx %arg5[%add3A_873], %mul3A_870 : memref<20000xf32, #tpu.memory_space<vmem>>[vector<16xi32>], vector<16xf32>,
      %mul3A_874 = arith.mulf %mul3A_789, %get3A_122 : vector<16xf32>
      %mul3A_875 = arith.mulf %mul3A_874, %get3A_128 : vector<16xf32>
      %add3A_876 = arith.constant 170 : i32
      %add3A_877 = vector.broadcast %add3A_876 : i32 to vector<16xi32>
      %add3A_878 = arith.addi %add3A_31, %add3A_877 : vector<16xi32>
      tpu.vector_store_idx %arg5[%add3A_878], %mul3A_875 : memref<20000xf32, #tpu.memory_space<vmem>>[vector<16xi32>], vector<16xf32>,
      %mul3A_879 = arith.mulf %mul3A_874, %get3A_134 : vector<16xf32>
      %add3A_880 = arith.constant 171 : i32
      %add3A_881 = vector.broadcast %add3A_880 : i32 to vector<16xi32>
      %add3A_882 = arith.addi %add3A_31, %add3A_881 : vector<16xi32>
      tpu.vector_store_idx %arg5[%add3A_882], %mul3A_879 : memref<20000xf32, #tpu.memory_space<vmem>>[vector<16xi32>], vector<16xf32>,
      %mul3A_883 = arith.mulf %mul3A_874, %get3A_140 : vector<16xf32>
      %add3A_884 = arith.constant 172 : i32
      %add3A_885 = vector.broadcast %add3A_884 : i32 to vector<16xi32>
      %add3A_886 = arith.addi %add3A_31, %add3A_885 : vector<16xi32>
      tpu.vector_store_idx %arg5[%add3A_886], %mul3A_883 : memref<20000xf32, #tpu.memory_space<vmem>>[vector<16xi32>], vector<16xf32>,
      %mul3A_887 = arith.mulf %mul3A_874, %get3A_146 : vector<16xf32>
      %add3A_888 = arith.constant 173 : i32
      %add3A_889 = vector.broadcast %add3A_888 : i32 to vector<16xi32>
      %add3A_890 = arith.addi %add3A_31, %add3A_889 : vector<16xi32>
      tpu.vector_store_idx %arg5[%add3A_890], %mul3A_887 : memref<20000xf32, #tpu.memory_space<vmem>>[vector<16xi32>], vector<16xf32>,
      %mul3A_891 = arith.mulf %mul3A_874, %get3A_152 : vector<16xf32>
      %add3A_892 = arith.constant 174 : i32
      %add3A_893 = vector.broadcast %add3A_892 : i32 to vector<16xi32>
      %add3A_894 = arith.addi %add3A_31, %add3A_893 : vector<16xi32>
      tpu.vector_store_idx %arg5[%add3A_894], %mul3A_891 : memref<20000xf32, #tpu.memory_space<vmem>>[vector<16xi32>], vector<16xf32>,
      %mul3A_895 = arith.mulf %get3A_44, %get3A_80 : vector<16xf32>
      %mul3A_896 = arith.mulf %mul3A_895, %get3A_98 : vector<16xf32>
      %mul3A_897 = arith.mulf %mul3A_896, %get3A_128 : vector<16xf32>
      %add3A_898 = arith.constant 175 : i32
      %add3A_899 = vector.broadcast %add3A_898 : i32 to vector<16xi32>
      %add3A_900 = arith.addi %add3A_31, %add3A_899 : vector<16xi32>
      tpu.vector_store_idx %arg5[%add3A_900], %mul3A_897 : memref<20000xf32, #tpu.memory_space<vmem>>[vector<16xi32>], vector<16xf32>,
      %mul3A_901 = arith.mulf %mul3A_896, %get3A_134 : vector<16xf32>
      %add3A_902 = arith.constant 176 : i32
      %add3A_903 = vector.broadcast %add3A_902 : i32 to vector<16xi32>
      %add3A_904 = arith.addi %add3A_31, %add3A_903 : vector<16xi32>
      tpu.vector_store_idx %arg5[%add3A_904], %mul3A_901 : memref<20000xf32, #tpu.memory_space<vmem>>[vector<16xi32>], vector<16xf32>,
      %mul3A_905 = arith.mulf %mul3A_896, %get3A_140 : vector<16xf32>
      %add3A_906 = arith.constant 177 : i32
      %add3A_907 = vector.broadcast %add3A_906 : i32 to vector<16xi32>
      %add3A_908 = arith.addi %add3A_31, %add3A_907 : vector<16xi32>
      tpu.vector_store_idx %arg5[%add3A_908], %mul3A_905 : memref<20000xf32, #tpu.memory_space<vmem>>[vector<16xi32>], vector<16xf32>,
      %mul3A_909 = arith.mulf %mul3A_896, %get3A_146 : vector<16xf32>
      %add3A_910 = arith.constant 178 : i32
      %add3A_911 = vector.broadcast %add3A_910 : i32 to vector<16xi32>
      %add3A_912 = arith.addi %add3A_31, %add3A_911 : vector<16xi32>
      tpu.vector_store_idx %arg5[%add3A_912], %mul3A_909 : memref<20000xf32, #tpu.memory_space<vmem>>[vector<16xi32>], vector<16xf32>,
      %mul3A_913 = arith.mulf %mul3A_896, %get3A_152 : vector<16xf32>
      %add3A_914 = arith.constant 179 : i32
      %add3A_915 = vector.broadcast %add3A_914 : i32 to vector<16xi32>
      %add3A_916 = arith.addi %add3A_31, %add3A_915 : vector<16xi32>
      tpu.vector_store_idx %arg5[%add3A_916], %mul3A_913 : memref<20000xf32, #tpu.memory_space<vmem>>[vector<16xi32>], vector<16xf32>,
      %mul3A_917 = arith.mulf %mul3A_895, %get3A_104 : vector<16xf32>
      %mul3A_918 = arith.mulf %mul3A_917, %get3A_128 : vector<16xf32>
      %add3A_919 = arith.constant 180 : i32
      %add3A_920 = vector.broadcast %add3A_919 : i32 to vector<16xi32>
      %add3A_921 = arith.addi %add3A_31, %add3A_920 : vector<16xi32>
      tpu.vector_store_idx %arg5[%add3A_921], %mul3A_918 : memref<20000xf32, #tpu.memory_space<vmem>>[vector<16xi32>], vector<16xf32>,
      %mul3A_922 = arith.mulf %mul3A_917, %get3A_134 : vector<16xf32>
      %add3A_923 = arith.constant 181 : i32
      %add3A_924 = vector.broadcast %add3A_923 : i32 to vector<16xi32>
      %add3A_925 = arith.addi %add3A_31, %add3A_924 : vector<16xi32>
      tpu.vector_store_idx %arg5[%add3A_925], %mul3A_922 : memref<20000xf32, #tpu.memory_space<vmem>>[vector<16xi32>], vector<16xf32>,
      %mul3A_926 = arith.mulf %mul3A_917, %get3A_140 : vector<16xf32>
      %add3A_927 = arith.constant 182 : i32
      %add3A_928 = vector.broadcast %add3A_927 : i32 to vector<16xi32>
      %add3A_929 = arith.addi %add3A_31, %add3A_928 : vector<16xi32>
      tpu.vector_store_idx %arg5[%add3A_929], %mul3A_926 : memref<20000xf32, #tpu.memory_space<vmem>>[vector<16xi32>], vector<16xf32>,
      %mul3A_930 = arith.mulf %mul3A_917, %get3A_146 : vector<16xf32>
      %add3A_931 = arith.constant 183 : i32
      %add3A_932 = vector.broadcast %add3A_931 : i32 to vector<16xi32>
      %add3A_933 = arith.addi %add3A_31, %add3A_932 : vector<16xi32>
      tpu.vector_store_idx %arg5[%add3A_933], %mul3A_930 : memref<20000xf32, #tpu.memory_space<vmem>>[vector<16xi32>], vector<16xf32>,
      %mul3A_934 = arith.mulf %mul3A_917, %get3A_152 : vector<16xf32>
      %add3A_935 = arith.constant 184 : i32
      %add3A_936 = vector.broadcast %add3A_935 : i32 to vector<16xi32>
      %add3A_937 = arith.addi %add3A_31, %add3A_936 : vector<16xi32>
      tpu.vector_store_idx %arg5[%add3A_937], %mul3A_934 : memref<20000xf32, #tpu.memory_space<vmem>>[vector<16xi32>], vector<16xf32>,
      %mul3A_938 = arith.mulf %mul3A_895, %get3A_110 : vector<16xf32>
      %mul3A_939 = arith.mulf %mul3A_938, %get3A_128 : vector<16xf32>
      %add3A_940 = arith.constant 185 : i32
      %add3A_941 = vector.broadcast %add3A_940 : i32 to vector<16xi32>
      %add3A_942 = arith.addi %add3A_31, %add3A_941 : vector<16xi32>
      tpu.vector_store_idx %arg5[%add3A_942], %mul3A_939 : memref<20000xf32, #tpu.memory_space<vmem>>[vector<16xi32>], vector<16xf32>,
      %mul3A_943 = arith.mulf %mul3A_938, %get3A_134 : vector<16xf32>
      %add3A_944 = arith.constant 186 : i32
      %add3A_945 = vector.broadcast %add3A_944 : i32 to vector<16xi32>
      %add3A_946 = arith.addi %add3A_31, %add3A_945 : vector<16xi32>
      tpu.vector_store_idx %arg5[%add3A_946], %mul3A_943 : memref<20000xf32, #tpu.memory_space<vmem>>[vector<16xi32>], vector<16xf32>,
      %mul3A_947 = arith.mulf %mul3A_938, %get3A_140 : vector<16xf32>
      %add3A_948 = arith.constant 187 : i32
      %add3A_949 = vector.broadcast %add3A_948 : i32 to vector<16xi32>
      %add3A_950 = arith.addi %add3A_31, %add3A_949 : vector<16xi32>
      tpu.vector_store_idx %arg5[%add3A_950], %mul3A_947 : memref<20000xf32, #tpu.memory_space<vmem>>[vector<16xi32>], vector<16xf32>,
      %mul3A_951 = arith.mulf %mul3A_938, %get3A_146 : vector<16xf32>
      %add3A_952 = arith.constant 188 : i32
      %add3A_953 = vector.broadcast %add3A_952 : i32 to vector<16xi32>
      %add3A_954 = arith.addi %add3A_31, %add3A_953 : vector<16xi32>
      tpu.vector_store_idx %arg5[%add3A_954], %mul3A_951 : memref<20000xf32, #tpu.memory_space<vmem>>[vector<16xi32>], vector<16xf32>,
      %mul3A_955 = arith.mulf %mul3A_938, %get3A_152 : vector<16xf32>
      %add3A_956 = arith.constant 189 : i32
      %add3A_957 = vector.broadcast %add3A_956 : i32 to vector<16xi32>
      %add3A_958 = arith.addi %add3A_31, %add3A_957 : vector<16xi32>
      tpu.vector_store_idx %arg5[%add3A_958], %mul3A_955 : memref<20000xf32, #tpu.memory_space<vmem>>[vector<16xi32>], vector<16xf32>,
      %mul3A_959 = arith.mulf %mul3A_895, %get3A_116 : vector<16xf32>
      %mul3A_960 = arith.mulf %mul3A_959, %get3A_128 : vector<16xf32>
      %add3A_961 = arith.constant 190 : i32
      %add3A_962 = vector.broadcast %add3A_961 : i32 to vector<16xi32>
      %add3A_963 = arith.addi %add3A_31, %add3A_962 : vector<16xi32>
      tpu.vector_store_idx %arg5[%add3A_963], %mul3A_960 : memref<20000xf32, #tpu.memory_space<vmem>>[vector<16xi32>], vector<16xf32>,
      %mul3A_964 = arith.mulf %mul3A_959, %get3A_134 : vector<16xf32>
      %add3A_965 = arith.constant 191 : i32
      %add3A_966 = vector.broadcast %add3A_965 : i32 to vector<16xi32>
      %add3A_967 = arith.addi %add3A_31, %add3A_966 : vector<16xi32>
      tpu.vector_store_idx %arg5[%add3A_967], %mul3A_964 : memref<20000xf32, #tpu.memory_space<vmem>>[vector<16xi32>], vector<16xf32>,
      %mul3A_968 = arith.mulf %mul3A_959, %get3A_140 : vector<16xf32>
      %add3A_969 = arith.constant 192 : i32
      %add3A_970 = vector.broadcast %add3A_969 : i32 to vector<16xi32>
      %add3A_971 = arith.addi %add3A_31, %add3A_970 : vector<16xi32>
      tpu.vector_store_idx %arg5[%add3A_971], %mul3A_968 : memref<20000xf32, #tpu.memory_space<vmem>>[vector<16xi32>], vector<16xf32>,
      %mul3A_972 = arith.mulf %mul3A_959, %get3A_146 : vector<16xf32>
      %add3A_973 = arith.constant 193 : i32
      %add3A_974 = vector.broadcast %add3A_973 : i32 to vector<16xi32>
      %add3A_975 = arith.addi %add3A_31, %add3A_974 : vector<16xi32>
      tpu.vector_store_idx %arg5[%add3A_975], %mul3A_972 : memref<20000xf32, #tpu.memory_space<vmem>>[vector<16xi32>], vector<16xf32>,
      %mul3A_976 = arith.mulf %mul3A_959, %get3A_152 : vector<16xf32>
      %add3A_977 = arith.constant 194 : i32
      %add3A_978 = vector.broadcast %add3A_977 : i32 to vector<16xi32>
      %add3A_979 = arith.addi %add3A_31, %add3A_978 : vector<16xi32>
      tpu.vector_store_idx %arg5[%add3A_979], %mul3A_976 : memref<20000xf32, #tpu.memory_space<vmem>>[vector<16xi32>], vector<16xf32>,
      %mul3A_980 = arith.mulf %mul3A_895, %get3A_122 : vector<16xf32>
      %mul3A_981 = arith.mulf %mul3A_980, %get3A_128 : vector<16xf32>
      %add3A_982 = arith.constant 195 : i32
      %add3A_983 = vector.broadcast %add3A_982 : i32 to vector<16xi32>
      %add3A_984 = arith.addi %add3A_31, %add3A_983 : vector<16xi32>
      tpu.vector_store_idx %arg5[%add3A_984], %mul3A_981 : memref<20000xf32, #tpu.memory_space<vmem>>[vector<16xi32>], vector<16xf32>,
      %mul3A_985 = arith.mulf %mul3A_980, %get3A_134 : vector<16xf32>
      %add3A_986 = arith.constant 196 : i32
      %add3A_987 = vector.broadcast %add3A_986 : i32 to vector<16xi32>
      %add3A_988 = arith.addi %add3A_31, %add3A_987 : vector<16xi32>
      tpu.vector_store_idx %arg5[%add3A_988], %mul3A_985 : memref<20000xf32, #tpu.memory_space<vmem>>[vector<16xi32>], vector<16xf32>,
      %mul3A_989 = arith.mulf %mul3A_980, %get3A_140 : vector<16xf32>
      %add3A_990 = arith.constant 197 : i32
      %add3A_991 = vector.broadcast %add3A_990 : i32 to vector<16xi32>
      %add3A_992 = arith.addi %add3A_31, %add3A_991 : vector<16xi32>
      tpu.vector_store_idx %arg5[%add3A_992], %mul3A_989 : memref<20000xf32, #tpu.memory_space<vmem>>[vector<16xi32>], vector<16xf32>,
      %mul3A_993 = arith.mulf %mul3A_980, %get3A_146 : vector<16xf32>
      %add3A_994 = arith.constant 198 : i32
      %add3A_995 = vector.broadcast %add3A_994 : i32 to vector<16xi32>
      %add3A_996 = arith.addi %add3A_31, %add3A_995 : vector<16xi32>
      tpu.vector_store_idx %arg5[%add3A_996], %mul3A_993 : memref<20000xf32, #tpu.memory_space<vmem>>[vector<16xi32>], vector<16xf32>,
      %mul3A_997 = arith.mulf %mul3A_980, %get3A_152 : vector<16xf32>
      %add3A_998 = arith.constant 199 : i32
      %add3A_999 = vector.broadcast %add3A_998 : i32 to vector<16xi32>
      %add3A_1000 = arith.addi %add3A_31, %add3A_999 : vector<16xi32>
      tpu.vector_store_idx %arg5[%add3A_1000], %mul3A_997 : memref<20000xf32, #tpu.memory_space<vmem>>[vector<16xi32>], vector<16xf32>,
      %mul3A_1001 = arith.mulf %get3A_44, %get3A_86 : vector<16xf32>
      %mul3A_1002 = arith.mulf %mul3A_1001, %get3A_98 : vector<16xf32>
      %mul3A_1003 = arith.mulf %mul3A_1002, %get3A_128 : vector<16xf32>
      %add3A_1004 = arith.constant 200 : i32
      %add3A_1005 = vector.broadcast %add3A_1004 : i32 to vector<16xi32>
      %add3A_1006 = arith.addi %add3A_31, %add3A_1005 : vector<16xi32>
      tpu.vector_store_idx %arg5[%add3A_1006], %mul3A_1003 : memref<20000xf32, #tpu.memory_space<vmem>>[vector<16xi32>], vector<16xf32>,
      %mul3A_1007 = arith.mulf %mul3A_1002, %get3A_134 : vector<16xf32>
      %add3A_1008 = arith.constant 201 : i32
      %add3A_1009 = vector.broadcast %add3A_1008 : i32 to vector<16xi32>
      %add3A_1010 = arith.addi %add3A_31, %add3A_1009 : vector<16xi32>
      tpu.vector_store_idx %arg5[%add3A_1010], %mul3A_1007 : memref<20000xf32, #tpu.memory_space<vmem>>[vector<16xi32>], vector<16xf32>,
      %mul3A_1011 = arith.mulf %mul3A_1002, %get3A_140 : vector<16xf32>
      %add3A_1012 = arith.constant 202 : i32
      %add3A_1013 = vector.broadcast %add3A_1012 : i32 to vector<16xi32>
      %add3A_1014 = arith.addi %add3A_31, %add3A_1013 : vector<16xi32>
      tpu.vector_store_idx %arg5[%add3A_1014], %mul3A_1011 : memref<20000xf32, #tpu.memory_space<vmem>>[vector<16xi32>], vector<16xf32>,
      %mul3A_1015 = arith.mulf %mul3A_1002, %get3A_146 : vector<16xf32>
      %add3A_1016 = arith.constant 203 : i32
      %add3A_1017 = vector.broadcast %add3A_1016 : i32 to vector<16xi32>
      %add3A_1018 = arith.addi %add3A_31, %add3A_1017 : vector<16xi32>
      tpu.vector_store_idx %arg5[%add3A_1018], %mul3A_1015 : memref<20000xf32, #tpu.memory_space<vmem>>[vector<16xi32>], vector<16xf32>,
      %mul3A_1019 = arith.mulf %mul3A_1002, %get3A_152 : vector<16xf32>
      %add3A_1020 = arith.constant 204 : i32
      %add3A_1021 = vector.broadcast %add3A_1020 : i32 to vector<16xi32>
      %add3A_1022 = arith.addi %add3A_31, %add3A_1021 : vector<16xi32>
      tpu.vector_store_idx %arg5[%add3A_1022], %mul3A_1019 : memref<20000xf32, #tpu.memory_space<vmem>>[vector<16xi32>], vector<16xf32>,
      %mul3A_1023 = arith.mulf %mul3A_1001, %get3A_104 : vector<16xf32>
      %mul3A_1024 = arith.mulf %mul3A_1023, %get3A_128 : vector<16xf32>
      %add3A_1025 = arith.constant 205 : i32
      %add3A_1026 = vector.broadcast %add3A_1025 : i32 to vector<16xi32>
      %add3A_1027 = arith.addi %add3A_31, %add3A_1026 : vector<16xi32>
      tpu.vector_store_idx %arg5[%add3A_1027], %mul3A_1024 : memref<20000xf32, #tpu.memory_space<vmem>>[vector<16xi32>], vector<16xf32>,
      %mul3A_1028 = arith.mulf %mul3A_1023, %get3A_134 : vector<16xf32>
      %add3A_1029 = arith.constant 206 : i32
      %add3A_1030 = vector.broadcast %add3A_1029 : i32 to vector<16xi32>
      %add3A_1031 = arith.addi %add3A_31, %add3A_1030 : vector<16xi32>
      tpu.vector_store_idx %arg5[%add3A_1031], %mul3A_1028 : memref<20000xf32, #tpu.memory_space<vmem>>[vector<16xi32>], vector<16xf32>,
      %mul3A_1032 = arith.mulf %mul3A_1023, %get3A_140 : vector<16xf32>
      %add3A_1033 = arith.constant 207 : i32
      %add3A_1034 = vector.broadcast %add3A_1033 : i32 to vector<16xi32>
      %add3A_1035 = arith.addi %add3A_31, %add3A_1034 : vector<16xi32>
      tpu.vector_store_idx %arg5[%add3A_1035], %mul3A_1032 : memref<20000xf32, #tpu.memory_space<vmem>>[vector<16xi32>], vector<16xf32>,
      %mul3A_1036 = arith.mulf %mul3A_1023, %get3A_146 : vector<16xf32>
      %add3A_1037 = arith.constant 208 : i32
      %add3A_1038 = vector.broadcast %add3A_1037 : i32 to vector<16xi32>
      %add3A_1039 = arith.addi %add3A_31, %add3A_1038 : vector<16xi32>
      tpu.vector_store_idx %arg5[%add3A_1039], %mul3A_1036 : memref<20000xf32, #tpu.memory_space<vmem>>[vector<16xi32>], vector<16xf32>,
      %mul3A_1040 = arith.mulf %mul3A_1023, %get3A_152 : vector<16xf32>
      %add3A_1041 = arith.constant 209 : i32
      %add3A_1042 = vector.broadcast %add3A_1041 : i32 to vector<16xi32>
      %add3A_1043 = arith.addi %add3A_31, %add3A_1042 : vector<16xi32>
      tpu.vector_store_idx %arg5[%add3A_1043], %mul3A_1040 : memref<20000xf32, #tpu.memory_space<vmem>>[vector<16xi32>], vector<16xf32>,
      %mul3A_1044 = arith.mulf %mul3A_1001, %get3A_110 : vector<16xf32>
      %mul3A_1045 = arith.mulf %mul3A_1044, %get3A_128 : vector<16xf32>
      %add3A_1046 = arith.constant 210 : i32
      %add3A_1047 = vector.broadcast %add3A_1046 : i32 to vector<16xi32>
      %add3A_1048 = arith.addi %add3A_31, %add3A_1047 : vector<16xi32>
      tpu.vector_store_idx %arg5[%add3A_1048], %mul3A_1045 : memref<20000xf32, #tpu.memory_space<vmem>>[vector<16xi32>], vector<16xf32>,
      %mul3A_1049 = arith.mulf %mul3A_1044, %get3A_134 : vector<16xf32>
      %add3A_1050 = arith.constant 211 : i32
      %add3A_1051 = vector.broadcast %add3A_1050 : i32 to vector<16xi32>
      %add3A_1052 = arith.addi %add3A_31, %add3A_1051 : vector<16xi32>
      tpu.vector_store_idx %arg5[%add3A_1052], %mul3A_1049 : memref<20000xf32, #tpu.memory_space<vmem>>[vector<16xi32>], vector<16xf32>,
      %mul3A_1053 = arith.mulf %mul3A_1044, %get3A_140 : vector<16xf32>
      %add3A_1054 = arith.constant 212 : i32
      %add3A_1055 = vector.broadcast %add3A_1054 : i32 to vector<16xi32>
      %add3A_1056 = arith.addi %add3A_31, %add3A_1055 : vector<16xi32>
      tpu.vector_store_idx %arg5[%add3A_1056], %mul3A_1053 : memref<20000xf32, #tpu.memory_space<vmem>>[vector<16xi32>], vector<16xf32>,
      %mul3A_1057 = arith.mulf %mul3A_1044, %get3A_146 : vector<16xf32>
      %add3A_1058 = arith.constant 213 : i32
      %add3A_1059 = vector.broadcast %add3A_1058 : i32 to vector<16xi32>
      %add3A_1060 = arith.addi %add3A_31, %add3A_1059 : vector<16xi32>
      tpu.vector_store_idx %arg5[%add3A_1060], %mul3A_1057 : memref<20000xf32, #tpu.memory_space<vmem>>[vector<16xi32>], vector<16xf32>,
      %mul3A_1061 = arith.mulf %mul3A_1044, %get3A_152 : vector<16xf32>
      %add3A_1062 = arith.constant 214 : i32
      %add3A_1063 = vector.broadcast %add3A_1062 : i32 to vector<16xi32>
      %add3A_1064 = arith.addi %add3A_31, %add3A_1063 : vector<16xi32>
      tpu.vector_store_idx %arg5[%add3A_1064], %mul3A_1061 : memref<20000xf32, #tpu.memory_space<vmem>>[vector<16xi32>], vector<16xf32>,
      %mul3A_1065 = arith.mulf %mul3A_1001, %get3A_116 : vector<16xf32>
      %mul3A_1066 = arith.mulf %mul3A_1065, %get3A_128 : vector<16xf32>
      %add3A_1067 = arith.constant 215 : i32
      %add3A_1068 = vector.broadcast %add3A_1067 : i32 to vector<16xi32>
      %add3A_1069 = arith.addi %add3A_31, %add3A_1068 : vector<16xi32>
      tpu.vector_store_idx %arg5[%add3A_1069], %mul3A_1066 : memref<20000xf32, #tpu.memory_space<vmem>>[vector<16xi32>], vector<16xf32>,
      %mul3A_1070 = arith.mulf %mul3A_1065, %get3A_134 : vector<16xf32>
      %add3A_1071 = arith.constant 216 : i32
      %add3A_1072 = vector.broadcast %add3A_1071 : i32 to vector<16xi32>
      %add3A_1073 = arith.addi %add3A_31, %add3A_1072 : vector<16xi32>
      tpu.vector_store_idx %arg5[%add3A_1073], %mul3A_1070 : memref<20000xf32, #tpu.memory_space<vmem>>[vector<16xi32>], vector<16xf32>,
      %mul3A_1074 = arith.mulf %mul3A_1065, %get3A_140 : vector<16xf32>
      %add3A_1075 = arith.constant 217 : i32
      %add3A_1076 = vector.broadcast %add3A_1075 : i32 to vector<16xi32>
      %add3A_1077 = arith.addi %add3A_31, %add3A_1076 : vector<16xi32>
      tpu.vector_store_idx %arg5[%add3A_1077], %mul3A_1074 : memref<20000xf32, #tpu.memory_space<vmem>>[vector<16xi32>], vector<16xf32>,
      %mul3A_1078 = arith.mulf %mul3A_1065, %get3A_146 : vector<16xf32>
      %add3A_1079 = arith.constant 218 : i32
      %add3A_1080 = vector.broadcast %add3A_1079 : i32 to vector<16xi32>
      %add3A_1081 = arith.addi %add3A_31, %add3A_1080 : vector<16xi32>
      tpu.vector_store_idx %arg5[%add3A_1081], %mul3A_1078 : memref<20000xf32, #tpu.memory_space<vmem>>[vector<16xi32>], vector<16xf32>,
      %mul3A_1082 = arith.mulf %mul3A_1065, %get3A_152 : vector<16xf32>
      %add3A_1083 = arith.constant 219 : i32
      %add3A_1084 = vector.broadcast %add3A_1083 : i32 to vector<16xi32>
      %add3A_1085 = arith.addi %add3A_31, %add3A_1084 : vector<16xi32>
      tpu.vector_store_idx %arg5[%add3A_1085], %mul3A_1082 : memref<20000xf32, #tpu.memory_space<vmem>>[vector<16xi32>], vector<16xf32>,
      %mul3A_1086 = arith.mulf %mul3A_1001, %get3A_122 : vector<16xf32>
      %mul3A_1087 = arith.mulf %mul3A_1086, %get3A_128 : vector<16xf32>
      %add3A_1088 = arith.constant 220 : i32
      %add3A_1089 = vector.broadcast %add3A_1088 : i32 to vector<16xi32>
      %add3A_1090 = arith.addi %add3A_31, %add3A_1089 : vector<16xi32>
      tpu.vector_store_idx %arg5[%add3A_1090], %mul3A_1087 : memref<20000xf32, #tpu.memory_space<vmem>>[vector<16xi32>], vector<16xf32>,
      %mul3A_1091 = arith.mulf %mul3A_1086, %get3A_134 : vector<16xf32>
      %add3A_1092 = arith.constant 221 : i32
      %add3A_1093 = vector.broadcast %add3A_1092 : i32 to vector<16xi32>
      %add3A_1094 = arith.addi %add3A_31, %add3A_1093 : vector<16xi32>
      tpu.vector_store_idx %arg5[%add3A_1094], %mul3A_1091 : memref<20000xf32, #tpu.memory_space<vmem>>[vector<16xi32>], vector<16xf32>,
      %mul3A_1095 = arith.mulf %mul3A_1086, %get3A_140 : vector<16xf32>
      %add3A_1096 = arith.constant 222 : i32
      %add3A_1097 = vector.broadcast %add3A_1096 : i32 to vector<16xi32>
      %add3A_1098 = arith.addi %add3A_31, %add3A_1097 : vector<16xi32>
      tpu.vector_store_idx %arg5[%add3A_1098], %mul3A_1095 : memref<20000xf32, #tpu.memory_space<vmem>>[vector<16xi32>], vector<16xf32>,
      %mul3A_1099 = arith.mulf %mul3A_1086, %get3A_146 : vector<16xf32>
      %add3A_1100 = arith.constant 223 : i32
      %add3A_1101 = vector.broadcast %add3A_1100 : i32 to vector<16xi32>
      %add3A_1102 = arith.addi %add3A_31, %add3A_1101 : vector<16xi32>
      tpu.vector_store_idx %arg5[%add3A_1102], %mul3A_1099 : memref<20000xf32, #tpu.memory_space<vmem>>[vector<16xi32>], vector<16xf32>,
      %mul3A_1103 = arith.mulf %mul3A_1086, %get3A_152 : vector<16xf32>
      %add3A_1104 = arith.constant 224 : i32
      %add3A_1105 = vector.broadcast %add3A_1104 : i32 to vector<16xi32>
      %add3A_1106 = arith.addi %add3A_31, %add3A_1105 : vector<16xi32>
      tpu.vector_store_idx %arg5[%add3A_1106], %mul3A_1103 : memref<20000xf32, #tpu.memory_space<vmem>>[vector<16xi32>], vector<16xf32>,
      %mul3A_1107 = arith.mulf %get3A_44, %get3A_92 : vector<16xf32>
      %mul3A_1108 = arith.mulf %mul3A_1107, %get3A_98 : vector<16xf32>
      %mul3A_1109 = arith.mulf %mul3A_1108, %get3A_128 : vector<16xf32>
      %add3A_1110 = arith.constant 225 : i32
      %add3A_1111 = vector.broadcast %add3A_1110 : i32 to vector<16xi32>
      %add3A_1112 = arith.addi %add3A_31, %add3A_1111 : vector<16xi32>
      tpu.vector_store_idx %arg5[%add3A_1112], %mul3A_1109 : memref<20000xf32, #tpu.memory_space<vmem>>[vector<16xi32>], vector<16xf32>,
      %mul3A_1113 = arith.mulf %mul3A_1108, %get3A_134 : vector<16xf32>
      %add3A_1114 = arith.constant 226 : i32
      %add3A_1115 = vector.broadcast %add3A_1114 : i32 to vector<16xi32>
      %add3A_1116 = arith.addi %add3A_31, %add3A_1115 : vector<16xi32>
      tpu.vector_store_idx %arg5[%add3A_1116], %mul3A_1113 : memref<20000xf32, #tpu.memory_space<vmem>>[vector<16xi32>], vector<16xf32>,
      %mul3A_1117 = arith.mulf %mul3A_1108, %get3A_140 : vector<16xf32>
      %add3A_1118 = arith.constant 227 : i32
      %add3A_1119 = vector.broadcast %add3A_1118 : i32 to vector<16xi32>
      %add3A_1120 = arith.addi %add3A_31, %add3A_1119 : vector<16xi32>
      tpu.vector_store_idx %arg5[%add3A_1120], %mul3A_1117 : memref<20000xf32, #tpu.memory_space<vmem>>[vector<16xi32>], vector<16xf32>,
      %mul3A_1121 = arith.mulf %mul3A_1108, %get3A_146 : vector<16xf32>
      %add3A_1122 = arith.constant 228 : i32
      %add3A_1123 = vector.broadcast %add3A_1122 : i32 to vector<16xi32>
      %add3A_1124 = arith.addi %add3A_31, %add3A_1123 : vector<16xi32>
      tpu.vector_store_idx %arg5[%add3A_1124], %mul3A_1121 : memref<20000xf32, #tpu.memory_space<vmem>>[vector<16xi32>], vector<16xf32>,
      %mul3A_1125 = arith.mulf %mul3A_1108, %get3A_152 : vector<16xf32>
      %add3A_1126 = arith.constant 229 : i32
      %add3A_1127 = vector.broadcast %add3A_1126 : i32 to vector<16xi32>
      %add3A_1128 = arith.addi %add3A_31, %add3A_1127 : vector<16xi32>
      tpu.vector_store_idx %arg5[%add3A_1128], %mul3A_1125 : memref<20000xf32, #tpu.memory_space<vmem>>[vector<16xi32>], vector<16xf32>,
      %mul3A_1129 = arith.mulf %mul3A_1107, %get3A_104 : vector<16xf32>
      %mul3A_1130 = arith.mulf %mul3A_1129, %get3A_128 : vector<16xf32>
      %add3A_1131 = arith.constant 230 : i32
      %add3A_1132 = vector.broadcast %add3A_1131 : i32 to vector<16xi32>
      %add3A_1133 = arith.addi %add3A_31, %add3A_1132 : vector<16xi32>
      tpu.vector_store_idx %arg5[%add3A_1133], %mul3A_1130 : memref<20000xf32, #tpu.memory_space<vmem>>[vector<16xi32>], vector<16xf32>,
      %mul3A_1134 = arith.mulf %mul3A_1129, %get3A_134 : vector<16xf32>
      %add3A_1135 = arith.constant 231 : i32
      %add3A_1136 = vector.broadcast %add3A_1135 : i32 to vector<16xi32>
      %add3A_1137 = arith.addi %add3A_31, %add3A_1136 : vector<16xi32>
      tpu.vector_store_idx %arg5[%add3A_1137], %mul3A_1134 : memref<20000xf32, #tpu.memory_space<vmem>>[vector<16xi32>], vector<16xf32>,
      %mul3A_1138 = arith.mulf %mul3A_1129, %get3A_140 : vector<16xf32>
      %add3A_1139 = arith.constant 232 : i32
      %add3A_1140 = vector.broadcast %add3A_1139 : i32 to vector<16xi32>
      %add3A_1141 = arith.addi %add3A_31, %add3A_1140 : vector<16xi32>
      tpu.vector_store_idx %arg5[%add3A_1141], %mul3A_1138 : memref<20000xf32, #tpu.memory_space<vmem>>[vector<16xi32>], vector<16xf32>,
      %mul3A_1142 = arith.mulf %mul3A_1129, %get3A_146 : vector<16xf32>
      %add3A_1143 = arith.constant 233 : i32
      %add3A_1144 = vector.broadcast %add3A_1143 : i32 to vector<16xi32>
      %add3A_1145 = arith.addi %add3A_31, %add3A_1144 : vector<16xi32>
      tpu.vector_store_idx %arg5[%add3A_1145], %mul3A_1142 : memref<20000xf32, #tpu.memory_space<vmem>>[vector<16xi32>], vector<16xf32>,
      %mul3A_1146 = arith.mulf %mul3A_1129, %get3A_152 : vector<16xf32>
      %add3A_1147 = arith.constant 234 : i32
      %add3A_1148 = vector.broadcast %add3A_1147 : i32 to vector<16xi32>
      %add3A_1149 = arith.addi %add3A_31, %add3A_1148 : vector<16xi32>
      tpu.vector_store_idx %arg5[%add3A_1149], %mul3A_1146 : memref<20000xf32, #tpu.memory_space<vmem>>[vector<16xi32>], vector<16xf32>,
      %mul3A_1150 = arith.mulf %mul3A_1107, %get3A_110 : vector<16xf32>
      %mul3A_1151 = arith.mulf %mul3A_1150, %get3A_128 : vector<16xf32>
      %add3A_1152 = arith.constant 235 : i32
      %add3A_1153 = vector.broadcast %add3A_1152 : i32 to vector<16xi32>
      %add3A_1154 = arith.addi %add3A_31, %add3A_1153 : vector<16xi32>
      tpu.vector_store_idx %arg5[%add3A_1154], %mul3A_1151 : memref<20000xf32, #tpu.memory_space<vmem>>[vector<16xi32>], vector<16xf32>,
      %mul3A_1155 = arith.mulf %mul3A_1150, %get3A_134 : vector<16xf32>
      %add3A_1156 = arith.constant 236 : i32
      %add3A_1157 = vector.broadcast %add3A_1156 : i32 to vector<16xi32>
      %add3A_1158 = arith.addi %add3A_31, %add3A_1157 : vector<16xi32>
      tpu.vector_store_idx %arg5[%add3A_1158], %mul3A_1155 : memref<20000xf32, #tpu.memory_space<vmem>>[vector<16xi32>], vector<16xf32>,
      %mul3A_1159 = arith.mulf %mul3A_1150, %get3A_140 : vector<16xf32>
      %add3A_1160 = arith.constant 237 : i32
      %add3A_1161 = vector.broadcast %add3A_1160 : i32 to vector<16xi32>
      %add3A_1162 = arith.addi %add3A_31, %add3A_1161 : vector<16xi32>
      tpu.vector_store_idx %arg5[%add3A_1162], %mul3A_1159 : memref<20000xf32, #tpu.memory_space<vmem>>[vector<16xi32>], vector<16xf32>,
      %mul3A_1163 = arith.mulf %mul3A_1150, %get3A_146 : vector<16xf32>
      %add3A_1164 = arith.constant 238 : i32
      %add3A_1165 = vector.broadcast %add3A_1164 : i32 to vector<16xi32>
      %add3A_1166 = arith.addi %add3A_31, %add3A_1165 : vector<16xi32>
      tpu.vector_store_idx %arg5[%add3A_1166], %mul3A_1163 : memref<20000xf32, #tpu.memory_space<vmem>>[vector<16xi32>], vector<16xf32>,
      %mul3A_1167 = arith.mulf %mul3A_1150, %get3A_152 : vector<16xf32>
      %add3A_1168 = arith.constant 239 : i32
      %add3A_1169 = vector.broadcast %add3A_1168 : i32 to vector<16xi32>
      %add3A_1170 = arith.addi %add3A_31, %add3A_1169 : vector<16xi32>
      tpu.vector_store_idx %arg5[%add3A_1170], %mul3A_1167 : memref<20000xf32, #tpu.memory_space<vmem>>[vector<16xi32>], vector<16xf32>,
      %mul3A_1171 = arith.mulf %mul3A_1107, %get3A_116 : vector<16xf32>
      %mul3A_1172 = arith.mulf %mul3A_1171, %get3A_128 : vector<16xf32>
      %add3A_1173 = arith.constant 240 : i32
      %add3A_1174 = vector.broadcast %add3A_1173 : i32 to vector<16xi32>
      %add3A_1175 = arith.addi %add3A_31, %add3A_1174 : vector<16xi32>
      tpu.vector_store_idx %arg5[%add3A_1175], %mul3A_1172 : memref<20000xf32, #tpu.memory_space<vmem>>[vector<16xi32>], vector<16xf32>,
      %mul3A_1176 = arith.mulf %mul3A_1171, %get3A_134 : vector<16xf32>
      %add3A_1177 = arith.constant 241 : i32
      %add3A_1178 = vector.broadcast %add3A_1177 : i32 to vector<16xi32>
      %add3A_1179 = arith.addi %add3A_31, %add3A_1178 : vector<16xi32>
      tpu.vector_store_idx %arg5[%add3A_1179], %mul3A_1176 : memref<20000xf32, #tpu.memory_space<vmem>>[vector<16xi32>], vector<16xf32>,
      %mul3A_1180 = arith.mulf %mul3A_1171, %get3A_140 : vector<16xf32>
      %add3A_1181 = arith.constant 242 : i32
      %add3A_1182 = vector.broadcast %add3A_1181 : i32 to vector<16xi32>
      %add3A_1183 = arith.addi %add3A_31, %add3A_1182 : vector<16xi32>
      tpu.vector_store_idx %arg5[%add3A_1183], %mul3A_1180 : memref<20000xf32, #tpu.memory_space<vmem>>[vector<16xi32>], vector<16xf32>,
      %mul3A_1184 = arith.mulf %mul3A_1171, %get3A_146 : vector<16xf32>
      %add3A_1185 = arith.constant 243 : i32
      %add3A_1186 = vector.broadcast %add3A_1185 : i32 to vector<16xi32>
      %add3A_1187 = arith.addi %add3A_31, %add3A_1186 : vector<16xi32>
      tpu.vector_store_idx %arg5[%add3A_1187], %mul3A_1184 : memref<20000xf32, #tpu.memory_space<vmem>>[vector<16xi32>], vector<16xf32>,
      %mul3A_1188 = arith.mulf %mul3A_1171, %get3A_152 : vector<16xf32>
      %add3A_1189 = arith.constant 244 : i32
      %add3A_1190 = vector.broadcast %add3A_1189 : i32 to vector<16xi32>
      %add3A_1191 = arith.addi %add3A_31, %add3A_1190 : vector<16xi32>
      tpu.vector_store_idx %arg5[%add3A_1191], %mul3A_1188 : memref<20000xf32, #tpu.memory_space<vmem>>[vector<16xi32>], vector<16xf32>,
      %mul3A_1192 = arith.mulf %mul3A_1107, %get3A_122 : vector<16xf32>
      %mul3A_1193 = arith.mulf %mul3A_1192, %get3A_128 : vector<16xf32>
      %add3A_1194 = arith.constant 245 : i32
      %add3A_1195 = vector.broadcast %add3A_1194 : i32 to vector<16xi32>
      %add3A_1196 = arith.addi %add3A_31, %add3A_1195 : vector<16xi32>
      tpu.vector_store_idx %arg5[%add3A_1196], %mul3A_1193 : memref<20000xf32, #tpu.memory_space<vmem>>[vector<16xi32>], vector<16xf32>,
      %mul3A_1197 = arith.mulf %mul3A_1192, %get3A_134 : vector<16xf32>
      %add3A_1198 = arith.constant 246 : i32
      %add3A_1199 = vector.broadcast %add3A_1198 : i32 to vector<16xi32>
      %add3A_1200 = arith.addi %add3A_31, %add3A_1199 : vector<16xi32>
      tpu.vector_store_idx %arg5[%add3A_1200], %mul3A_1197 : memref<20000xf32, #tpu.memory_space<vmem>>[vector<16xi32>], vector<16xf32>,
      %mul3A_1201 = arith.mulf %mul3A_1192, %get3A_140 : vector<16xf32>
      %add3A_1202 = arith.constant 247 : i32
      %add3A_1203 = vector.broadcast %add3A_1202 : i32 to vector<16xi32>
      %add3A_1204 = arith.addi %add3A_31, %add3A_1203 : vector<16xi32>
      tpu.vector_store_idx %arg5[%add3A_1204], %mul3A_1201 : memref<20000xf32, #tpu.memory_space<vmem>>[vector<16xi32>], vector<16xf32>,
      %mul3A_1205 = arith.mulf %mul3A_1192, %get3A_146 : vector<16xf32>
      %add3A_1206 = arith.constant 248 : i32
      %add3A_1207 = vector.broadcast %add3A_1206 : i32 to vector<16xi32>
      %add3A_1208 = arith.addi %add3A_31, %add3A_1207 : vector<16xi32>
      tpu.vector_store_idx %arg5[%add3A_1208], %mul3A_1205 : memref<20000xf32, #tpu.memory_space<vmem>>[vector<16xi32>], vector<16xf32>,
      %mul3A_1209 = arith.mulf %mul3A_1192, %get3A_152 : vector<16xf32>
      %add3A_1210 = arith.constant 249 : i32
      %add3A_1211 = vector.broadcast %add3A_1210 : i32 to vector<16xi32>
      %add3A_1212 = arith.addi %add3A_31, %add3A_1211 : vector<16xi32>
      tpu.vector_store_idx %arg5[%add3A_1212], %mul3A_1209 : memref<20000xf32, #tpu.memory_space<vmem>>[vector<16xi32>], vector<16xf32>,
      %mul3A_1213 = arith.mulf %get3A_50, %get3A_68 : vector<16xf32>
      %mul3A_1214 = arith.mulf %mul3A_1213, %get3A_98 : vector<16xf32>
      %mul3A_1215 = arith.mulf %mul3A_1214, %get3A_128 : vector<16xf32>
      %add3A_1216 = arith.constant 250 : i32
      %add3A_1217 = vector.broadcast %add3A_1216 : i32 to vector<16xi32>
      %add3A_1218 = arith.addi %add3A_31, %add3A_1217 : vector<16xi32>
      tpu.vector_store_idx %arg5[%add3A_1218], %mul3A_1215 : memref<20000xf32, #tpu.memory_space<vmem>>[vector<16xi32>], vector<16xf32>,
      %mul3A_1219 = arith.mulf %mul3A_1214, %get3A_134 : vector<16xf32>
      %add3A_1220 = arith.constant 251 : i32
      %add3A_1221 = vector.broadcast %add3A_1220 : i32 to vector<16xi32>
      %add3A_1222 = arith.addi %add3A_31, %add3A_1221 : vector<16xi32>
      tpu.vector_store_idx %arg5[%add3A_1222], %mul3A_1219 : memref<20000xf32, #tpu.memory_space<vmem>>[vector<16xi32>], vector<16xf32>,
      %mul3A_1223 = arith.mulf %mul3A_1214, %get3A_140 : vector<16xf32>
      %add3A_1224 = arith.constant 252 : i32
      %add3A_1225 = vector.broadcast %add3A_1224 : i32 to vector<16xi32>
      %add3A_1226 = arith.addi %add3A_31, %add3A_1225 : vector<16xi32>
      tpu.vector_store_idx %arg5[%add3A_1226], %mul3A_1223 : memref<20000xf32, #tpu.memory_space<vmem>>[vector<16xi32>], vector<16xf32>,
      %mul3A_1227 = arith.mulf %mul3A_1214, %get3A_146 : vector<16xf32>
      %add3A_1228 = arith.constant 253 : i32
      %add3A_1229 = vector.broadcast %add3A_1228 : i32 to vector<16xi32>
      %add3A_1230 = arith.addi %add3A_31, %add3A_1229 : vector<16xi32>
      tpu.vector_store_idx %arg5[%add3A_1230], %mul3A_1227 : memref<20000xf32, #tpu.memory_space<vmem>>[vector<16xi32>], vector<16xf32>,
      %mul3A_1231 = arith.mulf %mul3A_1214, %get3A_152 : vector<16xf32>
      %add3A_1232 = arith.constant 254 : i32
      %add3A_1233 = vector.broadcast %add3A_1232 : i32 to vector<16xi32>
      %add3A_1234 = arith.addi %add3A_31, %add3A_1233 : vector<16xi32>
      tpu.vector_store_idx %arg5[%add3A_1234], %mul3A_1231 : memref<20000xf32, #tpu.memory_space<vmem>>[vector<16xi32>], vector<16xf32>,
      %mul3A_1235 = arith.mulf %mul3A_1213, %get3A_104 : vector<16xf32>
      %mul3A_1236 = arith.mulf %mul3A_1235, %get3A_128 : vector<16xf32>
      %add3A_1237 = arith.constant 255 : i32
      %add3A_1238 = vector.broadcast %add3A_1237 : i32 to vector<16xi32>
      %add3A_1239 = arith.addi %add3A_31, %add3A_1238 : vector<16xi32>
      tpu.vector_store_idx %arg5[%add3A_1239], %mul3A_1236 : memref<20000xf32, #tpu.memory_space<vmem>>[vector<16xi32>], vector<16xf32>,
      %mul3A_1240 = arith.mulf %mul3A_1235, %get3A_134 : vector<16xf32>
      %add3A_1241 = arith.constant 256 : i32
      %add3A_1242 = vector.broadcast %add3A_1241 : i32 to vector<16xi32>
      %add3A_1243 = arith.addi %add3A_31, %add3A_1242 : vector<16xi32>
      tpu.vector_store_idx %arg5[%add3A_1243], %mul3A_1240 : memref<20000xf32, #tpu.memory_space<vmem>>[vector<16xi32>], vector<16xf32>,
      %mul3A_1244 = arith.mulf %mul3A_1235, %get3A_140 : vector<16xf32>
      %add3A_1245 = arith.constant 257 : i32
      %add3A_1246 = vector.broadcast %add3A_1245 : i32 to vector<16xi32>
      %add3A_1247 = arith.addi %add3A_31, %add3A_1246 : vector<16xi32>
      tpu.vector_store_idx %arg5[%add3A_1247], %mul3A_1244 : memref<20000xf32, #tpu.memory_space<vmem>>[vector<16xi32>], vector<16xf32>,
      %mul3A_1248 = arith.mulf %mul3A_1235, %get3A_146 : vector<16xf32>
      %add3A_1249 = arith.constant 258 : i32
      %add3A_1250 = vector.broadcast %add3A_1249 : i32 to vector<16xi32>
      %add3A_1251 = arith.addi %add3A_31, %add3A_1250 : vector<16xi32>
      tpu.vector_store_idx %arg5[%add3A_1251], %mul3A_1248 : memref<20000xf32, #tpu.memory_space<vmem>>[vector<16xi32>], vector<16xf32>,
      %mul3A_1252 = arith.mulf %mul3A_1235, %get3A_152 : vector<16xf32>
      %add3A_1253 = arith.constant 259 : i32
      %add3A_1254 = vector.broadcast %add3A_1253 : i32 to vector<16xi32>
      %add3A_1255 = arith.addi %add3A_31, %add3A_1254 : vector<16xi32>
      tpu.vector_store_idx %arg5[%add3A_1255], %mul3A_1252 : memref<20000xf32, #tpu.memory_space<vmem>>[vector<16xi32>], vector<16xf32>,
      %mul3A_1256 = arith.mulf %mul3A_1213, %get3A_110 : vector<16xf32>
      %mul3A_1257 = arith.mulf %mul3A_1256, %get3A_128 : vector<16xf32>
      %add3A_1258 = arith.constant 260 : i32
      %add3A_1259 = vector.broadcast %add3A_1258 : i32 to vector<16xi32>
      %add3A_1260 = arith.addi %add3A_31, %add3A_1259 : vector<16xi32>
      tpu.vector_store_idx %arg5[%add3A_1260], %mul3A_1257 : memref<20000xf32, #tpu.memory_space<vmem>>[vector<16xi32>], vector<16xf32>,
      %mul3A_1261 = arith.mulf %mul3A_1256, %get3A_134 : vector<16xf32>
      %add3A_1262 = arith.constant 261 : i32
      %add3A_1263 = vector.broadcast %add3A_1262 : i32 to vector<16xi32>
      %add3A_1264 = arith.addi %add3A_31, %add3A_1263 : vector<16xi32>
      tpu.vector_store_idx %arg5[%add3A_1264], %mul3A_1261 : memref<20000xf32, #tpu.memory_space<vmem>>[vector<16xi32>], vector<16xf32>,
      %mul3A_1265 = arith.mulf %mul3A_1256, %get3A_140 : vector<16xf32>
      %add3A_1266 = arith.constant 262 : i32
      %add3A_1267 = vector.broadcast %add3A_1266 : i32 to vector<16xi32>
      %add3A_1268 = arith.addi %add3A_31, %add3A_1267 : vector<16xi32>
      tpu.vector_store_idx %arg5[%add3A_1268], %mul3A_1265 : memref<20000xf32, #tpu.memory_space<vmem>>[vector<16xi32>], vector<16xf32>,
      %mul3A_1269 = arith.mulf %mul3A_1256, %get3A_146 : vector<16xf32>
      %add3A_1270 = arith.constant 263 : i32
      %add3A_1271 = vector.broadcast %add3A_1270 : i32 to vector<16xi32>
      %add3A_1272 = arith.addi %add3A_31, %add3A_1271 : vector<16xi32>
      tpu.vector_store_idx %arg5[%add3A_1272], %mul3A_1269 : memref<20000xf32, #tpu.memory_space<vmem>>[vector<16xi32>], vector<16xf32>,
      %mul3A_1273 = arith.mulf %mul3A_1256, %get3A_152 : vector<16xf32>
      %add3A_1274 = arith.constant 264 : i32
      %add3A_1275 = vector.broadcast %add3A_1274 : i32 to vector<16xi32>
      %add3A_1276 = arith.addi %add3A_31, %add3A_1275 : vector<16xi32>
      tpu.vector_store_idx %arg5[%add3A_1276], %mul3A_1273 : memref<20000xf32, #tpu.memory_space<vmem>>[vector<16xi32>], vector<16xf32>,
      %mul3A_1277 = arith.mulf %mul3A_1213, %get3A_116 : vector<16xf32>
      %mul3A_1278 = arith.mulf %mul3A_1277, %get3A_128 : vector<16xf32>
      %add3A_1279 = arith.constant 265 : i32
      %add3A_1280 = vector.broadcast %add3A_1279 : i32 to vector<16xi32>
      %add3A_1281 = arith.addi %add3A_31, %add3A_1280 : vector<16xi32>
      tpu.vector_store_idx %arg5[%add3A_1281], %mul3A_1278 : memref<20000xf32, #tpu.memory_space<vmem>>[vector<16xi32>], vector<16xf32>,
      %mul3A_1282 = arith.mulf %mul3A_1277, %get3A_134 : vector<16xf32>
      %add3A_1283 = arith.constant 266 : i32
      %add3A_1284 = vector.broadcast %add3A_1283 : i32 to vector<16xi32>
      %add3A_1285 = arith.addi %add3A_31, %add3A_1284 : vector<16xi32>
      tpu.vector_store_idx %arg5[%add3A_1285], %mul3A_1282 : memref<20000xf32, #tpu.memory_space<vmem>>[vector<16xi32>], vector<16xf32>,
      %mul3A_1286 = arith.mulf %mul3A_1277, %get3A_140 : vector<16xf32>
      %add3A_1287 = arith.constant 267 : i32
      %add3A_1288 = vector.broadcast %add3A_1287 : i32 to vector<16xi32>
      %add3A_1289 = arith.addi %add3A_31, %add3A_1288 : vector<16xi32>
      tpu.vector_store_idx %arg5[%add3A_1289], %mul3A_1286 : memref<20000xf32, #tpu.memory_space<vmem>>[vector<16xi32>], vector<16xf32>,
      %mul3A_1290 = arith.mulf %mul3A_1277, %get3A_146 : vector<16xf32>
      %add3A_1291 = arith.constant 268 : i32
      %add3A_1292 = vector.broadcast %add3A_1291 : i32 to vector<16xi32>
      %add3A_1293 = arith.addi %add3A_31, %add3A_1292 : vector<16xi32>
      tpu.vector_store_idx %arg5[%add3A_1293], %mul3A_1290 : memref<20000xf32, #tpu.memory_space<vmem>>[vector<16xi32>], vector<16xf32>,
      %mul3A_1294 = arith.mulf %mul3A_1277, %get3A_152 : vector<16xf32>
      %add3A_1295 = arith.constant 269 : i32
      %add3A_1296 = vector.broadcast %add3A_1295 : i32 to vector<16xi32>
      %add3A_1297 = arith.addi %add3A_31, %add3A_1296 : vector<16xi32>
      tpu.vector_store_idx %arg5[%add3A_1297], %mul3A_1294 : memref<20000xf32, #tpu.memory_space<vmem>>[vector<16xi32>], vector<16xf32>,
      %mul3A_1298 = arith.mulf %mul3A_1213, %get3A_122 : vector<16xf32>
      %mul3A_1299 = arith.mulf %mul3A_1298, %get3A_128 : vector<16xf32>
      %add3A_1300 = arith.constant 270 : i32
      %add3A_1301 = vector.broadcast %add3A_1300 : i32 to vector<16xi32>
      %add3A_1302 = arith.addi %add3A_31, %add3A_1301 : vector<16xi32>
      tpu.vector_store_idx %arg5[%add3A_1302], %mul3A_1299 : memref<20000xf32, #tpu.memory_space<vmem>>[vector<16xi32>], vector<16xf32>,
      %mul3A_1303 = arith.mulf %mul3A_1298, %get3A_134 : vector<16xf32>
      %add3A_1304 = arith.constant 271 : i32
      %add3A_1305 = vector.broadcast %add3A_1304 : i32 to vector<16xi32>
      %add3A_1306 = arith.addi %add3A_31, %add3A_1305 : vector<16xi32>
      tpu.vector_store_idx %arg5[%add3A_1306], %mul3A_1303 : memref<20000xf32, #tpu.memory_space<vmem>>[vector<16xi32>], vector<16xf32>,
      %mul3A_1307 = arith.mulf %mul3A_1298, %get3A_140 : vector<16xf32>
      %add3A_1308 = arith.constant 272 : i32
      %add3A_1309 = vector.broadcast %add3A_1308 : i32 to vector<16xi32>
      %add3A_1310 = arith.addi %add3A_31, %add3A_1309 : vector<16xi32>
      tpu.vector_store_idx %arg5[%add3A_1310], %mul3A_1307 : memref<20000xf32, #tpu.memory_space<vmem>>[vector<16xi32>], vector<16xf32>,
      %mul3A_1311 = arith.mulf %mul3A_1298, %get3A_146 : vector<16xf32>
      %add3A_1312 = arith.constant 273 : i32
      %add3A_1313 = vector.broadcast %add3A_1312 : i32 to vector<16xi32>
      %add3A_1314 = arith.addi %add3A_31, %add3A_1313 : vector<16xi32>
      tpu.vector_store_idx %arg5[%add3A_1314], %mul3A_1311 : memref<20000xf32, #tpu.memory_space<vmem>>[vector<16xi32>], vector<16xf32>,
      %mul3A_1315 = arith.mulf %mul3A_1298, %get3A_152 : vector<16xf32>
      %add3A_1316 = arith.constant 274 : i32
      %add3A_1317 = vector.broadcast %add3A_1316 : i32 to vector<16xi32>
      %add3A_1318 = arith.addi %add3A_31, %add3A_1317 : vector<16xi32>
      tpu.vector_store_idx %arg5[%add3A_1318], %mul3A_1315 : memref<20000xf32, #tpu.memory_space<vmem>>[vector<16xi32>], vector<16xf32>,
      %mul3A_1319 = arith.mulf %get3A_50, %get3A_74 : vector<16xf32>
      %mul3A_1320 = arith.mulf %mul3A_1319, %get3A_98 : vector<16xf32>
      %mul3A_1321 = arith.mulf %mul3A_1320, %get3A_128 : vector<16xf32>
      %add3A_1322 = arith.constant 275 : i32
      %add3A_1323 = vector.broadcast %add3A_1322 : i32 to vector<16xi32>
      %add3A_1324 = arith.addi %add3A_31, %add3A_1323 : vector<16xi32>
      tpu.vector_store_idx %arg5[%add3A_1324], %mul3A_1321 : memref<20000xf32, #tpu.memory_space<vmem>>[vector<16xi32>], vector<16xf32>,
      %mul3A_1325 = arith.mulf %mul3A_1320, %get3A_134 : vector<16xf32>
      %add3A_1326 = arith.constant 276 : i32
      %add3A_1327 = vector.broadcast %add3A_1326 : i32 to vector<16xi32>
      %add3A_1328 = arith.addi %add3A_31, %add3A_1327 : vector<16xi32>
      tpu.vector_store_idx %arg5[%add3A_1328], %mul3A_1325 : memref<20000xf32, #tpu.memory_space<vmem>>[vector<16xi32>], vector<16xf32>,
      %mul3A_1329 = arith.mulf %mul3A_1320, %get3A_140 : vector<16xf32>
      %add3A_1330 = arith.constant 277 : i32
      %add3A_1331 = vector.broadcast %add3A_1330 : i32 to vector<16xi32>
      %add3A_1332 = arith.addi %add3A_31, %add3A_1331 : vector<16xi32>
      tpu.vector_store_idx %arg5[%add3A_1332], %mul3A_1329 : memref<20000xf32, #tpu.memory_space<vmem>>[vector<16xi32>], vector<16xf32>,
      %mul3A_1333 = arith.mulf %mul3A_1320, %get3A_146 : vector<16xf32>
      %add3A_1334 = arith.constant 278 : i32
      %add3A_1335 = vector.broadcast %add3A_1334 : i32 to vector<16xi32>
      %add3A_1336 = arith.addi %add3A_31, %add3A_1335 : vector<16xi32>
      tpu.vector_store_idx %arg5[%add3A_1336], %mul3A_1333 : memref<20000xf32, #tpu.memory_space<vmem>>[vector<16xi32>], vector<16xf32>,
      %mul3A_1337 = arith.mulf %mul3A_1320, %get3A_152 : vector<16xf32>
      %add3A_1338 = arith.constant 279 : i32
      %add3A_1339 = vector.broadcast %add3A_1338 : i32 to vector<16xi32>
      %add3A_1340 = arith.addi %add3A_31, %add3A_1339 : vector<16xi32>
      tpu.vector_store_idx %arg5[%add3A_1340], %mul3A_1337 : memref<20000xf32, #tpu.memory_space<vmem>>[vector<16xi32>], vector<16xf32>,
      %mul3A_1341 = arith.mulf %mul3A_1319, %get3A_104 : vector<16xf32>
      %mul3A_1342 = arith.mulf %mul3A_1341, %get3A_128 : vector<16xf32>
      %add3A_1343 = arith.constant 280 : i32
      %add3A_1344 = vector.broadcast %add3A_1343 : i32 to vector<16xi32>
      %add3A_1345 = arith.addi %add3A_31, %add3A_1344 : vector<16xi32>
      tpu.vector_store_idx %arg5[%add3A_1345], %mul3A_1342 : memref<20000xf32, #tpu.memory_space<vmem>>[vector<16xi32>], vector<16xf32>,
      %mul3A_1346 = arith.mulf %mul3A_1341, %get3A_134 : vector<16xf32>
      %add3A_1347 = arith.constant 281 : i32
      %add3A_1348 = vector.broadcast %add3A_1347 : i32 to vector<16xi32>
      %add3A_1349 = arith.addi %add3A_31, %add3A_1348 : vector<16xi32>
      tpu.vector_store_idx %arg5[%add3A_1349], %mul3A_1346 : memref<20000xf32, #tpu.memory_space<vmem>>[vector<16xi32>], vector<16xf32>,
      %mul3A_1350 = arith.mulf %mul3A_1341, %get3A_140 : vector<16xf32>
      %add3A_1351 = arith.constant 282 : i32
      %add3A_1352 = vector.broadcast %add3A_1351 : i32 to vector<16xi32>
      %add3A_1353 = arith.addi %add3A_31, %add3A_1352 : vector<16xi32>
      tpu.vector_store_idx %arg5[%add3A_1353], %mul3A_1350 : memref<20000xf32, #tpu.memory_space<vmem>>[vector<16xi32>], vector<16xf32>,
      %mul3A_1354 = arith.mulf %mul3A_1341, %get3A_146 : vector<16xf32>
      %add3A_1355 = arith.constant 283 : i32
      %add3A_1356 = vector.broadcast %add3A_1355 : i32 to vector<16xi32>
      %add3A_1357 = arith.addi %add3A_31, %add3A_1356 : vector<16xi32>
      tpu.vector_store_idx %arg5[%add3A_1357], %mul3A_1354 : memref<20000xf32, #tpu.memory_space<vmem>>[vector<16xi32>], vector<16xf32>,
      %mul3A_1358 = arith.mulf %mul3A_1341, %get3A_152 : vector<16xf32>
      %add3A_1359 = arith.constant 284 : i32
      %add3A_1360 = vector.broadcast %add3A_1359 : i32 to vector<16xi32>
      %add3A_1361 = arith.addi %add3A_31, %add3A_1360 : vector<16xi32>
      tpu.vector_store_idx %arg5[%add3A_1361], %mul3A_1358 : memref<20000xf32, #tpu.memory_space<vmem>>[vector<16xi32>], vector<16xf32>,
      %mul3A_1362 = arith.mulf %mul3A_1319, %get3A_110 : vector<16xf32>
      %mul3A_1363 = arith.mulf %mul3A_1362, %get3A_128 : vector<16xf32>
      %add3A_1364 = arith.constant 285 : i32
      %add3A_1365 = vector.broadcast %add3A_1364 : i32 to vector<16xi32>
      %add3A_1366 = arith.addi %add3A_31, %add3A_1365 : vector<16xi32>
      tpu.vector_store_idx %arg5[%add3A_1366], %mul3A_1363 : memref<20000xf32, #tpu.memory_space<vmem>>[vector<16xi32>], vector<16xf32>,
      %mul3A_1367 = arith.mulf %mul3A_1362, %get3A_134 : vector<16xf32>
      %add3A_1368 = arith.constant 286 : i32
      %add3A_1369 = vector.broadcast %add3A_1368 : i32 to vector<16xi32>
      %add3A_1370 = arith.addi %add3A_31, %add3A_1369 : vector<16xi32>
      tpu.vector_store_idx %arg5[%add3A_1370], %mul3A_1367 : memref<20000xf32, #tpu.memory_space<vmem>>[vector<16xi32>], vector<16xf32>,
      %mul3A_1371 = arith.mulf %mul3A_1362, %get3A_140 : vector<16xf32>
      %add3A_1372 = arith.constant 287 : i32
      %add3A_1373 = vector.broadcast %add3A_1372 : i32 to vector<16xi32>
      %add3A_1374 = arith.addi %add3A_31, %add3A_1373 : vector<16xi32>
      tpu.vector_store_idx %arg5[%add3A_1374], %mul3A_1371 : memref<20000xf32, #tpu.memory_space<vmem>>[vector<16xi32>], vector<16xf32>,
      %mul3A_1375 = arith.mulf %mul3A_1362, %get3A_146 : vector<16xf32>
      %add3A_1376 = arith.constant 288 : i32
      %add3A_1377 = vector.broadcast %add3A_1376 : i32 to vector<16xi32>
      %add3A_1378 = arith.addi %add3A_31, %add3A_1377 : vector<16xi32>
      tpu.vector_store_idx %arg5[%add3A_1378], %mul3A_1375 : memref<20000xf32, #tpu.memory_space<vmem>>[vector<16xi32>], vector<16xf32>,
      %mul3A_1379 = arith.mulf %mul3A_1362, %get3A_152 : vector<16xf32>
      %add3A_1380 = arith.constant 289 : i32
      %add3A_1381 = vector.broadcast %add3A_1380 : i32 to vector<16xi32>
      %add3A_1382 = arith.addi %add3A_31, %add3A_1381 : vector<16xi32>
      tpu.vector_store_idx %arg5[%add3A_1382], %mul3A_1379 : memref<20000xf32, #tpu.memory_space<vmem>>[vector<16xi32>], vector<16xf32>,
      %mul3A_1383 = arith.mulf %mul3A_1319, %get3A_116 : vector<16xf32>
      %mul3A_1384 = arith.mulf %mul3A_1383, %get3A_128 : vector<16xf32>
      %add3A_1385 = arith.constant 290 : i32
      %add3A_1386 = vector.broadcast %add3A_1385 : i32 to vector<16xi32>
      %add3A_1387 = arith.addi %add3A_31, %add3A_1386 : vector<16xi32>
      tpu.vector_store_idx %arg5[%add3A_1387], %mul3A_1384 : memref<20000xf32, #tpu.memory_space<vmem>>[vector<16xi32>], vector<16xf32>,
      %mul3A_1388 = arith.mulf %mul3A_1383, %get3A_134 : vector<16xf32>
      %add3A_1389 = arith.constant 291 : i32
      %add3A_1390 = vector.broadcast %add3A_1389 : i32 to vector<16xi32>
      %add3A_1391 = arith.addi %add3A_31, %add3A_1390 : vector<16xi32>
      tpu.vector_store_idx %arg5[%add3A_1391], %mul3A_1388 : memref<20000xf32, #tpu.memory_space<vmem>>[vector<16xi32>], vector<16xf32>,
      %mul3A_1392 = arith.mulf %mul3A_1383, %get3A_140 : vector<16xf32>
      %add3A_1393 = arith.constant 292 : i32
      %add3A_1394 = vector.broadcast %add3A_1393 : i32 to vector<16xi32>
      %add3A_1395 = arith.addi %add3A_31, %add3A_1394 : vector<16xi32>
      tpu.vector_store_idx %arg5[%add3A_1395], %mul3A_1392 : memref<20000xf32, #tpu.memory_space<vmem>>[vector<16xi32>], vector<16xf32>,
      %mul3A_1396 = arith.mulf %mul3A_1383, %get3A_146 : vector<16xf32>
      %add3A_1397 = arith.constant 293 : i32
      %add3A_1398 = vector.broadcast %add3A_1397 : i32 to vector<16xi32>
      %add3A_1399 = arith.addi %add3A_31, %add3A_1398 : vector<16xi32>
      tpu.vector_store_idx %arg5[%add3A_1399], %mul3A_1396 : memref<20000xf32, #tpu.memory_space<vmem>>[vector<16xi32>], vector<16xf32>,
      %mul3A_1400 = arith.mulf %mul3A_1383, %get3A_152 : vector<16xf32>
      %add3A_1401 = arith.constant 294 : i32
      %add3A_1402 = vector.broadcast %add3A_1401 : i32 to vector<16xi32>
      %add3A_1403 = arith.addi %add3A_31, %add3A_1402 : vector<16xi32>
      tpu.vector_store_idx %arg5[%add3A_1403], %mul3A_1400 : memref<20000xf32, #tpu.memory_space<vmem>>[vector<16xi32>], vector<16xf32>,
      %mul3A_1404 = arith.mulf %mul3A_1319, %get3A_122 : vector<16xf32>
      %mul3A_1405 = arith.mulf %mul3A_1404, %get3A_128 : vector<16xf32>
      %add3A_1406 = arith.constant 295 : i32
      %add3A_1407 = vector.broadcast %add3A_1406 : i32 to vector<16xi32>
      %add3A_1408 = arith.addi %add3A_31, %add3A_1407 : vector<16xi32>
      tpu.vector_store_idx %arg5[%add3A_1408], %mul3A_1405 : memref<20000xf32, #tpu.memory_space<vmem>>[vector<16xi32>], vector<16xf32>,
      %mul3A_1409 = arith.mulf %mul3A_1404, %get3A_134 : vector<16xf32>
      %add3A_1410 = arith.constant 296 : i32
      %add3A_1411 = vector.broadcast %add3A_1410 : i32 to vector<16xi32>
      %add3A_1412 = arith.addi %add3A_31, %add3A_1411 : vector<16xi32>
      tpu.vector_store_idx %arg5[%add3A_1412], %mul3A_1409 : memref<20000xf32, #tpu.memory_space<vmem>>[vector<16xi32>], vector<16xf32>,
      %mul3A_1413 = arith.mulf %mul3A_1404, %get3A_140 : vector<16xf32>
      %add3A_1414 = arith.constant 297 : i32
      %add3A_1415 = vector.broadcast %add3A_1414 : i32 to vector<16xi32>
      %add3A_1416 = arith.addi %add3A_31, %add3A_1415 : vector<16xi32>
      tpu.vector_store_idx %arg5[%add3A_1416], %mul3A_1413 : memref<20000xf32, #tpu.memory_space<vmem>>[vector<16xi32>], vector<16xf32>,
      %mul3A_1417 = arith.mulf %mul3A_1404, %get3A_146 : vector<16xf32>
      %add3A_1418 = arith.constant 298 : i32
      %add3A_1419 = vector.broadcast %add3A_1418 : i32 to vector<16xi32>
      %add3A_1420 = arith.addi %add3A_31, %add3A_1419 : vector<16xi32>
      tpu.vector_store_idx %arg5[%add3A_1420], %mul3A_1417 : memref<20000xf32, #tpu.memory_space<vmem>>[vector<16xi32>], vector<16xf32>,
      %mul3A_1421 = arith.mulf %mul3A_1404, %get3A_152 : vector<16xf32>
      %add3A_1422 = arith.constant 299 : i32
      %add3A_1423 = vector.broadcast %add3A_1422 : i32 to vector<16xi32>
      %add3A_1424 = arith.addi %add3A_31, %add3A_1423 : vector<16xi32>
      tpu.vector_store_idx %arg5[%add3A_1424], %mul3A_1421 : memref<20000xf32, #tpu.memory_space<vmem>>[vector<16xi32>], vector<16xf32>,
      %mul3A_1425 = arith.mulf %get3A_50, %get3A_80 : vector<16xf32>
      %mul3A_1426 = arith.mulf %mul3A_1425, %get3A_98 : vector<16xf32>
      %mul3A_1427 = arith.mulf %mul3A_1426, %get3A_128 : vector<16xf32>
      %add3A_1428 = arith.constant 300 : i32
      %add3A_1429 = vector.broadcast %add3A_1428 : i32 to vector<16xi32>
      %add3A_1430 = arith.addi %add3A_31, %add3A_1429 : vector<16xi32>
      tpu.vector_store_idx %arg5[%add3A_1430], %mul3A_1427 : memref<20000xf32, #tpu.memory_space<vmem>>[vector<16xi32>], vector<16xf32>,
      %mul3A_1431 = arith.mulf %mul3A_1426, %get3A_134 : vector<16xf32>
      %add3A_1432 = arith.constant 301 : i32
      %add3A_1433 = vector.broadcast %add3A_1432 : i32 to vector<16xi32>
      %add3A_1434 = arith.addi %add3A_31, %add3A_1433 : vector<16xi32>
      tpu.vector_store_idx %arg5[%add3A_1434], %mul3A_1431 : memref<20000xf32, #tpu.memory_space<vmem>>[vector<16xi32>], vector<16xf32>,
      %mul3A_1435 = arith.mulf %mul3A_1426, %get3A_140 : vector<16xf32>
      %add3A_1436 = arith.constant 302 : i32
      %add3A_1437 = vector.broadcast %add3A_1436 : i32 to vector<16xi32>
      %add3A_1438 = arith.addi %add3A_31, %add3A_1437 : vector<16xi32>
      tpu.vector_store_idx %arg5[%add3A_1438], %mul3A_1435 : memref<20000xf32, #tpu.memory_space<vmem>>[vector<16xi32>], vector<16xf32>,
      %mul3A_1439 = arith.mulf %mul3A_1426, %get3A_146 : vector<16xf32>
      %add3A_1440 = arith.constant 303 : i32
      %add3A_1441 = vector.broadcast %add3A_1440 : i32 to vector<16xi32>
      %add3A_1442 = arith.addi %add3A_31, %add3A_1441 : vector<16xi32>
      tpu.vector_store_idx %arg5[%add3A_1442], %mul3A_1439 : memref<20000xf32, #tpu.memory_space<vmem>>[vector<16xi32>], vector<16xf32>,
      %mul3A_1443 = arith.mulf %mul3A_1426, %get3A_152 : vector<16xf32>
      %add3A_1444 = arith.constant 304 : i32
      %add3A_1445 = vector.broadcast %add3A_1444 : i32 to vector<16xi32>
      %add3A_1446 = arith.addi %add3A_31, %add3A_1445 : vector<16xi32>
      tpu.vector_store_idx %arg5[%add3A_1446], %mul3A_1443 : memref<20000xf32, #tpu.memory_space<vmem>>[vector<16xi32>], vector<16xf32>,
      %mul3A_1447 = arith.mulf %mul3A_1425, %get3A_104 : vector<16xf32>
      %mul3A_1448 = arith.mulf %mul3A_1447, %get3A_128 : vector<16xf32>
      %add3A_1449 = arith.constant 305 : i32
      %add3A_1450 = vector.broadcast %add3A_1449 : i32 to vector<16xi32>
      %add3A_1451 = arith.addi %add3A_31, %add3A_1450 : vector<16xi32>
      tpu.vector_store_idx %arg5[%add3A_1451], %mul3A_1448 : memref<20000xf32, #tpu.memory_space<vmem>>[vector<16xi32>], vector<16xf32>,
      %mul3A_1452 = arith.mulf %mul3A_1447, %get3A_134 : vector<16xf32>
      %add3A_1453 = arith.constant 306 : i32
      %add3A_1454 = vector.broadcast %add3A_1453 : i32 to vector<16xi32>
      %add3A_1455 = arith.addi %add3A_31, %add3A_1454 : vector<16xi32>
      tpu.vector_store_idx %arg5[%add3A_1455], %mul3A_1452 : memref<20000xf32, #tpu.memory_space<vmem>>[vector<16xi32>], vector<16xf32>,
      %mul3A_1456 = arith.mulf %mul3A_1447, %get3A_140 : vector<16xf32>
      %add3A_1457 = arith.constant 307 : i32
      %add3A_1458 = vector.broadcast %add3A_1457 : i32 to vector<16xi32>
      %add3A_1459 = arith.addi %add3A_31, %add3A_1458 : vector<16xi32>
      tpu.vector_store_idx %arg5[%add3A_1459], %mul3A_1456 : memref<20000xf32, #tpu.memory_space<vmem>>[vector<16xi32>], vector<16xf32>,
      %mul3A_1460 = arith.mulf %mul3A_1447, %get3A_146 : vector<16xf32>
      %add3A_1461 = arith.constant 308 : i32
      %add3A_1462 = vector.broadcast %add3A_1461 : i32 to vector<16xi32>
      %add3A_1463 = arith.addi %add3A_31, %add3A_1462 : vector<16xi32>
      tpu.vector_store_idx %arg5[%add3A_1463], %mul3A_1460 : memref<20000xf32, #tpu.memory_space<vmem>>[vector<16xi32>], vector<16xf32>,
      %mul3A_1464 = arith.mulf %mul3A_1447, %get3A_152 : vector<16xf32>
      %add3A_1465 = arith.constant 309 : i32
      %add3A_1466 = vector.broadcast %add3A_1465 : i32 to vector<16xi32>
      %add3A_1467 = arith.addi %add3A_31, %add3A_1466 : vector<16xi32>
      tpu.vector_store_idx %arg5[%add3A_1467], %mul3A_1464 : memref<20000xf32, #tpu.memory_space<vmem>>[vector<16xi32>], vector<16xf32>,
      %mul3A_1468 = arith.mulf %mul3A_1425, %get3A_110 : vector<16xf32>
      %mul3A_1469 = arith.mulf %mul3A_1468, %get3A_128 : vector<16xf32>
      %add3A_1470 = arith.constant 310 : i32
      %add3A_1471 = vector.broadcast %add3A_1470 : i32 to vector<16xi32>
      %add3A_1472 = arith.addi %add3A_31, %add3A_1471 : vector<16xi32>
      tpu.vector_store_idx %arg5[%add3A_1472], %mul3A_1469 : memref<20000xf32, #tpu.memory_space<vmem>>[vector<16xi32>], vector<16xf32>,
      %mul3A_1473 = arith.mulf %mul3A_1468, %get3A_134 : vector<16xf32>
      %add3A_1474 = arith.constant 311 : i32
      %add3A_1475 = vector.broadcast %add3A_1474 : i32 to vector<16xi32>
      %add3A_1476 = arith.addi %add3A_31, %add3A_1475 : vector<16xi32>
      tpu.vector_store_idx %arg5[%add3A_1476], %mul3A_1473 : memref<20000xf32, #tpu.memory_space<vmem>>[vector<16xi32>], vector<16xf32>,
      %mul3A_1477 = arith.mulf %mul3A_1468, %get3A_140 : vector<16xf32>
      %add3A_1478 = arith.constant 312 : i32
      %add3A_1479 = vector.broadcast %add3A_1478 : i32 to vector<16xi32>
      %add3A_1480 = arith.addi %add3A_31, %add3A_1479 : vector<16xi32>
      tpu.vector_store_idx %arg5[%add3A_1480], %mul3A_1477 : memref<20000xf32, #tpu.memory_space<vmem>>[vector<16xi32>], vector<16xf32>,
      %mul3A_1481 = arith.mulf %mul3A_1468, %get3A_146 : vector<16xf32>
      %add3A_1482 = arith.constant 313 : i32
      %add3A_1483 = vector.broadcast %add3A_1482 : i32 to vector<16xi32>
      %add3A_1484 = arith.addi %add3A_31, %add3A_1483 : vector<16xi32>
      tpu.vector_store_idx %arg5[%add3A_1484], %mul3A_1481 : memref<20000xf32, #tpu.memory_space<vmem>>[vector<16xi32>], vector<16xf32>,
      %mul3A_1485 = arith.mulf %mul3A_1468, %get3A_152 : vector<16xf32>
      %add3A_1486 = arith.constant 314 : i32
      %add3A_1487 = vector.broadcast %add3A_1486 : i32 to vector<16xi32>
      %add3A_1488 = arith.addi %add3A_31, %add3A_1487 : vector<16xi32>
      tpu.vector_store_idx %arg5[%add3A_1488], %mul3A_1485 : memref<20000xf32, #tpu.memory_space<vmem>>[vector<16xi32>], vector<16xf32>,
      %mul3A_1489 = arith.mulf %mul3A_1425, %get3A_116 : vector<16xf32>
      %mul3A_1490 = arith.mulf %mul3A_1489, %get3A_128 : vector<16xf32>
      %add3A_1491 = arith.constant 315 : i32
      %add3A_1492 = vector.broadcast %add3A_1491 : i32 to vector<16xi32>
      %add3A_1493 = arith.addi %add3A_31, %add3A_1492 : vector<16xi32>
      tpu.vector_store_idx %arg5[%add3A_1493], %mul3A_1490 : memref<20000xf32, #tpu.memory_space<vmem>>[vector<16xi32>], vector<16xf32>,
      %mul3A_1494 = arith.mulf %mul3A_1489, %get3A_134 : vector<16xf32>
      %add3A_1495 = arith.constant 316 : i32
      %add3A_1496 = vector.broadcast %add3A_1495 : i32 to vector<16xi32>
      %add3A_1497 = arith.addi %add3A_31, %add3A_1496 : vector<16xi32>
      tpu.vector_store_idx %arg5[%add3A_1497], %mul3A_1494 : memref<20000xf32, #tpu.memory_space<vmem>>[vector<16xi32>], vector<16xf32>,
      %mul3A_1498 = arith.mulf %mul3A_1489, %get3A_140 : vector<16xf32>
      %add3A_1499 = arith.constant 317 : i32
      %add3A_1500 = vector.broadcast %add3A_1499 : i32 to vector<16xi32>
      %add3A_1501 = arith.addi %add3A_31, %add3A_1500 : vector<16xi32>
      tpu.vector_store_idx %arg5[%add3A_1501], %mul3A_1498 : memref<20000xf32, #tpu.memory_space<vmem>>[vector<16xi32>], vector<16xf32>,
      %mul3A_1502 = arith.mulf %mul3A_1489, %get3A_146 : vector<16xf32>
      %add3A_1503 = arith.constant 318 : i32
      %add3A_1504 = vector.broadcast %add3A_1503 : i32 to vector<16xi32>
      %add3A_1505 = arith.addi %add3A_31, %add3A_1504 : vector<16xi32>
      tpu.vector_store_idx %arg5[%add3A_1505], %mul3A_1502 : memref<20000xf32, #tpu.memory_space<vmem>>[vector<16xi32>], vector<16xf32>,
      %mul3A_1506 = arith.mulf %mul3A_1489, %get3A_152 : vector<16xf32>
      %add3A_1507 = arith.constant 319 : i32
      %add3A_1508 = vector.broadcast %add3A_1507 : i32 to vector<16xi32>
      %add3A_1509 = arith.addi %add3A_31, %add3A_1508 : vector<16xi32>
      tpu.vector_store_idx %arg5[%add3A_1509], %mul3A_1506 : memref<20000xf32, #tpu.memory_space<vmem>>[vector<16xi32>], vector<16xf32>,
      %mul3A_1510 = arith.mulf %mul3A_1425, %get3A_122 : vector<16xf32>
      %mul3A_1511 = arith.mulf %mul3A_1510, %get3A_128 : vector<16xf32>
      %add3A_1512 = arith.constant 320 : i32
      %add3A_1513 = vector.broadcast %add3A_1512 : i32 to vector<16xi32>
      %add3A_1514 = arith.addi %add3A_31, %add3A_1513 : vector<16xi32>
      tpu.vector_store_idx %arg5[%add3A_1514], %mul3A_1511 : memref<20000xf32, #tpu.memory_space<vmem>>[vector<16xi32>], vector<16xf32>,
      %mul3A_1515 = arith.mulf %mul3A_1510, %get3A_134 : vector<16xf32>
      %add3A_1516 = arith.constant 321 : i32
      %add3A_1517 = vector.broadcast %add3A_1516 : i32 to vector<16xi32>
      %add3A_1518 = arith.addi %add3A_31, %add3A_1517 : vector<16xi32>
      tpu.vector_store_idx %arg5[%add3A_1518], %mul3A_1515 : memref<20000xf32, #tpu.memory_space<vmem>>[vector<16xi32>], vector<16xf32>,
      %mul3A_1519 = arith.mulf %mul3A_1510, %get3A_140 : vector<16xf32>
      %add3A_1520 = arith.constant 322 : i32
      %add3A_1521 = vector.broadcast %add3A_1520 : i32 to vector<16xi32>
      %add3A_1522 = arith.addi %add3A_31, %add3A_1521 : vector<16xi32>
      tpu.vector_store_idx %arg5[%add3A_1522], %mul3A_1519 : memref<20000xf32, #tpu.memory_space<vmem>>[vector<16xi32>], vector<16xf32>,
      %mul3A_1523 = arith.mulf %mul3A_1510, %get3A_146 : vector<16xf32>
      %add3A_1524 = arith.constant 323 : i32
      %add3A_1525 = vector.broadcast %add3A_1524 : i32 to vector<16xi32>
      %add3A_1526 = arith.addi %add3A_31, %add3A_1525 : vector<16xi32>
      tpu.vector_store_idx %arg5[%add3A_1526], %mul3A_1523 : memref<20000xf32, #tpu.memory_space<vmem>>[vector<16xi32>], vector<16xf32>,
      %mul3A_1527 = arith.mulf %mul3A_1510, %get3A_152 : vector<16xf32>
      %add3A_1528 = arith.constant 324 : i32
      %add3A_1529 = vector.broadcast %add3A_1528 : i32 to vector<16xi32>
      %add3A_1530 = arith.addi %add3A_31, %add3A_1529 : vector<16xi32>
      tpu.vector_store_idx %arg5[%add3A_1530], %mul3A_1527 : memref<20000xf32, #tpu.memory_space<vmem>>[vector<16xi32>], vector<16xf32>,
      %mul3A_1531 = arith.mulf %get3A_50, %get3A_86 : vector<16xf32>
      %mul3A_1532 = arith.mulf %mul3A_1531, %get3A_98 : vector<16xf32>
      %mul3A_1533 = arith.mulf %mul3A_1532, %get3A_128 : vector<16xf32>
      %add3A_1534 = arith.constant 325 : i32
      %add3A_1535 = vector.broadcast %add3A_1534 : i32 to vector<16xi32>
      %add3A_1536 = arith.addi %add3A_31, %add3A_1535 : vector<16xi32>
      tpu.vector_store_idx %arg5[%add3A_1536], %mul3A_1533 : memref<20000xf32, #tpu.memory_space<vmem>>[vector<16xi32>], vector<16xf32>,
      %mul3A_1537 = arith.mulf %mul3A_1532, %get3A_134 : vector<16xf32>
      %add3A_1538 = arith.constant 326 : i32
      %add3A_1539 = vector.broadcast %add3A_1538 : i32 to vector<16xi32>
      %add3A_1540 = arith.addi %add3A_31, %add3A_1539 : vector<16xi32>
      tpu.vector_store_idx %arg5[%add3A_1540], %mul3A_1537 : memref<20000xf32, #tpu.memory_space<vmem>>[vector<16xi32>], vector<16xf32>,
      %mul3A_1541 = arith.mulf %mul3A_1532, %get3A_140 : vector<16xf32>
      %add3A_1542 = arith.constant 327 : i32
      %add3A_1543 = vector.broadcast %add3A_1542 : i32 to vector<16xi32>
      %add3A_1544 = arith.addi %add3A_31, %add3A_1543 : vector<16xi32>
      tpu.vector_store_idx %arg5[%add3A_1544], %mul3A_1541 : memref<20000xf32, #tpu.memory_space<vmem>>[vector<16xi32>], vector<16xf32>,
      %mul3A_1545 = arith.mulf %mul3A_1532, %get3A_146 : vector<16xf32>
      %add3A_1546 = arith.constant 328 : i32
      %add3A_1547 = vector.broadcast %add3A_1546 : i32 to vector<16xi32>
      %add3A_1548 = arith.addi %add3A_31, %add3A_1547 : vector<16xi32>
      tpu.vector_store_idx %arg5[%add3A_1548], %mul3A_1545 : memref<20000xf32, #tpu.memory_space<vmem>>[vector<16xi32>], vector<16xf32>,
      %mul3A_1549 = arith.mulf %mul3A_1532, %get3A_152 : vector<16xf32>
      %add3A_1550 = arith.constant 329 : i32
      %add3A_1551 = vector.broadcast %add3A_1550 : i32 to vector<16xi32>
      %add3A_1552 = arith.addi %add3A_31, %add3A_1551 : vector<16xi32>
      tpu.vector_store_idx %arg5[%add3A_1552], %mul3A_1549 : memref<20000xf32, #tpu.memory_space<vmem>>[vector<16xi32>], vector<16xf32>,
      %mul3A_1553 = arith.mulf %mul3A_1531, %get3A_104 : vector<16xf32>
      %mul3A_1554 = arith.mulf %mul3A_1553, %get3A_128 : vector<16xf32>
      %add3A_1555 = arith.constant 330 : i32
      %add3A_1556 = vector.broadcast %add3A_1555 : i32 to vector<16xi32>
      %add3A_1557 = arith.addi %add3A_31, %add3A_1556 : vector<16xi32>
      tpu.vector_store_idx %arg5[%add3A_1557], %mul3A_1554 : memref<20000xf32, #tpu.memory_space<vmem>>[vector<16xi32>], vector<16xf32>,
      %mul3A_1558 = arith.mulf %mul3A_1553, %get3A_134 : vector<16xf32>
      %add3A_1559 = arith.constant 331 : i32
      %add3A_1560 = vector.broadcast %add3A_1559 : i32 to vector<16xi32>
      %add3A_1561 = arith.addi %add3A_31, %add3A_1560 : vector<16xi32>
      tpu.vector_store_idx %arg5[%add3A_1561], %mul3A_1558 : memref<20000xf32, #tpu.memory_space<vmem>>[vector<16xi32>], vector<16xf32>,
      %mul3A_1562 = arith.mulf %mul3A_1553, %get3A_140 : vector<16xf32>
      %add3A_1563 = arith.constant 332 : i32
      %add3A_1564 = vector.broadcast %add3A_1563 : i32 to vector<16xi32>
      %add3A_1565 = arith.addi %add3A_31, %add3A_1564 : vector<16xi32>
      tpu.vector_store_idx %arg5[%add3A_1565], %mul3A_1562 : memref<20000xf32, #tpu.memory_space<vmem>>[vector<16xi32>], vector<16xf32>,
      %mul3A_1566 = arith.mulf %mul3A_1553, %get3A_146 : vector<16xf32>
      %add3A_1567 = arith.constant 333 : i32
      %add3A_1568 = vector.broadcast %add3A_1567 : i32 to vector<16xi32>
      %add3A_1569 = arith.addi %add3A_31, %add3A_1568 : vector<16xi32>
      tpu.vector_store_idx %arg5[%add3A_1569], %mul3A_1566 : memref<20000xf32, #tpu.memory_space<vmem>>[vector<16xi32>], vector<16xf32>,
      %mul3A_1570 = arith.mulf %mul3A_1553, %get3A_152 : vector<16xf32>
      %add3A_1571 = arith.constant 334 : i32
      %add3A_1572 = vector.broadcast %add3A_1571 : i32 to vector<16xi32>
      %add3A_1573 = arith.addi %add3A_31, %add3A_1572 : vector<16xi32>
      tpu.vector_store_idx %arg5[%add3A_1573], %mul3A_1570 : memref<20000xf32, #tpu.memory_space<vmem>>[vector<16xi32>], vector<16xf32>,
      %mul3A_1574 = arith.mulf %mul3A_1531, %get3A_110 : vector<16xf32>
      %mul3A_1575 = arith.mulf %mul3A_1574, %get3A_128 : vector<16xf32>
      %add3A_1576 = arith.constant 335 : i32
      %add3A_1577 = vector.broadcast %add3A_1576 : i32 to vector<16xi32>
      %add3A_1578 = arith.addi %add3A_31, %add3A_1577 : vector<16xi32>
      tpu.vector_store_idx %arg5[%add3A_1578], %mul3A_1575 : memref<20000xf32, #tpu.memory_space<vmem>>[vector<16xi32>], vector<16xf32>,
      %mul3A_1579 = arith.mulf %mul3A_1574, %get3A_134 : vector<16xf32>
      %add3A_1580 = arith.constant 336 : i32
      %add3A_1581 = vector.broadcast %add3A_1580 : i32 to vector<16xi32>
      %add3A_1582 = arith.addi %add3A_31, %add3A_1581 : vector<16xi32>
      tpu.vector_store_idx %arg5[%add3A_1582], %mul3A_1579 : memref<20000xf32, #tpu.memory_space<vmem>>[vector<16xi32>], vector<16xf32>,
      %mul3A_1583 = arith.mulf %mul3A_1574, %get3A_140 : vector<16xf32>
      %add3A_1584 = arith.constant 337 : i32
      %add3A_1585 = vector.broadcast %add3A_1584 : i32 to vector<16xi32>
      %add3A_1586 = arith.addi %add3A_31, %add3A_1585 : vector<16xi32>
      tpu.vector_store_idx %arg5[%add3A_1586], %mul3A_1583 : memref<20000xf32, #tpu.memory_space<vmem>>[vector<16xi32>], vector<16xf32>,
      %mul3A_1587 = arith.mulf %mul3A_1574, %get3A_146 : vector<16xf32>
      %add3A_1588 = arith.constant 338 : i32
      %add3A_1589 = vector.broadcast %add3A_1588 : i32 to vector<16xi32>
      %add3A_1590 = arith.addi %add3A_31, %add3A_1589 : vector<16xi32>
      tpu.vector_store_idx %arg5[%add3A_1590], %mul3A_1587 : memref<20000xf32, #tpu.memory_space<vmem>>[vector<16xi32>], vector<16xf32>,
      %mul3A_1591 = arith.mulf %mul3A_1574, %get3A_152 : vector<16xf32>
      %add3A_1592 = arith.constant 339 : i32
      %add3A_1593 = vector.broadcast %add3A_1592 : i32 to vector<16xi32>
      %add3A_1594 = arith.addi %add3A_31, %add3A_1593 : vector<16xi32>
      tpu.vector_store_idx %arg5[%add3A_1594], %mul3A_1591 : memref<20000xf32, #tpu.memory_space<vmem>>[vector<16xi32>], vector<16xf32>,
      %mul3A_1595 = arith.mulf %mul3A_1531, %get3A_116 : vector<16xf32>
      %mul3A_1596 = arith.mulf %mul3A_1595, %get3A_128 : vector<16xf32>
      %add3A_1597 = arith.constant 340 : i32
      %add3A_1598 = vector.broadcast %add3A_1597 : i32 to vector<16xi32>
      %add3A_1599 = arith.addi %add3A_31, %add3A_1598 : vector<16xi32>
      tpu.vector_store_idx %arg5[%add3A_1599], %mul3A_1596 : memref<20000xf32, #tpu.memory_space<vmem>>[vector<16xi32>], vector<16xf32>,
      %mul3A_1600 = arith.mulf %mul3A_1595, %get3A_134 : vector<16xf32>
      %add3A_1601 = arith.constant 341 : i32
      %add3A_1602 = vector.broadcast %add3A_1601 : i32 to vector<16xi32>
      %add3A_1603 = arith.addi %add3A_31, %add3A_1602 : vector<16xi32>
      tpu.vector_store_idx %arg5[%add3A_1603], %mul3A_1600 : memref<20000xf32, #tpu.memory_space<vmem>>[vector<16xi32>], vector<16xf32>,
      %mul3A_1604 = arith.mulf %mul3A_1595, %get3A_140 : vector<16xf32>
      %add3A_1605 = arith.constant 342 : i32
      %add3A_1606 = vector.broadcast %add3A_1605 : i32 to vector<16xi32>
      %add3A_1607 = arith.addi %add3A_31, %add3A_1606 : vector<16xi32>
      tpu.vector_store_idx %arg5[%add3A_1607], %mul3A_1604 : memref<20000xf32, #tpu.memory_space<vmem>>[vector<16xi32>], vector<16xf32>,
      %mul3A_1608 = arith.mulf %mul3A_1595, %get3A_146 : vector<16xf32>
      %add3A_1609 = arith.constant 343 : i32
      %add3A_1610 = vector.broadcast %add3A_1609 : i32 to vector<16xi32>
      %add3A_1611 = arith.addi %add3A_31, %add3A_1610 : vector<16xi32>
      tpu.vector_store_idx %arg5[%add3A_1611], %mul3A_1608 : memref<20000xf32, #tpu.memory_space<vmem>>[vector<16xi32>], vector<16xf32>,
      %mul3A_1612 = arith.mulf %mul3A_1595, %get3A_152 : vector<16xf32>
      %add3A_1613 = arith.constant 344 : i32
      %add3A_1614 = vector.broadcast %add3A_1613 : i32 to vector<16xi32>
      %add3A_1615 = arith.addi %add3A_31, %add3A_1614 : vector<16xi32>
      tpu.vector_store_idx %arg5[%add3A_1615], %mul3A_1612 : memref<20000xf32, #tpu.memory_space<vmem>>[vector<16xi32>], vector<16xf32>,
      %mul3A_1616 = arith.mulf %mul3A_1531, %get3A_122 : vector<16xf32>
      %mul3A_1617 = arith.mulf %mul3A_1616, %get3A_128 : vector<16xf32>
      %add3A_1618 = arith.constant 345 : i32
      %add3A_1619 = vector.broadcast %add3A_1618 : i32 to vector<16xi32>
      %add3A_1620 = arith.addi %add3A_31, %add3A_1619 : vector<16xi32>
      tpu.vector_store_idx %arg5[%add3A_1620], %mul3A_1617 : memref<20000xf32, #tpu.memory_space<vmem>>[vector<16xi32>], vector<16xf32>,
      %mul3A_1621 = arith.mulf %mul3A_1616, %get3A_134 : vector<16xf32>
      %add3A_1622 = arith.constant 346 : i32
      %add3A_1623 = vector.broadcast %add3A_1622 : i32 to vector<16xi32>
      %add3A_1624 = arith.addi %add3A_31, %add3A_1623 : vector<16xi32>
      tpu.vector_store_idx %arg5[%add3A_1624], %mul3A_1621 : memref<20000xf32, #tpu.memory_space<vmem>>[vector<16xi32>], vector<16xf32>,
      %mul3A_1625 = arith.mulf %mul3A_1616, %get3A_140 : vector<16xf32>
      %add3A_1626 = arith.constant 347 : i32
      %add3A_1627 = vector.broadcast %add3A_1626 : i32 to vector<16xi32>
      %add3A_1628 = arith.addi %add3A_31, %add3A_1627 : vector<16xi32>
      tpu.vector_store_idx %arg5[%add3A_1628], %mul3A_1625 : memref<20000xf32, #tpu.memory_space<vmem>>[vector<16xi32>], vector<16xf32>,
      %mul3A_1629 = arith.mulf %mul3A_1616, %get3A_146 : vector<16xf32>
      %add3A_1630 = arith.constant 348 : i32
      %add3A_1631 = vector.broadcast %add3A_1630 : i32 to vector<16xi32>
      %add3A_1632 = arith.addi %add3A_31, %add3A_1631 : vector<16xi32>
      tpu.vector_store_idx %arg5[%add3A_1632], %mul3A_1629 : memref<20000xf32, #tpu.memory_space<vmem>>[vector<16xi32>], vector<16xf32>,
      %mul3A_1633 = arith.mulf %mul3A_1616, %get3A_152 : vector<16xf32>
      %add3A_1634 = arith.constant 349 : i32
      %add3A_1635 = vector.broadcast %add3A_1634 : i32 to vector<16xi32>
      %add3A_1636 = arith.addi %add3A_31, %add3A_1635 : vector<16xi32>
      tpu.vector_store_idx %arg5[%add3A_1636], %mul3A_1633 : memref<20000xf32, #tpu.memory_space<vmem>>[vector<16xi32>], vector<16xf32>,
      %mul3A_1637 = arith.mulf %get3A_50, %get3A_92 : vector<16xf32>
      %mul3A_1638 = arith.mulf %mul3A_1637, %get3A_98 : vector<16xf32>
      %mul3A_1639 = arith.mulf %mul3A_1638, %get3A_128 : vector<16xf32>
      %add3A_1640 = arith.constant 350 : i32
      %add3A_1641 = vector.broadcast %add3A_1640 : i32 to vector<16xi32>
      %add3A_1642 = arith.addi %add3A_31, %add3A_1641 : vector<16xi32>
      tpu.vector_store_idx %arg5[%add3A_1642], %mul3A_1639 : memref<20000xf32, #tpu.memory_space<vmem>>[vector<16xi32>], vector<16xf32>,
      %mul3A_1643 = arith.mulf %mul3A_1638, %get3A_134 : vector<16xf32>
      %add3A_1644 = arith.constant 351 : i32
      %add3A_1645 = vector.broadcast %add3A_1644 : i32 to vector<16xi32>
      %add3A_1646 = arith.addi %add3A_31, %add3A_1645 : vector<16xi32>
      tpu.vector_store_idx %arg5[%add3A_1646], %mul3A_1643 : memref<20000xf32, #tpu.memory_space<vmem>>[vector<16xi32>], vector<16xf32>,
      %mul3A_1647 = arith.mulf %mul3A_1638, %get3A_140 : vector<16xf32>
      %add3A_1648 = arith.constant 352 : i32
      %add3A_1649 = vector.broadcast %add3A_1648 : i32 to vector<16xi32>
      %add3A_1650 = arith.addi %add3A_31, %add3A_1649 : vector<16xi32>
      tpu.vector_store_idx %arg5[%add3A_1650], %mul3A_1647 : memref<20000xf32, #tpu.memory_space<vmem>>[vector<16xi32>], vector<16xf32>,
      %mul3A_1651 = arith.mulf %mul3A_1638, %get3A_146 : vector<16xf32>
      %add3A_1652 = arith.constant 353 : i32
      %add3A_1653 = vector.broadcast %add3A_1652 : i32 to vector<16xi32>
      %add3A_1654 = arith.addi %add3A_31, %add3A_1653 : vector<16xi32>
      tpu.vector_store_idx %arg5[%add3A_1654], %mul3A_1651 : memref<20000xf32, #tpu.memory_space<vmem>>[vector<16xi32>], vector<16xf32>,
      %mul3A_1655 = arith.mulf %mul3A_1638, %get3A_152 : vector<16xf32>
      %add3A_1656 = arith.constant 354 : i32
      %add3A_1657 = vector.broadcast %add3A_1656 : i32 to vector<16xi32>
      %add3A_1658 = arith.addi %add3A_31, %add3A_1657 : vector<16xi32>
      tpu.vector_store_idx %arg5[%add3A_1658], %mul3A_1655 : memref<20000xf32, #tpu.memory_space<vmem>>[vector<16xi32>], vector<16xf32>,
      %mul3A_1659 = arith.mulf %mul3A_1637, %get3A_104 : vector<16xf32>
      %mul3A_1660 = arith.mulf %mul3A_1659, %get3A_128 : vector<16xf32>
      %add3A_1661 = arith.constant 355 : i32
      %add3A_1662 = vector.broadcast %add3A_1661 : i32 to vector<16xi32>
      %add3A_1663 = arith.addi %add3A_31, %add3A_1662 : vector<16xi32>
      tpu.vector_store_idx %arg5[%add3A_1663], %mul3A_1660 : memref<20000xf32, #tpu.memory_space<vmem>>[vector<16xi32>], vector<16xf32>,
      %mul3A_1664 = arith.mulf %mul3A_1659, %get3A_134 : vector<16xf32>
      %add3A_1665 = arith.constant 356 : i32
      %add3A_1666 = vector.broadcast %add3A_1665 : i32 to vector<16xi32>
      %add3A_1667 = arith.addi %add3A_31, %add3A_1666 : vector<16xi32>
      tpu.vector_store_idx %arg5[%add3A_1667], %mul3A_1664 : memref<20000xf32, #tpu.memory_space<vmem>>[vector<16xi32>], vector<16xf32>,
      %mul3A_1668 = arith.mulf %mul3A_1659, %get3A_140 : vector<16xf32>
      %add3A_1669 = arith.constant 357 : i32
      %add3A_1670 = vector.broadcast %add3A_1669 : i32 to vector<16xi32>
      %add3A_1671 = arith.addi %add3A_31, %add3A_1670 : vector<16xi32>
      tpu.vector_store_idx %arg5[%add3A_1671], %mul3A_1668 : memref<20000xf32, #tpu.memory_space<vmem>>[vector<16xi32>], vector<16xf32>,
      %mul3A_1672 = arith.mulf %mul3A_1659, %get3A_146 : vector<16xf32>
      %add3A_1673 = arith.constant 358 : i32
      %add3A_1674 = vector.broadcast %add3A_1673 : i32 to vector<16xi32>
      %add3A_1675 = arith.addi %add3A_31, %add3A_1674 : vector<16xi32>
      tpu.vector_store_idx %arg5[%add3A_1675], %mul3A_1672 : memref<20000xf32, #tpu.memory_space<vmem>>[vector<16xi32>], vector<16xf32>,
      %mul3A_1676 = arith.mulf %mul3A_1659, %get3A_152 : vector<16xf32>
      %add3A_1677 = arith.constant 359 : i32
      %add3A_1678 = vector.broadcast %add3A_1677 : i32 to vector<16xi32>
      %add3A_1679 = arith.addi %add3A_31, %add3A_1678 : vector<16xi32>
      tpu.vector_store_idx %arg5[%add3A_1679], %mul3A_1676 : memref<20000xf32, #tpu.memory_space<vmem>>[vector<16xi32>], vector<16xf32>,
      %mul3A_1680 = arith.mulf %mul3A_1637, %get3A_110 : vector<16xf32>
      %mul3A_1681 = arith.mulf %mul3A_1680, %get3A_128 : vector<16xf32>
      %add3A_1682 = arith.constant 360 : i32
      %add3A_1683 = vector.broadcast %add3A_1682 : i32 to vector<16xi32>
      %add3A_1684 = arith.addi %add3A_31, %add3A_1683 : vector<16xi32>
      tpu.vector_store_idx %arg5[%add3A_1684], %mul3A_1681 : memref<20000xf32, #tpu.memory_space<vmem>>[vector<16xi32>], vector<16xf32>,
      %mul3A_1685 = arith.mulf %mul3A_1680, %get3A_134 : vector<16xf32>
      %add3A_1686 = arith.constant 361 : i32
      %add3A_1687 = vector.broadcast %add3A_1686 : i32 to vector<16xi32>
      %add3A_1688 = arith.addi %add3A_31, %add3A_1687 : vector<16xi32>
      tpu.vector_store_idx %arg5[%add3A_1688], %mul3A_1685 : memref<20000xf32, #tpu.memory_space<vmem>>[vector<16xi32>], vector<16xf32>,
      %mul3A_1689 = arith.mulf %mul3A_1680, %get3A_140 : vector<16xf32>
      %add3A_1690 = arith.constant 362 : i32
      %add3A_1691 = vector.broadcast %add3A_1690 : i32 to vector<16xi32>
      %add3A_1692 = arith.addi %add3A_31, %add3A_1691 : vector<16xi32>
      tpu.vector_store_idx %arg5[%add3A_1692], %mul3A_1689 : memref<20000xf32, #tpu.memory_space<vmem>>[vector<16xi32>], vector<16xf32>,
      %mul3A_1693 = arith.mulf %mul3A_1680, %get3A_146 : vector<16xf32>
      %add3A_1694 = arith.constant 363 : i32
      %add3A_1695 = vector.broadcast %add3A_1694 : i32 to vector<16xi32>
      %add3A_1696 = arith.addi %add3A_31, %add3A_1695 : vector<16xi32>
      tpu.vector_store_idx %arg5[%add3A_1696], %mul3A_1693 : memref<20000xf32, #tpu.memory_space<vmem>>[vector<16xi32>], vector<16xf32>,
      %mul3A_1697 = arith.mulf %mul3A_1680, %get3A_152 : vector<16xf32>
      %add3A_1698 = arith.constant 364 : i32
      %add3A_1699 = vector.broadcast %add3A_1698 : i32 to vector<16xi32>
      %add3A_1700 = arith.addi %add3A_31, %add3A_1699 : vector<16xi32>
      tpu.vector_store_idx %arg5[%add3A_1700], %mul3A_1697 : memref<20000xf32, #tpu.memory_space<vmem>>[vector<16xi32>], vector<16xf32>,
      %mul3A_1701 = arith.mulf %mul3A_1637, %get3A_116 : vector<16xf32>
      %mul3A_1702 = arith.mulf %mul3A_1701, %get3A_128 : vector<16xf32>
      %add3A_1703 = arith.constant 365 : i32
      %add3A_1704 = vector.broadcast %add3A_1703 : i32 to vector<16xi32>
      %add3A_1705 = arith.addi %add3A_31, %add3A_1704 : vector<16xi32>
      tpu.vector_store_idx %arg5[%add3A_1705], %mul3A_1702 : memref<20000xf32, #tpu.memory_space<vmem>>[vector<16xi32>], vector<16xf32>,
      %mul3A_1706 = arith.mulf %mul3A_1701, %get3A_134 : vector<16xf32>
      %add3A_1707 = arith.constant 366 : i32
      %add3A_1708 = vector.broadcast %add3A_1707 : i32 to vector<16xi32>
      %add3A_1709 = arith.addi %add3A_31, %add3A_1708 : vector<16xi32>
      tpu.vector_store_idx %arg5[%add3A_1709], %mul3A_1706 : memref<20000xf32, #tpu.memory_space<vmem>>[vector<16xi32>], vector<16xf32>,
      %mul3A_1710 = arith.mulf %mul3A_1701, %get3A_140 : vector<16xf32>
      %add3A_1711 = arith.constant 367 : i32
      %add3A_1712 = vector.broadcast %add3A_1711 : i32 to vector<16xi32>
      %add3A_1713 = arith.addi %add3A_31, %add3A_1712 : vector<16xi32>
      tpu.vector_store_idx %arg5[%add3A_1713], %mul3A_1710 : memref<20000xf32, #tpu.memory_space<vmem>>[vector<16xi32>], vector<16xf32>,
      %mul3A_1714 = arith.mulf %mul3A_1701, %get3A_146 : vector<16xf32>
      %add3A_1715 = arith.constant 368 : i32
      %add3A_1716 = vector.broadcast %add3A_1715 : i32 to vector<16xi32>
      %add3A_1717 = arith.addi %add3A_31, %add3A_1716 : vector<16xi32>
      tpu.vector_store_idx %arg5[%add3A_1717], %mul3A_1714 : memref<20000xf32, #tpu.memory_space<vmem>>[vector<16xi32>], vector<16xf32>,
      %mul3A_1718 = arith.mulf %mul3A_1701, %get3A_152 : vector<16xf32>
      %add3A_1719 = arith.constant 369 : i32
      %add3A_1720 = vector.broadcast %add3A_1719 : i32 to vector<16xi32>
      %add3A_1721 = arith.addi %add3A_31, %add3A_1720 : vector<16xi32>
      tpu.vector_store_idx %arg5[%add3A_1721], %mul3A_1718 : memref<20000xf32, #tpu.memory_space<vmem>>[vector<16xi32>], vector<16xf32>,
      %mul3A_1722 = arith.mulf %mul3A_1637, %get3A_122 : vector<16xf32>
      %mul3A_1723 = arith.mulf %mul3A_1722, %get3A_128 : vector<16xf32>
      %add3A_1724 = arith.constant 370 : i32
      %add3A_1725 = vector.broadcast %add3A_1724 : i32 to vector<16xi32>
      %add3A_1726 = arith.addi %add3A_31, %add3A_1725 : vector<16xi32>
      tpu.vector_store_idx %arg5[%add3A_1726], %mul3A_1723 : memref<20000xf32, #tpu.memory_space<vmem>>[vector<16xi32>], vector<16xf32>,
      %mul3A_1727 = arith.mulf %mul3A_1722, %get3A_134 : vector<16xf32>
      %add3A_1728 = arith.constant 371 : i32
      %add3A_1729 = vector.broadcast %add3A_1728 : i32 to vector<16xi32>
      %add3A_1730 = arith.addi %add3A_31, %add3A_1729 : vector<16xi32>
      tpu.vector_store_idx %arg5[%add3A_1730], %mul3A_1727 : memref<20000xf32, #tpu.memory_space<vmem>>[vector<16xi32>], vector<16xf32>,
      %mul3A_1731 = arith.mulf %mul3A_1722, %get3A_140 : vector<16xf32>
      %add3A_1732 = arith.constant 372 : i32
      %add3A_1733 = vector.broadcast %add3A_1732 : i32 to vector<16xi32>
      %add3A_1734 = arith.addi %add3A_31, %add3A_1733 : vector<16xi32>
      tpu.vector_store_idx %arg5[%add3A_1734], %mul3A_1731 : memref<20000xf32, #tpu.memory_space<vmem>>[vector<16xi32>], vector<16xf32>,
      %mul3A_1735 = arith.mulf %mul3A_1722, %get3A_146 : vector<16xf32>
      %add3A_1736 = arith.constant 373 : i32
      %add3A_1737 = vector.broadcast %add3A_1736 : i32 to vector<16xi32>
      %add3A_1738 = arith.addi %add3A_31, %add3A_1737 : vector<16xi32>
      tpu.vector_store_idx %arg5[%add3A_1738], %mul3A_1735 : memref<20000xf32, #tpu.memory_space<vmem>>[vector<16xi32>], vector<16xf32>,
      %mul3A_1739 = arith.mulf %mul3A_1722, %get3A_152 : vector<16xf32>
      %add3A_1740 = arith.constant 374 : i32
      %add3A_1741 = vector.broadcast %add3A_1740 : i32 to vector<16xi32>
      %add3A_1742 = arith.addi %add3A_31, %add3A_1741 : vector<16xi32>
      tpu.vector_store_idx %arg5[%add3A_1742], %mul3A_1739 : memref<20000xf32, #tpu.memory_space<vmem>>[vector<16xi32>], vector<16xf32>,
      %mul3A_1743 = arith.mulf %get3A_56, %get3A_68 : vector<16xf32>
      %mul3A_1744 = arith.mulf %mul3A_1743, %get3A_98 : vector<16xf32>
      %mul3A_1745 = arith.mulf %mul3A_1744, %get3A_128 : vector<16xf32>
      %add3A_1746 = arith.constant 375 : i32
      %add3A_1747 = vector.broadcast %add3A_1746 : i32 to vector<16xi32>
      %add3A_1748 = arith.addi %add3A_31, %add3A_1747 : vector<16xi32>
      tpu.vector_store_idx %arg5[%add3A_1748], %mul3A_1745 : memref<20000xf32, #tpu.memory_space<vmem>>[vector<16xi32>], vector<16xf32>,
      %mul3A_1749 = arith.mulf %mul3A_1744, %get3A_134 : vector<16xf32>
      %add3A_1750 = arith.constant 376 : i32
      %add3A_1751 = vector.broadcast %add3A_1750 : i32 to vector<16xi32>
      %add3A_1752 = arith.addi %add3A_31, %add3A_1751 : vector<16xi32>
      tpu.vector_store_idx %arg5[%add3A_1752], %mul3A_1749 : memref<20000xf32, #tpu.memory_space<vmem>>[vector<16xi32>], vector<16xf32>,
      %mul3A_1753 = arith.mulf %mul3A_1744, %get3A_140 : vector<16xf32>
      %add3A_1754 = arith.constant 377 : i32
      %add3A_1755 = vector.broadcast %add3A_1754 : i32 to vector<16xi32>
      %add3A_1756 = arith.addi %add3A_31, %add3A_1755 : vector<16xi32>
      tpu.vector_store_idx %arg5[%add3A_1756], %mul3A_1753 : memref<20000xf32, #tpu.memory_space<vmem>>[vector<16xi32>], vector<16xf32>,
      %mul3A_1757 = arith.mulf %mul3A_1744, %get3A_146 : vector<16xf32>
      %add3A_1758 = arith.constant 378 : i32
      %add3A_1759 = vector.broadcast %add3A_1758 : i32 to vector<16xi32>
      %add3A_1760 = arith.addi %add3A_31, %add3A_1759 : vector<16xi32>
      tpu.vector_store_idx %arg5[%add3A_1760], %mul3A_1757 : memref<20000xf32, #tpu.memory_space<vmem>>[vector<16xi32>], vector<16xf32>,
      %mul3A_1761 = arith.mulf %mul3A_1744, %get3A_152 : vector<16xf32>
      %add3A_1762 = arith.constant 379 : i32
      %add3A_1763 = vector.broadcast %add3A_1762 : i32 to vector<16xi32>
      %add3A_1764 = arith.addi %add3A_31, %add3A_1763 : vector<16xi32>
      tpu.vector_store_idx %arg5[%add3A_1764], %mul3A_1761 : memref<20000xf32, #tpu.memory_space<vmem>>[vector<16xi32>], vector<16xf32>,
      %mul3A_1765 = arith.mulf %mul3A_1743, %get3A_104 : vector<16xf32>
      %mul3A_1766 = arith.mulf %mul3A_1765, %get3A_128 : vector<16xf32>
      %add3A_1767 = arith.constant 380 : i32
      %add3A_1768 = vector.broadcast %add3A_1767 : i32 to vector<16xi32>
      %add3A_1769 = arith.addi %add3A_31, %add3A_1768 : vector<16xi32>
      tpu.vector_store_idx %arg5[%add3A_1769], %mul3A_1766 : memref<20000xf32, #tpu.memory_space<vmem>>[vector<16xi32>], vector<16xf32>,
      %mul3A_1770 = arith.mulf %mul3A_1765, %get3A_134 : vector<16xf32>
      %add3A_1771 = arith.constant 381 : i32
      %add3A_1772 = vector.broadcast %add3A_1771 : i32 to vector<16xi32>
      %add3A_1773 = arith.addi %add3A_31, %add3A_1772 : vector<16xi32>
      tpu.vector_store_idx %arg5[%add3A_1773], %mul3A_1770 : memref<20000xf32, #tpu.memory_space<vmem>>[vector<16xi32>], vector<16xf32>,
      %mul3A_1774 = arith.mulf %mul3A_1765, %get3A_140 : vector<16xf32>
      %add3A_1775 = arith.constant 382 : i32
      %add3A_1776 = vector.broadcast %add3A_1775 : i32 to vector<16xi32>
      %add3A_1777 = arith.addi %add3A_31, %add3A_1776 : vector<16xi32>
      tpu.vector_store_idx %arg5[%add3A_1777], %mul3A_1774 : memref<20000xf32, #tpu.memory_space<vmem>>[vector<16xi32>], vector<16xf32>,
      %mul3A_1778 = arith.mulf %mul3A_1765, %get3A_146 : vector<16xf32>
      %add3A_1779 = arith.constant 383 : i32
      %add3A_1780 = vector.broadcast %add3A_1779 : i32 to vector<16xi32>
      %add3A_1781 = arith.addi %add3A_31, %add3A_1780 : vector<16xi32>
      tpu.vector_store_idx %arg5[%add3A_1781], %mul3A_1778 : memref<20000xf32, #tpu.memory_space<vmem>>[vector<16xi32>], vector<16xf32>,
      %mul3A_1782 = arith.mulf %mul3A_1765, %get3A_152 : vector<16xf32>
      %add3A_1783 = arith.constant 384 : i32
      %add3A_1784 = vector.broadcast %add3A_1783 : i32 to vector<16xi32>
      %add3A_1785 = arith.addi %add3A_31, %add3A_1784 : vector<16xi32>
      tpu.vector_store_idx %arg5[%add3A_1785], %mul3A_1782 : memref<20000xf32, #tpu.memory_space<vmem>>[vector<16xi32>], vector<16xf32>,
      %mul3A_1786 = arith.mulf %mul3A_1743, %get3A_110 : vector<16xf32>
      %mul3A_1787 = arith.mulf %mul3A_1786, %get3A_128 : vector<16xf32>
      %add3A_1788 = arith.constant 385 : i32
      %add3A_1789 = vector.broadcast %add3A_1788 : i32 to vector<16xi32>
      %add3A_1790 = arith.addi %add3A_31, %add3A_1789 : vector<16xi32>
      tpu.vector_store_idx %arg5[%add3A_1790], %mul3A_1787 : memref<20000xf32, #tpu.memory_space<vmem>>[vector<16xi32>], vector<16xf32>,
      %mul3A_1791 = arith.mulf %mul3A_1786, %get3A_134 : vector<16xf32>
      %add3A_1792 = arith.constant 386 : i32
      %add3A_1793 = vector.broadcast %add3A_1792 : i32 to vector<16xi32>
      %add3A_1794 = arith.addi %add3A_31, %add3A_1793 : vector<16xi32>
      tpu.vector_store_idx %arg5[%add3A_1794], %mul3A_1791 : memref<20000xf32, #tpu.memory_space<vmem>>[vector<16xi32>], vector<16xf32>,
      %mul3A_1795 = arith.mulf %mul3A_1786, %get3A_140 : vector<16xf32>
      %add3A_1796 = arith.constant 387 : i32
      %add3A_1797 = vector.broadcast %add3A_1796 : i32 to vector<16xi32>
      %add3A_1798 = arith.addi %add3A_31, %add3A_1797 : vector<16xi32>
      tpu.vector_store_idx %arg5[%add3A_1798], %mul3A_1795 : memref<20000xf32, #tpu.memory_space<vmem>>[vector<16xi32>], vector<16xf32>,
      %mul3A_1799 = arith.mulf %mul3A_1786, %get3A_146 : vector<16xf32>
      %add3A_1800 = arith.constant 388 : i32
      %add3A_1801 = vector.broadcast %add3A_1800 : i32 to vector<16xi32>
      %add3A_1802 = arith.addi %add3A_31, %add3A_1801 : vector<16xi32>
      tpu.vector_store_idx %arg5[%add3A_1802], %mul3A_1799 : memref<20000xf32, #tpu.memory_space<vmem>>[vector<16xi32>], vector<16xf32>,
      %mul3A_1803 = arith.mulf %mul3A_1786, %get3A_152 : vector<16xf32>
      %add3A_1804 = arith.constant 389 : i32
      %add3A_1805 = vector.broadcast %add3A_1804 : i32 to vector<16xi32>
      %add3A_1806 = arith.addi %add3A_31, %add3A_1805 : vector<16xi32>
      tpu.vector_store_idx %arg5[%add3A_1806], %mul3A_1803 : memref<20000xf32, #tpu.memory_space<vmem>>[vector<16xi32>], vector<16xf32>,
      %mul3A_1807 = arith.mulf %mul3A_1743, %get3A_116 : vector<16xf32>
      %mul3A_1808 = arith.mulf %mul3A_1807, %get3A_128 : vector<16xf32>
      %add3A_1809 = arith.constant 390 : i32
      %add3A_1810 = vector.broadcast %add3A_1809 : i32 to vector<16xi32>
      %add3A_1811 = arith.addi %add3A_31, %add3A_1810 : vector<16xi32>
      tpu.vector_store_idx %arg5[%add3A_1811], %mul3A_1808 : memref<20000xf32, #tpu.memory_space<vmem>>[vector<16xi32>], vector<16xf32>,
      %mul3A_1812 = arith.mulf %mul3A_1807, %get3A_134 : vector<16xf32>
      %add3A_1813 = arith.constant 391 : i32
      %add3A_1814 = vector.broadcast %add3A_1813 : i32 to vector<16xi32>
      %add3A_1815 = arith.addi %add3A_31, %add3A_1814 : vector<16xi32>
      tpu.vector_store_idx %arg5[%add3A_1815], %mul3A_1812 : memref<20000xf32, #tpu.memory_space<vmem>>[vector<16xi32>], vector<16xf32>,
      %mul3A_1816 = arith.mulf %mul3A_1807, %get3A_140 : vector<16xf32>
      %add3A_1817 = arith.constant 392 : i32
      %add3A_1818 = vector.broadcast %add3A_1817 : i32 to vector<16xi32>
      %add3A_1819 = arith.addi %add3A_31, %add3A_1818 : vector<16xi32>
      tpu.vector_store_idx %arg5[%add3A_1819], %mul3A_1816 : memref<20000xf32, #tpu.memory_space<vmem>>[vector<16xi32>], vector<16xf32>,
      %mul3A_1820 = arith.mulf %mul3A_1807, %get3A_146 : vector<16xf32>
      %add3A_1821 = arith.constant 393 : i32
      %add3A_1822 = vector.broadcast %add3A_1821 : i32 to vector<16xi32>
      %add3A_1823 = arith.addi %add3A_31, %add3A_1822 : vector<16xi32>
      tpu.vector_store_idx %arg5[%add3A_1823], %mul3A_1820 : memref<20000xf32, #tpu.memory_space<vmem>>[vector<16xi32>], vector<16xf32>,
      %mul3A_1824 = arith.mulf %mul3A_1807, %get3A_152 : vector<16xf32>
      %add3A_1825 = arith.constant 394 : i32
      %add3A_1826 = vector.broadcast %add3A_1825 : i32 to vector<16xi32>
      %add3A_1827 = arith.addi %add3A_31, %add3A_1826 : vector<16xi32>
      tpu.vector_store_idx %arg5[%add3A_1827], %mul3A_1824 : memref<20000xf32, #tpu.memory_space<vmem>>[vector<16xi32>], vector<16xf32>,
      %mul3A_1828 = arith.mulf %mul3A_1743, %get3A_122 : vector<16xf32>
      %mul3A_1829 = arith.mulf %mul3A_1828, %get3A_128 : vector<16xf32>
      %add3A_1830 = arith.constant 395 : i32
      %add3A_1831 = vector.broadcast %add3A_1830 : i32 to vector<16xi32>
      %add3A_1832 = arith.addi %add3A_31, %add3A_1831 : vector<16xi32>
      tpu.vector_store_idx %arg5[%add3A_1832], %mul3A_1829 : memref<20000xf32, #tpu.memory_space<vmem>>[vector<16xi32>], vector<16xf32>,
      %mul3A_1833 = arith.mulf %mul3A_1828, %get3A_134 : vector<16xf32>
      %add3A_1834 = arith.constant 396 : i32
      %add3A_1835 = vector.broadcast %add3A_1834 : i32 to vector<16xi32>
      %add3A_1836 = arith.addi %add3A_31, %add3A_1835 : vector<16xi32>
      tpu.vector_store_idx %arg5[%add3A_1836], %mul3A_1833 : memref<20000xf32, #tpu.memory_space<vmem>>[vector<16xi32>], vector<16xf32>,
      %mul3A_1837 = arith.mulf %mul3A_1828, %get3A_140 : vector<16xf32>
      %add3A_1838 = arith.constant 397 : i32
      %add3A_1839 = vector.broadcast %add3A_1838 : i32 to vector<16xi32>
      %add3A_1840 = arith.addi %add3A_31, %add3A_1839 : vector<16xi32>
      tpu.vector_store_idx %arg5[%add3A_1840], %mul3A_1837 : memref<20000xf32, #tpu.memory_space<vmem>>[vector<16xi32>], vector<16xf32>,
      %mul3A_1841 = arith.mulf %mul3A_1828, %get3A_146 : vector<16xf32>
      %add3A_1842 = arith.constant 398 : i32
      %add3A_1843 = vector.broadcast %add3A_1842 : i32 to vector<16xi32>
      %add3A_1844 = arith.addi %add3A_31, %add3A_1843 : vector<16xi32>
      tpu.vector_store_idx %arg5[%add3A_1844], %mul3A_1841 : memref<20000xf32, #tpu.memory_space<vmem>>[vector<16xi32>], vector<16xf32>,
      %mul3A_1845 = arith.mulf %mul3A_1828, %get3A_152 : vector<16xf32>
      %add3A_1846 = arith.constant 399 : i32
      %add3A_1847 = vector.broadcast %add3A_1846 : i32 to vector<16xi32>
      %add3A_1848 = arith.addi %add3A_31, %add3A_1847 : vector<16xi32>
      tpu.vector_store_idx %arg5[%add3A_1848], %mul3A_1845 : memref<20000xf32, #tpu.memory_space<vmem>>[vector<16xi32>], vector<16xf32>,
      %mul3A_1849 = arith.mulf %get3A_56, %get3A_74 : vector<16xf32>
      %mul3A_1850 = arith.mulf %mul3A_1849, %get3A_98 : vector<16xf32>
      %mul3A_1851 = arith.mulf %mul3A_1850, %get3A_128 : vector<16xf32>
      %add3A_1852 = arith.constant 400 : i32
      %add3A_1853 = vector.broadcast %add3A_1852 : i32 to vector<16xi32>
      %add3A_1854 = arith.addi %add3A_31, %add3A_1853 : vector<16xi32>
      tpu.vector_store_idx %arg5[%add3A_1854], %mul3A_1851 : memref<20000xf32, #tpu.memory_space<vmem>>[vector<16xi32>], vector<16xf32>,
      %mul3A_1855 = arith.mulf %mul3A_1850, %get3A_134 : vector<16xf32>
      %add3A_1856 = arith.constant 401 : i32
      %add3A_1857 = vector.broadcast %add3A_1856 : i32 to vector<16xi32>
      %add3A_1858 = arith.addi %add3A_31, %add3A_1857 : vector<16xi32>
      tpu.vector_store_idx %arg5[%add3A_1858], %mul3A_1855 : memref<20000xf32, #tpu.memory_space<vmem>>[vector<16xi32>], vector<16xf32>,
      %mul3A_1859 = arith.mulf %mul3A_1850, %get3A_140 : vector<16xf32>
      %add3A_1860 = arith.constant 402 : i32
      %add3A_1861 = vector.broadcast %add3A_1860 : i32 to vector<16xi32>
      %add3A_1862 = arith.addi %add3A_31, %add3A_1861 : vector<16xi32>
      tpu.vector_store_idx %arg5[%add3A_1862], %mul3A_1859 : memref<20000xf32, #tpu.memory_space<vmem>>[vector<16xi32>], vector<16xf32>,
      %mul3A_1863 = arith.mulf %mul3A_1850, %get3A_146 : vector<16xf32>
      %add3A_1864 = arith.constant 403 : i32
      %add3A_1865 = vector.broadcast %add3A_1864 : i32 to vector<16xi32>
      %add3A_1866 = arith.addi %add3A_31, %add3A_1865 : vector<16xi32>
      tpu.vector_store_idx %arg5[%add3A_1866], %mul3A_1863 : memref<20000xf32, #tpu.memory_space<vmem>>[vector<16xi32>], vector<16xf32>,
      %mul3A_1867 = arith.mulf %mul3A_1850, %get3A_152 : vector<16xf32>
      %add3A_1868 = arith.constant 404 : i32
      %add3A_1869 = vector.broadcast %add3A_1868 : i32 to vector<16xi32>
      %add3A_1870 = arith.addi %add3A_31, %add3A_1869 : vector<16xi32>
      tpu.vector_store_idx %arg5[%add3A_1870], %mul3A_1867 : memref<20000xf32, #tpu.memory_space<vmem>>[vector<16xi32>], vector<16xf32>,
      %mul3A_1871 = arith.mulf %mul3A_1849, %get3A_104 : vector<16xf32>
      %mul3A_1872 = arith.mulf %mul3A_1871, %get3A_128 : vector<16xf32>
      %add3A_1873 = arith.constant 405 : i32
      %add3A_1874 = vector.broadcast %add3A_1873 : i32 to vector<16xi32>
      %add3A_1875 = arith.addi %add3A_31, %add3A_1874 : vector<16xi32>
      tpu.vector_store_idx %arg5[%add3A_1875], %mul3A_1872 : memref<20000xf32, #tpu.memory_space<vmem>>[vector<16xi32>], vector<16xf32>,
      %mul3A_1876 = arith.mulf %mul3A_1871, %get3A_134 : vector<16xf32>
      %add3A_1877 = arith.constant 406 : i32
      %add3A_1878 = vector.broadcast %add3A_1877 : i32 to vector<16xi32>
      %add3A_1879 = arith.addi %add3A_31, %add3A_1878 : vector<16xi32>
      tpu.vector_store_idx %arg5[%add3A_1879], %mul3A_1876 : memref<20000xf32, #tpu.memory_space<vmem>>[vector<16xi32>], vector<16xf32>,
      %mul3A_1880 = arith.mulf %mul3A_1871, %get3A_140 : vector<16xf32>
      %add3A_1881 = arith.constant 407 : i32
      %add3A_1882 = vector.broadcast %add3A_1881 : i32 to vector<16xi32>
      %add3A_1883 = arith.addi %add3A_31, %add3A_1882 : vector<16xi32>
      tpu.vector_store_idx %arg5[%add3A_1883], %mul3A_1880 : memref<20000xf32, #tpu.memory_space<vmem>>[vector<16xi32>], vector<16xf32>,
      %mul3A_1884 = arith.mulf %mul3A_1871, %get3A_146 : vector<16xf32>
      %add3A_1885 = arith.constant 408 : i32
      %add3A_1886 = vector.broadcast %add3A_1885 : i32 to vector<16xi32>
      %add3A_1887 = arith.addi %add3A_31, %add3A_1886 : vector<16xi32>
      tpu.vector_store_idx %arg5[%add3A_1887], %mul3A_1884 : memref<20000xf32, #tpu.memory_space<vmem>>[vector<16xi32>], vector<16xf32>,
      %mul3A_1888 = arith.mulf %mul3A_1871, %get3A_152 : vector<16xf32>
      %add3A_1889 = arith.constant 409 : i32
      %add3A_1890 = vector.broadcast %add3A_1889 : i32 to vector<16xi32>
      %add3A_1891 = arith.addi %add3A_31, %add3A_1890 : vector<16xi32>
      tpu.vector_store_idx %arg5[%add3A_1891], %mul3A_1888 : memref<20000xf32, #tpu.memory_space<vmem>>[vector<16xi32>], vector<16xf32>,
      %mul3A_1892 = arith.mulf %mul3A_1849, %get3A_110 : vector<16xf32>
      %mul3A_1893 = arith.mulf %mul3A_1892, %get3A_128 : vector<16xf32>
      %add3A_1894 = arith.constant 410 : i32
      %add3A_1895 = vector.broadcast %add3A_1894 : i32 to vector<16xi32>
      %add3A_1896 = arith.addi %add3A_31, %add3A_1895 : vector<16xi32>
      tpu.vector_store_idx %arg5[%add3A_1896], %mul3A_1893 : memref<20000xf32, #tpu.memory_space<vmem>>[vector<16xi32>], vector<16xf32>,
      %mul3A_1897 = arith.mulf %mul3A_1892, %get3A_134 : vector<16xf32>
      %add3A_1898 = arith.constant 411 : i32
      %add3A_1899 = vector.broadcast %add3A_1898 : i32 to vector<16xi32>
      %add3A_1900 = arith.addi %add3A_31, %add3A_1899 : vector<16xi32>
      tpu.vector_store_idx %arg5[%add3A_1900], %mul3A_1897 : memref<20000xf32, #tpu.memory_space<vmem>>[vector<16xi32>], vector<16xf32>,
      %mul3A_1901 = arith.mulf %mul3A_1892, %get3A_140 : vector<16xf32>
      %add3A_1902 = arith.constant 412 : i32
      %add3A_1903 = vector.broadcast %add3A_1902 : i32 to vector<16xi32>
      %add3A_1904 = arith.addi %add3A_31, %add3A_1903 : vector<16xi32>
      tpu.vector_store_idx %arg5[%add3A_1904], %mul3A_1901 : memref<20000xf32, #tpu.memory_space<vmem>>[vector<16xi32>], vector<16xf32>,
      %mul3A_1905 = arith.mulf %mul3A_1892, %get3A_146 : vector<16xf32>
      %add3A_1906 = arith.constant 413 : i32
      %add3A_1907 = vector.broadcast %add3A_1906 : i32 to vector<16xi32>
      %add3A_1908 = arith.addi %add3A_31, %add3A_1907 : vector<16xi32>
      tpu.vector_store_idx %arg5[%add3A_1908], %mul3A_1905 : memref<20000xf32, #tpu.memory_space<vmem>>[vector<16xi32>], vector<16xf32>,
      %mul3A_1909 = arith.mulf %mul3A_1892, %get3A_152 : vector<16xf32>
      %add3A_1910 = arith.constant 414 : i32
      %add3A_1911 = vector.broadcast %add3A_1910 : i32 to vector<16xi32>
      %add3A_1912 = arith.addi %add3A_31, %add3A_1911 : vector<16xi32>
      tpu.vector_store_idx %arg5[%add3A_1912], %mul3A_1909 : memref<20000xf32, #tpu.memory_space<vmem>>[vector<16xi32>], vector<16xf32>,
      %mul3A_1913 = arith.mulf %mul3A_1849, %get3A_116 : vector<16xf32>
      %mul3A_1914 = arith.mulf %mul3A_1913, %get3A_128 : vector<16xf32>
      %add3A_1915 = arith.constant 415 : i32
      %add3A_1916 = vector.broadcast %add3A_1915 : i32 to vector<16xi32>
      %add3A_1917 = arith.addi %add3A_31, %add3A_1916 : vector<16xi32>
      tpu.vector_store_idx %arg5[%add3A_1917], %mul3A_1914 : memref<20000xf32, #tpu.memory_space<vmem>>[vector<16xi32>], vector<16xf32>,
      %mul3A_1918 = arith.mulf %mul3A_1913, %get3A_134 : vector<16xf32>
      %add3A_1919 = arith.constant 416 : i32
      %add3A_1920 = vector.broadcast %add3A_1919 : i32 to vector<16xi32>
      %add3A_1921 = arith.addi %add3A_31, %add3A_1920 : vector<16xi32>
      tpu.vector_store_idx %arg5[%add3A_1921], %mul3A_1918 : memref<20000xf32, #tpu.memory_space<vmem>>[vector<16xi32>], vector<16xf32>,
      %mul3A_1922 = arith.mulf %mul3A_1913, %get3A_140 : vector<16xf32>
      %add3A_1923 = arith.constant 417 : i32
      %add3A_1924 = vector.broadcast %add3A_1923 : i32 to vector<16xi32>
      %add3A_1925 = arith.addi %add3A_31, %add3A_1924 : vector<16xi32>
      tpu.vector_store_idx %arg5[%add3A_1925], %mul3A_1922 : memref<20000xf32, #tpu.memory_space<vmem>>[vector<16xi32>], vector<16xf32>,
      %mul3A_1926 = arith.mulf %mul3A_1913, %get3A_146 : vector<16xf32>
      %add3A_1927 = arith.constant 418 : i32
      %add3A_1928 = vector.broadcast %add3A_1927 : i32 to vector<16xi32>
      %add3A_1929 = arith.addi %add3A_31, %add3A_1928 : vector<16xi32>
      tpu.vector_store_idx %arg5[%add3A_1929], %mul3A_1926 : memref<20000xf32, #tpu.memory_space<vmem>>[vector<16xi32>], vector<16xf32>,
      %mul3A_1930 = arith.mulf %mul3A_1913, %get3A_152 : vector<16xf32>
      %add3A_1931 = arith.constant 419 : i32
      %add3A_1932 = vector.broadcast %add3A_1931 : i32 to vector<16xi32>
      %add3A_1933 = arith.addi %add3A_31, %add3A_1932 : vector<16xi32>
      tpu.vector_store_idx %arg5[%add3A_1933], %mul3A_1930 : memref<20000xf32, #tpu.memory_space<vmem>>[vector<16xi32>], vector<16xf32>,
      %mul3A_1934 = arith.mulf %mul3A_1849, %get3A_122 : vector<16xf32>
      %mul3A_1935 = arith.mulf %mul3A_1934, %get3A_128 : vector<16xf32>
      %add3A_1936 = arith.constant 420 : i32
      %add3A_1937 = vector.broadcast %add3A_1936 : i32 to vector<16xi32>
      %add3A_1938 = arith.addi %add3A_31, %add3A_1937 : vector<16xi32>
      tpu.vector_store_idx %arg5[%add3A_1938], %mul3A_1935 : memref<20000xf32, #tpu.memory_space<vmem>>[vector<16xi32>], vector<16xf32>,
      %mul3A_1939 = arith.mulf %mul3A_1934, %get3A_134 : vector<16xf32>
      %add3A_1940 = arith.constant 421 : i32
      %add3A_1941 = vector.broadcast %add3A_1940 : i32 to vector<16xi32>
      %add3A_1942 = arith.addi %add3A_31, %add3A_1941 : vector<16xi32>
      tpu.vector_store_idx %arg5[%add3A_1942], %mul3A_1939 : memref<20000xf32, #tpu.memory_space<vmem>>[vector<16xi32>], vector<16xf32>,
      %mul3A_1943 = arith.mulf %mul3A_1934, %get3A_140 : vector<16xf32>
      %add3A_1944 = arith.constant 422 : i32
      %add3A_1945 = vector.broadcast %add3A_1944 : i32 to vector<16xi32>
      %add3A_1946 = arith.addi %add3A_31, %add3A_1945 : vector<16xi32>
      tpu.vector_store_idx %arg5[%add3A_1946], %mul3A_1943 : memref<20000xf32, #tpu.memory_space<vmem>>[vector<16xi32>], vector<16xf32>,
      %mul3A_1947 = arith.mulf %mul3A_1934, %get3A_146 : vector<16xf32>
      %add3A_1948 = arith.constant 423 : i32
      %add3A_1949 = vector.broadcast %add3A_1948 : i32 to vector<16xi32>
      %add3A_1950 = arith.addi %add3A_31, %add3A_1949 : vector<16xi32>
      tpu.vector_store_idx %arg5[%add3A_1950], %mul3A_1947 : memref<20000xf32, #tpu.memory_space<vmem>>[vector<16xi32>], vector<16xf32>,
      %mul3A_1951 = arith.mulf %mul3A_1934, %get3A_152 : vector<16xf32>
      %add3A_1952 = arith.constant 424 : i32
      %add3A_1953 = vector.broadcast %add3A_1952 : i32 to vector<16xi32>
      %add3A_1954 = arith.addi %add3A_31, %add3A_1953 : vector<16xi32>
      tpu.vector_store_idx %arg5[%add3A_1954], %mul3A_1951 : memref<20000xf32, #tpu.memory_space<vmem>>[vector<16xi32>], vector<16xf32>,
      %mul3A_1955 = arith.mulf %get3A_56, %get3A_80 : vector<16xf32>
      %mul3A_1956 = arith.mulf %mul3A_1955, %get3A_98 : vector<16xf32>
      %mul3A_1957 = arith.mulf %mul3A_1956, %get3A_128 : vector<16xf32>
      %add3A_1958 = arith.constant 425 : i32
      %add3A_1959 = vector.broadcast %add3A_1958 : i32 to vector<16xi32>
      %add3A_1960 = arith.addi %add3A_31, %add3A_1959 : vector<16xi32>
      tpu.vector_store_idx %arg5[%add3A_1960], %mul3A_1957 : memref<20000xf32, #tpu.memory_space<vmem>>[vector<16xi32>], vector<16xf32>,
      %mul3A_1961 = arith.mulf %mul3A_1956, %get3A_134 : vector<16xf32>
      %add3A_1962 = arith.constant 426 : i32
      %add3A_1963 = vector.broadcast %add3A_1962 : i32 to vector<16xi32>
      %add3A_1964 = arith.addi %add3A_31, %add3A_1963 : vector<16xi32>
      tpu.vector_store_idx %arg5[%add3A_1964], %mul3A_1961 : memref<20000xf32, #tpu.memory_space<vmem>>[vector<16xi32>], vector<16xf32>,
      %mul3A_1965 = arith.mulf %mul3A_1956, %get3A_140 : vector<16xf32>
      %add3A_1966 = arith.constant 427 : i32
      %add3A_1967 = vector.broadcast %add3A_1966 : i32 to vector<16xi32>
      %add3A_1968 = arith.addi %add3A_31, %add3A_1967 : vector<16xi32>
      tpu.vector_store_idx %arg5[%add3A_1968], %mul3A_1965 : memref<20000xf32, #tpu.memory_space<vmem>>[vector<16xi32>], vector<16xf32>,
      %mul3A_1969 = arith.mulf %mul3A_1956, %get3A_146 : vector<16xf32>
      %add3A_1970 = arith.constant 428 : i32
      %add3A_1971 = vector.broadcast %add3A_1970 : i32 to vector<16xi32>
      %add3A_1972 = arith.addi %add3A_31, %add3A_1971 : vector<16xi32>
      tpu.vector_store_idx %arg5[%add3A_1972], %mul3A_1969 : memref<20000xf32, #tpu.memory_space<vmem>>[vector<16xi32>], vector<16xf32>,
      %mul3A_1973 = arith.mulf %mul3A_1956, %get3A_152 : vector<16xf32>
      %add3A_1974 = arith.constant 429 : i32
      %add3A_1975 = vector.broadcast %add3A_1974 : i32 to vector<16xi32>
      %add3A_1976 = arith.addi %add3A_31, %add3A_1975 : vector<16xi32>
      tpu.vector_store_idx %arg5[%add3A_1976], %mul3A_1973 : memref<20000xf32, #tpu.memory_space<vmem>>[vector<16xi32>], vector<16xf32>,
      %mul3A_1977 = arith.mulf %mul3A_1955, %get3A_104 : vector<16xf32>
      %mul3A_1978 = arith.mulf %mul3A_1977, %get3A_128 : vector<16xf32>
      %add3A_1979 = arith.constant 430 : i32
      %add3A_1980 = vector.broadcast %add3A_1979 : i32 to vector<16xi32>
      %add3A_1981 = arith.addi %add3A_31, %add3A_1980 : vector<16xi32>
      tpu.vector_store_idx %arg5[%add3A_1981], %mul3A_1978 : memref<20000xf32, #tpu.memory_space<vmem>>[vector<16xi32>], vector<16xf32>,
      %mul3A_1982 = arith.mulf %mul3A_1977, %get3A_134 : vector<16xf32>
      %add3A_1983 = arith.constant 431 : i32
      %add3A_1984 = vector.broadcast %add3A_1983 : i32 to vector<16xi32>
      %add3A_1985 = arith.addi %add3A_31, %add3A_1984 : vector<16xi32>
      tpu.vector_store_idx %arg5[%add3A_1985], %mul3A_1982 : memref<20000xf32, #tpu.memory_space<vmem>>[vector<16xi32>], vector<16xf32>,
      %mul3A_1986 = arith.mulf %mul3A_1977, %get3A_140 : vector<16xf32>
      %add3A_1987 = arith.constant 432 : i32
      %add3A_1988 = vector.broadcast %add3A_1987 : i32 to vector<16xi32>
      %add3A_1989 = arith.addi %add3A_31, %add3A_1988 : vector<16xi32>
      tpu.vector_store_idx %arg5[%add3A_1989], %mul3A_1986 : memref<20000xf32, #tpu.memory_space<vmem>>[vector<16xi32>], vector<16xf32>,
      %mul3A_1990 = arith.mulf %mul3A_1977, %get3A_146 : vector<16xf32>
      %add3A_1991 = arith.constant 433 : i32
      %add3A_1992 = vector.broadcast %add3A_1991 : i32 to vector<16xi32>
      %add3A_1993 = arith.addi %add3A_31, %add3A_1992 : vector<16xi32>
      tpu.vector_store_idx %arg5[%add3A_1993], %mul3A_1990 : memref<20000xf32, #tpu.memory_space<vmem>>[vector<16xi32>], vector<16xf32>,
      %mul3A_1994 = arith.mulf %mul3A_1977, %get3A_152 : vector<16xf32>
      %add3A_1995 = arith.constant 434 : i32
      %add3A_1996 = vector.broadcast %add3A_1995 : i32 to vector<16xi32>
      %add3A_1997 = arith.addi %add3A_31, %add3A_1996 : vector<16xi32>
      tpu.vector_store_idx %arg5[%add3A_1997], %mul3A_1994 : memref<20000xf32, #tpu.memory_space<vmem>>[vector<16xi32>], vector<16xf32>,
      %mul3A_1998 = arith.mulf %mul3A_1955, %get3A_110 : vector<16xf32>
      %mul3A_1999 = arith.mulf %mul3A_1998, %get3A_128 : vector<16xf32>
      %add3A_2000 = arith.constant 435 : i32
      %add3A_2001 = vector.broadcast %add3A_2000 : i32 to vector<16xi32>
      %add3A_2002 = arith.addi %add3A_31, %add3A_2001 : vector<16xi32>
      tpu.vector_store_idx %arg5[%add3A_2002], %mul3A_1999 : memref<20000xf32, #tpu.memory_space<vmem>>[vector<16xi32>], vector<16xf32>,
      %mul3A_2003 = arith.mulf %mul3A_1998, %get3A_134 : vector<16xf32>
      %add3A_2004 = arith.constant 436 : i32
      %add3A_2005 = vector.broadcast %add3A_2004 : i32 to vector<16xi32>
      %add3A_2006 = arith.addi %add3A_31, %add3A_2005 : vector<16xi32>
      tpu.vector_store_idx %arg5[%add3A_2006], %mul3A_2003 : memref<20000xf32, #tpu.memory_space<vmem>>[vector<16xi32>], vector<16xf32>,
      %mul3A_2007 = arith.mulf %mul3A_1998, %get3A_140 : vector<16xf32>
      %add3A_2008 = arith.constant 437 : i32
      %add3A_2009 = vector.broadcast %add3A_2008 : i32 to vector<16xi32>
      %add3A_2010 = arith.addi %add3A_31, %add3A_2009 : vector<16xi32>
      tpu.vector_store_idx %arg5[%add3A_2010], %mul3A_2007 : memref<20000xf32, #tpu.memory_space<vmem>>[vector<16xi32>], vector<16xf32>,
      %mul3A_2011 = arith.mulf %mul3A_1998, %get3A_146 : vector<16xf32>
      %add3A_2012 = arith.constant 438 : i32
      %add3A_2013 = vector.broadcast %add3A_2012 : i32 to vector<16xi32>
      %add3A_2014 = arith.addi %add3A_31, %add3A_2013 : vector<16xi32>
      tpu.vector_store_idx %arg5[%add3A_2014], %mul3A_2011 : memref<20000xf32, #tpu.memory_space<vmem>>[vector<16xi32>], vector<16xf32>,
      %mul3A_2015 = arith.mulf %mul3A_1998, %get3A_152 : vector<16xf32>
      %add3A_2016 = arith.constant 439 : i32
      %add3A_2017 = vector.broadcast %add3A_2016 : i32 to vector<16xi32>
      %add3A_2018 = arith.addi %add3A_31, %add3A_2017 : vector<16xi32>
      tpu.vector_store_idx %arg5[%add3A_2018], %mul3A_2015 : memref<20000xf32, #tpu.memory_space<vmem>>[vector<16xi32>], vector<16xf32>,
      %mul3A_2019 = arith.mulf %mul3A_1955, %get3A_116 : vector<16xf32>
      %mul3A_2020 = arith.mulf %mul3A_2019, %get3A_128 : vector<16xf32>
      %add3A_2021 = arith.constant 440 : i32
      %add3A_2022 = vector.broadcast %add3A_2021 : i32 to vector<16xi32>
      %add3A_2023 = arith.addi %add3A_31, %add3A_2022 : vector<16xi32>
      tpu.vector_store_idx %arg5[%add3A_2023], %mul3A_2020 : memref<20000xf32, #tpu.memory_space<vmem>>[vector<16xi32>], vector<16xf32>,
      %mul3A_2024 = arith.mulf %mul3A_2019, %get3A_134 : vector<16xf32>
      %add3A_2025 = arith.constant 441 : i32
      %add3A_2026 = vector.broadcast %add3A_2025 : i32 to vector<16xi32>
      %add3A_2027 = arith.addi %add3A_31, %add3A_2026 : vector<16xi32>
      tpu.vector_store_idx %arg5[%add3A_2027], %mul3A_2024 : memref<20000xf32, #tpu.memory_space<vmem>>[vector<16xi32>], vector<16xf32>,
      %mul3A_2028 = arith.mulf %mul3A_2019, %get3A_140 : vector<16xf32>
      %add3A_2029 = arith.constant 442 : i32
      %add3A_2030 = vector.broadcast %add3A_2029 : i32 to vector<16xi32>
      %add3A_2031 = arith.addi %add3A_31, %add3A_2030 : vector<16xi32>
      tpu.vector_store_idx %arg5[%add3A_2031], %mul3A_2028 : memref<20000xf32, #tpu.memory_space<vmem>>[vector<16xi32>], vector<16xf32>,
      %mul3A_2032 = arith.mulf %mul3A_2019, %get3A_146 : vector<16xf32>
      %add3A_2033 = arith.constant 443 : i32
      %add3A_2034 = vector.broadcast %add3A_2033 : i32 to vector<16xi32>
      %add3A_2035 = arith.addi %add3A_31, %add3A_2034 : vector<16xi32>
      tpu.vector_store_idx %arg5[%add3A_2035], %mul3A_2032 : memref<20000xf32, #tpu.memory_space<vmem>>[vector<16xi32>], vector<16xf32>,
      %mul3A_2036 = arith.mulf %mul3A_2019, %get3A_152 : vector<16xf32>
      %add3A_2037 = arith.constant 444 : i32
      %add3A_2038 = vector.broadcast %add3A_2037 : i32 to vector<16xi32>
      %add3A_2039 = arith.addi %add3A_31, %add3A_2038 : vector<16xi32>
      tpu.vector_store_idx %arg5[%add3A_2039], %mul3A_2036 : memref<20000xf32, #tpu.memory_space<vmem>>[vector<16xi32>], vector<16xf32>,
      %mul3A_2040 = arith.mulf %mul3A_1955, %get3A_122 : vector<16xf32>
      %mul3A_2041 = arith.mulf %mul3A_2040, %get3A_128 : vector<16xf32>
      %add3A_2042 = arith.constant 445 : i32
      %add3A_2043 = vector.broadcast %add3A_2042 : i32 to vector<16xi32>
      %add3A_2044 = arith.addi %add3A_31, %add3A_2043 : vector<16xi32>
      tpu.vector_store_idx %arg5[%add3A_2044], %mul3A_2041 : memref<20000xf32, #tpu.memory_space<vmem>>[vector<16xi32>], vector<16xf32>,
      %mul3A_2045 = arith.mulf %mul3A_2040, %get3A_134 : vector<16xf32>
      %add3A_2046 = arith.constant 446 : i32
      %add3A_2047 = vector.broadcast %add3A_2046 : i32 to vector<16xi32>
      %add3A_2048 = arith.addi %add3A_31, %add3A_2047 : vector<16xi32>
      tpu.vector_store_idx %arg5[%add3A_2048], %mul3A_2045 : memref<20000xf32, #tpu.memory_space<vmem>>[vector<16xi32>], vector<16xf32>,
      %mul3A_2049 = arith.mulf %mul3A_2040, %get3A_140 : vector<16xf32>
      %add3A_2050 = arith.constant 447 : i32
      %add3A_2051 = vector.broadcast %add3A_2050 : i32 to vector<16xi32>
      %add3A_2052 = arith.addi %add3A_31, %add3A_2051 : vector<16xi32>
      tpu.vector_store_idx %arg5[%add3A_2052], %mul3A_2049 : memref<20000xf32, #tpu.memory_space<vmem>>[vector<16xi32>], vector<16xf32>,
      %mul3A_2053 = arith.mulf %mul3A_2040, %get3A_146 : vector<16xf32>
      %add3A_2054 = arith.constant 448 : i32
      %add3A_2055 = vector.broadcast %add3A_2054 : i32 to vector<16xi32>
      %add3A_2056 = arith.addi %add3A_31, %add3A_2055 : vector<16xi32>
      tpu.vector_store_idx %arg5[%add3A_2056], %mul3A_2053 : memref<20000xf32, #tpu.memory_space<vmem>>[vector<16xi32>], vector<16xf32>,
      %mul3A_2057 = arith.mulf %mul3A_2040, %get3A_152 : vector<16xf32>
      %add3A_2058 = arith.constant 449 : i32
      %add3A_2059 = vector.broadcast %add3A_2058 : i32 to vector<16xi32>
      %add3A_2060 = arith.addi %add3A_31, %add3A_2059 : vector<16xi32>
      tpu.vector_store_idx %arg5[%add3A_2060], %mul3A_2057 : memref<20000xf32, #tpu.memory_space<vmem>>[vector<16xi32>], vector<16xf32>,
      %mul3A_2061 = arith.mulf %get3A_56, %get3A_86 : vector<16xf32>
      %mul3A_2062 = arith.mulf %mul3A_2061, %get3A_98 : vector<16xf32>
      %mul3A_2063 = arith.mulf %mul3A_2062, %get3A_128 : vector<16xf32>
      %add3A_2064 = arith.constant 450 : i32
      %add3A_2065 = vector.broadcast %add3A_2064 : i32 to vector<16xi32>
      %add3A_2066 = arith.addi %add3A_31, %add3A_2065 : vector<16xi32>
      tpu.vector_store_idx %arg5[%add3A_2066], %mul3A_2063 : memref<20000xf32, #tpu.memory_space<vmem>>[vector<16xi32>], vector<16xf32>,
      %mul3A_2067 = arith.mulf %mul3A_2062, %get3A_134 : vector<16xf32>
      %add3A_2068 = arith.constant 451 : i32
      %add3A_2069 = vector.broadcast %add3A_2068 : i32 to vector<16xi32>
      %add3A_2070 = arith.addi %add3A_31, %add3A_2069 : vector<16xi32>
      tpu.vector_store_idx %arg5[%add3A_2070], %mul3A_2067 : memref<20000xf32, #tpu.memory_space<vmem>>[vector<16xi32>], vector<16xf32>,
      %mul3A_2071 = arith.mulf %mul3A_2062, %get3A_140 : vector<16xf32>
      %add3A_2072 = arith.constant 452 : i32
      %add3A_2073 = vector.broadcast %add3A_2072 : i32 to vector<16xi32>
      %add3A_2074 = arith.addi %add3A_31, %add3A_2073 : vector<16xi32>
      tpu.vector_store_idx %arg5[%add3A_2074], %mul3A_2071 : memref<20000xf32, #tpu.memory_space<vmem>>[vector<16xi32>], vector<16xf32>,
      %mul3A_2075 = arith.mulf %mul3A_2062, %get3A_146 : vector<16xf32>
      %add3A_2076 = arith.constant 453 : i32
      %add3A_2077 = vector.broadcast %add3A_2076 : i32 to vector<16xi32>
      %add3A_2078 = arith.addi %add3A_31, %add3A_2077 : vector<16xi32>
      tpu.vector_store_idx %arg5[%add3A_2078], %mul3A_2075 : memref<20000xf32, #tpu.memory_space<vmem>>[vector<16xi32>], vector<16xf32>,
      %mul3A_2079 = arith.mulf %mul3A_2062, %get3A_152 : vector<16xf32>
      %add3A_2080 = arith.constant 454 : i32
      %add3A_2081 = vector.broadcast %add3A_2080 : i32 to vector<16xi32>
      %add3A_2082 = arith.addi %add3A_31, %add3A_2081 : vector<16xi32>
      tpu.vector_store_idx %arg5[%add3A_2082], %mul3A_2079 : memref<20000xf32, #tpu.memory_space<vmem>>[vector<16xi32>], vector<16xf32>,
      %mul3A_2083 = arith.mulf %mul3A_2061, %get3A_104 : vector<16xf32>
      %mul3A_2084 = arith.mulf %mul3A_2083, %get3A_128 : vector<16xf32>
      %add3A_2085 = arith.constant 455 : i32
      %add3A_2086 = vector.broadcast %add3A_2085 : i32 to vector<16xi32>
      %add3A_2087 = arith.addi %add3A_31, %add3A_2086 : vector<16xi32>
      tpu.vector_store_idx %arg5[%add3A_2087], %mul3A_2084 : memref<20000xf32, #tpu.memory_space<vmem>>[vector<16xi32>], vector<16xf32>,
      %mul3A_2088 = arith.mulf %mul3A_2083, %get3A_134 : vector<16xf32>
      %add3A_2089 = arith.constant 456 : i32
      %add3A_2090 = vector.broadcast %add3A_2089 : i32 to vector<16xi32>
      %add3A_2091 = arith.addi %add3A_31, %add3A_2090 : vector<16xi32>
      tpu.vector_store_idx %arg5[%add3A_2091], %mul3A_2088 : memref<20000xf32, #tpu.memory_space<vmem>>[vector<16xi32>], vector<16xf32>,
      %mul3A_2092 = arith.mulf %mul3A_2083, %get3A_140 : vector<16xf32>
      %add3A_2093 = arith.constant 457 : i32
      %add3A_2094 = vector.broadcast %add3A_2093 : i32 to vector<16xi32>
      %add3A_2095 = arith.addi %add3A_31, %add3A_2094 : vector<16xi32>
      tpu.vector_store_idx %arg5[%add3A_2095], %mul3A_2092 : memref<20000xf32, #tpu.memory_space<vmem>>[vector<16xi32>], vector<16xf32>,
      %mul3A_2096 = arith.mulf %mul3A_2083, %get3A_146 : vector<16xf32>
      %add3A_2097 = arith.constant 458 : i32
      %add3A_2098 = vector.broadcast %add3A_2097 : i32 to vector<16xi32>
      %add3A_2099 = arith.addi %add3A_31, %add3A_2098 : vector<16xi32>
      tpu.vector_store_idx %arg5[%add3A_2099], %mul3A_2096 : memref<20000xf32, #tpu.memory_space<vmem>>[vector<16xi32>], vector<16xf32>,
      %mul3A_2100 = arith.mulf %mul3A_2083, %get3A_152 : vector<16xf32>
      %add3A_2101 = arith.constant 459 : i32
      %add3A_2102 = vector.broadcast %add3A_2101 : i32 to vector<16xi32>
      %add3A_2103 = arith.addi %add3A_31, %add3A_2102 : vector<16xi32>
      tpu.vector_store_idx %arg5[%add3A_2103], %mul3A_2100 : memref<20000xf32, #tpu.memory_space<vmem>>[vector<16xi32>], vector<16xf32>,
      %mul3A_2104 = arith.mulf %mul3A_2061, %get3A_110 : vector<16xf32>
      %mul3A_2105 = arith.mulf %mul3A_2104, %get3A_128 : vector<16xf32>
      %add3A_2106 = arith.constant 460 : i32
      %add3A_2107 = vector.broadcast %add3A_2106 : i32 to vector<16xi32>
      %add3A_2108 = arith.addi %add3A_31, %add3A_2107 : vector<16xi32>
      tpu.vector_store_idx %arg5[%add3A_2108], %mul3A_2105 : memref<20000xf32, #tpu.memory_space<vmem>>[vector<16xi32>], vector<16xf32>,
      %mul3A_2109 = arith.mulf %mul3A_2104, %get3A_134 : vector<16xf32>
      %add3A_2110 = arith.constant 461 : i32
      %add3A_2111 = vector.broadcast %add3A_2110 : i32 to vector<16xi32>
      %add3A_2112 = arith.addi %add3A_31, %add3A_2111 : vector<16xi32>
      tpu.vector_store_idx %arg5[%add3A_2112], %mul3A_2109 : memref<20000xf32, #tpu.memory_space<vmem>>[vector<16xi32>], vector<16xf32>,
      %mul3A_2113 = arith.mulf %mul3A_2104, %get3A_140 : vector<16xf32>
      %add3A_2114 = arith.constant 462 : i32
      %add3A_2115 = vector.broadcast %add3A_2114 : i32 to vector<16xi32>
      %add3A_2116 = arith.addi %add3A_31, %add3A_2115 : vector<16xi32>
      tpu.vector_store_idx %arg5[%add3A_2116], %mul3A_2113 : memref<20000xf32, #tpu.memory_space<vmem>>[vector<16xi32>], vector<16xf32>,
      %mul3A_2117 = arith.mulf %mul3A_2104, %get3A_146 : vector<16xf32>
      %add3A_2118 = arith.constant 463 : i32
      %add3A_2119 = vector.broadcast %add3A_2118 : i32 to vector<16xi32>
      %add3A_2120 = arith.addi %add3A_31, %add3A_2119 : vector<16xi32>
      tpu.vector_store_idx %arg5[%add3A_2120], %mul3A_2117 : memref<20000xf32, #tpu.memory_space<vmem>>[vector<16xi32>], vector<16xf32>,
      %mul3A_2121 = arith.mulf %mul3A_2104, %get3A_152 : vector<16xf32>
      %add3A_2122 = arith.constant 464 : i32
      %add3A_2123 = vector.broadcast %add3A_2122 : i32 to vector<16xi32>
      %add3A_2124 = arith.addi %add3A_31, %add3A_2123 : vector<16xi32>
      tpu.vector_store_idx %arg5[%add3A_2124], %mul3A_2121 : memref<20000xf32, #tpu.memory_space<vmem>>[vector<16xi32>], vector<16xf32>,
      %mul3A_2125 = arith.mulf %mul3A_2061, %get3A_116 : vector<16xf32>
      %mul3A_2126 = arith.mulf %mul3A_2125, %get3A_128 : vector<16xf32>
      %add3A_2127 = arith.constant 465 : i32
      %add3A_2128 = vector.broadcast %add3A_2127 : i32 to vector<16xi32>
      %add3A_2129 = arith.addi %add3A_31, %add3A_2128 : vector<16xi32>
      tpu.vector_store_idx %arg5[%add3A_2129], %mul3A_2126 : memref<20000xf32, #tpu.memory_space<vmem>>[vector<16xi32>], vector<16xf32>,
      %mul3A_2130 = arith.mulf %mul3A_2125, %get3A_134 : vector<16xf32>
      %add3A_2131 = arith.constant 466 : i32
      %add3A_2132 = vector.broadcast %add3A_2131 : i32 to vector<16xi32>
      %add3A_2133 = arith.addi %add3A_31, %add3A_2132 : vector<16xi32>
      tpu.vector_store_idx %arg5[%add3A_2133], %mul3A_2130 : memref<20000xf32, #tpu.memory_space<vmem>>[vector<16xi32>], vector<16xf32>,
      %mul3A_2134 = arith.mulf %mul3A_2125, %get3A_140 : vector<16xf32>
      %add3A_2135 = arith.constant 467 : i32
      %add3A_2136 = vector.broadcast %add3A_2135 : i32 to vector<16xi32>
      %add3A_2137 = arith.addi %add3A_31, %add3A_2136 : vector<16xi32>
      tpu.vector_store_idx %arg5[%add3A_2137], %mul3A_2134 : memref<20000xf32, #tpu.memory_space<vmem>>[vector<16xi32>], vector<16xf32>,
      %mul3A_2138 = arith.mulf %mul3A_2125, %get3A_146 : vector<16xf32>
      %add3A_2139 = arith.constant 468 : i32
      %add3A_2140 = vector.broadcast %add3A_2139 : i32 to vector<16xi32>
      %add3A_2141 = arith.addi %add3A_31, %add3A_2140 : vector<16xi32>
      tpu.vector_store_idx %arg5[%add3A_2141], %mul3A_2138 : memref<20000xf32, #tpu.memory_space<vmem>>[vector<16xi32>], vector<16xf32>,
      %mul3A_2142 = arith.mulf %mul3A_2125, %get3A_152 : vector<16xf32>
      %add3A_2143 = arith.constant 469 : i32
      %add3A_2144 = vector.broadcast %add3A_2143 : i32 to vector<16xi32>
      %add3A_2145 = arith.addi %add3A_31, %add3A_2144 : vector<16xi32>
      tpu.vector_store_idx %arg5[%add3A_2145], %mul3A_2142 : memref<20000xf32, #tpu.memory_space<vmem>>[vector<16xi32>], vector<16xf32>,
      %mul3A_2146 = arith.mulf %mul3A_2061, %get3A_122 : vector<16xf32>
      %mul3A_2147 = arith.mulf %mul3A_2146, %get3A_128 : vector<16xf32>
      %add3A_2148 = arith.constant 470 : i32
      %add3A_2149 = vector.broadcast %add3A_2148 : i32 to vector<16xi32>
      %add3A_2150 = arith.addi %add3A_31, %add3A_2149 : vector<16xi32>
      tpu.vector_store_idx %arg5[%add3A_2150], %mul3A_2147 : memref<20000xf32, #tpu.memory_space<vmem>>[vector<16xi32>], vector<16xf32>,
      %mul3A_2151 = arith.mulf %mul3A_2146, %get3A_134 : vector<16xf32>
      %add3A_2152 = arith.constant 471 : i32
      %add3A_2153 = vector.broadcast %add3A_2152 : i32 to vector<16xi32>
      %add3A_2154 = arith.addi %add3A_31, %add3A_2153 : vector<16xi32>
      tpu.vector_store_idx %arg5[%add3A_2154], %mul3A_2151 : memref<20000xf32, #tpu.memory_space<vmem>>[vector<16xi32>], vector<16xf32>,
      %mul3A_2155 = arith.mulf %mul3A_2146, %get3A_140 : vector<16xf32>
      %add3A_2156 = arith.constant 472 : i32
      %add3A_2157 = vector.broadcast %add3A_2156 : i32 to vector<16xi32>
      %add3A_2158 = arith.addi %add3A_31, %add3A_2157 : vector<16xi32>
      tpu.vector_store_idx %arg5[%add3A_2158], %mul3A_2155 : memref<20000xf32, #tpu.memory_space<vmem>>[vector<16xi32>], vector<16xf32>,
      %mul3A_2159 = arith.mulf %mul3A_2146, %get3A_146 : vector<16xf32>
      %add3A_2160 = arith.constant 473 : i32
      %add3A_2161 = vector.broadcast %add3A_2160 : i32 to vector<16xi32>
      %add3A_2162 = arith.addi %add3A_31, %add3A_2161 : vector<16xi32>
      tpu.vector_store_idx %arg5[%add3A_2162], %mul3A_2159 : memref<20000xf32, #tpu.memory_space<vmem>>[vector<16xi32>], vector<16xf32>,
      %mul3A_2163 = arith.mulf %mul3A_2146, %get3A_152 : vector<16xf32>
      %add3A_2164 = arith.constant 474 : i32
      %add3A_2165 = vector.broadcast %add3A_2164 : i32 to vector<16xi32>
      %add3A_2166 = arith.addi %add3A_31, %add3A_2165 : vector<16xi32>
      tpu.vector_store_idx %arg5[%add3A_2166], %mul3A_2163 : memref<20000xf32, #tpu.memory_space<vmem>>[vector<16xi32>], vector<16xf32>,
      %mul3A_2167 = arith.mulf %get3A_56, %get3A_92 : vector<16xf32>
      %mul3A_2168 = arith.mulf %mul3A_2167, %get3A_98 : vector<16xf32>
      %mul3A_2169 = arith.mulf %mul3A_2168, %get3A_128 : vector<16xf32>
      %add3A_2170 = arith.constant 475 : i32
      %add3A_2171 = vector.broadcast %add3A_2170 : i32 to vector<16xi32>
      %add3A_2172 = arith.addi %add3A_31, %add3A_2171 : vector<16xi32>
      tpu.vector_store_idx %arg5[%add3A_2172], %mul3A_2169 : memref<20000xf32, #tpu.memory_space<vmem>>[vector<16xi32>], vector<16xf32>,
      %mul3A_2173 = arith.mulf %mul3A_2168, %get3A_134 : vector<16xf32>
      %add3A_2174 = arith.constant 476 : i32
      %add3A_2175 = vector.broadcast %add3A_2174 : i32 to vector<16xi32>
      %add3A_2176 = arith.addi %add3A_31, %add3A_2175 : vector<16xi32>
      tpu.vector_store_idx %arg5[%add3A_2176], %mul3A_2173 : memref<20000xf32, #tpu.memory_space<vmem>>[vector<16xi32>], vector<16xf32>,
      %mul3A_2177 = arith.mulf %mul3A_2168, %get3A_140 : vector<16xf32>
      %add3A_2178 = arith.constant 477 : i32
      %add3A_2179 = vector.broadcast %add3A_2178 : i32 to vector<16xi32>
      %add3A_2180 = arith.addi %add3A_31, %add3A_2179 : vector<16xi32>
      tpu.vector_store_idx %arg5[%add3A_2180], %mul3A_2177 : memref<20000xf32, #tpu.memory_space<vmem>>[vector<16xi32>], vector<16xf32>,
      %mul3A_2181 = arith.mulf %mul3A_2168, %get3A_146 : vector<16xf32>
      %add3A_2182 = arith.constant 478 : i32
      %add3A_2183 = vector.broadcast %add3A_2182 : i32 to vector<16xi32>
      %add3A_2184 = arith.addi %add3A_31, %add3A_2183 : vector<16xi32>
      tpu.vector_store_idx %arg5[%add3A_2184], %mul3A_2181 : memref<20000xf32, #tpu.memory_space<vmem>>[vector<16xi32>], vector<16xf32>,
      %mul3A_2185 = arith.mulf %mul3A_2168, %get3A_152 : vector<16xf32>
      %add3A_2186 = arith.constant 479 : i32
      %add3A_2187 = vector.broadcast %add3A_2186 : i32 to vector<16xi32>
      %add3A_2188 = arith.addi %add3A_31, %add3A_2187 : vector<16xi32>
      tpu.vector_store_idx %arg5[%add3A_2188], %mul3A_2185 : memref<20000xf32, #tpu.memory_space<vmem>>[vector<16xi32>], vector<16xf32>,
      %mul3A_2189 = arith.mulf %mul3A_2167, %get3A_104 : vector<16xf32>
      %mul3A_2190 = arith.mulf %mul3A_2189, %get3A_128 : vector<16xf32>
      %add3A_2191 = arith.constant 480 : i32
      %add3A_2192 = vector.broadcast %add3A_2191 : i32 to vector<16xi32>
      %add3A_2193 = arith.addi %add3A_31, %add3A_2192 : vector<16xi32>
      tpu.vector_store_idx %arg5[%add3A_2193], %mul3A_2190 : memref<20000xf32, #tpu.memory_space<vmem>>[vector<16xi32>], vector<16xf32>,
      %mul3A_2194 = arith.mulf %mul3A_2189, %get3A_134 : vector<16xf32>
      %add3A_2195 = arith.constant 481 : i32
      %add3A_2196 = vector.broadcast %add3A_2195 : i32 to vector<16xi32>
      %add3A_2197 = arith.addi %add3A_31, %add3A_2196 : vector<16xi32>
      tpu.vector_store_idx %arg5[%add3A_2197], %mul3A_2194 : memref<20000xf32, #tpu.memory_space<vmem>>[vector<16xi32>], vector<16xf32>,
      %mul3A_2198 = arith.mulf %mul3A_2189, %get3A_140 : vector<16xf32>
      %add3A_2199 = arith.constant 482 : i32
      %add3A_2200 = vector.broadcast %add3A_2199 : i32 to vector<16xi32>
      %add3A_2201 = arith.addi %add3A_31, %add3A_2200 : vector<16xi32>
      tpu.vector_store_idx %arg5[%add3A_2201], %mul3A_2198 : memref<20000xf32, #tpu.memory_space<vmem>>[vector<16xi32>], vector<16xf32>,
      %mul3A_2202 = arith.mulf %mul3A_2189, %get3A_146 : vector<16xf32>
      %add3A_2203 = arith.constant 483 : i32
      %add3A_2204 = vector.broadcast %add3A_2203 : i32 to vector<16xi32>
      %add3A_2205 = arith.addi %add3A_31, %add3A_2204 : vector<16xi32>
      tpu.vector_store_idx %arg5[%add3A_2205], %mul3A_2202 : memref<20000xf32, #tpu.memory_space<vmem>>[vector<16xi32>], vector<16xf32>,
      %mul3A_2206 = arith.mulf %mul3A_2189, %get3A_152 : vector<16xf32>
      %add3A_2207 = arith.constant 484 : i32
      %add3A_2208 = vector.broadcast %add3A_2207 : i32 to vector<16xi32>
      %add3A_2209 = arith.addi %add3A_31, %add3A_2208 : vector<16xi32>
      tpu.vector_store_idx %arg5[%add3A_2209], %mul3A_2206 : memref<20000xf32, #tpu.memory_space<vmem>>[vector<16xi32>], vector<16xf32>,
      %mul3A_2210 = arith.mulf %mul3A_2167, %get3A_110 : vector<16xf32>
      %mul3A_2211 = arith.mulf %mul3A_2210, %get3A_128 : vector<16xf32>
      %add3A_2212 = arith.constant 485 : i32
      %add3A_2213 = vector.broadcast %add3A_2212 : i32 to vector<16xi32>
      %add3A_2214 = arith.addi %add3A_31, %add3A_2213 : vector<16xi32>
      tpu.vector_store_idx %arg5[%add3A_2214], %mul3A_2211 : memref<20000xf32, #tpu.memory_space<vmem>>[vector<16xi32>], vector<16xf32>,
      %mul3A_2215 = arith.mulf %mul3A_2210, %get3A_134 : vector<16xf32>
      %add3A_2216 = arith.constant 486 : i32
      %add3A_2217 = vector.broadcast %add3A_2216 : i32 to vector<16xi32>
      %add3A_2218 = arith.addi %add3A_31, %add3A_2217 : vector<16xi32>
      tpu.vector_store_idx %arg5[%add3A_2218], %mul3A_2215 : memref<20000xf32, #tpu.memory_space<vmem>>[vector<16xi32>], vector<16xf32>,
      %mul3A_2219 = arith.mulf %mul3A_2210, %get3A_140 : vector<16xf32>
      %add3A_2220 = arith.constant 487 : i32
      %add3A_2221 = vector.broadcast %add3A_2220 : i32 to vector<16xi32>
      %add3A_2222 = arith.addi %add3A_31, %add3A_2221 : vector<16xi32>
      tpu.vector_store_idx %arg5[%add3A_2222], %mul3A_2219 : memref<20000xf32, #tpu.memory_space<vmem>>[vector<16xi32>], vector<16xf32>,
      %mul3A_2223 = arith.mulf %mul3A_2210, %get3A_146 : vector<16xf32>
      %add3A_2224 = arith.constant 488 : i32
      %add3A_2225 = vector.broadcast %add3A_2224 : i32 to vector<16xi32>
      %add3A_2226 = arith.addi %add3A_31, %add3A_2225 : vector<16xi32>
      tpu.vector_store_idx %arg5[%add3A_2226], %mul3A_2223 : memref<20000xf32, #tpu.memory_space<vmem>>[vector<16xi32>], vector<16xf32>,
      %mul3A_2227 = arith.mulf %mul3A_2210, %get3A_152 : vector<16xf32>
      %add3A_2228 = arith.constant 489 : i32
      %add3A_2229 = vector.broadcast %add3A_2228 : i32 to vector<16xi32>
      %add3A_2230 = arith.addi %add3A_31, %add3A_2229 : vector<16xi32>
      tpu.vector_store_idx %arg5[%add3A_2230], %mul3A_2227 : memref<20000xf32, #tpu.memory_space<vmem>>[vector<16xi32>], vector<16xf32>,
      %mul3A_2231 = arith.mulf %mul3A_2167, %get3A_116 : vector<16xf32>
      %mul3A_2232 = arith.mulf %mul3A_2231, %get3A_128 : vector<16xf32>
      %add3A_2233 = arith.constant 490 : i32
      %add3A_2234 = vector.broadcast %add3A_2233 : i32 to vector<16xi32>
      %add3A_2235 = arith.addi %add3A_31, %add3A_2234 : vector<16xi32>
      tpu.vector_store_idx %arg5[%add3A_2235], %mul3A_2232 : memref<20000xf32, #tpu.memory_space<vmem>>[vector<16xi32>], vector<16xf32>,
      %mul3A_2236 = arith.mulf %mul3A_2231, %get3A_134 : vector<16xf32>
      %add3A_2237 = arith.constant 491 : i32
      %add3A_2238 = vector.broadcast %add3A_2237 : i32 to vector<16xi32>
      %add3A_2239 = arith.addi %add3A_31, %add3A_2238 : vector<16xi32>
      tpu.vector_store_idx %arg5[%add3A_2239], %mul3A_2236 : memref<20000xf32, #tpu.memory_space<vmem>>[vector<16xi32>], vector<16xf32>,
      %mul3A_2240 = arith.mulf %mul3A_2231, %get3A_140 : vector<16xf32>
      %add3A_2241 = arith.constant 492 : i32
      %add3A_2242 = vector.broadcast %add3A_2241 : i32 to vector<16xi32>
      %add3A_2243 = arith.addi %add3A_31, %add3A_2242 : vector<16xi32>
      tpu.vector_store_idx %arg5[%add3A_2243], %mul3A_2240 : memref<20000xf32, #tpu.memory_space<vmem>>[vector<16xi32>], vector<16xf32>,
      %mul3A_2244 = arith.mulf %mul3A_2231, %get3A_146 : vector<16xf32>
      %add3A_2245 = arith.constant 493 : i32
      %add3A_2246 = vector.broadcast %add3A_2245 : i32 to vector<16xi32>
      %add3A_2247 = arith.addi %add3A_31, %add3A_2246 : vector<16xi32>
      tpu.vector_store_idx %arg5[%add3A_2247], %mul3A_2244 : memref<20000xf32, #tpu.memory_space<vmem>>[vector<16xi32>], vector<16xf32>,
      %mul3A_2248 = arith.mulf %mul3A_2231, %get3A_152 : vector<16xf32>
      %add3A_2249 = arith.constant 494 : i32
      %add3A_2250 = vector.broadcast %add3A_2249 : i32 to vector<16xi32>
      %add3A_2251 = arith.addi %add3A_31, %add3A_2250 : vector<16xi32>
      tpu.vector_store_idx %arg5[%add3A_2251], %mul3A_2248 : memref<20000xf32, #tpu.memory_space<vmem>>[vector<16xi32>], vector<16xf32>,
      %mul3A_2252 = arith.mulf %mul3A_2167, %get3A_122 : vector<16xf32>
      %mul3A_2253 = arith.mulf %mul3A_2252, %get3A_128 : vector<16xf32>
      %add3A_2254 = arith.constant 495 : i32
      %add3A_2255 = vector.broadcast %add3A_2254 : i32 to vector<16xi32>
      %add3A_2256 = arith.addi %add3A_31, %add3A_2255 : vector<16xi32>
      tpu.vector_store_idx %arg5[%add3A_2256], %mul3A_2253 : memref<20000xf32, #tpu.memory_space<vmem>>[vector<16xi32>], vector<16xf32>,
      %mul3A_2257 = arith.mulf %mul3A_2252, %get3A_134 : vector<16xf32>
      %add3A_2258 = arith.constant 496 : i32
      %add3A_2259 = vector.broadcast %add3A_2258 : i32 to vector<16xi32>
      %add3A_2260 = arith.addi %add3A_31, %add3A_2259 : vector<16xi32>
      tpu.vector_store_idx %arg5[%add3A_2260], %mul3A_2257 : memref<20000xf32, #tpu.memory_space<vmem>>[vector<16xi32>], vector<16xf32>,
      %mul3A_2261 = arith.mulf %mul3A_2252, %get3A_140 : vector<16xf32>
      %add3A_2262 = arith.constant 497 : i32
      %add3A_2263 = vector.broadcast %add3A_2262 : i32 to vector<16xi32>
      %add3A_2264 = arith.addi %add3A_31, %add3A_2263 : vector<16xi32>
      tpu.vector_store_idx %arg5[%add3A_2264], %mul3A_2261 : memref<20000xf32, #tpu.memory_space<vmem>>[vector<16xi32>], vector<16xf32>,
      %mul3A_2265 = arith.mulf %mul3A_2252, %get3A_146 : vector<16xf32>
      %add3A_2266 = arith.constant 498 : i32
      %add3A_2267 = vector.broadcast %add3A_2266 : i32 to vector<16xi32>
      %add3A_2268 = arith.addi %add3A_31, %add3A_2267 : vector<16xi32>
      tpu.vector_store_idx %arg5[%add3A_2268], %mul3A_2265 : memref<20000xf32, #tpu.memory_space<vmem>>[vector<16xi32>], vector<16xf32>,
      %mul3A_2269 = arith.mulf %mul3A_2252, %get3A_152 : vector<16xf32>
      %add3A_2270 = arith.constant 499 : i32
      %add3A_2271 = vector.broadcast %add3A_2270 : i32 to vector<16xi32>
      %add3A_2272 = arith.addi %add3A_31, %add3A_2271 : vector<16xi32>
      tpu.vector_store_idx %arg5[%add3A_2272], %mul3A_2269 : memref<20000xf32, #tpu.memory_space<vmem>>[vector<16xi32>], vector<16xf32>,
      %mul3A_2273 = arith.mulf %get3A_62, %get3A_68 : vector<16xf32>
      %mul3A_2274 = arith.mulf %mul3A_2273, %get3A_98 : vector<16xf32>
      %mul3A_2275 = arith.mulf %mul3A_2274, %get3A_128 : vector<16xf32>
      %add3A_2276 = arith.constant 500 : i32
      %add3A_2277 = vector.broadcast %add3A_2276 : i32 to vector<16xi32>
      %add3A_2278 = arith.addi %add3A_31, %add3A_2277 : vector<16xi32>
      tpu.vector_store_idx %arg5[%add3A_2278], %mul3A_2275 : memref<20000xf32, #tpu.memory_space<vmem>>[vector<16xi32>], vector<16xf32>,
      %mul3A_2279 = arith.mulf %mul3A_2274, %get3A_134 : vector<16xf32>
      %add3A_2280 = arith.constant 501 : i32
      %add3A_2281 = vector.broadcast %add3A_2280 : i32 to vector<16xi32>
      %add3A_2282 = arith.addi %add3A_31, %add3A_2281 : vector<16xi32>
      tpu.vector_store_idx %arg5[%add3A_2282], %mul3A_2279 : memref<20000xf32, #tpu.memory_space<vmem>>[vector<16xi32>], vector<16xf32>,
      %mul3A_2283 = arith.mulf %mul3A_2274, %get3A_140 : vector<16xf32>
      %add3A_2284 = arith.constant 502 : i32
      %add3A_2285 = vector.broadcast %add3A_2284 : i32 to vector<16xi32>
      %add3A_2286 = arith.addi %add3A_31, %add3A_2285 : vector<16xi32>
      tpu.vector_store_idx %arg5[%add3A_2286], %mul3A_2283 : memref<20000xf32, #tpu.memory_space<vmem>>[vector<16xi32>], vector<16xf32>,
      %mul3A_2287 = arith.mulf %mul3A_2274, %get3A_146 : vector<16xf32>
      %add3A_2288 = arith.constant 503 : i32
      %add3A_2289 = vector.broadcast %add3A_2288 : i32 to vector<16xi32>
      %add3A_2290 = arith.addi %add3A_31, %add3A_2289 : vector<16xi32>
      tpu.vector_store_idx %arg5[%add3A_2290], %mul3A_2287 : memref<20000xf32, #tpu.memory_space<vmem>>[vector<16xi32>], vector<16xf32>,
      %mul3A_2291 = arith.mulf %mul3A_2274, %get3A_152 : vector<16xf32>
      %add3A_2292 = arith.constant 504 : i32
      %add3A_2293 = vector.broadcast %add3A_2292 : i32 to vector<16xi32>
      %add3A_2294 = arith.addi %add3A_31, %add3A_2293 : vector<16xi32>
      tpu.vector_store_idx %arg5[%add3A_2294], %mul3A_2291 : memref<20000xf32, #tpu.memory_space<vmem>>[vector<16xi32>], vector<16xf32>,
      %mul3A_2295 = arith.mulf %mul3A_2273, %get3A_104 : vector<16xf32>
      %mul3A_2296 = arith.mulf %mul3A_2295, %get3A_128 : vector<16xf32>
      %add3A_2297 = arith.constant 505 : i32
      %add3A_2298 = vector.broadcast %add3A_2297 : i32 to vector<16xi32>
      %add3A_2299 = arith.addi %add3A_31, %add3A_2298 : vector<16xi32>
      tpu.vector_store_idx %arg5[%add3A_2299], %mul3A_2296 : memref<20000xf32, #tpu.memory_space<vmem>>[vector<16xi32>], vector<16xf32>,
      %mul3A_2300 = arith.mulf %mul3A_2295, %get3A_134 : vector<16xf32>
      %add3A_2301 = arith.constant 506 : i32
      %add3A_2302 = vector.broadcast %add3A_2301 : i32 to vector<16xi32>
      %add3A_2303 = arith.addi %add3A_31, %add3A_2302 : vector<16xi32>
      tpu.vector_store_idx %arg5[%add3A_2303], %mul3A_2300 : memref<20000xf32, #tpu.memory_space<vmem>>[vector<16xi32>], vector<16xf32>,
      %mul3A_2304 = arith.mulf %mul3A_2295, %get3A_140 : vector<16xf32>
      %add3A_2305 = arith.constant 507 : i32
      %add3A_2306 = vector.broadcast %add3A_2305 : i32 to vector<16xi32>
      %add3A_2307 = arith.addi %add3A_31, %add3A_2306 : vector<16xi32>
      tpu.vector_store_idx %arg5[%add3A_2307], %mul3A_2304 : memref<20000xf32, #tpu.memory_space<vmem>>[vector<16xi32>], vector<16xf32>,
      %mul3A_2308 = arith.mulf %mul3A_2295, %get3A_146 : vector<16xf32>
      %add3A_2309 = arith.constant 508 : i32
      %add3A_2310 = vector.broadcast %add3A_2309 : i32 to vector<16xi32>
      %add3A_2311 = arith.addi %add3A_31, %add3A_2310 : vector<16xi32>
      tpu.vector_store_idx %arg5[%add3A_2311], %mul3A_2308 : memref<20000xf32, #tpu.memory_space<vmem>>[vector<16xi32>], vector<16xf32>,
      %mul3A_2312 = arith.mulf %mul3A_2295, %get3A_152 : vector<16xf32>
      %add3A_2313 = arith.constant 509 : i32
      %add3A_2314 = vector.broadcast %add3A_2313 : i32 to vector<16xi32>
      %add3A_2315 = arith.addi %add3A_31, %add3A_2314 : vector<16xi32>
      tpu.vector_store_idx %arg5[%add3A_2315], %mul3A_2312 : memref<20000xf32, #tpu.memory_space<vmem>>[vector<16xi32>], vector<16xf32>,
      %mul3A_2316 = arith.mulf %mul3A_2273, %get3A_110 : vector<16xf32>
      %mul3A_2317 = arith.mulf %mul3A_2316, %get3A_128 : vector<16xf32>
      %add3A_2318 = arith.constant 510 : i32
      %add3A_2319 = vector.broadcast %add3A_2318 : i32 to vector<16xi32>
      %add3A_2320 = arith.addi %add3A_31, %add3A_2319 : vector<16xi32>
      tpu.vector_store_idx %arg5[%add3A_2320], %mul3A_2317 : memref<20000xf32, #tpu.memory_space<vmem>>[vector<16xi32>], vector<16xf32>,
      %mul3A_2321 = arith.mulf %mul3A_2316, %get3A_134 : vector<16xf32>
      %add3A_2322 = arith.constant 511 : i32
      %add3A_2323 = vector.broadcast %add3A_2322 : i32 to vector<16xi32>
      %add3A_2324 = arith.addi %add3A_31, %add3A_2323 : vector<16xi32>
      tpu.vector_store_idx %arg5[%add3A_2324], %mul3A_2321 : memref<20000xf32, #tpu.memory_space<vmem>>[vector<16xi32>], vector<16xf32>,
      %mul3A_2325 = arith.mulf %mul3A_2316, %get3A_140 : vector<16xf32>
      %add3A_2326 = arith.constant 512 : i32
      %add3A_2327 = vector.broadcast %add3A_2326 : i32 to vector<16xi32>
      %add3A_2328 = arith.addi %add3A_31, %add3A_2327 : vector<16xi32>
      tpu.vector_store_idx %arg5[%add3A_2328], %mul3A_2325 : memref<20000xf32, #tpu.memory_space<vmem>>[vector<16xi32>], vector<16xf32>,
      %mul3A_2329 = arith.mulf %mul3A_2316, %get3A_146 : vector<16xf32>
      %add3A_2330 = arith.constant 513 : i32
      %add3A_2331 = vector.broadcast %add3A_2330 : i32 to vector<16xi32>
      %add3A_2332 = arith.addi %add3A_31, %add3A_2331 : vector<16xi32>
      tpu.vector_store_idx %arg5[%add3A_2332], %mul3A_2329 : memref<20000xf32, #tpu.memory_space<vmem>>[vector<16xi32>], vector<16xf32>,
      %mul3A_2333 = arith.mulf %mul3A_2316, %get3A_152 : vector<16xf32>
      %add3A_2334 = arith.constant 514 : i32
      %add3A_2335 = vector.broadcast %add3A_2334 : i32 to vector<16xi32>
      %add3A_2336 = arith.addi %add3A_31, %add3A_2335 : vector<16xi32>
      tpu.vector_store_idx %arg5[%add3A_2336], %mul3A_2333 : memref<20000xf32, #tpu.memory_space<vmem>>[vector<16xi32>], vector<16xf32>,
      %mul3A_2337 = arith.mulf %mul3A_2273, %get3A_116 : vector<16xf32>
      %mul3A_2338 = arith.mulf %mul3A_2337, %get3A_128 : vector<16xf32>
      %add3A_2339 = arith.constant 515 : i32
      %add3A_2340 = vector.broadcast %add3A_2339 : i32 to vector<16xi32>
      %add3A_2341 = arith.addi %add3A_31, %add3A_2340 : vector<16xi32>
      tpu.vector_store_idx %arg5[%add3A_2341], %mul3A_2338 : memref<20000xf32, #tpu.memory_space<vmem>>[vector<16xi32>], vector<16xf32>,
      %mul3A_2342 = arith.mulf %mul3A_2337, %get3A_134 : vector<16xf32>
      %add3A_2343 = arith.constant 516 : i32
      %add3A_2344 = vector.broadcast %add3A_2343 : i32 to vector<16xi32>
      %add3A_2345 = arith.addi %add3A_31, %add3A_2344 : vector<16xi32>
      tpu.vector_store_idx %arg5[%add3A_2345], %mul3A_2342 : memref<20000xf32, #tpu.memory_space<vmem>>[vector<16xi32>], vector<16xf32>,
      %mul3A_2346 = arith.mulf %mul3A_2337, %get3A_140 : vector<16xf32>
      %add3A_2347 = arith.constant 517 : i32
      %add3A_2348 = vector.broadcast %add3A_2347 : i32 to vector<16xi32>
      %add3A_2349 = arith.addi %add3A_31, %add3A_2348 : vector<16xi32>
      tpu.vector_store_idx %arg5[%add3A_2349], %mul3A_2346 : memref<20000xf32, #tpu.memory_space<vmem>>[vector<16xi32>], vector<16xf32>,
      %mul3A_2350 = arith.mulf %mul3A_2337, %get3A_146 : vector<16xf32>
      %add3A_2351 = arith.constant 518 : i32
      %add3A_2352 = vector.broadcast %add3A_2351 : i32 to vector<16xi32>
      %add3A_2353 = arith.addi %add3A_31, %add3A_2352 : vector<16xi32>
      tpu.vector_store_idx %arg5[%add3A_2353], %mul3A_2350 : memref<20000xf32, #tpu.memory_space<vmem>>[vector<16xi32>], vector<16xf32>,
      %mul3A_2354 = arith.mulf %mul3A_2337, %get3A_152 : vector<16xf32>
      %add3A_2355 = arith.constant 519 : i32
      %add3A_2356 = vector.broadcast %add3A_2355 : i32 to vector<16xi32>
      %add3A_2357 = arith.addi %add3A_31, %add3A_2356 : vector<16xi32>
      tpu.vector_store_idx %arg5[%add3A_2357], %mul3A_2354 : memref<20000xf32, #tpu.memory_space<vmem>>[vector<16xi32>], vector<16xf32>,
      %mul3A_2358 = arith.mulf %mul3A_2273, %get3A_122 : vector<16xf32>
      %mul3A_2359 = arith.mulf %mul3A_2358, %get3A_128 : vector<16xf32>
      %add3A_2360 = arith.constant 520 : i32
      %add3A_2361 = vector.broadcast %add3A_2360 : i32 to vector<16xi32>
      %add3A_2362 = arith.addi %add3A_31, %add3A_2361 : vector<16xi32>
      tpu.vector_store_idx %arg5[%add3A_2362], %mul3A_2359 : memref<20000xf32, #tpu.memory_space<vmem>>[vector<16xi32>], vector<16xf32>,
      %mul3A_2363 = arith.mulf %mul3A_2358, %get3A_134 : vector<16xf32>
      %add3A_2364 = arith.constant 521 : i32
      %add3A_2365 = vector.broadcast %add3A_2364 : i32 to vector<16xi32>
      %add3A_2366 = arith.addi %add3A_31, %add3A_2365 : vector<16xi32>
      tpu.vector_store_idx %arg5[%add3A_2366], %mul3A_2363 : memref<20000xf32, #tpu.memory_space<vmem>>[vector<16xi32>], vector<16xf32>,
      %mul3A_2367 = arith.mulf %mul3A_2358, %get3A_140 : vector<16xf32>
      %add3A_2368 = arith.constant 522 : i32
      %add3A_2369 = vector.broadcast %add3A_2368 : i32 to vector<16xi32>
      %add3A_2370 = arith.addi %add3A_31, %add3A_2369 : vector<16xi32>
      tpu.vector_store_idx %arg5[%add3A_2370], %mul3A_2367 : memref<20000xf32, #tpu.memory_space<vmem>>[vector<16xi32>], vector<16xf32>,
      %mul3A_2371 = arith.mulf %mul3A_2358, %get3A_146 : vector<16xf32>
      %add3A_2372 = arith.constant 523 : i32
      %add3A_2373 = vector.broadcast %add3A_2372 : i32 to vector<16xi32>
      %add3A_2374 = arith.addi %add3A_31, %add3A_2373 : vector<16xi32>
      tpu.vector_store_idx %arg5[%add3A_2374], %mul3A_2371 : memref<20000xf32, #tpu.memory_space<vmem>>[vector<16xi32>], vector<16xf32>,
      %mul3A_2375 = arith.mulf %mul3A_2358, %get3A_152 : vector<16xf32>
      %add3A_2376 = arith.constant 524 : i32
      %add3A_2377 = vector.broadcast %add3A_2376 : i32 to vector<16xi32>
      %add3A_2378 = arith.addi %add3A_31, %add3A_2377 : vector<16xi32>
      tpu.vector_store_idx %arg5[%add3A_2378], %mul3A_2375 : memref<20000xf32, #tpu.memory_space<vmem>>[vector<16xi32>], vector<16xf32>,
      %mul3A_2379 = arith.mulf %get3A_62, %get3A_74 : vector<16xf32>
      %mul3A_2380 = arith.mulf %mul3A_2379, %get3A_98 : vector<16xf32>
      %mul3A_2381 = arith.mulf %mul3A_2380, %get3A_128 : vector<16xf32>
      %add3A_2382 = arith.constant 525 : i32
      %add3A_2383 = vector.broadcast %add3A_2382 : i32 to vector<16xi32>
      %add3A_2384 = arith.addi %add3A_31, %add3A_2383 : vector<16xi32>
      tpu.vector_store_idx %arg5[%add3A_2384], %mul3A_2381 : memref<20000xf32, #tpu.memory_space<vmem>>[vector<16xi32>], vector<16xf32>,
      %mul3A_2385 = arith.mulf %mul3A_2380, %get3A_134 : vector<16xf32>
      %add3A_2386 = arith.constant 526 : i32
      %add3A_2387 = vector.broadcast %add3A_2386 : i32 to vector<16xi32>
      %add3A_2388 = arith.addi %add3A_31, %add3A_2387 : vector<16xi32>
      tpu.vector_store_idx %arg5[%add3A_2388], %mul3A_2385 : memref<20000xf32, #tpu.memory_space<vmem>>[vector<16xi32>], vector<16xf32>,
      %mul3A_2389 = arith.mulf %mul3A_2380, %get3A_140 : vector<16xf32>
      %add3A_2390 = arith.constant 527 : i32
      %add3A_2391 = vector.broadcast %add3A_2390 : i32 to vector<16xi32>
      %add3A_2392 = arith.addi %add3A_31, %add3A_2391 : vector<16xi32>
      tpu.vector_store_idx %arg5[%add3A_2392], %mul3A_2389 : memref<20000xf32, #tpu.memory_space<vmem>>[vector<16xi32>], vector<16xf32>,
      %mul3A_2393 = arith.mulf %mul3A_2380, %get3A_146 : vector<16xf32>
      %add3A_2394 = arith.constant 528 : i32
      %add3A_2395 = vector.broadcast %add3A_2394 : i32 to vector<16xi32>
      %add3A_2396 = arith.addi %add3A_31, %add3A_2395 : vector<16xi32>
      tpu.vector_store_idx %arg5[%add3A_2396], %mul3A_2393 : memref<20000xf32, #tpu.memory_space<vmem>>[vector<16xi32>], vector<16xf32>,
      %mul3A_2397 = arith.mulf %mul3A_2380, %get3A_152 : vector<16xf32>
      %add3A_2398 = arith.constant 529 : i32
      %add3A_2399 = vector.broadcast %add3A_2398 : i32 to vector<16xi32>
      %add3A_2400 = arith.addi %add3A_31, %add3A_2399 : vector<16xi32>
      tpu.vector_store_idx %arg5[%add3A_2400], %mul3A_2397 : memref<20000xf32, #tpu.memory_space<vmem>>[vector<16xi32>], vector<16xf32>,
      %mul3A_2401 = arith.mulf %mul3A_2379, %get3A_104 : vector<16xf32>
      %mul3A_2402 = arith.mulf %mul3A_2401, %get3A_128 : vector<16xf32>
      %add3A_2403 = arith.constant 530 : i32
      %add3A_2404 = vector.broadcast %add3A_2403 : i32 to vector<16xi32>
      %add3A_2405 = arith.addi %add3A_31, %add3A_2404 : vector<16xi32>
      tpu.vector_store_idx %arg5[%add3A_2405], %mul3A_2402 : memref<20000xf32, #tpu.memory_space<vmem>>[vector<16xi32>], vector<16xf32>,
      %mul3A_2406 = arith.mulf %mul3A_2401, %get3A_134 : vector<16xf32>
      %add3A_2407 = arith.constant 531 : i32
      %add3A_2408 = vector.broadcast %add3A_2407 : i32 to vector<16xi32>
      %add3A_2409 = arith.addi %add3A_31, %add3A_2408 : vector<16xi32>
      tpu.vector_store_idx %arg5[%add3A_2409], %mul3A_2406 : memref<20000xf32, #tpu.memory_space<vmem>>[vector<16xi32>], vector<16xf32>,
      %mul3A_2410 = arith.mulf %mul3A_2401, %get3A_140 : vector<16xf32>
      %add3A_2411 = arith.constant 532 : i32
      %add3A_2412 = vector.broadcast %add3A_2411 : i32 to vector<16xi32>
      %add3A_2413 = arith.addi %add3A_31, %add3A_2412 : vector<16xi32>
      tpu.vector_store_idx %arg5[%add3A_2413], %mul3A_2410 : memref<20000xf32, #tpu.memory_space<vmem>>[vector<16xi32>], vector<16xf32>,
      %mul3A_2414 = arith.mulf %mul3A_2401, %get3A_146 : vector<16xf32>
      %add3A_2415 = arith.constant 533 : i32
      %add3A_2416 = vector.broadcast %add3A_2415 : i32 to vector<16xi32>
      %add3A_2417 = arith.addi %add3A_31, %add3A_2416 : vector<16xi32>
      tpu.vector_store_idx %arg5[%add3A_2417], %mul3A_2414 : memref<20000xf32, #tpu.memory_space<vmem>>[vector<16xi32>], vector<16xf32>,
      %mul3A_2418 = arith.mulf %mul3A_2401, %get3A_152 : vector<16xf32>
      %add3A_2419 = arith.constant 534 : i32
      %add3A_2420 = vector.broadcast %add3A_2419 : i32 to vector<16xi32>
      %add3A_2421 = arith.addi %add3A_31, %add3A_2420 : vector<16xi32>
      tpu.vector_store_idx %arg5[%add3A_2421], %mul3A_2418 : memref<20000xf32, #tpu.memory_space<vmem>>[vector<16xi32>], vector<16xf32>,
      %mul3A_2422 = arith.mulf %mul3A_2379, %get3A_110 : vector<16xf32>
      %mul3A_2423 = arith.mulf %mul3A_2422, %get3A_128 : vector<16xf32>
      %add3A_2424 = arith.constant 535 : i32
      %add3A_2425 = vector.broadcast %add3A_2424 : i32 to vector<16xi32>
      %add3A_2426 = arith.addi %add3A_31, %add3A_2425 : vector<16xi32>
      tpu.vector_store_idx %arg5[%add3A_2426], %mul3A_2423 : memref<20000xf32, #tpu.memory_space<vmem>>[vector<16xi32>], vector<16xf32>,
      %mul3A_2427 = arith.mulf %mul3A_2422, %get3A_134 : vector<16xf32>
      %add3A_2428 = arith.constant 536 : i32
      %add3A_2429 = vector.broadcast %add3A_2428 : i32 to vector<16xi32>
      %add3A_2430 = arith.addi %add3A_31, %add3A_2429 : vector<16xi32>
      tpu.vector_store_idx %arg5[%add3A_2430], %mul3A_2427 : memref<20000xf32, #tpu.memory_space<vmem>>[vector<16xi32>], vector<16xf32>,
      %mul3A_2431 = arith.mulf %mul3A_2422, %get3A_140 : vector<16xf32>
      %add3A_2432 = arith.constant 537 : i32
      %add3A_2433 = vector.broadcast %add3A_2432 : i32 to vector<16xi32>
      %add3A_2434 = arith.addi %add3A_31, %add3A_2433 : vector<16xi32>
      tpu.vector_store_idx %arg5[%add3A_2434], %mul3A_2431 : memref<20000xf32, #tpu.memory_space<vmem>>[vector<16xi32>], vector<16xf32>,
      %mul3A_2435 = arith.mulf %mul3A_2422, %get3A_146 : vector<16xf32>
      %add3A_2436 = arith.constant 538 : i32
      %add3A_2437 = vector.broadcast %add3A_2436 : i32 to vector<16xi32>
      %add3A_2438 = arith.addi %add3A_31, %add3A_2437 : vector<16xi32>
      tpu.vector_store_idx %arg5[%add3A_2438], %mul3A_2435 : memref<20000xf32, #tpu.memory_space<vmem>>[vector<16xi32>], vector<16xf32>,
      %mul3A_2439 = arith.mulf %mul3A_2422, %get3A_152 : vector<16xf32>
      %add3A_2440 = arith.constant 539 : i32
      %add3A_2441 = vector.broadcast %add3A_2440 : i32 to vector<16xi32>
      %add3A_2442 = arith.addi %add3A_31, %add3A_2441 : vector<16xi32>
      tpu.vector_store_idx %arg5[%add3A_2442], %mul3A_2439 : memref<20000xf32, #tpu.memory_space<vmem>>[vector<16xi32>], vector<16xf32>,
      %mul3A_2443 = arith.mulf %mul3A_2379, %get3A_116 : vector<16xf32>
      %mul3A_2444 = arith.mulf %mul3A_2443, %get3A_128 : vector<16xf32>
      %add3A_2445 = arith.constant 540 : i32
      %add3A_2446 = vector.broadcast %add3A_2445 : i32 to vector<16xi32>
      %add3A_2447 = arith.addi %add3A_31, %add3A_2446 : vector<16xi32>
      tpu.vector_store_idx %arg5[%add3A_2447], %mul3A_2444 : memref<20000xf32, #tpu.memory_space<vmem>>[vector<16xi32>], vector<16xf32>,
      %mul3A_2448 = arith.mulf %mul3A_2443, %get3A_134 : vector<16xf32>
      %add3A_2449 = arith.constant 541 : i32
      %add3A_2450 = vector.broadcast %add3A_2449 : i32 to vector<16xi32>
      %add3A_2451 = arith.addi %add3A_31, %add3A_2450 : vector<16xi32>
      tpu.vector_store_idx %arg5[%add3A_2451], %mul3A_2448 : memref<20000xf32, #tpu.memory_space<vmem>>[vector<16xi32>], vector<16xf32>,
      %mul3A_2452 = arith.mulf %mul3A_2443, %get3A_140 : vector<16xf32>
      %add3A_2453 = arith.constant 542 : i32
      %add3A_2454 = vector.broadcast %add3A_2453 : i32 to vector<16xi32>
      %add3A_2455 = arith.addi %add3A_31, %add3A_2454 : vector<16xi32>
      tpu.vector_store_idx %arg5[%add3A_2455], %mul3A_2452 : memref<20000xf32, #tpu.memory_space<vmem>>[vector<16xi32>], vector<16xf32>,
      %mul3A_2456 = arith.mulf %mul3A_2443, %get3A_146 : vector<16xf32>
      %add3A_2457 = arith.constant 543 : i32
      %add3A_2458 = vector.broadcast %add3A_2457 : i32 to vector<16xi32>
      %add3A_2459 = arith.addi %add3A_31, %add3A_2458 : vector<16xi32>
      tpu.vector_store_idx %arg5[%add3A_2459], %mul3A_2456 : memref<20000xf32, #tpu.memory_space<vmem>>[vector<16xi32>], vector<16xf32>,
      %mul3A_2460 = arith.mulf %mul3A_2443, %get3A_152 : vector<16xf32>
      %add3A_2461 = arith.constant 544 : i32
      %add3A_2462 = vector.broadcast %add3A_2461 : i32 to vector<16xi32>
      %add3A_2463 = arith.addi %add3A_31, %add3A_2462 : vector<16xi32>
      tpu.vector_store_idx %arg5[%add3A_2463], %mul3A_2460 : memref<20000xf32, #tpu.memory_space<vmem>>[vector<16xi32>], vector<16xf32>,
      %mul3A_2464 = arith.mulf %mul3A_2379, %get3A_122 : vector<16xf32>
      %mul3A_2465 = arith.mulf %mul3A_2464, %get3A_128 : vector<16xf32>
      %add3A_2466 = arith.constant 545 : i32
      %add3A_2467 = vector.broadcast %add3A_2466 : i32 to vector<16xi32>
      %add3A_2468 = arith.addi %add3A_31, %add3A_2467 : vector<16xi32>
      tpu.vector_store_idx %arg5[%add3A_2468], %mul3A_2465 : memref<20000xf32, #tpu.memory_space<vmem>>[vector<16xi32>], vector<16xf32>,
      %mul3A_2469 = arith.mulf %mul3A_2464, %get3A_134 : vector<16xf32>
      %add3A_2470 = arith.constant 546 : i32
      %add3A_2471 = vector.broadcast %add3A_2470 : i32 to vector<16xi32>
      %add3A_2472 = arith.addi %add3A_31, %add3A_2471 : vector<16xi32>
      tpu.vector_store_idx %arg5[%add3A_2472], %mul3A_2469 : memref<20000xf32, #tpu.memory_space<vmem>>[vector<16xi32>], vector<16xf32>,
      %mul3A_2473 = arith.mulf %mul3A_2464, %get3A_140 : vector<16xf32>
      %add3A_2474 = arith.constant 547 : i32
      %add3A_2475 = vector.broadcast %add3A_2474 : i32 to vector<16xi32>
      %add3A_2476 = arith.addi %add3A_31, %add3A_2475 : vector<16xi32>
      tpu.vector_store_idx %arg5[%add3A_2476], %mul3A_2473 : memref<20000xf32, #tpu.memory_space<vmem>>[vector<16xi32>], vector<16xf32>,
      %mul3A_2477 = arith.mulf %mul3A_2464, %get3A_146 : vector<16xf32>
      %add3A_2478 = arith.constant 548 : i32
      %add3A_2479 = vector.broadcast %add3A_2478 : i32 to vector<16xi32>
      %add3A_2480 = arith.addi %add3A_31, %add3A_2479 : vector<16xi32>
      tpu.vector_store_idx %arg5[%add3A_2480], %mul3A_2477 : memref<20000xf32, #tpu.memory_space<vmem>>[vector<16xi32>], vector<16xf32>,
      %mul3A_2481 = arith.mulf %mul3A_2464, %get3A_152 : vector<16xf32>
      %add3A_2482 = arith.constant 549 : i32
      %add3A_2483 = vector.broadcast %add3A_2482 : i32 to vector<16xi32>
      %add3A_2484 = arith.addi %add3A_31, %add3A_2483 : vector<16xi32>
      tpu.vector_store_idx %arg5[%add3A_2484], %mul3A_2481 : memref<20000xf32, #tpu.memory_space<vmem>>[vector<16xi32>], vector<16xf32>,
      %mul3A_2485 = arith.mulf %get3A_62, %get3A_80 : vector<16xf32>
      %mul3A_2486 = arith.mulf %mul3A_2485, %get3A_98 : vector<16xf32>
      %mul3A_2487 = arith.mulf %mul3A_2486, %get3A_128 : vector<16xf32>
      %add3A_2488 = arith.constant 550 : i32
      %add3A_2489 = vector.broadcast %add3A_2488 : i32 to vector<16xi32>
      %add3A_2490 = arith.addi %add3A_31, %add3A_2489 : vector<16xi32>
      tpu.vector_store_idx %arg5[%add3A_2490], %mul3A_2487 : memref<20000xf32, #tpu.memory_space<vmem>>[vector<16xi32>], vector<16xf32>,
      %mul3A_2491 = arith.mulf %mul3A_2486, %get3A_134 : vector<16xf32>
      %add3A_2492 = arith.constant 551 : i32
      %add3A_2493 = vector.broadcast %add3A_2492 : i32 to vector<16xi32>
      %add3A_2494 = arith.addi %add3A_31, %add3A_2493 : vector<16xi32>
      tpu.vector_store_idx %arg5[%add3A_2494], %mul3A_2491 : memref<20000xf32, #tpu.memory_space<vmem>>[vector<16xi32>], vector<16xf32>,
      %mul3A_2495 = arith.mulf %mul3A_2486, %get3A_140 : vector<16xf32>
      %add3A_2496 = arith.constant 552 : i32
      %add3A_2497 = vector.broadcast %add3A_2496 : i32 to vector<16xi32>
      %add3A_2498 = arith.addi %add3A_31, %add3A_2497 : vector<16xi32>
      tpu.vector_store_idx %arg5[%add3A_2498], %mul3A_2495 : memref<20000xf32, #tpu.memory_space<vmem>>[vector<16xi32>], vector<16xf32>,
      %mul3A_2499 = arith.mulf %mul3A_2486, %get3A_146 : vector<16xf32>
      %add3A_2500 = arith.constant 553 : i32
      %add3A_2501 = vector.broadcast %add3A_2500 : i32 to vector<16xi32>
      %add3A_2502 = arith.addi %add3A_31, %add3A_2501 : vector<16xi32>
      tpu.vector_store_idx %arg5[%add3A_2502], %mul3A_2499 : memref<20000xf32, #tpu.memory_space<vmem>>[vector<16xi32>], vector<16xf32>,
      %mul3A_2503 = arith.mulf %mul3A_2486, %get3A_152 : vector<16xf32>
      %add3A_2504 = arith.constant 554 : i32
      %add3A_2505 = vector.broadcast %add3A_2504 : i32 to vector<16xi32>
      %add3A_2506 = arith.addi %add3A_31, %add3A_2505 : vector<16xi32>
      tpu.vector_store_idx %arg5[%add3A_2506], %mul3A_2503 : memref<20000xf32, #tpu.memory_space<vmem>>[vector<16xi32>], vector<16xf32>,
      %mul3A_2507 = arith.mulf %mul3A_2485, %get3A_104 : vector<16xf32>
      %mul3A_2508 = arith.mulf %mul3A_2507, %get3A_128 : vector<16xf32>
      %add3A_2509 = arith.constant 555 : i32
      %add3A_2510 = vector.broadcast %add3A_2509 : i32 to vector<16xi32>
      %add3A_2511 = arith.addi %add3A_31, %add3A_2510 : vector<16xi32>
      tpu.vector_store_idx %arg5[%add3A_2511], %mul3A_2508 : memref<20000xf32, #tpu.memory_space<vmem>>[vector<16xi32>], vector<16xf32>,
      %mul3A_2512 = arith.mulf %mul3A_2507, %get3A_134 : vector<16xf32>
      %add3A_2513 = arith.constant 556 : i32
      %add3A_2514 = vector.broadcast %add3A_2513 : i32 to vector<16xi32>
      %add3A_2515 = arith.addi %add3A_31, %add3A_2514 : vector<16xi32>
      tpu.vector_store_idx %arg5[%add3A_2515], %mul3A_2512 : memref<20000xf32, #tpu.memory_space<vmem>>[vector<16xi32>], vector<16xf32>,
      %mul3A_2516 = arith.mulf %mul3A_2507, %get3A_140 : vector<16xf32>
      %add3A_2517 = arith.constant 557 : i32
      %add3A_2518 = vector.broadcast %add3A_2517 : i32 to vector<16xi32>
      %add3A_2519 = arith.addi %add3A_31, %add3A_2518 : vector<16xi32>
      tpu.vector_store_idx %arg5[%add3A_2519], %mul3A_2516 : memref<20000xf32, #tpu.memory_space<vmem>>[vector<16xi32>], vector<16xf32>,
      %mul3A_2520 = arith.mulf %mul3A_2507, %get3A_146 : vector<16xf32>
      %add3A_2521 = arith.constant 558 : i32
      %add3A_2522 = vector.broadcast %add3A_2521 : i32 to vector<16xi32>
      %add3A_2523 = arith.addi %add3A_31, %add3A_2522 : vector<16xi32>
      tpu.vector_store_idx %arg5[%add3A_2523], %mul3A_2520 : memref<20000xf32, #tpu.memory_space<vmem>>[vector<16xi32>], vector<16xf32>,
      %mul3A_2524 = arith.mulf %mul3A_2507, %get3A_152 : vector<16xf32>
      %add3A_2525 = arith.constant 559 : i32
      %add3A_2526 = vector.broadcast %add3A_2525 : i32 to vector<16xi32>
      %add3A_2527 = arith.addi %add3A_31, %add3A_2526 : vector<16xi32>
      tpu.vector_store_idx %arg5[%add3A_2527], %mul3A_2524 : memref<20000xf32, #tpu.memory_space<vmem>>[vector<16xi32>], vector<16xf32>,
      %mul3A_2528 = arith.mulf %mul3A_2485, %get3A_110 : vector<16xf32>
      %mul3A_2529 = arith.mulf %mul3A_2528, %get3A_128 : vector<16xf32>
      %add3A_2530 = arith.constant 560 : i32
      %add3A_2531 = vector.broadcast %add3A_2530 : i32 to vector<16xi32>
      %add3A_2532 = arith.addi %add3A_31, %add3A_2531 : vector<16xi32>
      tpu.vector_store_idx %arg5[%add3A_2532], %mul3A_2529 : memref<20000xf32, #tpu.memory_space<vmem>>[vector<16xi32>], vector<16xf32>,
      %mul3A_2533 = arith.mulf %mul3A_2528, %get3A_134 : vector<16xf32>
      %add3A_2534 = arith.constant 561 : i32
      %add3A_2535 = vector.broadcast %add3A_2534 : i32 to vector<16xi32>
      %add3A_2536 = arith.addi %add3A_31, %add3A_2535 : vector<16xi32>
      tpu.vector_store_idx %arg5[%add3A_2536], %mul3A_2533 : memref<20000xf32, #tpu.memory_space<vmem>>[vector<16xi32>], vector<16xf32>,
      %mul3A_2537 = arith.mulf %mul3A_2528, %get3A_140 : vector<16xf32>
      %add3A_2538 = arith.constant 562 : i32
      %add3A_2539 = vector.broadcast %add3A_2538 : i32 to vector<16xi32>
      %add3A_2540 = arith.addi %add3A_31, %add3A_2539 : vector<16xi32>
      tpu.vector_store_idx %arg5[%add3A_2540], %mul3A_2537 : memref<20000xf32, #tpu.memory_space<vmem>>[vector<16xi32>], vector<16xf32>,
      %mul3A_2541 = arith.mulf %mul3A_2528, %get3A_146 : vector<16xf32>
      %add3A_2542 = arith.constant 563 : i32
      %add3A_2543 = vector.broadcast %add3A_2542 : i32 to vector<16xi32>
      %add3A_2544 = arith.addi %add3A_31, %add3A_2543 : vector<16xi32>
      tpu.vector_store_idx %arg5[%add3A_2544], %mul3A_2541 : memref<20000xf32, #tpu.memory_space<vmem>>[vector<16xi32>], vector<16xf32>,
      %mul3A_2545 = arith.mulf %mul3A_2528, %get3A_152 : vector<16xf32>
      %add3A_2546 = arith.constant 564 : i32
      %add3A_2547 = vector.broadcast %add3A_2546 : i32 to vector<16xi32>
      %add3A_2548 = arith.addi %add3A_31, %add3A_2547 : vector<16xi32>
      tpu.vector_store_idx %arg5[%add3A_2548], %mul3A_2545 : memref<20000xf32, #tpu.memory_space<vmem>>[vector<16xi32>], vector<16xf32>,
      %mul3A_2549 = arith.mulf %mul3A_2485, %get3A_116 : vector<16xf32>
      %mul3A_2550 = arith.mulf %mul3A_2549, %get3A_128 : vector<16xf32>
      %add3A_2551 = arith.constant 565 : i32
      %add3A_2552 = vector.broadcast %add3A_2551 : i32 to vector<16xi32>
      %add3A_2553 = arith.addi %add3A_31, %add3A_2552 : vector<16xi32>
      tpu.vector_store_idx %arg5[%add3A_2553], %mul3A_2550 : memref<20000xf32, #tpu.memory_space<vmem>>[vector<16xi32>], vector<16xf32>,
      %mul3A_2554 = arith.mulf %mul3A_2549, %get3A_134 : vector<16xf32>
      %add3A_2555 = arith.constant 566 : i32
      %add3A_2556 = vector.broadcast %add3A_2555 : i32 to vector<16xi32>
      %add3A_2557 = arith.addi %add3A_31, %add3A_2556 : vector<16xi32>
      tpu.vector_store_idx %arg5[%add3A_2557], %mul3A_2554 : memref<20000xf32, #tpu.memory_space<vmem>>[vector<16xi32>], vector<16xf32>,
      %mul3A_2558 = arith.mulf %mul3A_2549, %get3A_140 : vector<16xf32>
      %add3A_2559 = arith.constant 567 : i32
      %add3A_2560 = vector.broadcast %add3A_2559 : i32 to vector<16xi32>
      %add3A_2561 = arith.addi %add3A_31, %add3A_2560 : vector<16xi32>
      tpu.vector_store_idx %arg5[%add3A_2561], %mul3A_2558 : memref<20000xf32, #tpu.memory_space<vmem>>[vector<16xi32>], vector<16xf32>,
      %mul3A_2562 = arith.mulf %mul3A_2549, %get3A_146 : vector<16xf32>
      %add3A_2563 = arith.constant 568 : i32
      %add3A_2564 = vector.broadcast %add3A_2563 : i32 to vector<16xi32>
      %add3A_2565 = arith.addi %add3A_31, %add3A_2564 : vector<16xi32>
      tpu.vector_store_idx %arg5[%add3A_2565], %mul3A_2562 : memref<20000xf32, #tpu.memory_space<vmem>>[vector<16xi32>], vector<16xf32>,
      %mul3A_2566 = arith.mulf %mul3A_2549, %get3A_152 : vector<16xf32>
      %add3A_2567 = arith.constant 569 : i32
      %add3A_2568 = vector.broadcast %add3A_2567 : i32 to vector<16xi32>
      %add3A_2569 = arith.addi %add3A_31, %add3A_2568 : vector<16xi32>
      tpu.vector_store_idx %arg5[%add3A_2569], %mul3A_2566 : memref<20000xf32, #tpu.memory_space<vmem>>[vector<16xi32>], vector<16xf32>,
      %mul3A_2570 = arith.mulf %mul3A_2485, %get3A_122 : vector<16xf32>
      %mul3A_2571 = arith.mulf %mul3A_2570, %get3A_128 : vector<16xf32>
      %add3A_2572 = arith.constant 570 : i32
      %add3A_2573 = vector.broadcast %add3A_2572 : i32 to vector<16xi32>
      %add3A_2574 = arith.addi %add3A_31, %add3A_2573 : vector<16xi32>
      tpu.vector_store_idx %arg5[%add3A_2574], %mul3A_2571 : memref<20000xf32, #tpu.memory_space<vmem>>[vector<16xi32>], vector<16xf32>,
      %mul3A_2575 = arith.mulf %mul3A_2570, %get3A_134 : vector<16xf32>
      %add3A_2576 = arith.constant 571 : i32
      %add3A_2577 = vector.broadcast %add3A_2576 : i32 to vector<16xi32>
      %add3A_2578 = arith.addi %add3A_31, %add3A_2577 : vector<16xi32>
      tpu.vector_store_idx %arg5[%add3A_2578], %mul3A_2575 : memref<20000xf32, #tpu.memory_space<vmem>>[vector<16xi32>], vector<16xf32>,
      %mul3A_2579 = arith.mulf %mul3A_2570, %get3A_140 : vector<16xf32>
      %add3A_2580 = arith.constant 572 : i32
      %add3A_2581 = vector.broadcast %add3A_2580 : i32 to vector<16xi32>
      %add3A_2582 = arith.addi %add3A_31, %add3A_2581 : vector<16xi32>
      tpu.vector_store_idx %arg5[%add3A_2582], %mul3A_2579 : memref<20000xf32, #tpu.memory_space<vmem>>[vector<16xi32>], vector<16xf32>,
      %mul3A_2583 = arith.mulf %mul3A_2570, %get3A_146 : vector<16xf32>
      %add3A_2584 = arith.constant 573 : i32
      %add3A_2585 = vector.broadcast %add3A_2584 : i32 to vector<16xi32>
      %add3A_2586 = arith.addi %add3A_31, %add3A_2585 : vector<16xi32>
      tpu.vector_store_idx %arg5[%add3A_2586], %mul3A_2583 : memref<20000xf32, #tpu.memory_space<vmem>>[vector<16xi32>], vector<16xf32>,
      %mul3A_2587 = arith.mulf %mul3A_2570, %get3A_152 : vector<16xf32>
      %add3A_2588 = arith.constant 574 : i32
      %add3A_2589 = vector.broadcast %add3A_2588 : i32 to vector<16xi32>
      %add3A_2590 = arith.addi %add3A_31, %add3A_2589 : vector<16xi32>
      tpu.vector_store_idx %arg5[%add3A_2590], %mul3A_2587 : memref<20000xf32, #tpu.memory_space<vmem>>[vector<16xi32>], vector<16xf32>,
      %mul3A_2591 = arith.mulf %get3A_62, %get3A_86 : vector<16xf32>
      %mul3A_2592 = arith.mulf %mul3A_2591, %get3A_98 : vector<16xf32>
      %mul3A_2593 = arith.mulf %mul3A_2592, %get3A_128 : vector<16xf32>
      %add3A_2594 = arith.constant 575 : i32
      %add3A_2595 = vector.broadcast %add3A_2594 : i32 to vector<16xi32>
      %add3A_2596 = arith.addi %add3A_31, %add3A_2595 : vector<16xi32>
      tpu.vector_store_idx %arg5[%add3A_2596], %mul3A_2593 : memref<20000xf32, #tpu.memory_space<vmem>>[vector<16xi32>], vector<16xf32>,
      %mul3A_2597 = arith.mulf %mul3A_2592, %get3A_134 : vector<16xf32>
      %add3A_2598 = arith.constant 576 : i32
      %add3A_2599 = vector.broadcast %add3A_2598 : i32 to vector<16xi32>
      %add3A_2600 = arith.addi %add3A_31, %add3A_2599 : vector<16xi32>
      tpu.vector_store_idx %arg5[%add3A_2600], %mul3A_2597 : memref<20000xf32, #tpu.memory_space<vmem>>[vector<16xi32>], vector<16xf32>,
      %mul3A_2601 = arith.mulf %mul3A_2592, %get3A_140 : vector<16xf32>
      %add3A_2602 = arith.constant 577 : i32
      %add3A_2603 = vector.broadcast %add3A_2602 : i32 to vector<16xi32>
      %add3A_2604 = arith.addi %add3A_31, %add3A_2603 : vector<16xi32>
      tpu.vector_store_idx %arg5[%add3A_2604], %mul3A_2601 : memref<20000xf32, #tpu.memory_space<vmem>>[vector<16xi32>], vector<16xf32>,
      %mul3A_2605 = arith.mulf %mul3A_2592, %get3A_146 : vector<16xf32>
      %add3A_2606 = arith.constant 578 : i32
      %add3A_2607 = vector.broadcast %add3A_2606 : i32 to vector<16xi32>
      %add3A_2608 = arith.addi %add3A_31, %add3A_2607 : vector<16xi32>
      tpu.vector_store_idx %arg5[%add3A_2608], %mul3A_2605 : memref<20000xf32, #tpu.memory_space<vmem>>[vector<16xi32>], vector<16xf32>,
      %mul3A_2609 = arith.mulf %mul3A_2592, %get3A_152 : vector<16xf32>
      %add3A_2610 = arith.constant 579 : i32
      %add3A_2611 = vector.broadcast %add3A_2610 : i32 to vector<16xi32>
      %add3A_2612 = arith.addi %add3A_31, %add3A_2611 : vector<16xi32>
      tpu.vector_store_idx %arg5[%add3A_2612], %mul3A_2609 : memref<20000xf32, #tpu.memory_space<vmem>>[vector<16xi32>], vector<16xf32>,
      %mul3A_2613 = arith.mulf %mul3A_2591, %get3A_104 : vector<16xf32>
      %mul3A_2614 = arith.mulf %mul3A_2613, %get3A_128 : vector<16xf32>
      %add3A_2615 = arith.constant 580 : i32
      %add3A_2616 = vector.broadcast %add3A_2615 : i32 to vector<16xi32>
      %add3A_2617 = arith.addi %add3A_31, %add3A_2616 : vector<16xi32>
      tpu.vector_store_idx %arg5[%add3A_2617], %mul3A_2614 : memref<20000xf32, #tpu.memory_space<vmem>>[vector<16xi32>], vector<16xf32>,
      %mul3A_2618 = arith.mulf %mul3A_2613, %get3A_134 : vector<16xf32>
      %add3A_2619 = arith.constant 581 : i32
      %add3A_2620 = vector.broadcast %add3A_2619 : i32 to vector<16xi32>
      %add3A_2621 = arith.addi %add3A_31, %add3A_2620 : vector<16xi32>
      tpu.vector_store_idx %arg5[%add3A_2621], %mul3A_2618 : memref<20000xf32, #tpu.memory_space<vmem>>[vector<16xi32>], vector<16xf32>,
      %mul3A_2622 = arith.mulf %mul3A_2613, %get3A_140 : vector<16xf32>
      %add3A_2623 = arith.constant 582 : i32
      %add3A_2624 = vector.broadcast %add3A_2623 : i32 to vector<16xi32>
      %add3A_2625 = arith.addi %add3A_31, %add3A_2624 : vector<16xi32>
      tpu.vector_store_idx %arg5[%add3A_2625], %mul3A_2622 : memref<20000xf32, #tpu.memory_space<vmem>>[vector<16xi32>], vector<16xf32>,
      %mul3A_2626 = arith.mulf %mul3A_2613, %get3A_146 : vector<16xf32>
      %add3A_2627 = arith.constant 583 : i32
      %add3A_2628 = vector.broadcast %add3A_2627 : i32 to vector<16xi32>
      %add3A_2629 = arith.addi %add3A_31, %add3A_2628 : vector<16xi32>
      tpu.vector_store_idx %arg5[%add3A_2629], %mul3A_2626 : memref<20000xf32, #tpu.memory_space<vmem>>[vector<16xi32>], vector<16xf32>,
      %mul3A_2630 = arith.mulf %mul3A_2613, %get3A_152 : vector<16xf32>
      %add3A_2631 = arith.constant 584 : i32
      %add3A_2632 = vector.broadcast %add3A_2631 : i32 to vector<16xi32>
      %add3A_2633 = arith.addi %add3A_31, %add3A_2632 : vector<16xi32>
      tpu.vector_store_idx %arg5[%add3A_2633], %mul3A_2630 : memref<20000xf32, #tpu.memory_space<vmem>>[vector<16xi32>], vector<16xf32>,
      %mul3A_2634 = arith.mulf %mul3A_2591, %get3A_110 : vector<16xf32>
      %mul3A_2635 = arith.mulf %mul3A_2634, %get3A_128 : vector<16xf32>
      %add3A_2636 = arith.constant 585 : i32
      %add3A_2637 = vector.broadcast %add3A_2636 : i32 to vector<16xi32>
      %add3A_2638 = arith.addi %add3A_31, %add3A_2637 : vector<16xi32>
      tpu.vector_store_idx %arg5[%add3A_2638], %mul3A_2635 : memref<20000xf32, #tpu.memory_space<vmem>>[vector<16xi32>], vector<16xf32>,
      %mul3A_2639 = arith.mulf %mul3A_2634, %get3A_134 : vector<16xf32>
      %add3A_2640 = arith.constant 586 : i32
      %add3A_2641 = vector.broadcast %add3A_2640 : i32 to vector<16xi32>
      %add3A_2642 = arith.addi %add3A_31, %add3A_2641 : vector<16xi32>
      tpu.vector_store_idx %arg5[%add3A_2642], %mul3A_2639 : memref<20000xf32, #tpu.memory_space<vmem>>[vector<16xi32>], vector<16xf32>,
      %mul3A_2643 = arith.mulf %mul3A_2634, %get3A_140 : vector<16xf32>
      %add3A_2644 = arith.constant 587 : i32
      %add3A_2645 = vector.broadcast %add3A_2644 : i32 to vector<16xi32>
      %add3A_2646 = arith.addi %add3A_31, %add3A_2645 : vector<16xi32>
      tpu.vector_store_idx %arg5[%add3A_2646], %mul3A_2643 : memref<20000xf32, #tpu.memory_space<vmem>>[vector<16xi32>], vector<16xf32>,
      %mul3A_2647 = arith.mulf %mul3A_2634, %get3A_146 : vector<16xf32>
      %add3A_2648 = arith.constant 588 : i32
      %add3A_2649 = vector.broadcast %add3A_2648 : i32 to vector<16xi32>
      %add3A_2650 = arith.addi %add3A_31, %add3A_2649 : vector<16xi32>
      tpu.vector_store_idx %arg5[%add3A_2650], %mul3A_2647 : memref<20000xf32, #tpu.memory_space<vmem>>[vector<16xi32>], vector<16xf32>,
      %mul3A_2651 = arith.mulf %mul3A_2634, %get3A_152 : vector<16xf32>
      %add3A_2652 = arith.constant 589 : i32
      %add3A_2653 = vector.broadcast %add3A_2652 : i32 to vector<16xi32>
      %add3A_2654 = arith.addi %add3A_31, %add3A_2653 : vector<16xi32>
      tpu.vector_store_idx %arg5[%add3A_2654], %mul3A_2651 : memref<20000xf32, #tpu.memory_space<vmem>>[vector<16xi32>], vector<16xf32>,
      %mul3A_2655 = arith.mulf %mul3A_2591, %get3A_116 : vector<16xf32>
      %mul3A_2656 = arith.mulf %mul3A_2655, %get3A_128 : vector<16xf32>
      %add3A_2657 = arith.constant 590 : i32
      %add3A_2658 = vector.broadcast %add3A_2657 : i32 to vector<16xi32>
      %add3A_2659 = arith.addi %add3A_31, %add3A_2658 : vector<16xi32>
      tpu.vector_store_idx %arg5[%add3A_2659], %mul3A_2656 : memref<20000xf32, #tpu.memory_space<vmem>>[vector<16xi32>], vector<16xf32>,
      %mul3A_2660 = arith.mulf %mul3A_2655, %get3A_134 : vector<16xf32>
      %add3A_2661 = arith.constant 591 : i32
      %add3A_2662 = vector.broadcast %add3A_2661 : i32 to vector<16xi32>
      %add3A_2663 = arith.addi %add3A_31, %add3A_2662 : vector<16xi32>
      tpu.vector_store_idx %arg5[%add3A_2663], %mul3A_2660 : memref<20000xf32, #tpu.memory_space<vmem>>[vector<16xi32>], vector<16xf32>,
      %mul3A_2664 = arith.mulf %mul3A_2655, %get3A_140 : vector<16xf32>
      %add3A_2665 = arith.constant 592 : i32
      %add3A_2666 = vector.broadcast %add3A_2665 : i32 to vector<16xi32>
      %add3A_2667 = arith.addi %add3A_31, %add3A_2666 : vector<16xi32>
      tpu.vector_store_idx %arg5[%add3A_2667], %mul3A_2664 : memref<20000xf32, #tpu.memory_space<vmem>>[vector<16xi32>], vector<16xf32>,
      %mul3A_2668 = arith.mulf %mul3A_2655, %get3A_146 : vector<16xf32>
      %add3A_2669 = arith.constant 593 : i32
      %add3A_2670 = vector.broadcast %add3A_2669 : i32 to vector<16xi32>
      %add3A_2671 = arith.addi %add3A_31, %add3A_2670 : vector<16xi32>
      tpu.vector_store_idx %arg5[%add3A_2671], %mul3A_2668 : memref<20000xf32, #tpu.memory_space<vmem>>[vector<16xi32>], vector<16xf32>,
      %mul3A_2672 = arith.mulf %mul3A_2655, %get3A_152 : vector<16xf32>
      %add3A_2673 = arith.constant 594 : i32
      %add3A_2674 = vector.broadcast %add3A_2673 : i32 to vector<16xi32>
      %add3A_2675 = arith.addi %add3A_31, %add3A_2674 : vector<16xi32>
      tpu.vector_store_idx %arg5[%add3A_2675], %mul3A_2672 : memref<20000xf32, #tpu.memory_space<vmem>>[vector<16xi32>], vector<16xf32>,
      %mul3A_2676 = arith.mulf %mul3A_2591, %get3A_122 : vector<16xf32>
      %mul3A_2677 = arith.mulf %mul3A_2676, %get3A_128 : vector<16xf32>
      %add3A_2678 = arith.constant 595 : i32
      %add3A_2679 = vector.broadcast %add3A_2678 : i32 to vector<16xi32>
      %add3A_2680 = arith.addi %add3A_31, %add3A_2679 : vector<16xi32>
      tpu.vector_store_idx %arg5[%add3A_2680], %mul3A_2677 : memref<20000xf32, #tpu.memory_space<vmem>>[vector<16xi32>], vector<16xf32>,
      %mul3A_2681 = arith.mulf %mul3A_2676, %get3A_134 : vector<16xf32>
      %add3A_2682 = arith.constant 596 : i32
      %add3A_2683 = vector.broadcast %add3A_2682 : i32 to vector<16xi32>
      %add3A_2684 = arith.addi %add3A_31, %add3A_2683 : vector<16xi32>
      tpu.vector_store_idx %arg5[%add3A_2684], %mul3A_2681 : memref<20000xf32, #tpu.memory_space<vmem>>[vector<16xi32>], vector<16xf32>,
      %mul3A_2685 = arith.mulf %mul3A_2676, %get3A_140 : vector<16xf32>
      %add3A_2686 = arith.constant 597 : i32
      %add3A_2687 = vector.broadcast %add3A_2686 : i32 to vector<16xi32>
      %add3A_2688 = arith.addi %add3A_31, %add3A_2687 : vector<16xi32>
      tpu.vector_store_idx %arg5[%add3A_2688], %mul3A_2685 : memref<20000xf32, #tpu.memory_space<vmem>>[vector<16xi32>], vector<16xf32>,
      %mul3A_2689 = arith.mulf %mul3A_2676, %get3A_146 : vector<16xf32>
      %add3A_2690 = arith.constant 598 : i32
      %add3A_2691 = vector.broadcast %add3A_2690 : i32 to vector<16xi32>
      %add3A_2692 = arith.addi %add3A_31, %add3A_2691 : vector<16xi32>
      tpu.vector_store_idx %arg5[%add3A_2692], %mul3A_2689 : memref<20000xf32, #tpu.memory_space<vmem>>[vector<16xi32>], vector<16xf32>,
      %mul3A_2693 = arith.mulf %mul3A_2676, %get3A_152 : vector<16xf32>
      %add3A_2694 = arith.constant 599 : i32
      %add3A_2695 = vector.broadcast %add3A_2694 : i32 to vector<16xi32>
      %add3A_2696 = arith.addi %add3A_31, %add3A_2695 : vector<16xi32>
      tpu.vector_store_idx %arg5[%add3A_2696], %mul3A_2693 : memref<20000xf32, #tpu.memory_space<vmem>>[vector<16xi32>], vector<16xf32>,
      %mul3A_2697 = arith.mulf %get3A_62, %get3A_92 : vector<16xf32>
      %mul3A_2698 = arith.mulf %mul3A_2697, %get3A_98 : vector<16xf32>
      %mul3A_2699 = arith.mulf %mul3A_2698, %get3A_128 : vector<16xf32>
      %add3A_2700 = arith.constant 600 : i32
      %add3A_2701 = vector.broadcast %add3A_2700 : i32 to vector<16xi32>
      %add3A_2702 = arith.addi %add3A_31, %add3A_2701 : vector<16xi32>
      tpu.vector_store_idx %arg5[%add3A_2702], %mul3A_2699 : memref<20000xf32, #tpu.memory_space<vmem>>[vector<16xi32>], vector<16xf32>,
      %mul3A_2703 = arith.mulf %mul3A_2698, %get3A_134 : vector<16xf32>
      %add3A_2704 = arith.constant 601 : i32
      %add3A_2705 = vector.broadcast %add3A_2704 : i32 to vector<16xi32>
      %add3A_2706 = arith.addi %add3A_31, %add3A_2705 : vector<16xi32>
      tpu.vector_store_idx %arg5[%add3A_2706], %mul3A_2703 : memref<20000xf32, #tpu.memory_space<vmem>>[vector<16xi32>], vector<16xf32>,
      %mul3A_2707 = arith.mulf %mul3A_2698, %get3A_140 : vector<16xf32>
      %add3A_2708 = arith.constant 602 : i32
      %add3A_2709 = vector.broadcast %add3A_2708 : i32 to vector<16xi32>
      %add3A_2710 = arith.addi %add3A_31, %add3A_2709 : vector<16xi32>
      tpu.vector_store_idx %arg5[%add3A_2710], %mul3A_2707 : memref<20000xf32, #tpu.memory_space<vmem>>[vector<16xi32>], vector<16xf32>,
      %mul3A_2711 = arith.mulf %mul3A_2698, %get3A_146 : vector<16xf32>
      %add3A_2712 = arith.constant 603 : i32
      %add3A_2713 = vector.broadcast %add3A_2712 : i32 to vector<16xi32>
      %add3A_2714 = arith.addi %add3A_31, %add3A_2713 : vector<16xi32>
      tpu.vector_store_idx %arg5[%add3A_2714], %mul3A_2711 : memref<20000xf32, #tpu.memory_space<vmem>>[vector<16xi32>], vector<16xf32>,
      %mul3A_2715 = arith.mulf %mul3A_2698, %get3A_152 : vector<16xf32>
      %add3A_2716 = arith.constant 604 : i32
      %add3A_2717 = vector.broadcast %add3A_2716 : i32 to vector<16xi32>
      %add3A_2718 = arith.addi %add3A_31, %add3A_2717 : vector<16xi32>
      tpu.vector_store_idx %arg5[%add3A_2718], %mul3A_2715 : memref<20000xf32, #tpu.memory_space<vmem>>[vector<16xi32>], vector<16xf32>,
      %mul3A_2719 = arith.mulf %mul3A_2697, %get3A_104 : vector<16xf32>
      %mul3A_2720 = arith.mulf %mul3A_2719, %get3A_128 : vector<16xf32>
      %add3A_2721 = arith.constant 605 : i32
      %add3A_2722 = vector.broadcast %add3A_2721 : i32 to vector<16xi32>
      %add3A_2723 = arith.addi %add3A_31, %add3A_2722 : vector<16xi32>
      tpu.vector_store_idx %arg5[%add3A_2723], %mul3A_2720 : memref<20000xf32, #tpu.memory_space<vmem>>[vector<16xi32>], vector<16xf32>,
      %mul3A_2724 = arith.mulf %mul3A_2719, %get3A_134 : vector<16xf32>
      %add3A_2725 = arith.constant 606 : i32
      %add3A_2726 = vector.broadcast %add3A_2725 : i32 to vector<16xi32>
      %add3A_2727 = arith.addi %add3A_31, %add3A_2726 : vector<16xi32>
      tpu.vector_store_idx %arg5[%add3A_2727], %mul3A_2724 : memref<20000xf32, #tpu.memory_space<vmem>>[vector<16xi32>], vector<16xf32>,
      %mul3A_2728 = arith.mulf %mul3A_2719, %get3A_140 : vector<16xf32>
      %add3A_2729 = arith.constant 607 : i32
      %add3A_2730 = vector.broadcast %add3A_2729 : i32 to vector<16xi32>
      %add3A_2731 = arith.addi %add3A_31, %add3A_2730 : vector<16xi32>
      tpu.vector_store_idx %arg5[%add3A_2731], %mul3A_2728 : memref<20000xf32, #tpu.memory_space<vmem>>[vector<16xi32>], vector<16xf32>,
      %mul3A_2732 = arith.mulf %mul3A_2719, %get3A_146 : vector<16xf32>
      %add3A_2733 = arith.constant 608 : i32
      %add3A_2734 = vector.broadcast %add3A_2733 : i32 to vector<16xi32>
      %add3A_2735 = arith.addi %add3A_31, %add3A_2734 : vector<16xi32>
      tpu.vector_store_idx %arg5[%add3A_2735], %mul3A_2732 : memref<20000xf32, #tpu.memory_space<vmem>>[vector<16xi32>], vector<16xf32>,
      %mul3A_2736 = arith.mulf %mul3A_2719, %get3A_152 : vector<16xf32>
      %add3A_2737 = arith.constant 609 : i32
      %add3A_2738 = vector.broadcast %add3A_2737 : i32 to vector<16xi32>
      %add3A_2739 = arith.addi %add3A_31, %add3A_2738 : vector<16xi32>
      tpu.vector_store_idx %arg5[%add3A_2739], %mul3A_2736 : memref<20000xf32, #tpu.memory_space<vmem>>[vector<16xi32>], vector<16xf32>,
      %mul3A_2740 = arith.mulf %mul3A_2697, %get3A_110 : vector<16xf32>
      %mul3A_2741 = arith.mulf %mul3A_2740, %get3A_128 : vector<16xf32>
      %add3A_2742 = arith.constant 610 : i32
      %add3A_2743 = vector.broadcast %add3A_2742 : i32 to vector<16xi32>
      %add3A_2744 = arith.addi %add3A_31, %add3A_2743 : vector<16xi32>
      tpu.vector_store_idx %arg5[%add3A_2744], %mul3A_2741 : memref<20000xf32, #tpu.memory_space<vmem>>[vector<16xi32>], vector<16xf32>,
      %mul3A_2745 = arith.mulf %mul3A_2740, %get3A_134 : vector<16xf32>
      %add3A_2746 = arith.constant 611 : i32
      %add3A_2747 = vector.broadcast %add3A_2746 : i32 to vector<16xi32>
      %add3A_2748 = arith.addi %add3A_31, %add3A_2747 : vector<16xi32>
      tpu.vector_store_idx %arg5[%add3A_2748], %mul3A_2745 : memref<20000xf32, #tpu.memory_space<vmem>>[vector<16xi32>], vector<16xf32>,
      %mul3A_2749 = arith.mulf %mul3A_2740, %get3A_140 : vector<16xf32>
      %add3A_2750 = arith.constant 612 : i32
      %add3A_2751 = vector.broadcast %add3A_2750 : i32 to vector<16xi32>
      %add3A_2752 = arith.addi %add3A_31, %add3A_2751 : vector<16xi32>
      tpu.vector_store_idx %arg5[%add3A_2752], %mul3A_2749 : memref<20000xf32, #tpu.memory_space<vmem>>[vector<16xi32>], vector<16xf32>,
      %mul3A_2753 = arith.mulf %mul3A_2740, %get3A_146 : vector<16xf32>
      %add3A_2754 = arith.constant 613 : i32
      %add3A_2755 = vector.broadcast %add3A_2754 : i32 to vector<16xi32>
      %add3A_2756 = arith.addi %add3A_31, %add3A_2755 : vector<16xi32>
      tpu.vector_store_idx %arg5[%add3A_2756], %mul3A_2753 : memref<20000xf32, #tpu.memory_space<vmem>>[vector<16xi32>], vector<16xf32>,
      %mul3A_2757 = arith.mulf %mul3A_2740, %get3A_152 : vector<16xf32>
      %add3A_2758 = arith.constant 614 : i32
      %add3A_2759 = vector.broadcast %add3A_2758 : i32 to vector<16xi32>
      %add3A_2760 = arith.addi %add3A_31, %add3A_2759 : vector<16xi32>
      tpu.vector_store_idx %arg5[%add3A_2760], %mul3A_2757 : memref<20000xf32, #tpu.memory_space<vmem>>[vector<16xi32>], vector<16xf32>,
      %mul3A_2761 = arith.mulf %mul3A_2697, %get3A_116 : vector<16xf32>
      %mul3A_2762 = arith.mulf %mul3A_2761, %get3A_128 : vector<16xf32>
      %add3A_2763 = arith.constant 615 : i32
      %add3A_2764 = vector.broadcast %add3A_2763 : i32 to vector<16xi32>
      %add3A_2765 = arith.addi %add3A_31, %add3A_2764 : vector<16xi32>
      tpu.vector_store_idx %arg5[%add3A_2765], %mul3A_2762 : memref<20000xf32, #tpu.memory_space<vmem>>[vector<16xi32>], vector<16xf32>,
      %mul3A_2766 = arith.mulf %mul3A_2761, %get3A_134 : vector<16xf32>
      %add3A_2767 = arith.constant 616 : i32
      %add3A_2768 = vector.broadcast %add3A_2767 : i32 to vector<16xi32>
      %add3A_2769 = arith.addi %add3A_31, %add3A_2768 : vector<16xi32>
      tpu.vector_store_idx %arg5[%add3A_2769], %mul3A_2766 : memref<20000xf32, #tpu.memory_space<vmem>>[vector<16xi32>], vector<16xf32>,
      %mul3A_2770 = arith.mulf %mul3A_2761, %get3A_140 : vector<16xf32>
      %add3A_2771 = arith.constant 617 : i32
      %add3A_2772 = vector.broadcast %add3A_2771 : i32 to vector<16xi32>
      %add3A_2773 = arith.addi %add3A_31, %add3A_2772 : vector<16xi32>
      tpu.vector_store_idx %arg5[%add3A_2773], %mul3A_2770 : memref<20000xf32, #tpu.memory_space<vmem>>[vector<16xi32>], vector<16xf32>,
      %mul3A_2774 = arith.mulf %mul3A_2761, %get3A_146 : vector<16xf32>
      %add3A_2775 = arith.constant 618 : i32
      %add3A_2776 = vector.broadcast %add3A_2775 : i32 to vector<16xi32>
      %add3A_2777 = arith.addi %add3A_31, %add3A_2776 : vector<16xi32>
      tpu.vector_store_idx %arg5[%add3A_2777], %mul3A_2774 : memref<20000xf32, #tpu.memory_space<vmem>>[vector<16xi32>], vector<16xf32>,
      %mul3A_2778 = arith.mulf %mul3A_2761, %get3A_152 : vector<16xf32>
      %add3A_2779 = arith.constant 619 : i32
      %add3A_2780 = vector.broadcast %add3A_2779 : i32 to vector<16xi32>
      %add3A_2781 = arith.addi %add3A_31, %add3A_2780 : vector<16xi32>
      tpu.vector_store_idx %arg5[%add3A_2781], %mul3A_2778 : memref<20000xf32, #tpu.memory_space<vmem>>[vector<16xi32>], vector<16xf32>,
      %mul3A_2782 = arith.mulf %mul3A_2697, %get3A_122 : vector<16xf32>
      %mul3A_2783 = arith.mulf %mul3A_2782, %get3A_128 : vector<16xf32>
      %add3A_2784 = arith.constant 620 : i32
      %add3A_2785 = vector.broadcast %add3A_2784 : i32 to vector<16xi32>
      %add3A_2786 = arith.addi %add3A_31, %add3A_2785 : vector<16xi32>
      tpu.vector_store_idx %arg5[%add3A_2786], %mul3A_2783 : memref<20000xf32, #tpu.memory_space<vmem>>[vector<16xi32>], vector<16xf32>,
      %mul3A_2787 = arith.mulf %mul3A_2782, %get3A_134 : vector<16xf32>
      %add3A_2788 = arith.constant 621 : i32
      %add3A_2789 = vector.broadcast %add3A_2788 : i32 to vector<16xi32>
      %add3A_2790 = arith.addi %add3A_31, %add3A_2789 : vector<16xi32>
      tpu.vector_store_idx %arg5[%add3A_2790], %mul3A_2787 : memref<20000xf32, #tpu.memory_space<vmem>>[vector<16xi32>], vector<16xf32>,
      %mul3A_2791 = arith.mulf %mul3A_2782, %get3A_140 : vector<16xf32>
      %add3A_2792 = arith.constant 622 : i32
      %add3A_2793 = vector.broadcast %add3A_2792 : i32 to vector<16xi32>
      %add3A_2794 = arith.addi %add3A_31, %add3A_2793 : vector<16xi32>
      tpu.vector_store_idx %arg5[%add3A_2794], %mul3A_2791 : memref<20000xf32, #tpu.memory_space<vmem>>[vector<16xi32>], vector<16xf32>,
      %mul3A_2795 = arith.mulf %mul3A_2782, %get3A_146 : vector<16xf32>
      %add3A_2796 = arith.constant 623 : i32
      %add3A_2797 = vector.broadcast %add3A_2796 : i32 to vector<16xi32>
      %add3A_2798 = arith.addi %add3A_31, %add3A_2797 : vector<16xi32>
      tpu.vector_store_idx %arg5[%add3A_2798], %mul3A_2795 : memref<20000xf32, #tpu.memory_space<vmem>>[vector<16xi32>], vector<16xf32>,
      %mul3A_2799 = arith.mulf %mul3A_2782, %get3A_152 : vector<16xf32>
      %add3A_2800 = arith.constant 624 : i32
      %add3A_2801 = vector.broadcast %add3A_2800 : i32 to vector<16xi32>
      %add3A_2802 = arith.addi %add3A_31, %add3A_2801 : vector<16xi32>
      tpu.vector_store_idx %arg5[%add3A_2802], %mul3A_2799 : memref<20000xf32, #tpu.memory_space<vmem>>[vector<16xi32>], vector<16xf32>,
      %mul3A_2803 = arith.constant 512 : i32
      %mul3A_2804 = arith.muli %add3A, %mul3A_2803 : i32
      %mul3A_2805 = arith.constant 16 : i32
      %mul3A_2806 = arith.muli %scan3A_26, %mul3A_2805 : i32
      %add3A_2807 = arith.addi %mul3A_2804, %mul3A_2806 : i32
      %mul3A_2808 = arith.constant 625 : i32
      %mul3A_2809 = arith.muli %add3A_2807, %mul3A_2808 : i32
      %eq3A = arith.constant 0 : i32
      %eq3A_2810 = arith.cmpi eq, %and3A_27, %eq3A : i32
      %convert_element_type3A_2811 = arith.extui %eq3A_2810 : i1 to i32
      %cond3A_2812 = arith.constant 0 : i32
      %cond3A_2813 = arith.cmpi ne, %convert_element_type3A_2811, %cond3A_2812 : i32
      scf.if %cond3A_2813 {
        %dma_start3A = arith.constant 0 : i32
        %dma_start3A_2819 = tpu.memref_slice %arg5[%dma_start3A] : memref<20000xf32, #tpu.memory_space<vmem>> -> memref<10000xf32, #tpu.memory_space<vmem>>
        %dma_start3A_2820 = tpu.memref_slice %arg3[%mul3A_2809] : memref<10240000xf32, #tpu.memory_space<hbm>> -> memref<10000xf32, #tpu.memory_space<hbm>>
        %dma_start3A_2821 = tpu.memref_slice %arg3[%mul3A_2809] : memref<10240000xf32, #tpu.memory_space<hbm>> -> memref<10000xf32, #tpu.memory_space<hbm>>
        %dma_start3A_2822 = arith.constant 0 : i32
        %dma_start3A_2823 = tpu.memref_slice %arg5[%dma_start3A_2822] : memref<20000xf32, #tpu.memory_space<vmem>> -> memref<10000xf32, #tpu.memory_space<vmem>>
        tpu.enqueue_dma source(%dma_start3A_2823 : memref<10000xf32, #tpu.memory_space<vmem>>) target(%dma_start3A_2821 : memref<10000xf32, #tpu.memory_space<hbm>>) target_semaphore(%arg6 : memref<!tpu.dma_semaphore, #tpu.memory_space<semaphore_mem>>)
      } else {
      }
      %eq3A_2814 = arith.constant 1 : i32
      %eq3A_2815 = arith.cmpi eq, %and3A_27, %eq3A_2814 : i32
      %convert_element_type3A_2816 = arith.extui %eq3A_2815 : i1 to i32
      %cond3A_2817 = arith.constant 0 : i32
      %cond3A_2818 = arith.cmpi ne, %convert_element_type3A_2816, %cond3A_2817 : i32
      scf.if %cond3A_2818 {
        %dma_start3A = arith.constant 10000 : i32
        %dma_start3A_2819 = tpu.memref_slice %arg5[%dma_start3A] : memref<20000xf32, #tpu.memory_space<vmem>> -> memref<10000xf32, #tpu.memory_space<vmem>>
        %dma_start3A_2820 = tpu.memref_slice %arg3[%mul3A_2809] : memref<10240000xf32, #tpu.memory_space<hbm>> -> memref<10000xf32, #tpu.memory_space<hbm>>
        %dma_start3A_2821 = tpu.memref_slice %arg3[%mul3A_2809] : memref<10240000xf32, #tpu.memory_space<hbm>> -> memref<10000xf32, #tpu.memory_space<hbm>>
        %dma_start3A_2822 = arith.constant 10000 : i32
        %dma_start3A_2823 = tpu.memref_slice %arg5[%dma_start3A_2822] : memref<20000xf32, #tpu.memory_space<vmem>> -> memref<10000xf32, #tpu.memory_space<vmem>>
        tpu.enqueue_dma source(%dma_start3A_2823 : memref<10000xf32, #tpu.memory_space<vmem>>) target(%dma_start3A_2821 : memref<10000xf32, #tpu.memory_space<hbm>>) target_semaphore(%arg7 : memref<!tpu.dma_semaphore, #tpu.memory_space<semaphore_mem>>)
      } else {
      }
    }
    %scan3A_10 = arith.constant 32 : i32
    %dma_wait3A = arith.constant 0 : i32
    %dma_wait3A_11 = tpu.memref_slice %arg5[%dma_wait3A] : memref<20000xf32, #tpu.memory_space<vmem>> -> memref<10000xf32, #tpu.memory_space<vmem>>
    %dma_wait3A_12 = arith.constant 0 : i32
    %dma_wait3A_13 = tpu.memref_slice %arg3[%dma_wait3A_12] : memref<10240000xf32, #tpu.memory_space<hbm>> -> memref<10000xf32, #tpu.memory_space<hbm>>
    %dma_wait3A_14 = arith.constant 0 : i32
    %dma_wait3A_15 = tpu.memref_slice %arg3[%dma_wait3A_14] : memref<10240000xf32, #tpu.memory_space<hbm>> -> memref<10000xf32, #tpu.memory_space<hbm>>
    %dma_wait3A_16 = arith.constant 0 : i32
    %dma_wait3A_17 = tpu.memref_slice %arg5[%dma_wait3A_16] : memref<20000xf32, #tpu.memory_space<vmem>> -> memref<10000xf32, #tpu.memory_space<vmem>>
    tpu.wait_dma2 semaphore(%arg6 : memref<!tpu.dma_semaphore, #tpu.memory_space<semaphore_mem>>) src(%dma_wait3A_17 : memref<10000xf32, #tpu.memory_space<vmem>>) dst(%dma_wait3A_15 : memref<10000xf32, #tpu.memory_space<hbm>>)
    %dma_wait3A_18 = arith.constant 0 : i32
    %dma_wait3A_19 = tpu.memref_slice %arg5[%dma_wait3A_18] : memref<20000xf32, #tpu.memory_space<vmem>> -> memref<10000xf32, #tpu.memory_space<vmem>>
    %dma_wait3A_20 = arith.constant 0 : i32
    %dma_wait3A_21 = tpu.memref_slice %arg3[%dma_wait3A_20] : memref<10240000xf32, #tpu.memory_space<hbm>> -> memref<10000xf32, #tpu.memory_space<hbm>>
    %dma_wait3A_22 = arith.constant 0 : i32
    %dma_wait3A_23 = tpu.memref_slice %arg3[%dma_wait3A_22] : memref<10240000xf32, #tpu.memory_space<hbm>> -> memref<10000xf32, #tpu.memory_space<hbm>>
    %dma_wait3A_24 = arith.constant 0 : i32
    %dma_wait3A_25 = tpu.memref_slice %arg5[%dma_wait3A_24] : memref<20000xf32, #tpu.memory_space<vmem>> -> memref<10000xf32, #tpu.memory_space<vmem>>
    tpu.wait_dma2 semaphore(%arg7 : memref<!tpu.dma_semaphore, #tpu.memory_space<semaphore_mem>>) src(%dma_wait3A_25 : memref<10000xf32, #tpu.memory_space<vmem>>) dst(%dma_wait3A_23 : memref<10000xf32, #tpu.memory_space<hbm>>)
    return
  }
}

</mosaic_0001>

<sc_bundles>
// kernel: kernel.3.cloned.1.call-start
scs
__scs_entry_jumppad:
0x0: {  	(pc) =	sbr.rel $0x88, $3  }
0x1: {  	(tag) =	ssettag $0x0;
	lr =	simm.s32 $0x1  }
0x2: {  	[smem:$0x3F9D] =	sst lr;
	_ =	strace $0xD0000000  }
0x3: {  	_ = 	snop  }
0x4: {  	_ = 	snop  }
0x5: {  	_ = 	snop  }
0x6: {  	_ = 	snop  }
0x7: {  	_ = 	snop  }
__scs_overlays_trampoline_lowered:
0x8: {  	[smem:$0x3FAC] =	sst s0  }
0x9: {  	[smem:$0x3FAD] =	sst s1  }
0xa: {  	[smem:$0x3FAE] =	sst s2  }
0xb: {  	[smem:$0x3FAF] =	sst s3  }
0xc: {  	[smem:$0x3FB0] =	sst s4  }
0xd: {  	[smem:$0x3FB1] =	sst s5  }
0xe: {  	[smem:$0x3FB2] =	sst s6  }
0xf: {  	[smem:$0x3FB3] =	sst s7  }
0x10: {  	[smem:$0x3FB4] =	sst s8  }
0x11: {  	[smem:$0x3FB5] =	sst s9;
	s0 =	simm.s32 @!p0 $0x0  }
0x12: {  	s1 =	sld [smem:$0x3F9B];
	s0 =	simm.s32 @p0 $0x1  }
0x13: {  	[smem:$0x3FB6] =	sst s0;
	s0 =	simm.s32 @!p1 $0x0  }
0x14: {  	s2 =	sld [smem:$0x3F9A];
	s0 =	simm.s32 @p1 $0x1  }
0x15: {  	[smem:$0x3FB7] =	sst s0;
	s0 =	simm.s32 @!p2 $0x0  }
0x16: {  	s3 =	sld [smem:$0x3FDB];
	s0 =	simm.s32 @p2 $0x1  }
0x17: {  	s4 =	simm.s32 $0x1BF5;
	[smem:$0x3FB9] =	sst s0  }
0x18: {  	s0 =	sld [smem:$0x3F9C];
	_ =	swait.ge [sflag:s4], $0x0  }
0x19: {  	s7 =	sld [smem:$0x3F9D]  }
0x1a: {  	s8 =	sadd.s32 $0xFFFFE003, lr  }
0x1b: {  	s9 =	sadd.s32 $0xFFFFFEF7, lr;
	s5 =	simm.s32 $0xFFFFFFFF;
	p2 =	slt.u32 s8, $0xFFFFF086  }
0x1c: {  	p1 =	slt.u32 s9, $0xF7A;
	s5 =	simm.s32 @!p2 $0x0  }
0x1d: {  	s5 =	simm.s32 @p1 $0x1;
	p0 =	seq.s32 s7, s2  }
0x1e: {  	s7 =	smul.u32 @!p0 $0xF7A, s2;
	p2 =	seq.s32 @!p0 s5, $0x0  }
0x1f: {  	s9 =	smul.u32 $0xF7A, s1;
	s8 =	simm.s32 @!p0 $0x1BF5;
	p2 =	por !p2, p0  }
0x20: {  	[sflag:s8] =	ssyncset.s32 @!p0 $0xFFFFF086;
	s6 =	sadd.s32 @!p0 s3, s7;
	s7 =	simm.s32 @!p0 $0x108  }
0x21: {  	s3 =	sadd.s32 s3, s9;
	s6 =	sadd.s32 @!p0 $0x88, s6;
	s7 =	simm.s32 @p2 $0x1082  }
0x22: {  	[simem:s7], [sflag:s8] =	dma.local @!p0 [hbm:s6], $0xF7A  }
0x23: {  	s9 =	sor.u32 $0xD0000000, s2;
	s6 =	simm.s32 $0x108;
	_ =	swait.ge @!p0 [sflag:s8], $0x0  }
0x24: {  	s3 =	sadd.s32 $0x88, s3;
	s6 =	simm.s32 @!p1 $0x1082;
	[sflag:s4] =	ssyncset.s32 $0xFFFFF086  }
0x25: {  	[simem:s6], [sflag:s4] =	dma.local [hbm:s3], $0xF7A  }
0x26: {  	[smem:$0x3F9D] =	sst s1;
	(tag) =	ssettag s2;
	_ =	strace s9  }
0x27: {  	s1 =	sld [smem:$0x3FAD]  }
0x28: {  	s2 =	sld [smem:$0x3FAE]  }
0x29: {  	s4 =	sld [smem:$0x3FB0]  }
0x2a: {  	p0 =	seq.s32 s5, $0x0;
	s5 =	sld [smem:$0x3FB1]  }
0x2b: {  	s6 =	sld [smem:$0x3FB2]  }
0x2c: {  	s7 =	sld [smem:$0x3FB3]  }
0x2d: {  	s3 =	simm.s32 $0x108;
	s8 =	sld [smem:$0x3FB4]  }
0x2e: {  	s3 =	simm.s32 @!p0 $0x1082;
	s9 =	sld [smem:$0x3FB5]  }
0x2f: {  	lr =	sadd.s32 s0, s3;
	s0 =	sld [smem:$0x3FAC]  }
0x30: {  	s3 =	sld [smem:$0x3FAF]  }
0x31: {  	[smem:$0x3FB8] =	sst s10  }
0x32: {  	s10 =	sld [smem:$0x3FB6];
	_ =	sdelay $0x3  }
0x33: {  	p0 =	seq.s32 s10, $0x1;
	s10 =	sld [smem:$0x3FB8];
	_ =	sdelay $0x3  }
0x34: {  	[smem:$0x3FB8] =	sst s10  }
0x35: {  	s10 =	sld [smem:$0x3FB7];
	_ =	sdelay $0x3  }
0x36: {  	p1 =	seq.s32 s10, $0x1;
	s10 =	sld [smem:$0x3FB8];
	_ =	sdelay $0x3  }
0x37: {  	[smem:$0x3FB8] =	sst s10  }
0x38: {  	s10 =	sld [smem:$0x3FB9]  }
0x39: {  	_ = 	snop;
	(pc) =	sbr.ind lr, $3  }
0x3a: {  	_ = 	snop  }
0x3b: {  	_ = 	snop  }
0x3c: {  	p2 =	seq.s32 s10, $0x1;
	s10 =	sld [smem:$0x3FB8]  }
0x3d: {  	_ =	shalt  }
0x3e: {  	_ =	shalt  }
0x3f: {  	_ =	shalt  }
0x40: {  	_ =	shalt  }
0x41: {  	_ =	shalt  }
0x42: {  	_ =	shalt  }
0x43: {  	_ =	shalt  }
0x44: {  	_ =	shalt  }
0x45: {  	_ =	shalt  }
0x46: {  	_ =	shalt  }
0x47: {  	_ =	shalt  }
0x48: {  	_ =	shalt  }
0x49: {  	_ =	shalt  }
0x4a: {  	_ =	shalt  }
0x4b: {  	_ =	shalt  }
0x4c: {  	_ =	shalt  }
0x4d: {  	_ =	shalt  }
0x4e: {  	_ =	shalt  }
0x4f: {  	_ =	shalt  }
0x50: {  	_ =	shalt  }
0x51: {  	_ =	shalt  }
0x52: {  	_ =	shalt  }
0x53: {  	_ =	shalt  }
0x54: {  	_ =	shalt  }
0x55: {  	_ =	shalt  }
0x56: {  	_ =	shalt  }
0x57: {  	_ =	shalt  }
0x58: {  	_ =	shalt  }
0x59: {  	_ =	shalt  }
0x5a: {  	_ =	shalt  }
0x5b: {  	_ =	shalt  }
0x5c: {  	_ =	shalt  }
0x5d: {  	_ =	shalt  }
0x5e: {  	_ =	shalt  }
0x5f: {  	_ =	shalt  }
0x60: {  	_ =	shalt  }
0x61: {  	_ =	shalt  }
0x62: {  	_ =	shalt  }
0x63: {  	_ =	shalt  }
0x64: {  	_ =	shalt  }
0x65: {  	_ =	shalt  }
0x66: {  	_ =	shalt  }
0x67: {  	_ =	shalt  }
0x68: {  	_ =	shalt  }
0x69: {  	_ =	shalt  }
0x6a: {  	_ =	shalt  }
0x6b: {  	_ =	shalt  }
0x6c: {  	_ =	shalt  }
0x6d: {  	_ =	shalt  }
0x6e: {  	_ =	shalt  }
0x6f: {  	_ =	shalt  }
0x70: {  	_ =	shalt  }
0x71: {  	_ =	shalt  }
0x72: {  	_ =	shalt  }
0x73: {  	_ =	shalt  }
0x74: {  	_ =	shalt  }
0x75: {  	_ =	shalt  }
0x76: {  	_ =	shalt  }
0x77: {  	_ =	shalt  }
0x78: {  	_ =	shalt  }
0x79: {  	_ =	shalt  }
0x7a: {  	_ =	shalt  }
0x7b: {  	_ =	shalt  }
0x7c: {  	_ =	shalt  }
0x7d: {  	_ =	shalt  }
0x7e: {  	_ =	shalt  }
0x7f: {  	_ =	shalt  }
0x80: {  	_ =	shalt  }
0x81: {  	_ =	shalt  }
0x82: {  	_ =	shalt  }
0x83: {  	_ =	shalt  }
0x84: {  	_ =	shalt  }
0x85: {  	_ =	shalt  }
0x86: {  	_ =	shalt  }
0x87: {  	_ =	shalt  }
.Lfunc_end0:
.L_simem_size_0:
called_computation.1_lowered:
.L_overlay_start_0:
0x88: {  	s2 =	sld [smem:$0x3FD9]  }
0x89: {  	s3 =	sld [smem:$0x3FFE];
	_ =	sdelay $0x1  }
0x8a: {  	s1 =	srdreg.scid  }
0x8b: {  	s0 =	sand.u32 $0x1, s1  }
0x8c: {  	s17 =	sshll.u32 s0, $0xA;
	s2 =	sadd.s32 s3, s2  }
0x8d: {  	s2 =	sadd.s32 s2, s17  }
0x8e: {  	[smem:$0x3FC4] =	sst s2  }
0x8f: {  	_ = 	snop  }
0x90: {  	s2 =	sld [smem:$0x3FD0];
	(tm) =	ssettm $0x1  }
0x91: {  	s18 =	sld [smem:$0x3FFB];
	_ =	sdelay $0x3  }
0x92: {  	_ =	strace s18  }
0x93: {  	s3 =	sld [smem:$0x3FFC];
	_ =	sdelay $0x3  }
0x94: {  	_ =	strace s3  }
0x95: {  	s3 =	sld [smem:$0x3FFD];
	_ =	sdelay $0x3  }
0x96: {  	_ =	strace s3  }
0x97: {  	_ =	strace $0x8FFFFFFF  }
0x98: {  	s19 =	sld [smem:$0x3FDB];
	_ =	sdelay $0x1  }
0x99: {  	s4 =	simm.s32 $_scs_section_size  }
0x9a: {  	s5 =	simm.s32 $_size__tile_overlayer_lowered;
	s6 =	simm.s32 $_tile_overlayer_lowered  }
0x9b: {  	s22 =	simm.s32 $0x1BFF;
	s21 =	sshll.u32 s6, $0x1;
	s3 =	sadd.s32 s4, s19  }
0x9c: {  	s7 =	simm.s32 $0x0;
	s20 =	sshll.u32 s5, $0x1;
	s5 =	sadd.s32 s21, s3  }
0x9d: {  	[timem:s7], [sflag:s22] =	dma.local [hbm:s5], s20  }
0x9e: {  	_ =	swait.ge [sflag:s22], s20  }
0x9f: {  	s4 =	ssub.s32 $0x0, s20;
	[sflag:s22] =	ssyncset.done $0x0  }
0xa0: {  	[sflag:s22] =	ssyncadd.s32 s4;
	_ =	sdelay $0x1  }
0xa1: {  	s23 =	simm.s32 $0x1B8B  }
0xa2: {  	_ =	swait.ge [sflag:s23], $0x1  }
0xa3: {  	[sflag:s23] =	ssyncset.done $0x0  }
0xa4: {  	s25 =	simm.s32 $0x1B8E;
	s24 =	sld [smem:$0x3FFE];
	[sflag:s23] =	ssyncadd.s32 $0xFFFFFFFF  }
0xa5: {  	s26 =	simm.s32 $execute0_lowered;
	[smem:$0x3FD2] =	sst s25  }
0xa6: {  	s5 =	sshll.u32 s26, $0x1;
	_ =	strace $0x80000046;
	[dreg:$0x1] =	wrdreg $0xFFFFFFFF  }
0xa7: {  	s28 =	simm.s32 $_size_execute0_lowered;
	s3 =	sadd.s32 s3, s5;
	[dreg:$0x0] =	wrdreg $0x0  }
0xa8: {  	s5 =	sshll.u32 s28, $0x1;
	[dreg:$0x2] =	wrdreg s3  }
0xa9: {  	[dreg:$0x3] =	wrdreg s5  }
0xaa: {  	[dreg:$0x4] =	wrdreg $0xC0  }
0xab: {  	_ =	task [dreg:s7], $0x5FFFF  }
0xac: {  	[dreg:$0x1] =	wrdreg $0xFFFFFFFF  }
0xad: {  	[dreg:$0x0] =	wrdreg $0x60  }
0xae: {  	[dreg:$0x2] =	wrdreg s24  }
0xaf: {  	[dreg:$0x3] =	wrdreg s2  }
0xb0: {  	[dreg:$0x4] =	wrdreg $0x9  }
0xb1: {  	_ =	task.clear_ibuf [dreg:s7], $0x5FFFF;
	_ =	strace $0x90000046  }
0xb2: {  	s29 =	simm.s32 $0x9;
	_ =	strace $0x80000048  }
0xb3: {  	_ =	swait.ge [sflag:s29], $0x1  }
0xb4: {  	[sflag:s29] =	ssyncadd.s32 $0xFFFFFFFF  }
0xb5: {  	_ =	strace $0x90000048  }
0xb6: {  	_ =	sfence  }
0xb7: {  	s30 =	sld [smem:$0x0];
	_ =	sdelay $0x2  }
0xb8: {  	s31 =	sshll.u32 s1, $0xD;
	s1 =	sshrl.u32 s1, $0x2  }
0xb9: {  	s3 =	sand.u32 $0x4000, s31;
	s1 =	sadd.s32 s1, s30  }
0xba: {  	s0 =	sor.u32 s3, s0;
	s1 =	sshll.u32 s1, $0x11  }
0xbb: {  	s0 =	sor.u32 s1, s0  }
0xbc: {  	s0 =	sadd.s32 $0x8F2B, s0  }
0xbd: {  	[sflag:s0] =	ssyncadd.remote.s32 $0x1  }
0xbe: {  	_ =	sfence.sel $0xFFFF  }
0xbf: {  	[dreg:$0x0] =	wrdreg $0xFFFFFFFF;
	(pc) =	sbr.abs _section_cstart, $3  }
0xc0: {  	[dreg:$0x1] =	wrdreg $0xFFFFFFFF  }
0xc1: {  	_ =	task.clear_ibuf [dreg:s7], $0x2FFFF;
	_ =	strace $0x9FFFFFFF  }
0xc2: {  	(tm) =	ssettm $0x7FFFFFFF  }
0xc3: {  	_ =	shalt  }
tec
execute0_lowered:
.L_overlay_start_1:
0x0: {  	(tag) =	ssettag $0x1  }
0x1: {  	v0 =	vlaneseq.u32  }
0x2: {  	v0 =	vmul.u32 $0x271, v0;
	_ =	sdelay $0x1  }
0x3: {  	v1 =	vadd.s32 $0x1, v0  }
0x4: {  	[tilespmem:$0x1FE10] =	vst v1;
	v1 =	vadd.s32 $0x2, v0  }
0x5: {  	[tilespmem:$0x1FE20] =	vst v1;
	v1 =	vadd.s32 $0x3, v0  }
0x6: {  	[tilespmem:$0x1FE30] =	vst v1;
	v1 =	vadd.s32 $0x4, v0  }
0x7: {  	[tilespmem:$0x1FE40] =	vst v1;
	v1 =	vadd.s32 $0x5, v0  }
0x8: {  	[tilespmem:$0x1FE50] =	vst v1;
	v1 =	vadd.s32 $0x6, v0  }
0x9: {  	[tilespmem:$0x1FE60] =	vst v1;
	v1 =	vadd.s32 $0x7, v0  }
0xa: {  	[tilespmem:$0x1FE70] =	vst v1;
	v1 =	vadd.s32 $0x8, v0  }
0xb: {  	[tilespmem:$0x1FE80] =	vst v1;
	v1 =	vadd.s32 $0x9, v0  }
0xc: {  	[tilespmem:$0x1FE90] =	vst v1;
	v1 =	vadd.s32 $0xA, v0  }
0xd: {  	[tilespmem:$0x1FEA0] =	vst v1;
	v1 =	vadd.s32 $0xB, v0  }
0xe: {  	[tilespmem:$0x1FEB0] =	vst v1;
	v1 =	vadd.s32 $0xC, v0  }
0xf: {  	[tilespmem:$0x1FEC0] =	vst v1;
	v1 =	vadd.s32 $0xD, v0  }
0x10: {  	[tilespmem:$0x1FED0] =	vst v1;
	v1 =	vadd.s32 $0xE, v0  }
0x11: {  	[tilespmem:$0x1FEE0] =	vst v1;
	v1 =	vadd.s32 $0xF, v0  }
0x12: {  	[tilespmem:$0x1FEF0] =	vst v1;
	v1 =	vadd.s32 $0x10, v0  }
0x13: {  	[tilespmem:$0x1FF00] =	vst v1;
	v1 =	vadd.s32 $0x11, v0  }
0x14: {  	[tilespmem:$0x1FF10] =	vst v1;
	v1 =	vadd.s32 $0x12, v0  }
0x15: {  	v32 =	vadd.s32 $0x20, v0;
	v33 =	vadd.s32 $0x21, v0;
	[tilespmem:$0x1FF20] =	vst v1;
	v1 =	vadd.s32 $0x13, v0  }
0x16: {  	v34 =	vadd.s32 $0x22, v0;
	v35 =	vadd.s32 $0x23, v0;
	[tilespmem:$0x1FF30] =	vst v1;
	v1 =	vadd.s32 $0x14, v0  }
0x17: {  	v36 =	vadd.s32 $0x24, v0;
	v37 =	vadd.s32 $0x25, v0;
	[tilespmem:$0x1FF40] =	vst v1;
	v1 =	vadd.s32 $0x15, v0  }
0x18: {  	s3 =	rddreg [dreg:$0x0];
	v38 =	vadd.s32 $0x26, v0;
	v39 =	vadd.s32 $0x27, v0;
	[tilespmem:$0x1FF50] =	vst v1;
	v1 =	vadd.s32 $0x16, v0  }
0x19: {  	s5 =	rddreg [dreg:$0x1];
	v40 =	vadd.s32 $0x28, v0;
	v41 =	vadd.s32 $0x29, v0;
	[tilespmem:$0x1FF60] =	vst v1;
	v1 =	vadd.s32 $0x17, v0  }
0x1a: {  	s0 =	rddreg [dreg:$0x2];
	v42 =	vadd.s32 $0x2A, v0;
	v43 =	vadd.s32 $0x2B, v0;
	[tilespmem:$0x1FF70] =	vst v1;
	v1 =	vadd.s32 $0x18, v0  }
0x1b: {  	s2 =	srdreg.scid;
	s1 =	stileid.u32;
	v44 =	vadd.s32 $0x2C, v0;
	v45 =	vadd.s32 $0x2D, v0;
	[tilespmem:$0x1FF80] =	vst v1;
	v1 =	vadd.s32 $0x19, v0  }
0x1c: {  	s10 =	simm.s32 $0x4F10;
	s11 =	simm.s32 $0x0;
	s4 =	sand.u32 $0x1, s2;
	v46 =	vadd.s32 $0x2E, v0;
	v47 =	vadd.s32 $0x2F, v0;
	[tilespmem:$0x1FF90] =	vst v1;
	v1 =	vadd.s32 $0x1A, v0  }
0x1d: {  	s6 =	sshll.u32 s1, $0x1;
	s7 =	smul.u32 $0x9C400, s1;
	s2 =	simm.s32 $0x0;
	v48 =	vadd.s32 $0x30, v0;
	v49 =	vadd.s32 $0x31, v0;
	[tilespmem:$0x1FFA0] =	vst v1;
	v1 =	vadd.s32 $0x1B, v0  }
0x1e: {  	s6 =	sor.u32 s4, s6;
	s8 =	smul.u32 $0x4E200, s4;
	s4 =	ssub.s32 $0x2, s4;
	v50 =	vadd.s32 $0x32, v0;
	v51 =	vadd.s32 $0x33, v0;
	[tilespmem:$0x1FFB0] =	vst v1;
	v1 =	vadd.s32 $0x1C, v0  }
0x1f: {  	[smem:$0x7FF] =	sst s2;
	s6 =	smul.u32 $0x500, s6;
	s9 =	sshrl.u32 s4, $0x1;
	v52 =	vadd.s32 $0x34, v0;
	v53 =	vadd.s32 $0x35, v0;
	[tilespmem:$0x1FFC0] =	vst v1;
	v1 =	vadd.s32 $0x1D, v0  }
0x20: {  	v54 =	vadd.s32 $0x36, v0;
	v55 =	vadd.s32 $0x37, v0;
	s7 =	sadd.s32 s8, s7;
	s4 =	ssub.s32 s4, s9;
	s8 =	simm.s32 $0x1;
	[tilespmem:$0x1FFD0] =	vst v1;
	v1 =	vadd.s32 $0x1E, v0  }
0x21: {  	v56 =	vadd.s32 $0x38, v0;
	v57 =	vadd.s32 $0x39, v0;
	s9 =	simm.s32 $0x2;
	s3 =	sadd.s32 s6, s3;
	s31 =	sshrl.u32 s7, $0x3;
	[tilespmem:$0x1FFE0] =	vst v1;
	v1 =	vadd.s32 $0x1F, v0  }
0x22: {  	v58 =	vadd.s32 $0x3A, v0;
	v59 =	vadd.s32 $0x3B, v0;
	v60 =	vadd.s32 $0x3C, v0;
	s4 =	smax.u32 s4, $0x1;
	s6 =	simm.s32 $0x3;
	s7 =	simm.s32 $0x2800;
	[tilespmem:$0x1FFF0] =	vst v1  }
0x23: {  	v61 =	vadd.s32 $0x3D, v0;
	v62 =	vadd.s32 $0x3E, v0;
	v63 =	vadd.s32 $0x3F, v0;
	s3 =	sadd.s32 $0x800, s3;
	s5 =	sadd.s32 s31, s5;
	_ =	strace $0x80000047  }
.LBB2_1:
0x24: {  	[tilespmem:s2], [sflag:$0x3] =	stream.linear.gather [hbm4b:s3+s2], $0x2800, $0x38;
	[tilespmem:$0x7680] =	vst v63  }
0x25: {  	_ =	swait.ge [sflag:s6], $0x2800  }
0x26: {  	s12 =	simm.s32 $0x0;
	s13 =	simm.s32 $0x0;
	[sflag:s6] =	ssyncset.done $0x0  }
0x27: {  	s14 =	smov.u32 s5;
	s15 =	simm.s32 $0x0;
	[sflag:s6] =	ssyncadd.s32 $0xFFFFD800  }
.LBB2_2:
0x28: {  	s16 =	sand.u32 $0x1, s15  }
0x29: {  	p1 =	slt.u32 s15, $0x2;
	p0 =	seq.s32 s16, $0x1  }
0x2a: {  	s17 =	simm.s32 @!p1 $0x2;
	p2 =	por !p0, p1  }
0x2b: {  	s17 =	simm.s32 @p2 $0x1  }
0x2c: {  	_ =	swait.ge @!p1 [sflag:s17], $0x2710  }
0x2d: {  	v4 =	vld [tilespmem:$0x1FE10]  }
0x2e: {  	[sflag:s17] =	ssyncset.done @!p1 $0x0;
	v7 =	vld [tilespmem:$0x1FE20]  }
0x2f: {  	v29 =	vld [tilespmem:$0x1FE30];
	[sflag:s17] =	ssyncadd.s32 @!p1 $0xFFFFD8F0  }
0x30: {  	s31 =	sand.u32 $0x1F0, s13;
	v21 =	vld [tilespmem:s12+$0x0]  }
0x31: {  	v20 =	vld [tilespmem:s31+$0x200]  }
0x32: {  	v19 =	vld [tilespmem:s31+$0x400]  }
0x33: {  	v18 =	vld [tilespmem:s31+$0x600]  }
0x34: {  	v12 =	vld [tilespmem:s31+$0x800]  }
0x35: {  	v17 =	vld [tilespmem:s31+$0xA00]  }
0x36: {  	v16 =	vld [tilespmem:s31+$0xC00]  }
0x37: {  	v15 =	vld [tilespmem:s31+$0xE00]  }
0x38: {  	v14 =	vld [tilespmem:s31+$0x1000]  }
0x39: {  	v13 =	vld [tilespmem:s31+$0x1200]  }
0x3a: {  	v11 =	vld [tilespmem:s31+$0x1400]  }
0x3b: {  	v10 =	vld [tilespmem:s31+$0x1600]  }
0x3c: {  	v9 =	vld [tilespmem:s31+$0x1800]  }
0x3d: {  	s18 =	smul.u32 $0x2710, s16;
	v5 =	vld [tilespmem:s31+$0x1E00]  }
0x3e: {  	v1 =	vld [tilespmem:s31+$0x2000];
	v22 =	vmul.f32 v17, v21  }
0x3f: {  	v2 =	vmov s18;
	v23 =	vadd.s32 s18, v0;
	v8 =	vld [tilespmem:s31+$0x1A00]  }
0x40: {  	v3 =	vld [tilespmem:s31+$0x2200];
	v25 =	vadd.s32 v4, v2;
	v24 =	vmul.f32 v11, v22  }
0x41: {  	v6 =	vld [tilespmem:s31+$0x2400]  }
0x42: {  	v4 =	vld [tilespmem:s31+$0x2600];
	v26 =	vmul.f32 v5, v24  }
0x43: {  	v27 =	vadd.s32 v7, v2;
	v7 =	vld [tilespmem:s31+$0x1C00];
	v28 =	vmul.f32 v1, v24  }
0x44: {  	[tilespmem:v23+s7+$0x0] =	vst.idx.msk $0xffff, v26;
	v26 =	vld [tilespmem:$0x1FE40]  }
0x45: {  	[tilespmem:v25+s7+$0x0] =	vst.idx.msk $0xffff, v28;
	v28 =	vld [tilespmem:$0x1FE50];
	_ =	sdelay $0x1  }
0x46: {  	v29 =	vadd.s32 v29, v2;
	_ =	sdelay $0x1  }
0x47: {  	v31 =	vld [tilespmem:$0x1FE60];
	v25 =	vmul.f32 v3, v24  }
0x48: {  	v23 =	vadd.s32 v26, v2;
	v26 =	vadd.s32 v28, v2;
	v28 =	vmul.f32 v6, v24  }
0x49: {  	[tilespmem:v27+s7+$0x0] =	vst.idx.msk $0xffff, v25;
	v27 =	vld [tilespmem:$0x1FE70]  }
0x4a: {  	[tilespmem:v29+s7+$0x0] =	vst.idx.msk $0xffff, v28;
	v29 =	vld [tilespmem:$0x1FE80];
	_ =	sdelay $0x1  }
0x4b: {  	v31 =	vadd.s32 v31, v2;
	v30 =	vmul.f32 v10, v22  }
0x4c: {  	v24 =	vmul.f32 v4, v24;
	v28 =	vld [tilespmem:$0x1FE90]  }
0x4d: {  	v25 =	vmul.f32 v5, v30;
	v27 =	vadd.s32 v27, v2  }
0x4e: {  	[tilespmem:v23+s7+$0x0] =	vst.idx.msk $0xffff, v24;
	v23 =	vmul.f32 v1, v30;
	v24 =	vadd.s32 v29, v2  }
0x4f: {  	[tilespmem:v26+s7+$0x0] =	vst.idx.msk $0xffff, v25;
	v29 =	vld [tilespmem:$0x1FEA0]  }
0x50: {  	[tilespmem:v31+s7+$0x0] =	vst.idx.msk $0xffff, v23;
	v23 =	vmul.f32 v3, v30;
	v31 =	vld [tilespmem:$0x1FEB0]  }
0x51: {  	v25 =	vadd.s32 v28, v2;
	v28 =	vmul.f32 v6, v30  }
0x52: {  	[tilespmem:v27+s7+$0x0] =	vst.idx.msk $0xffff, v23;
	v23 =	vmul.f32 v4, v30;
	v30 =	vld [tilespmem:$0x1FEC0]  }
0x53: {  	[tilespmem:v24+s7+$0x0] =	vst.idx.msk $0xffff, v28;
	v28 =	vld [tilespmem:$0x1FED0]  }
0x54: {  	v26 =	vadd.s32 v29, v2  }
0x55: {  	v31 =	vadd.s32 v31, v2;
	v29 =	vmul.f32 v9, v22;
	_ =	sdelay $0x1  }
0x56: {  	v27 =	vadd.s32 v30, v2;
	v30 =	vld [tilespmem:$0x1FEE0];
	v24 =	vmul.f32 v5, v29  }
0x57: {  	[tilespmem:v25+s7+$0x0] =	vst.idx.msk $0xffff, v23;
	v23 =	vmul.f32 v1, v29;
	v25 =	vadd.s32 v28, v2;
	v28 =	vld [tilespmem:$0x1FEF0]  }
0x58: {  	[tilespmem:v26+s7+$0x0] =	vst.idx.msk $0xffff, v24  }
0x59: {  	[tilespmem:v31+s7+$0x0] =	vst.idx.msk $0xffff, v23;
	v23 =	vmul.f32 v3, v29;
	v31 =	vld [tilespmem:$0x1FF00];
	_ =	sdelay $0x1  }
0x5a: {  	v24 =	vadd.s32 v30, v2;
	[tilespmem:v27+s7+$0x0] =	vst.idx.msk $0xffff, v23  }
0x5b: {  	v23 =	vmul.f32 v4, v29;
	v26 =	vadd.s32 v28, v2;
	v28 =	vmul.f32 v6, v29;
	v29 =	vld [tilespmem:$0x1FF20];
	_ =	sdelay $0x1  }
0x5c: {  	v30 =	vmul.f32 v8, v22;
	v27 =	vld [tilespmem:$0x1FF10];
	v31 =	vadd.s32 v31, v2;
	_ =	sdelay $0x1  }
0x5d: {  	[tilespmem:v25+s7+$0x0] =	vst.idx.msk $0xffff, v28;
	v25 =	vmul.f32 v5, v30  }
0x5e: {  	[tilespmem:v24+s7+$0x0] =	vst.idx.msk $0xffff, v23;
	v23 =	vmul.f32 v1, v30;
	v24 =	vadd.s32 v29, v2;
	v29 =	vld [tilespmem:$0x1FF40]  }
0x5f: {  	v28 =	vld [tilespmem:$0x1FF30];
	[tilespmem:v26+s7+$0x0] =	vst.idx.msk $0xffff, v25  }
0x60: {  	v27 =	vadd.s32 v27, v2;
	[tilespmem:v31+s7+$0x0] =	vst.idx.msk $0xffff, v23;
	v31 =	vld [tilespmem:$0x1FF60];
	_ =	sdelay $0x2  }
0x61: {  	v23 =	vmul.f32 v3, v30;
	v26 =	vadd.s32 v29, v2;
	v29 =	vld [tilespmem:$0x1FF50]  }
0x62: {  	v25 =	vadd.s32 v28, v2  }
0x63: {  	v28 =	vmul.f32 v6, v30;
	[tilespmem:v27+s7+$0x0] =	vst.idx.msk $0xffff, v23;
	v27 =	vadd.s32 v31, v2;
	v31 =	vld [tilespmem:$0x1FF70];
	_ =	sdelay $0x1  }
0x64: {  	[tilespmem:v24+s7+$0x0] =	vst.idx.msk $0xffff, v28;
	v28 =	vld [tilespmem:$0x1FF80]  }
0x65: {  	v22 =	vmul.f32 v7, v22;
	v30 =	vmul.f32 v4, v30;
	v29 =	vadd.s32 v29, v2;
	_ =	sdelay $0x1  }
0x66: {  	v24 =	vmul.f32 v5, v22;
	[tilespmem:v25+s7+$0x0] =	vst.idx.msk $0xffff, v30;
	v25 =	vadd.s32 v31, v2  }
0x67: {  	v30 =	vmul.f32 v1, v22  }
0x68: {  	v23 =	vmul.f32 v3, v22;
	[tilespmem:v26+s7+$0x0] =	vst.idx.msk $0xffff, v24;
	v24 =	vadd.s32 v28, v2;
	v28 =	vld [tilespmem:$0x1FF90]  }
0x69: {  	v31 =	vld [tilespmem:$0x1FFA0];
	[tilespmem:v29+s7+$0x0] =	vst.idx.msk $0xffff, v30;
	v29 =	vmul.f32 v6, v22  }
0x6a: {  	[tilespmem:v27+s7+$0x0] =	vst.idx.msk $0xffff, v23  }
0x6b: {  	[tilespmem:v25+s7+$0x0] =	vst.idx.msk $0xffff, v29;
	v29 =	vld [tilespmem:$0x1FFB0]  }
0x6c: {  	v26 =	vmul.f32 v16, v21  }
0x6d: {  	v28 =	vadd.s32 v28, v2  }
0x6e: {  	v30 =	vmul.f32 v11, v26;
	v31 =	vadd.s32 v31, v2  }
0x6f: {  	v22 =	vmul.f32 v4, v22  }
0x70: {  	v23 =	vmul.f32 v5, v30;
	v25 =	vadd.s32 v29, v2;
	v29 =	vld [tilespmem:$0x1FFC0]  }
0x71: {  	[tilespmem:v24+s7+$0x0] =	vst.idx.msk $0xffff, v22;
	v22 =	vmul.f32 v1, v30  }
0x72: {  	[tilespmem:v28+s7+$0x0] =	vst.idx.msk $0xffff, v23  }
0x73: {  	[tilespmem:v31+s7+$0x0] =	vst.idx.msk $0xffff, v22;
	v31 =	vld [tilespmem:$0x1FFE0];
	_ =	sdelay $0x1  }
0x74: {  	v24 =	vadd.s32 v29, v2;
	v29 =	vld [tilespmem:$0x1FFD0];
	_ =	sdelay $0x2  }
0x75: {  	v27 =	vadd.s32 v31, v2;
	v31 =	vld [tilespmem:$0x1FFF0];
	_ =	sdelay $0x1  }
0x76: {  	v22 =	vmul.f32 v3, v30;
	v23 =	vadd.s32 v29, v2;
	_ =	sdelay $0x1  }
0x77: {  	v28 =	vmul.f32 v6, v30;
	[tilespmem:v25+s7+$0x0] =	vst.idx.msk $0xffff, v22  }
0x78: {  	v22 =	vmul.f32 v4, v30;
	v31 =	vadd.s32 v31, v2;
	v29 =	vmul.f32 v10, v26  }
0x79: {  	v25 =	vadd.s32 v32, v2;
	[tilespmem:v24+s7+$0x0] =	vst.idx.msk $0xffff, v28  }
0x7a: {  	v30 =	vmul.f32 v5, v29;
	[tilespmem:v23+s7+$0x0] =	vst.idx.msk $0xffff, v22;
	v23 =	vadd.s32 v33, v2  }
0x7b: {  	v24 =	vadd.s32 v34, v2;
	v28 =	vmul.f32 v1, v29  }
0x7c: {  	v22 =	vmul.f32 v3, v29;
	[tilespmem:v27+s7+$0x0] =	vst.idx.msk $0xffff, v30;
	v27 =	vadd.s32 v35, v2  }
0x7d: {  	v30 =	vmul.f32 v9, v26;
	[tilespmem:v31+s7+$0x0] =	vst.idx.msk $0xffff, v28;
	v28 =	vmul.f32 v6, v29  }
0x7e: {  	v31 =	vadd.s32 v36, v2;
	v29 =	vmul.f32 v4, v29;
	[tilespmem:v25+s7+$0x0] =	vst.idx.msk $0xffff, v22  }
0x7f: {  	v25 =	vadd.s32 v37, v2;
	[tilespmem:v23+s7+$0x0] =	vst.idx.msk $0xffff, v28  }
0x80: {  	v28 =	vmul.f32 v5, v30;
	[tilespmem:v24+s7+$0x0] =	vst.idx.msk $0xffff, v29;
	v24 =	vadd.s32 v38, v2  }
0x81: {  	v23 =	vadd.s32 v39, v2;
	v29 =	vmul.f32 v1, v30  }
0x82: {  	v22 =	vmul.f32 v3, v30;
	[tilespmem:v27+s7+$0x0] =	vst.idx.msk $0xffff, v28;
	v27 =	vadd.s32 v40, v2  }
0x83: {  	v28 =	vmul.f32 v6, v30;
	v30 =	vmul.f32 v4, v30;
	[tilespmem:v31+s7+$0x0] =	vst.idx.msk $0xffff, v29  }
0x84: {  	v29 =	vmul.f32 v8, v26;
	v31 =	vadd.s32 v41, v2;
	[tilespmem:v25+s7+$0x0] =	vst.idx.msk $0xffff, v22  }
0x85: {  	v25 =	vadd.s32 v42, v2;
	[tilespmem:v24+s7+$0x0] =	vst.idx.msk $0xffff, v28  }
0x86: {  	v28 =	vmul.f32 v5, v29;
	[tilespmem:v23+s7+$0x0] =	vst.idx.msk $0xffff, v30;
	v23 =	vadd.s32 v43, v2  }
0x87: {  	v24 =	vadd.s32 v44, v2;
	v30 =	vmul.f32 v1, v29  }
0x88: {  	v22 =	vmul.f32 v3, v29;
	[tilespmem:v27+s7+$0x0] =	vst.idx.msk $0xffff, v28;
	v27 =	vadd.s32 v45, v2  }
0x89: {  	v26 =	vmul.f32 v7, v26;
	v28 =	vmul.f32 v6, v29;
	[tilespmem:v31+s7+$0x0] =	vst.idx.msk $0xffff, v30  }
0x8a: {  	v30 =	vadd.s32 v46, v2;
	v31 =	vmul.f32 v4, v29;
	[tilespmem:v25+s7+$0x0] =	vst.idx.msk $0xffff, v22  }
0x8b: {  	v29 =	vmul.f32 v5, v26;
	v25 =	vadd.s32 v47, v2;
	[tilespmem:v23+s7+$0x0] =	vst.idx.msk $0xffff, v28  }
0x8c: {  	v23 =	vadd.s32 v49, v2;
	[tilespmem:v24+s7+$0x0] =	vst.idx.msk $0xffff, v31;
	v24 =	vadd.s32 v48, v2  }
0x8d: {  	v31 =	vmul.f32 v1, v26;
	[tilespmem:v27+s7+$0x0] =	vst.idx.msk $0xffff, v29;
	v27 =	vmul.f32 v15, v21  }
0x8e: {  	v22 =	vmul.f32 v3, v26;
	v28 =	vadd.s32 v50, v2  }
0x8f: {  	v29 =	vmul.f32 v6, v26;
	[tilespmem:v30+s7+$0x0] =	vst.idx.msk $0xffff, v31;
	v30 =	vmul.f32 v11, v27  }
0x90: {  	v31 =	vadd.s32 v51, v2;
	[tilespmem:v25+s7+$0x0] =	vst.idx.msk $0xffff, v22;
	v22 =	vmul.f32 v4, v26  }
0x91: {  	v25 =	vadd.s32 v52, v2;
	[tilespmem:v24+s7+$0x0] =	vst.idx.msk $0xffff, v29;
	v24 =	vmul.f32 v5, v30  }
0x92: {  	[tilespmem:v23+s7+$0x0] =	vst.idx.msk $0xffff, v22;
	v23 =	vadd.s32 v53, v2  }
0x93: {  	v29 =	vmul.f32 v1, v30;
	[tilespmem:v28+s7+$0x0] =	vst.idx.msk $0xffff, v24;
	v24 =	vadd.s32 v54, v2  }
0x94: {  	v26 =	vadd.s32 v55, v2;
	v22 =	vmul.f32 v3, v30  }
0x95: {  	v28 =	vmul.f32 v6, v30;
	[tilespmem:v31+s7+$0x0] =	vst.idx.msk $0xffff, v29;
	v29 =	vmul.f32 v10, v27  }
0x96: {  	v31 =	vadd.s32 v56, v2;
	[tilespmem:v25+s7+$0x0] =	vst.idx.msk $0xffff, v22;
	v22 =	vmul.f32 v4, v30  }
0x97: {  	v25 =	vadd.s32 v57, v2;
	[tilespmem:v23+s7+$0x0] =	vst.idx.msk $0xffff, v28  }
0x98: {  	v30 =	vmul.f32 v5, v29;
	[tilespmem:v24+s7+$0x0] =	vst.idx.msk $0xffff, v22;
	v24 =	vadd.s32 v58, v2  }
0x99: {  	v28 =	vmul.f32 v1, v29;
	v23 =	vadd.s32 v59, v2;
	v22 =	vmul.f32 v3, v29  }
0x9a: {  	[tilespmem:v26+s7+$0x0] =	vst.idx.msk $0xffff, v30;
	v26 =	vadd.s32 v60, v2;
	v30 =	vmul.f32 v9, v27  }
0x9b: {  	[tilespmem:v31+s7+$0x0] =	vst.idx.msk $0xffff, v28;
	v28 =	vmul.f32 v6, v29;
	v31 =	vadd.s32 v61, v2  }
0x9c: {  	v29 =	vmul.f32 v4, v29;
	[tilespmem:v25+s7+$0x0] =	vst.idx.msk $0xffff, v22  }
0x9d: {  	v25 =	vadd.s32 v62, v2;
	[tilespmem:v24+s7+$0x0] =	vst.idx.msk $0xffff, v28;
	v24 =	vmul.f32 v5, v30  }
0x9e: {  	v22 =	vmul.f32 v1, v30;
	v28 =	vadd.s32 $0x40, v0;
	[tilespmem:v23+s7+$0x0] =	vst.idx.msk $0xffff, v29;
	v23 =	vadd.s32 v63, v2  }
0x9f: {  	v29 =	vadd.s32 $0x41, v0;
	[tilespmem:v26+s7+$0x0] =	vst.idx.msk $0xffff, v24;
	v24 =	vadd.s32 v28, v2  }
0xa0: {  	v26 =	vadd.s32 v29, v2;
	v28 =	vadd.s32 $0x42, v0;
	[tilespmem:v31+s7+$0x0] =	vst.idx.msk $0xffff, v22;
	v22 =	vmul.f32 v3, v30  }
0xa1: {  	v29 =	vmul.f32 v6, v30;
	v31 =	vmul.f32 v8, v27;
	v28 =	vadd.s32 v28, v2  }
0xa2: {  	[tilespmem:v25+s7+$0x0] =	vst.idx.msk $0xffff, v22;
	v22 =	vmul.f32 v4, v30;
	v30 =	vadd.s32 $0x43, v0  }
0xa3: {  	[tilespmem:v23+s7+$0x0] =	vst.idx.msk $0xffff, v29;
	v23 =	vmul.f32 v5, v31;
	v25 =	vadd.s32 v30, v2;
	v29 =	vadd.s32 $0x44, v0  }
0xa4: {  	[tilespmem:v24+s7+$0x0] =	vst.idx.msk $0xffff, v22;
	v22 =	vmul.f32 v1, v31;
	v24 =	vadd.s32 v29, v2;
	v29 =	vadd.s32 $0x45, v0  }
0xa5: {  	v30 =	vadd.s32 $0x46, v0;
	[tilespmem:v26+s7+$0x0] =	vst.idx.msk $0xffff, v23;
	v23 =	vadd.s32 v29, v2  }
0xa6: {  	v26 =	vadd.s32 v30, v2;
	[tilespmem:v28+s7+$0x0] =	vst.idx.msk $0xffff, v22;
	v22 =	vmul.f32 v3, v31;
	v28 =	vadd.s32 $0x47, v0  }
0xa7: {  	v27 =	vmul.f32 v7, v27;
	v29 =	vmul.f32 v6, v31;
	v28 =	vadd.s32 v28, v2  }
0xa8: {  	[tilespmem:v25+s7+$0x0] =	vst.idx.msk $0xffff, v22;
	v22 =	vmul.f32 v4, v31;
	v31 =	vadd.s32 $0x48, v0  }
0xa9: {  	[tilespmem:v24+s7+$0x0] =	vst.idx.msk $0xffff, v29;
	v24 =	vmul.f32 v5, v27;
	v25 =	vadd.s32 v31, v2;
	v29 =	vadd.s32 $0x49, v0  }
0xaa: {  	[tilespmem:v23+s7+$0x0] =	vst.idx.msk $0xffff, v22;
	v22 =	vmul.f32 v1, v27;
	v23 =	vadd.s32 v29, v2;
	v29 =	vadd.s32 $0x4A, v0  }
0xab: {  	[tilespmem:v26+s7+$0x0] =	vst.idx.msk $0xffff, v24;
	v24 =	vadd.s32 v29, v2;
	v26 =	vmul.f32 v14, v21;
	v29 =	vadd.s32 $0x4B, v0  }
0xac: {  	[tilespmem:v28+s7+$0x0] =	vst.idx.msk $0xffff, v22;
	v22 =	vmul.f32 v3, v27;
	v28 =	vadd.s32 v29, v2;
	v29 =	vadd.s32 $0x4C, v0  }
0xad: {  	v30 =	vmul.f32 v6, v27;
	v31 =	vmul.f32 v11, v26;
	v29 =	vadd.s32 v29, v2  }
0xae: {  	[tilespmem:v25+s7+$0x0] =	vst.idx.msk $0xffff, v22;
	v22 =	vmul.f32 v4, v27;
	v25 =	vadd.s32 $0x4D, v0  }
0xaf: {  	[tilespmem:v23+s7+$0x0] =	vst.idx.msk $0xffff, v30;
	v23 =	vmul.f32 v5, v31;
	v25 =	vadd.s32 v25, v2;
	v30 =	vadd.s32 $0x4E, v0  }
0xb0: {  	[tilespmem:v24+s7+$0x0] =	vst.idx.msk $0xffff, v22;
	v22 =	vmul.f32 v1, v31;
	v24 =	vadd.s32 v30, v2;
	v30 =	vadd.s32 $0x4F, v0  }
0xb1: {  	[tilespmem:v28+s7+$0x0] =	vst.idx.msk $0xffff, v23;
	v23 =	vadd.s32 v30, v2;
	v30 =	vadd.s32 $0x50, v0  }
0xb2: {  	v28 =	vadd.s32 $0x51, v0;
	[tilespmem:v29+s7+$0x0] =	vst.idx.msk $0xffff, v22;
	v22 =	vmul.f32 v3, v31;
	v27 =	vadd.s32 v30, v2  }
0xb3: {  	v29 =	vmul.f32 v6, v31;
	v30 =	vmul.f32 v10, v26;
	v28 =	vadd.s32 v28, v2  }
0xb4: {  	[tilespmem:v25+s7+$0x0] =	vst.idx.msk $0xffff, v22;
	v22 =	vmul.f32 v4, v31;
	v31 =	vadd.s32 $0x52, v0  }
0xb5: {  	[tilespmem:v24+s7+$0x0] =	vst.idx.msk $0xffff, v29;
	v24 =	vmul.f32 v5, v30;
	v25 =	vadd.s32 v31, v2;
	v29 =	vadd.s32 $0x53, v0  }
0xb6: {  	[tilespmem:v23+s7+$0x0] =	vst.idx.msk $0xffff, v22;
	v22 =	vmul.f32 v1, v30;
	v23 =	vadd.s32 v29, v2;
	v29 =	vadd.s32 $0x54, v0  }
0xb7: {  	v31 =	vadd.s32 $0x55, v0;
	[tilespmem:v27+s7+$0x0] =	vst.idx.msk $0xffff, v24;
	v24 =	vadd.s32 v29, v2  }
0xb8: {  	v27 =	vadd.s32 v31, v2;
	[tilespmem:v28+s7+$0x0] =	vst.idx.msk $0xffff, v22;
	v22 =	vmul.f32 v3, v30;
	v28 =	vadd.s32 $0x56, v0  }
0xb9: {  	v29 =	vmul.f32 v6, v30;
	v31 =	vmul.f32 v9, v26;
	v28 =	vadd.s32 v28, v2  }
0xba: {  	[tilespmem:v25+s7+$0x0] =	vst.idx.msk $0xffff, v22;
	v22 =	vmul.f32 v4, v30;
	v30 =	vadd.s32 $0x57, v0  }
0xbb: {  	[tilespmem:v23+s7+$0x0] =	vst.idx.msk $0xffff, v29;
	v23 =	vmul.f32 v5, v31;
	v25 =	vadd.s32 v30, v2;
	v29 =	vadd.s32 $0x58, v0  }
0xbc: {  	[tilespmem:v24+s7+$0x0] =	vst.idx.msk $0xffff, v22;
	v22 =	vmul.f32 v1, v31;
	v24 =	vadd.s32 v29, v2;
	v29 =	vadd.s32 $0x59, v0  }
0xbd: {  	v30 =	vadd.s32 $0x5A, v0;
	[tilespmem:v27+s7+$0x0] =	vst.idx.msk $0xffff, v23;
	v23 =	vadd.s32 v29, v2  }
0xbe: {  	v27 =	vadd.s32 v30, v2;
	[tilespmem:v28+s7+$0x0] =	vst.idx.msk $0xffff, v22;
	v22 =	vmul.f32 v3, v31;
	v28 =	vadd.s32 $0x5B, v0  }
0xbf: {  	v29 =	vmul.f32 v6, v31;
	v30 =	vmul.f32 v8, v26;
	v28 =	vadd.s32 v28, v2  }
0xc0: {  	[tilespmem:v25+s7+$0x0] =	vst.idx.msk $0xffff, v22;
	v22 =	vmul.f32 v4, v31;
	v31 =	vadd.s32 $0x5C, v0  }
0xc1: {  	[tilespmem:v24+s7+$0x0] =	vst.idx.msk $0xffff, v29;
	v24 =	vmul.f32 v5, v30;
	v25 =	vadd.s32 v31, v2;
	v29 =	vadd.s32 $0x5D, v0  }
0xc2: {  	[tilespmem:v23+s7+$0x0] =	vst.idx.msk $0xffff, v22;
	v22 =	vmul.f32 v1, v30;
	v23 =	vadd.s32 v29, v2;
	v29 =	vadd.s32 $0x5E, v0  }
0xc3: {  	v31 =	vadd.s32 $0x5F, v0;
	[tilespmem:v27+s7+$0x0] =	vst.idx.msk $0xffff, v24;
	v24 =	vadd.s32 v29, v2  }
0xc4: {  	v27 =	vadd.s32 v31, v2;
	[tilespmem:v28+s7+$0x0] =	vst.idx.msk $0xffff, v22;
	v22 =	vmul.f32 v3, v30;
	v28 =	vadd.s32 $0x60, v0  }
0xc5: {  	v26 =	vmul.f32 v7, v26;
	v29 =	vmul.f32 v6, v30;
	v28 =	vadd.s32 v28, v2  }
0xc6: {  	v31 =	vadd.s32 $0x61, v0;
	[tilespmem:v25+s7+$0x0] =	vst.idx.msk $0xffff, v22;
	v22 =	vmul.f32 v4, v30  }
0xc7: {  	v25 =	vadd.s32 v31, v2;
	[tilespmem:v23+s7+$0x0] =	vst.idx.msk $0xffff, v29;
	v23 =	vmul.f32 v5, v26;
	v29 =	vadd.s32 $0x62, v0  }
0xc8: {  	[tilespmem:v24+s7+$0x0] =	vst.idx.msk $0xffff, v22;
	v22 =	vmul.f32 v1, v26;
	v24 =	vadd.s32 v29, v2;
	v29 =	vadd.s32 $0x63, v0  }
0xc9: {  	v21 =	vmul.f32 v13, v21;
	v30 =	vadd.s32 $0x64, v0;
	[tilespmem:v27+s7+$0x0] =	vst.idx.msk $0xffff, v23;
	v23 =	vadd.s32 v29, v2  }
0xca: {  	v27 =	vadd.s32 v30, v2;
	[tilespmem:v28+s7+$0x0] =	vst.idx.msk $0xffff, v22;
	v22 =	vmul.f32 v3, v26;
	v28 =	vadd.s32 $0x65, v0  }
0xcb: {  	v29 =	vmul.f32 v6, v26;
	v30 =	vmul.f32 v11, v21;
	v28 =	vadd.s32 v28, v2  }
0xcc: {  	v31 =	vadd.s32 $0x66, v0;
	[tilespmem:v25+s7+$0x0] =	vst.idx.msk $0xffff, v22;
	v22 =	vmul.f32 v4, v26  }
0xcd: {  	v25 =	vadd.s32 v31, v2;
	[tilespmem:v24+s7+$0x0] =	vst.idx.msk $0xffff, v29;
	v24 =	vmul.f32 v5, v30;
	v29 =	vadd.s32 $0x67, v0  }
0xce: {  	v31 =	vadd.s32 $0x68, v0;
	[tilespmem:v23+s7+$0x0] =	vst.idx.msk $0xffff, v22;
	v22 =	vmul.f32 v1, v30;
	v23 =	vadd.s32 v29, v2  }
0xcf: {  	v29 =	vadd.s32 $0x69, v0;
	[tilespmem:v27+s7+$0x0] =	vst.idx.msk $0xffff, v24;
	v24 =	vadd.s32 v31, v2  }
0xd0: {  	v26 =	vadd.s32 v29, v2;
	v27 =	vadd.s32 $0x6A, v0;
	[tilespmem:v28+s7+$0x0] =	vst.idx.msk $0xffff, v22;
	v22 =	vmul.f32 v3, v30  }
0xd1: {  	v29 =	vmul.f32 v10, v21;
	v28 =	vmul.f32 v6, v30;
	v27 =	vadd.s32 v27, v2  }
0xd2: {  	v31 =	vadd.s32 $0x6B, v0;
	[tilespmem:v25+s7+$0x0] =	vst.idx.msk $0xffff, v22;
	v22 =	vmul.f32 v4, v30  }
0xd3: {  	v25 =	vadd.s32 v31, v2;
	[tilespmem:v23+s7+$0x0] =	vst.idx.msk $0xffff, v28;
	v23 =	vmul.f32 v5, v29;
	v28 =	vadd.s32 $0x6C, v0  }
0xd4: {  	[tilespmem:v24+s7+$0x0] =	vst.idx.msk $0xffff, v22;
	v22 =	vmul.f32 v1, v29;
	v24 =	vadd.s32 v28, v2;
	v28 =	vadd.s32 $0x6D, v0  }
0xd5: {  	v30 =	vadd.s32 $0x6E, v0;
	[tilespmem:v26+s7+$0x0] =	vst.idx.msk $0xffff, v23;
	v23 =	vadd.s32 v28, v2  }
0xd6: {  	v26 =	vadd.s32 v30, v2;
	[tilespmem:v27+s7+$0x0] =	vst.idx.msk $0xffff, v22;
	v22 =	vmul.f32 v3, v29;
	v27 =	vadd.s32 $0x6F, v0  }
0xd7: {  	v28 =	vmul.f32 v6, v29;
	v30 =	vmul.f32 v9, v21;
	v27 =	vadd.s32 v27, v2  }
0xd8: {  	v31 =	vadd.s32 $0x70, v0;
	[tilespmem:v25+s7+$0x0] =	vst.idx.msk $0xffff, v22;
	v22 =	vmul.f32 v4, v29  }
0xd9: {  	v25 =	vadd.s32 v31, v2;
	[tilespmem:v24+s7+$0x0] =	vst.idx.msk $0xffff, v28;
	v24 =	vmul.f32 v5, v30;
	v28 =	vadd.s32 $0x71, v0  }
0xda: {  	[tilespmem:v23+s7+$0x0] =	vst.idx.msk $0xffff, v22;
	v22 =	vmul.f32 v1, v30;
	v23 =	vadd.s32 v28, v2;
	v28 =	vadd.s32 $0x72, v0  }
0xdb: {  	v29 =	vadd.s32 $0x73, v0;
	[tilespmem:v26+s7+$0x0] =	vst.idx.msk $0xffff, v24;
	v24 =	vadd.s32 v28, v2  }
0xdc: {  	v26 =	vadd.s32 v29, v2;
	[tilespmem:v27+s7+$0x0] =	vst.idx.msk $0xffff, v22;
	v22 =	vmul.f32 v3, v30;
	v27 =	vadd.s32 $0x74, v0  }
0xdd: {  	v28 =	vmul.f32 v6, v30;
	v29 =	vmul.f32 v8, v21;
	v27 =	vadd.s32 v27, v2  }
0xde: {  	v31 =	vadd.s32 $0x75, v0;
	[tilespmem:v25+s7+$0x0] =	vst.idx.msk $0xffff, v22;
	v22 =	vmul.f32 v4, v30  }
0xdf: {  	v25 =	vadd.s32 v31, v2;
	[tilespmem:v23+s7+$0x0] =	vst.idx.msk $0xffff, v28;
	v23 =	vmul.f32 v5, v29;
	v28 =	vadd.s32 $0x76, v0  }
0xe0: {  	[tilespmem:v24+s7+$0x0] =	vst.idx.msk $0xffff, v22;
	v22 =	vmul.f32 v1, v29;
	v24 =	vadd.s32 v28, v2;
	v28 =	vadd.s32 $0x77, v0  }
0xe1: {  	v30 =	vadd.s32 $0x78, v0;
	[tilespmem:v26+s7+$0x0] =	vst.idx.msk $0xffff, v23;
	v23 =	vadd.s32 v28, v2  }
0xe2: {  	v26 =	vadd.s32 v30, v2;
	[tilespmem:v27+s7+$0x0] =	vst.idx.msk $0xffff, v22;
	v22 =	vmul.f32 v3, v29;
	v27 =	vadd.s32 $0x79, v0  }
0xe3: {  	v21 =	vmul.f32 v7, v21;
	v28 =	vmul.f32 v6, v29;
	v27 =	vadd.s32 v27, v2  }
0xe4: {  	v31 =	vadd.s32 $0x7A, v0;
	[tilespmem:v25+s7+$0x0] =	vst.idx.msk $0xffff, v22;
	v22 =	vmul.f32 v4, v29  }
0xe5: {  	v25 =	vadd.s32 v31, v2;
	[tilespmem:v24+s7+$0x0] =	vst.idx.msk $0xffff, v28;
	v24 =	vmul.f32 v5, v21;
	v28 =	vadd.s32 $0x7B, v0  }
0xe6: {  	[tilespmem:v23+s7+$0x0] =	vst.idx.msk $0xffff, v22;
	v22 =	vmul.f32 v1, v21;
	v23 =	vadd.s32 v28, v2;
	v28 =	vadd.s32 $0x7C, v0  }
0xe7: {  	[tilespmem:v26+s7+$0x0] =	vst.idx.msk $0xffff, v24;
	v24 =	vadd.s32 v28, v2;
	v26 =	vmul.f32 v17, v20;
	v28 =	vadd.s32 $0x7D, v0  }
0xe8: {  	[tilespmem:v27+s7+$0x0] =	vst.idx.msk $0xffff, v22;
	v22 =	vmul.f32 v3, v21;
	v27 =	vadd.s32 v28, v2;
	v28 =	vadd.s32 $0x7E, v0  }
0xe9: {  	v29 =	vmul.f32 v6, v21;
	v30 =	vmul.f32 v11, v26;
	v28 =	vadd.s32 v28, v2  }
0xea: {  	v21 =	vmul.f32 v4, v21;
	[tilespmem:v25+s7+$0x0] =	vst.idx.msk $0xffff, v22;
	v25 =	vadd.s32 $0x7F, v0  }
0xeb: {  	[tilespmem:v23+s7+$0x0] =	vst.idx.msk $0xffff, v29;
	v23 =	vmul.f32 v5, v30;
	v22 =	vadd.s32 v25, v2;
	v29 =	vadd.s32 $0x80, v0  }
0xec: {  	v31 =	vadd.s32 $0x81, v0;
	[tilespmem:v24+s7+$0x0] =	vst.idx.msk $0xffff, v21;
	v21 =	vmul.f32 v1, v30;
	v24 =	vadd.s32 v29, v2  }
0xed: {  	v29 =	vadd.s32 $0x82, v0;
	[tilespmem:v27+s7+$0x0] =	vst.idx.msk $0xffff, v23;
	v23 =	vadd.s32 v31, v2  }
0xee: {  	v25 =	vadd.s32 v29, v2;
	v27 =	vadd.s32 $0x83, v0;
	[tilespmem:v28+s7+$0x0] =	vst.idx.msk $0xffff, v21;
	v21 =	vmul.f32 v3, v30  }
0xef: {  	v29 =	vmul.f32 v10, v26;
	v28 =	vmul.f32 v6, v30;
	v27 =	vadd.s32 v27, v2  }
0xf0: {  	v31 =	vadd.s32 $0x84, v0;
	[tilespmem:v22+s7+$0x0] =	vst.idx.msk $0xffff, v21;
	v21 =	vmul.f32 v4, v30  }
0xf1: {  	v22 =	vadd.s32 v31, v2;
	[tilespmem:v24+s7+$0x0] =	vst.idx.msk $0xffff, v28;
	v24 =	vmul.f32 v5, v29;
	v28 =	vadd.s32 $0x85, v0  }
0xf2: {  	[tilespmem:v23+s7+$0x0] =	vst.idx.msk $0xffff, v21;
	v21 =	vmul.f32 v1, v29;
	v23 =	vadd.s32 v28, v2;
	v28 =	vadd.s32 $0x86, v0  }
0xf3: {  	v30 =	vadd.s32 $0x87, v0;
	[tilespmem:v25+s7+$0x0] =	vst.idx.msk $0xffff, v24;
	v24 =	vadd.s32 v28, v2  }
0xf4: {  	v25 =	vadd.s32 v30, v2;
	[tilespmem:v27+s7+$0x0] =	vst.idx.msk $0xffff, v21;
	v21 =	vmul.f32 v3, v29;
	v27 =	vadd.s32 $0x88, v0  }
0xf5: {  	v28 =	vmul.f32 v6, v29;
	v30 =	vmul.f32 v9, v26;
	v27 =	vadd.s32 v27, v2  }
0xf6: {  	v31 =	vadd.s32 $0x89, v0;
	[tilespmem:v22+s7+$0x0] =	vst.idx.msk $0xffff, v21;
	v21 =	vmul.f32 v4, v29  }
0xf7: {  	v22 =	vadd.s32 v31, v2;
	[tilespmem:v23+s7+$0x0] =	vst.idx.msk $0xffff, v28;
	v23 =	vmul.f32 v5, v30;
	v28 =	vadd.s32 $0x8A, v0  }
0xf8: {  	[tilespmem:v24+s7+$0x0] =	vst.idx.msk $0xffff, v21;
	v21 =	vmul.f32 v1, v30;
	v24 =	vadd.s32 v28, v2;
	v28 =	vadd.s32 $0x8B, v0  }
0xf9: {  	v29 =	vadd.s32 $0x8C, v0;
	[tilespmem:v25+s7+$0x0] =	vst.idx.msk $0xffff, v23;
	v23 =	vadd.s32 v28, v2  }
0xfa: {  	v25 =	vadd.s32 v29, v2;
	[tilespmem:v27+s7+$0x0] =	vst.idx.msk $0xffff, v21;
	v21 =	vmul.f32 v3, v30;
	v27 =	vadd.s32 $0x8D, v0  }
0xfb: {  	v28 =	vmul.f32 v6, v30;
	v29 =	vmul.f32 v8, v26;
	v27 =	vadd.s32 v27, v2  }
0xfc: {  	v31 =	vadd.s32 $0x8E, v0;
	[tilespmem:v22+s7+$0x0] =	vst.idx.msk $0xffff, v21;
	v21 =	vmul.f32 v4, v30  }
0xfd: {  	v22 =	vadd.s32 v31, v2;
	[tilespmem:v24+s7+$0x0] =	vst.idx.msk $0xffff, v28;
	v24 =	vmul.f32 v5, v29;
	v28 =	vadd.s32 $0x8F, v0  }
0xfe: {  	[tilespmem:v23+s7+$0x0] =	vst.idx.msk $0xffff, v21;
	v21 =	vmul.f32 v1, v29;
	v23 =	vadd.s32 v28, v2;
	v28 =	vadd.s32 $0x90, v0  }
0xff: {  	[tilespmem:v25+s7+$0x0] =	vst.idx.msk $0xffff, v24;
	v24 =	vadd.s32 v28, v2;
	v28 =	vadd.s32 $0x91, v0  }
0x100: {  	[tilespmem:v27+s7+$0x0] =	vst.idx.msk $0xffff, v21;
	v21 =	vmul.f32 v3, v29;
	v25 =	vadd.s32 v28, v2;
	v27 =	vadd.s32 $0x92, v0  }
0x101: {  	v26 =	vmul.f32 v7, v26;
	v28 =	vmul.f32 v6, v29;
	v27 =	vadd.s32 v27, v2  }
0x102: {  	v30 =	vadd.s32 $0x93, v0;
	[tilespmem:v22+s7+$0x0] =	vst.idx.msk $0xffff, v21;
	v21 =	vmul.f32 v4, v29  }
0x103: {  	v22 =	vadd.s32 v30, v2;
	[tilespmem:v23+s7+$0x0] =	vst.idx.msk $0xffff, v28;
	v23 =	vmul.f32 v5, v26;
	v28 =	vadd.s32 $0x94, v0  }
0x104: {  	[tilespmem:v24+s7+$0x0] =	vst.idx.msk $0xffff, v21;
	v21 =	vmul.f32 v1, v26;
	v24 =	vadd.s32 v28, v2;
	v28 =	vadd.s32 $0x95, v0  }
0x105: {  	[tilespmem:v25+s7+$0x0] =	vst.idx.msk $0xffff, v23;
	v23 =	vadd.s32 v28, v2;
	v25 =	vmul.f32 v16, v20;
	v28 =	vadd.s32 $0x96, v0  }
0x106: {  	[tilespmem:v27+s7+$0x0] =	vst.idx.msk $0xffff, v21;
	v21 =	vmul.f32 v3, v26;
	v27 =	vadd.s32 v28, v2;
	v28 =	vadd.s32 $0x97, v0  }
0x107: {  	v29 =	vmul.f32 v6, v26;
	v30 =	vmul.f32 v11, v25;
	v28 =	vadd.s32 v28, v2  }
0x108: {  	v31 =	vadd.s32 $0x98, v0;
	[tilespmem:v22+s7+$0x0] =	vst.idx.msk $0xffff, v21;
	v21 =	vmul.f32 v4, v26  }
0x109: {  	v22 =	vadd.s32 v31, v2;
	[tilespmem:v24+s7+$0x0] =	vst.idx.msk $0xffff, v29;
	v24 =	vmul.f32 v5, v30;
	v29 =	vadd.s32 $0x99, v0  }
0x10a: {  	v31 =	vadd.s32 $0x9A, v0;
	[tilespmem:v23+s7+$0x0] =	vst.idx.msk $0xffff, v21;
	v21 =	vmul.f32 v1, v30;
	v23 =	vadd.s32 v29, v2  }
0x10b: {  	v29 =	vadd.s32 $0x9B, v0;
	[tilespmem:v27+s7+$0x0] =	vst.idx.msk $0xffff, v24;
	v24 =	vadd.s32 v31, v2  }
0x10c: {  	v26 =	vadd.s32 v29, v2;
	v27 =	vadd.s32 $0x9C, v0;
	[tilespmem:v28+s7+$0x0] =	vst.idx.msk $0xffff, v21;
	v21 =	vmul.f32 v3, v30  }
0x10d: {  	v29 =	vmul.f32 v10, v25;
	v28 =	vmul.f32 v6, v30;
	v27 =	vadd.s32 v27, v2  }
0x10e: {  	v31 =	vadd.s32 $0x9D, v0;
	[tilespmem:v22+s7+$0x0] =	vst.idx.msk $0xffff, v21;
	v21 =	vmul.f32 v4, v30  }
0x10f: {  	v22 =	vadd.s32 v31, v2;
	[tilespmem:v23+s7+$0x0] =	vst.idx.msk $0xffff, v28;
	v23 =	vmul.f32 v5, v29;
	v28 =	vadd.s32 $0x9E, v0  }
0x110: {  	[tilespmem:v24+s7+$0x0] =	vst.idx.msk $0xffff, v21;
	v21 =	vmul.f32 v1, v29;
	v24 =	vadd.s32 v28, v2;
	v28 =	vadd.s32 $0x9F, v0  }
0x111: {  	v30 =	vadd.s32 $0xA0, v0;
	[tilespmem:v26+s7+$0x0] =	vst.idx.msk $0xffff, v23;
	v23 =	vadd.s32 v28, v2  }
0x112: {  	v26 =	vadd.s32 v30, v2;
	[tilespmem:v27+s7+$0x0] =	vst.idx.msk $0xffff, v21;
	v21 =	vmul.f32 v3, v29;
	v27 =	vadd.s32 $0xA1, v0  }
0x113: {  	v28 =	vmul.f32 v6, v29;
	v30 =	vmul.f32 v9, v25;
	v27 =	vadd.s32 v27, v2  }
0x114: {  	v31 =	vadd.s32 $0xA2, v0;
	[tilespmem:v22+s7+$0x0] =	vst.idx.msk $0xffff, v21;
	v21 =	vmul.f32 v4, v29  }
0x115: {  	v22 =	vadd.s32 v31, v2;
	[tilespmem:v24+s7+$0x0] =	vst.idx.msk $0xffff, v28;
	v24 =	vmul.f32 v5, v30;
	v28 =	vadd.s32 $0xA3, v0  }
0x116: {  	[tilespmem:v23+s7+$0x0] =	vst.idx.msk $0xffff, v21;
	v21 =	vmul.f32 v1, v30;
	v23 =	vadd.s32 v28, v2;
	v28 =	vadd.s32 $0xA4, v0  }
0x117: {  	v29 =	vadd.s32 $0xA5, v0;
	[tilespmem:v26+s7+$0x0] =	vst.idx.msk $0xffff, v24;
	v24 =	vadd.s32 v28, v2  }
0x118: {  	v26 =	vadd.s32 v29, v2;
	[tilespmem:v27+s7+$0x0] =	vst.idx.msk $0xffff, v21;
	v21 =	vmul.f32 v3, v30;
	v27 =	vadd.s32 $0xA6, v0  }
0x119: {  	v28 =	vmul.f32 v6, v30;
	v29 =	vmul.f32 v8, v25;
	v27 =	vadd.s32 v27, v2  }
0x11a: {  	v31 =	vadd.s32 $0xA7, v0;
	[tilespmem:v22+s7+$0x0] =	vst.idx.msk $0xffff, v21;
	v21 =	vmul.f32 v4, v30  }
0x11b: {  	v22 =	vadd.s32 v31, v2;
	[tilespmem:v23+s7+$0x0] =	vst.idx.msk $0xffff, v28;
	v23 =	vmul.f32 v5, v29;
	v28 =	vadd.s32 $0xA8, v0  }
0x11c: {  	[tilespmem:v24+s7+$0x0] =	vst.idx.msk $0xffff, v21;
	v21 =	vmul.f32 v1, v29;
	v24 =	vadd.s32 v28, v2;
	v28 =	vadd.s32 $0xA9, v0  }
0x11d: {  	[tilespmem:v26+s7+$0x0] =	vst.idx.msk $0xffff, v23;
	v23 =	vadd.s32 v28, v2;
	v28 =	vadd.s32 $0xAA, v0  }
0x11e: {  	[tilespmem:v27+s7+$0x0] =	vst.idx.msk $0xffff, v21;
	v21 =	vmul.f32 v3, v29;
	v26 =	vadd.s32 v28, v2;
	v27 =	vadd.s32 $0xAB, v0  }
0x11f: {  	v25 =	vmul.f32 v7, v25;
	v28 =	vmul.f32 v6, v29;
	v27 =	vadd.s32 v27, v2  }
0x120: {  	v30 =	vadd.s32 $0xAC, v0;
	[tilespmem:v22+s7+$0x0] =	vst.idx.msk $0xffff, v21;
	v21 =	vmul.f32 v4, v29  }
0x121: {  	v22 =	vadd.s32 v30, v2;
	[tilespmem:v24+s7+$0x0] =	vst.idx.msk $0xffff, v28;
	v24 =	vmul.f32 v5, v25;
	v28 =	vadd.s32 $0xAD, v0  }
0x122: {  	[tilespmem:v23+s7+$0x0] =	vst.idx.msk $0xffff, v21;
	v21 =	vmul.f32 v1, v25;
	v23 =	vadd.s32 v28, v2;
	v28 =	vadd.s32 $0xAE, v0  }
0x123: {  	[tilespmem:v26+s7+$0x0] =	vst.idx.msk $0xffff, v24;
	v24 =	vadd.s32 v28, v2;
	v26 =	vmul.f32 v15, v20;
	v28 =	vadd.s32 $0xAF, v0  }
0x124: {  	[tilespmem:v27+s7+$0x0] =	vst.idx.msk $0xffff, v21;
	v21 =	vmul.f32 v3, v25;
	v27 =	vadd.s32 v28, v2;
	v28 =	vadd.s32 $0xB0, v0  }
0x125: {  	v29 =	vmul.f32 v6, v25;
	v30 =	vmul.f32 v11, v26;
	v28 =	vadd.s32 v28, v2  }
0x126: {  	v31 =	vmul.f32 v4, v25;
	v25 =	vadd.s32 $0xB1, v0;
	[tilespmem:v22+s7+$0x0] =	vst.idx.msk $0xffff, v21  }
0x127: {  	v22 =	vadd.s32 v25, v2;
	[tilespmem:v23+s7+$0x0] =	vst.idx.msk $0xffff, v29;
	v23 =	vmul.f32 v5, v30;
	v29 =	vadd.s32 $0xB2, v0  }
0x128: {  	v21 =	vmul.f32 v1, v30;
	[tilespmem:v24+s7+$0x0] =	vst.idx.msk $0xffff, v31;
	v24 =	vadd.s32 v29, v2;
	v31 =	vadd.s32 $0xB3, v0  }
0x129: {  	v29 =	vadd.s32 $0xB4, v0;
	[tilespmem:v27+s7+$0x0] =	vst.idx.msk $0xffff, v23;
	v23 =	vadd.s32 v31, v2  }
0x12a: {  	v25 =	vadd.s32 v29, v2;
	v27 =	vadd.s32 $0xB5, v0;
	[tilespmem:v28+s7+$0x0] =	vst.idx.msk $0xffff, v21;
	v21 =	vmul.f32 v3, v30  }
0x12b: {  	v29 =	vmul.f32 v10, v26;
	v28 =	vmul.f32 v6, v30;
	v27 =	vadd.s32 v27, v2  }
0x12c: {  	v31 =	vadd.s32 $0xB6, v0;
	[tilespmem:v22+s7+$0x0] =	vst.idx.msk $0xffff, v21;
	v21 =	vmul.f32 v4, v30  }
0x12d: {  	v22 =	vadd.s32 v31, v2;
	[tilespmem:v24+s7+$0x0] =	vst.idx.msk $0xffff, v28;
	v24 =	vmul.f32 v5, v29;
	v28 =	vadd.s32 $0xB7, v0  }
0x12e: {  	[tilespmem:v23+s7+$0x0] =	vst.idx.msk $0xffff, v21;
	v21 =	vmul.f32 v1, v29;
	v23 =	vadd.s32 v28, v2;
	v28 =	vadd.s32 $0xB8, v0  }
0x12f: {  	v30 =	vadd.s32 $0xB9, v0;
	[tilespmem:v25+s7+$0x0] =	vst.idx.msk $0xffff, v24;
	v24 =	vadd.s32 v28, v2  }
0x130: {  	v25 =	vadd.s32 v30, v2;
	[tilespmem:v27+s7+$0x0] =	vst.idx.msk $0xffff, v21;
	v21 =	vmul.f32 v3, v29;
	v27 =	vadd.s32 $0xBA, v0  }
0x131: {  	v28 =	vmul.f32 v6, v29;
	v30 =	vmul.f32 v9, v26;
	v27 =	vadd.s32 v27, v2  }
0x132: {  	v31 =	vadd.s32 $0xBB, v0;
	[tilespmem:v22+s7+$0x0] =	vst.idx.msk $0xffff, v21;
	v21 =	vmul.f32 v4, v29  }
0x133: {  	v22 =	vadd.s32 v31, v2;
	[tilespmem:v23+s7+$0x0] =	vst.idx.msk $0xffff, v28;
	v23 =	vmul.f32 v5, v30;
	v28 =	vadd.s32 $0xBC, v0  }
0x134: {  	[tilespmem:v24+s7+$0x0] =	vst.idx.msk $0xffff, v21;
	v21 =	vmul.f32 v1, v30;
	v24 =	vadd.s32 v28, v2;
	v28 =	vadd.s32 $0xBD, v0  }
0x135: {  	v29 =	vadd.s32 $0xBE, v0;
	[tilespmem:v25+s7+$0x0] =	vst.idx.msk $0xffff, v23;
	v23 =	vadd.s32 v28, v2  }
0x136: {  	v25 =	vadd.s32 v29, v2;
	[tilespmem:v27+s7+$0x0] =	vst.idx.msk $0xffff, v21;
	v21 =	vmul.f32 v3, v30;
	v27 =	vadd.s32 $0xBF, v0  }
0x137: {  	v28 =	vmul.f32 v6, v30;
	v29 =	vmul.f32 v8, v26;
	v27 =	vadd.s32 v27, v2  }
0x138: {  	v31 =	vadd.s32 $0xC0, v0;
	[tilespmem:v22+s7+$0x0] =	vst.idx.msk $0xffff, v21;
	v21 =	vmul.f32 v4, v30  }
0x139: {  	v22 =	vadd.s32 v31, v2;
	[tilespmem:v24+s7+$0x0] =	vst.idx.msk $0xffff, v28;
	v24 =	vmul.f32 v5, v29;
	v28 =	vadd.s32 $0xC1, v0  }
0x13a: {  	[tilespmem:v23+s7+$0x0] =	vst.idx.msk $0xffff, v21;
	v21 =	vmul.f32 v1, v29;
	v23 =	vadd.s32 v28, v2;
	v28 =	vadd.s32 $0xC2, v0  }
0x13b: {  	[tilespmem:v25+s7+$0x0] =	vst.idx.msk $0xffff, v24;
	v24 =	vadd.s32 v28, v2;
	v28 =	vadd.s32 $0xC3, v0  }
0x13c: {  	[tilespmem:v27+s7+$0x0] =	vst.idx.msk $0xffff, v21;
	v21 =	vmul.f32 v3, v29;
	v25 =	vadd.s32 v28, v2;
	v27 =	vadd.s32 $0xC4, v0  }
0x13d: {  	v26 =	vmul.f32 v7, v26;
	v28 =	vmul.f32 v6, v29;
	v27 =	vadd.s32 v27, v2  }
0x13e: {  	v30 =	vadd.s32 $0xC5, v0;
	[tilespmem:v22+s7+$0x0] =	vst.idx.msk $0xffff, v21;
	v21 =	vmul.f32 v4, v29  }
0x13f: {  	v22 =	vadd.s32 v30, v2;
	[tilespmem:v23+s7+$0x0] =	vst.idx.msk $0xffff, v28;
	v23 =	vmul.f32 v5, v26;
	v28 =	vadd.s32 $0xC6, v0  }
0x140: {  	[tilespmem:v24+s7+$0x0] =	vst.idx.msk $0xffff, v21;
	v21 =	vmul.f32 v1, v26;
	v24 =	vadd.s32 v28, v2;
	v28 =	vadd.s32 $0xC7, v0  }
0x141: {  	[tilespmem:v25+s7+$0x0] =	vst.idx.msk $0xffff, v23;
	v23 =	vadd.s32 v28, v2;
	v25 =	vmul.f32 v14, v20;
	v28 =	vadd.s32 $0xC8, v0  }
0x142: {  	[tilespmem:v27+s7+$0x0] =	vst.idx.msk $0xffff, v21;
	v21 =	vmul.f32 v3, v26;
	v27 =	vadd.s32 v28, v2;
	v28 =	vadd.s32 $0xC9, v0  }
0x143: {  	v29 =	vmul.f32 v6, v26;
	v30 =	vmul.f32 v11, v25;
	v28 =	vadd.s32 v28, v2  }
0x144: {  	v31 =	vadd.s32 $0xCA, v0;
	[tilespmem:v22+s7+$0x0] =	vst.idx.msk $0xffff, v21;
	v21 =	vmul.f32 v4, v26  }
0x145: {  	v22 =	vadd.s32 v31, v2;
	[tilespmem:v24+s7+$0x0] =	vst.idx.msk $0xffff, v29;
	v24 =	vmul.f32 v5, v30;
	v29 =	vadd.s32 $0xCB, v0  }
0x146: {  	v31 =	vadd.s32 $0xCC, v0;
	[tilespmem:v23+s7+$0x0] =	vst.idx.msk $0xffff, v21;
	v21 =	vmul.f32 v1, v30;
	v23 =	vadd.s32 v29, v2  }
0x147: {  	v29 =	vadd.s32 $0xCD, v0;
	[tilespmem:v27+s7+$0x0] =	vst.idx.msk $0xffff, v24;
	v24 =	vadd.s32 v31, v2  }
0x148: {  	v26 =	vadd.s32 v29, v2;
	v27 =	vadd.s32 $0xCE, v0;
	[tilespmem:v28+s7+$0x0] =	vst.idx.msk $0xffff, v21;
	v21 =	vmul.f32 v3, v30  }
0x149: {  	v29 =	vmul.f32 v10, v25;
	v28 =	vmul.f32 v6, v30;
	v27 =	vadd.s32 v27, v2  }
0x14a: {  	v31 =	vadd.s32 $0xCF, v0;
	[tilespmem:v22+s7+$0x0] =	vst.idx.msk $0xffff, v21;
	v21 =	vmul.f32 v4, v30  }
0x14b: {  	v22 =	vadd.s32 v31, v2;
	[tilespmem:v23+s7+$0x0] =	vst.idx.msk $0xffff, v28;
	v23 =	vmul.f32 v5, v29;
	v28 =	vadd.s32 $0xD0, v0  }
0x14c: {  	[tilespmem:v24+s7+$0x0] =	vst.idx.msk $0xffff, v21;
	v21 =	vmul.f32 v1, v29;
	v24 =	vadd.s32 v28, v2;
	v28 =	vadd.s32 $0xD1, v0  }
0x14d: {  	v30 =	vadd.s32 $0xD2, v0;
	[tilespmem:v26+s7+$0x0] =	vst.idx.msk $0xffff, v23;
	v23 =	vadd.s32 v28, v2  }
0x14e: {  	v26 =	vadd.s32 v30, v2;
	[tilespmem:v27+s7+$0x0] =	vst.idx.msk $0xffff, v21;
	v21 =	vmul.f32 v3, v29;
	v27 =	vadd.s32 $0xD3, v0  }
0x14f: {  	v28 =	vmul.f32 v6, v29;
	v30 =	vmul.f32 v9, v25;
	v27 =	vadd.s32 v27, v2  }
0x150: {  	v31 =	vadd.s32 $0xD4, v0;
	[tilespmem:v22+s7+$0x0] =	vst.idx.msk $0xffff, v21;
	v21 =	vmul.f32 v4, v29  }
0x151: {  	v22 =	vadd.s32 v31, v2;
	[tilespmem:v24+s7+$0x0] =	vst.idx.msk $0xffff, v28;
	v24 =	vmul.f32 v5, v30;
	v28 =	vadd.s32 $0xD5, v0  }
0x152: {  	[tilespmem:v23+s7+$0x0] =	vst.idx.msk $0xffff, v21;
	v21 =	vmul.f32 v1, v30;
	v23 =	vadd.s32 v28, v2;
	v28 =	vadd.s32 $0xD6, v0  }
0x153: {  	v29 =	vadd.s32 $0xD7, v0;
	[tilespmem:v26+s7+$0x0] =	vst.idx.msk $0xffff, v24;
	v24 =	vadd.s32 v28, v2  }
0x154: {  	v26 =	vadd.s32 v29, v2;
	[tilespmem:v27+s7+$0x0] =	vst.idx.msk $0xffff, v21;
	v21 =	vmul.f32 v3, v30;
	v27 =	vadd.s32 $0xD8, v0  }
0x155: {  	v28 =	vmul.f32 v6, v30;
	v29 =	vmul.f32 v8, v25;
	v27 =	vadd.s32 v27, v2  }
0x156: {  	v31 =	vadd.s32 $0xD9, v0;
	[tilespmem:v22+s7+$0x0] =	vst.idx.msk $0xffff, v21;
	v21 =	vmul.f32 v4, v30  }
0x157: {  	v22 =	vadd.s32 v31, v2;
	[tilespmem:v23+s7+$0x0] =	vst.idx.msk $0xffff, v28;
	v23 =	vmul.f32 v5, v29;
	v28 =	vadd.s32 $0xDA, v0  }
0x158: {  	[tilespmem:v24+s7+$0x0] =	vst.idx.msk $0xffff, v21;
	v21 =	vmul.f32 v1, v29;
	v24 =	vadd.s32 v28, v2;
	v28 =	vadd.s32 $0xDB, v0  }
0x159: {  	[tilespmem:v26+s7+$0x0] =	vst.idx.msk $0xffff, v23;
	v23 =	vadd.s32 v28, v2;
	v28 =	vadd.s32 $0xDC, v0  }
0x15a: {  	[tilespmem:v27+s7+$0x0] =	vst.idx.msk $0xffff, v21;
	v21 =	vmul.f32 v3, v29;
	v26 =	vadd.s32 v28, v2;
	v27 =	vadd.s32 $0xDD, v0  }
0x15b: {  	v25 =	vmul.f32 v7, v25;
	v28 =	vmul.f32 v6, v29;
	v27 =	vadd.s32 v27, v2  }
0x15c: {  	[tilespmem:v22+s7+$0x0] =	vst.idx.msk $0xffff, v21;
	v21 =	vmul.f32 v4, v29;
	v29 =	vadd.s32 $0xDE, v0  }
0x15d: {  	[tilespmem:v24+s7+$0x0] =	vst.idx.msk $0xffff, v28;
	v24 =	vmul.f32 v5, v25;
	v22 =	vadd.s32 v29, v2;
	v28 =	vadd.s32 $0xDF, v0  }
0x15e: {  	[tilespmem:v23+s7+$0x0] =	vst.idx.msk $0xffff, v21;
	v21 =	vmul.f32 v1, v25;
	v23 =	vadd.s32 v28, v2;
	v28 =	vadd.s32 $0xE0, v0  }
0x15f: {  	v20 =	vmul.f32 v13, v20;
	v30 =	vadd.s32 $0xE1, v0;
	[tilespmem:v26+s7+$0x0] =	vst.idx.msk $0xffff, v24;
	v24 =	vadd.s32 v28, v2  }
0x160: {  	v26 =	vadd.s32 v30, v2;
	[tilespmem:v27+s7+$0x0] =	vst.idx.msk $0xffff, v21;
	v21 =	vmul.f32 v3, v25  }
0x161: {  	v29 =	vmul.f32 v11, v20;
	v28 =	vmul.f32 v6, v25;
	v27 =	vadd.s32 $0xE2, v0  }
0x162: {  	v31 =	vmul.f32 v4, v25;
	v25 =	vadd.s32 $0xE3, v0;
	v27 =	vadd.s32 v27, v2;
	[tilespmem:v22+s7+$0x0] =	vst.idx.msk $0xffff, v21  }
0x163: {  	v30 =	vadd.s32 $0xE4, v0;
	v22 =	vadd.s32 v25, v2;
	[tilespmem:v23+s7+$0x0] =	vst.idx.msk $0xffff, v28;
	v23 =	vmul.f32 v5, v29  }
0x164: {  	v21 =	vmul.f32 v3, v29;
	v28 =	vadd.s32 $0xE5, v0;
	[tilespmem:v24+s7+$0x0] =	vst.idx.msk $0xffff, v31;
	v24 =	vadd.s32 v30, v2  }
0x165: {  	v31 =	vmul.f32 v1, v29;
	v30 =	vadd.s32 $0xE6, v0;
	[tilespmem:v26+s7+$0x0] =	vst.idx.msk $0xffff, v23;
	v23 =	vadd.s32 v28, v2  }
0x166: {  	v25 =	vadd.s32 v30, v2;
	v26 =	vadd.s32 $0xE7, v0;
	v28 =	vmul.f32 v10, v20  }
0x167: {  	[tilespmem:v27+s7+$0x0] =	vst.idx.msk $0xffff, v31;
	v27 =	vmul.f32 v6, v29;
	v26 =	vadd.s32 v26, v2  }
0x168: {  	v31 =	vmul.f32 v4, v29;
	v29 =	vadd.s32 $0xE8, v0;
	[tilespmem:v22+s7+$0x0] =	vst.idx.msk $0xffff, v21  }
0x169: {  	v30 =	vadd.s32 $0xE9, v0;
	v22 =	vadd.s32 v29, v2;
	[tilespmem:v24+s7+$0x0] =	vst.idx.msk $0xffff, v27;
	v24 =	vmul.f32 v5, v28  }
0x16a: {  	v21 =	vmul.f32 v1, v28;
	[tilespmem:v23+s7+$0x0] =	vst.idx.msk $0xffff, v31;
	v23 =	vadd.s32 v30, v2;
	v31 =	vadd.s32 $0xEA, v0  }
0x16b: {  	v30 =	vadd.s32 $0xEB, v0;
	[tilespmem:v25+s7+$0x0] =	vst.idx.msk $0xffff, v24;
	v24 =	vadd.s32 v31, v2  }
0x16c: {  	v25 =	vadd.s32 v30, v2;
	[tilespmem:v26+s7+$0x0] =	vst.idx.msk $0xffff, v21;
	v21 =	vmul.f32 v3, v28;
	v26 =	vadd.s32 $0xEC, v0  }
0x16d: {  	v29 =	vmul.f32 v9, v20;
	v27 =	vmul.f32 v6, v28;
	v26 =	vadd.s32 v26, v2  }
0x16e: {  	v31 =	vmul.f32 v4, v28;
	v28 =	vadd.s32 $0xED, v0;
	[tilespmem:v22+s7+$0x0] =	vst.idx.msk $0xffff, v21  }
0x16f: {  	v30 =	vadd.s32 $0xEE, v0;
	v22 =	vadd.s32 v28, v2;
	[tilespmem:v23+s7+$0x0] =	vst.idx.msk $0xffff, v27;
	v23 =	vmul.f32 v5, v29  }
0x170: {  	v21 =	vmul.f32 v1, v29;
	[tilespmem:v24+s7+$0x0] =	vst.idx.msk $0xffff, v31;
	v24 =	vadd.s32 v30, v2;
	v31 =	vadd.s32 $0xEF, v0  }
0x171: {  	v30 =	vadd.s32 $0xF0, v0;
	[tilespmem:v25+s7+$0x0] =	vst.idx.msk $0xffff, v23;
	v23 =	vadd.s32 v31, v2  }
0x172: {  	v25 =	vadd.s32 v30, v2;
	[tilespmem:v26+s7+$0x0] =	vst.idx.msk $0xffff, v21;
	v21 =	vmul.f32 v3, v29;
	v26 =	vadd.s32 $0xF1, v0  }
0x173: {  	v28 =	vmul.f32 v8, v20;
	v27 =	vmul.f32 v6, v29;
	v26 =	vadd.s32 v26, v2  }
0x174: {  	v31 =	vmul.f32 v4, v29;
	v29 =	vadd.s32 $0xF2, v0;
	[tilespmem:v22+s7+$0x0] =	vst.idx.msk $0xffff, v21  }
0x175: {  	v30 =	vadd.s32 $0xF3, v0;
	v22 =	vadd.s32 v29, v2;
	[tilespmem:v24+s7+$0x0] =	vst.idx.msk $0xffff, v27;
	v24 =	vmul.f32 v5, v28  }
0x176: {  	v21 =	vmul.f32 v1, v28;
	[tilespmem:v23+s7+$0x0] =	vst.idx.msk $0xffff, v31;
	v23 =	vadd.s32 v30, v2;
	v31 =	vadd.s32 $0xF4, v0  }
0x177: {  	v30 =	vadd.s32 $0xF5, v0;
	[tilespmem:v25+s7+$0x0] =	vst.idx.msk $0xffff, v24;
	v24 =	vadd.s32 v31, v2  }
0x178: {  	v25 =	vadd.s32 v30, v2;
	v31 =	vadd.s32 $0xF6, v0;
	[tilespmem:v26+s7+$0x0] =	vst.idx.msk $0xffff, v21;
	v21 =	vmul.f32 v3, v28  }
0x179: {  	v20 =	vmul.f32 v7, v20;
	v30 =	vmul.f32 v6, v28;
	v26 =	vadd.s32 v31, v2  }
0x17a: {  	v29 =	vadd.s32 $0xF7, v0;
	v31 =	vmul.f32 v4, v28;
	[tilespmem:v22+s7+$0x0] =	vst.idx.msk $0xffff, v21  }
0x17b: {  	v22 =	vadd.s32 v29, v2;
	[tilespmem:v23+s7+$0x0] =	vst.idx.msk $0xffff, v30;
	v23 =	vmul.f32 v5, v20;
	v30 =	vadd.s32 $0xF8, v0  }
0x17c: {  	v21 =	vmul.f32 v1, v20;
	[tilespmem:v24+s7+$0x0] =	vst.idx.msk $0xffff, v31;
	v24 =	vadd.s32 v30, v2;
	v31 =	vadd.s32 $0xF9, v0  }
0x17d: {  	v30 =	vadd.s32 $0xFA, v0;
	[tilespmem:v25+s7+$0x0] =	vst.idx.msk $0xffff, v23;
	v23 =	vadd.s32 v31, v2;
	v25 =	vmul.f32 v17, v19  }
0x17e: {  	[tilespmem:v26+s7+$0x0] =	vst.idx.msk $0xffff, v21;
	v21 =	vmul.f32 v3, v20;
	v26 =	vadd.s32 v30, v2  }
0x17f: {  	v27 =	vadd.s32 $0xFB, v0;
	v28 =	vmul.f32 v6, v20;
	v29 =	vmul.f32 v11, v25  }
0x180: {  	v27 =	vadd.s32 v27, v2;
	v31 =	vadd.s32 $0xFC, v0;
	v20 =	vmul.f32 v4, v20;
	[tilespmem:v22+s7+$0x0] =	vst.idx.msk $0xffff, v21  }
0x181: {  	v30 =	vadd.s32 $0xFD, v0;
	v21 =	vadd.s32 v31, v2;
	[tilespmem:v24+s7+$0x0] =	vst.idx.msk $0xffff, v28;
	v22 =	vmul.f32 v5, v29  }
0x182: {  	v31 =	vmul.f32 v1, v29;
	v28 =	vadd.s32 $0xFE, v0;
	[tilespmem:v23+s7+$0x0] =	vst.idx.msk $0xffff, v20;
	v23 =	vadd.s32 v30, v2  }
0x183: {  	v30 =	vadd.s32 $0xFF, v0;
	v20 =	vmul.f32 v3, v29;
	[tilespmem:v26+s7+$0x0] =	vst.idx.msk $0xffff, v22;
	v22 =	vadd.s32 v28, v2  }
0x184: {  	v24 =	vadd.s32 v30, v2;
	v26 =	vadd.s32 $0x100, v0;
	v28 =	vmul.f32 v10, v25  }
0x185: {  	[tilespmem:v27+s7+$0x0] =	vst.idx.msk $0xffff, v31;
	v27 =	vmul.f32 v6, v29;
	v26 =	vadd.s32 v26, v2  }
0x186: {  	v31 =	vmul.f32 v4, v29;
	v29 =	vadd.s32 $0x101, v0;
	[tilespmem:v21+s7+$0x0] =	vst.idx.msk $0xffff, v20  }
0x187: {  	v30 =	vadd.s32 $0x102, v0;
	v21 =	vadd.s32 v29, v2;
	[tilespmem:v23+s7+$0x0] =	vst.idx.msk $0xffff, v27;
	v23 =	vmul.f32 v5, v28  }
0x188: {  	v20 =	vmul.f32 v1, v28;
	[tilespmem:v22+s7+$0x0] =	vst.idx.msk $0xffff, v31;
	v22 =	vadd.s32 v30, v2;
	v31 =	vadd.s32 $0x103, v0  }
0x189: {  	v30 =	vadd.s32 $0x104, v0;
	[tilespmem:v24+s7+$0x0] =	vst.idx.msk $0xffff, v23;
	v23 =	vadd.s32 v31, v2  }
0x18a: {  	v24 =	vadd.s32 v30, v2;
	[tilespmem:v26+s7+$0x0] =	vst.idx.msk $0xffff, v20;
	v20 =	vmul.f32 v3, v28;
	v26 =	vadd.s32 $0x105, v0  }
0x18b: {  	v29 =	vmul.f32 v9, v25;
	v27 =	vmul.f32 v6, v28;
	v26 =	vadd.s32 v26, v2  }
0x18c: {  	v31 =	vmul.f32 v4, v28;
	v28 =	vadd.s32 $0x106, v0;
	[tilespmem:v21+s7+$0x0] =	vst.idx.msk $0xffff, v20  }
0x18d: {  	v30 =	vadd.s32 $0x107, v0;
	v21 =	vadd.s32 v28, v2;
	[tilespmem:v22+s7+$0x0] =	vst.idx.msk $0xffff, v27;
	v22 =	vmul.f32 v5, v29  }
0x18e: {  	v20 =	vmul.f32 v1, v29;
	[tilespmem:v23+s7+$0x0] =	vst.idx.msk $0xffff, v31;
	v23 =	vadd.s32 v30, v2;
	v31 =	vadd.s32 $0x108, v0  }
0x18f: {  	v30 =	vadd.s32 $0x109, v0;
	[tilespmem:v24+s7+$0x0] =	vst.idx.msk $0xffff, v22;
	v22 =	vadd.s32 v31, v2  }
0x190: {  	v24 =	vadd.s32 v30, v2;
	[tilespmem:v26+s7+$0x0] =	vst.idx.msk $0xffff, v20;
	v20 =	vmul.f32 v3, v29;
	v26 =	vadd.s32 $0x10A, v0  }
0x191: {  	v28 =	vmul.f32 v8, v25;
	v27 =	vmul.f32 v6, v29;
	v26 =	vadd.s32 v26, v2  }
0x192: {  	v31 =	vmul.f32 v4, v29;
	v29 =	vadd.s32 $0x10B, v0;
	[tilespmem:v21+s7+$0x0] =	vst.idx.msk $0xffff, v20  }
0x193: {  	v30 =	vadd.s32 $0x10C, v0;
	v21 =	vadd.s32 v29, v2;
	[tilespmem:v23+s7+$0x0] =	vst.idx.msk $0xffff, v27;
	v23 =	vmul.f32 v5, v28  }
0x194: {  	v20 =	vmul.f32 v1, v28;
	[tilespmem:v22+s7+$0x0] =	vst.idx.msk $0xffff, v31;
	v22 =	vadd.s32 v30, v2;
	v31 =	vadd.s32 $0x10D, v0  }
0x195: {  	v30 =	vadd.s32 $0x10E, v0;
	[tilespmem:v24+s7+$0x0] =	vst.idx.msk $0xffff, v23;
	v23 =	vadd.s32 v31, v2  }
0x196: {  	v24 =	vadd.s32 v30, v2;
	v31 =	vadd.s32 $0x10F, v0;
	[tilespmem:v26+s7+$0x0] =	vst.idx.msk $0xffff, v20;
	v20 =	vmul.f32 v3, v28  }
0x197: {  	v25 =	vmul.f32 v7, v25;
	v30 =	vmul.f32 v6, v28;
	v26 =	vadd.s32 v31, v2  }
0x198: {  	v29 =	vadd.s32 $0x110, v0;
	v31 =	vmul.f32 v4, v28;
	[tilespmem:v21+s7+$0x0] =	vst.idx.msk $0xffff, v20  }
0x199: {  	v21 =	vadd.s32 v29, v2;
	[tilespmem:v22+s7+$0x0] =	vst.idx.msk $0xffff, v30;
	v22 =	vmul.f32 v5, v25;
	v30 =	vadd.s32 $0x111, v0  }
0x19a: {  	v20 =	vmul.f32 v1, v25;
	[tilespmem:v23+s7+$0x0] =	vst.idx.msk $0xffff, v31;
	v23 =	vadd.s32 v30, v2;
	v31 =	vadd.s32 $0x112, v0  }
0x19b: {  	v30 =	vadd.s32 $0x113, v0;
	[tilespmem:v24+s7+$0x0] =	vst.idx.msk $0xffff, v22;
	v22 =	vadd.s32 v31, v2;
	v24 =	vmul.f32 v16, v19  }
0x19c: {  	[tilespmem:v26+s7+$0x0] =	vst.idx.msk $0xffff, v20;
	v20 =	vmul.f32 v3, v25;
	v26 =	vadd.s32 v30, v2  }
0x19d: {  	v27 =	vadd.s32 $0x114, v0;
	v28 =	vmul.f32 v6, v25;
	v29 =	vmul.f32 v11, v24  }
0x19e: {  	v27 =	vadd.s32 v27, v2;
	v31 =	vmul.f32 v4, v25;
	v25 =	vadd.s32 $0x115, v0;
	[tilespmem:v21+s7+$0x0] =	vst.idx.msk $0xffff, v20  }
0x19f: {  	v30 =	vadd.s32 $0x116, v0;
	v21 =	vadd.s32 v25, v2;
	[tilespmem:v23+s7+$0x0] =	vst.idx.msk $0xffff, v28;
	v23 =	vmul.f32 v5, v29  }
0x1a0: {  	v28 =	vadd.s32 $0x117, v0;
	v20 =	vmul.f32 v3, v29;
	[tilespmem:v22+s7+$0x0] =	vst.idx.msk $0xffff, v31;
	v22 =	vadd.s32 v30, v2  }
0x1a1: {  	v31 =	vmul.f32 v1, v29;
	v30 =	vadd.s32 $0x118, v0;
	[tilespmem:v26+s7+$0x0] =	vst.idx.msk $0xffff, v23;
	v23 =	vadd.s32 v28, v2  }
0x1a2: {  	v25 =	vadd.s32 v30, v2;
	v26 =	vadd.s32 $0x119, v0;
	v28 =	vmul.f32 v10, v24  }
0x1a3: {  	[tilespmem:v27+s7+$0x0] =	vst.idx.msk $0xffff, v31;
	v27 =	vmul.f32 v6, v29;
	v26 =	vadd.s32 v26, v2  }
0x1a4: {  	v31 =	vmul.f32 v4, v29;
	v29 =	vadd.s32 $0x11A, v0;
	[tilespmem:v21+s7+$0x0] =	vst.idx.msk $0xffff, v20  }
0x1a5: {  	v30 =	vadd.s32 $0x11B, v0;
	v21 =	vadd.s32 v29, v2;
	[tilespmem:v22+s7+$0x0] =	vst.idx.msk $0xffff, v27;
	v22 =	vmul.f32 v5, v28  }
0x1a6: {  	v20 =	vmul.f32 v1, v28;
	[tilespmem:v23+s7+$0x0] =	vst.idx.msk $0xffff, v31;
	v23 =	vadd.s32 v30, v2;
	v31 =	vadd.s32 $0x11C, v0  }
0x1a7: {  	v30 =	vadd.s32 $0x11D, v0;
	[tilespmem:v25+s7+$0x0] =	vst.idx.msk $0xffff, v22;
	v22 =	vadd.s32 v31, v2  }
0x1a8: {  	v25 =	vadd.s32 v30, v2;
	[tilespmem:v26+s7+$0x0] =	vst.idx.msk $0xffff, v20;
	v20 =	vmul.f32 v3, v28;
	v26 =	vadd.s32 $0x11E, v0  }
0x1a9: {  	v29 =	vmul.f32 v9, v24;
	v27 =	vmul.f32 v6, v28;
	v26 =	vadd.s32 v26, v2  }
0x1aa: {  	v31 =	vmul.f32 v4, v28;
	v28 =	vadd.s32 $0x11F, v0;
	[tilespmem:v21+s7+$0x0] =	vst.idx.msk $0xffff, v20  }
0x1ab: {  	v30 =	vadd.s32 $0x120, v0;
	v21 =	vadd.s32 v28, v2;
	[tilespmem:v23+s7+$0x0] =	vst.idx.msk $0xffff, v27;
	v23 =	vmul.f32 v5, v29  }
0x1ac: {  	v20 =	vmul.f32 v1, v29;
	[tilespmem:v22+s7+$0x0] =	vst.idx.msk $0xffff, v31;
	v22 =	vadd.s32 v30, v2;
	v31 =	vadd.s32 $0x121, v0  }
0x1ad: {  	v30 =	vadd.s32 $0x122, v0;
	[tilespmem:v25+s7+$0x0] =	vst.idx.msk $0xffff, v23;
	v23 =	vadd.s32 v31, v2  }
0x1ae: {  	v25 =	vadd.s32 v30, v2;
	[tilespmem:v26+s7+$0x0] =	vst.idx.msk $0xffff, v20;
	v20 =	vmul.f32 v3, v29;
	v26 =	vadd.s32 $0x123, v0  }
0x1af: {  	v28 =	vmul.f32 v8, v24;
	v27 =	vmul.f32 v6, v29;
	v26 =	vadd.s32 v26, v2  }
0x1b0: {  	v31 =	vmul.f32 v4, v29;
	v29 =	vadd.s32 $0x124, v0;
	[tilespmem:v21+s7+$0x0] =	vst.idx.msk $0xffff, v20  }
0x1b1: {  	v30 =	vadd.s32 $0x125, v0;
	v21 =	vadd.s32 v29, v2;
	[tilespmem:v22+s7+$0x0] =	vst.idx.msk $0xffff, v27;
	v22 =	vmul.f32 v5, v28  }
0x1b2: {  	v20 =	vmul.f32 v1, v28;
	[tilespmem:v23+s7+$0x0] =	vst.idx.msk $0xffff, v31;
	v23 =	vadd.s32 v30, v2;
	v31 =	vadd.s32 $0x126, v0  }
0x1b3: {  	v30 =	vadd.s32 $0x127, v0;
	[tilespmem:v25+s7+$0x0] =	vst.idx.msk $0xffff, v22;
	v22 =	vadd.s32 v31, v2  }
0x1b4: {  	v25 =	vadd.s32 v30, v2;
	v31 =	vadd.s32 $0x128, v0;
	[tilespmem:v26+s7+$0x0] =	vst.idx.msk $0xffff, v20;
	v20 =	vmul.f32 v3, v28  }
0x1b5: {  	v24 =	vmul.f32 v7, v24;
	v30 =	vmul.f32 v6, v28;
	v26 =	vadd.s32 v31, v2  }
0x1b6: {  	v29 =	vadd.s32 $0x129, v0;
	v31 =	vmul.f32 v4, v28;
	[tilespmem:v21+s7+$0x0] =	vst.idx.msk $0xffff, v20  }
0x1b7: {  	v21 =	vadd.s32 v29, v2;
	[tilespmem:v23+s7+$0x0] =	vst.idx.msk $0xffff, v30;
	v23 =	vmul.f32 v5, v24;
	v30 =	vadd.s32 $0x12A, v0  }
0x1b8: {  	v20 =	vmul.f32 v1, v24;
	[tilespmem:v22+s7+$0x0] =	vst.idx.msk $0xffff, v31;
	v22 =	vadd.s32 v30, v2;
	v31 =	vadd.s32 $0x12B, v0  }
0x1b9: {  	v30 =	vadd.s32 $0x12C, v0;
	[tilespmem:v25+s7+$0x0] =	vst.idx.msk $0xffff, v23;
	v23 =	vadd.s32 v31, v2;
	v25 =	vmul.f32 v15, v19  }
0x1ba: {  	[tilespmem:v26+s7+$0x0] =	vst.idx.msk $0xffff, v20;
	v20 =	vmul.f32 v3, v24;
	v26 =	vadd.s32 v30, v2  }
0x1bb: {  	v27 =	vadd.s32 $0x12D, v0;
	v28 =	vmul.f32 v6, v24;
	v29 =	vmul.f32 v11, v25  }
0x1bc: {  	v27 =	vadd.s32 v27, v2;
	v31 =	vmul.f32 v4, v24;
	v24 =	vadd.s32 $0x12E, v0;
	[tilespmem:v21+s7+$0x0] =	vst.idx.msk $0xffff, v20  }
0x1bd: {  	v30 =	vadd.s32 $0x12F, v0;
	v21 =	vadd.s32 v24, v2;
	[tilespmem:v22+s7+$0x0] =	vst.idx.msk $0xffff, v28;
	v22 =	vmul.f32 v5, v29  }
0x1be: {  	v28 =	vadd.s32 $0x130, v0;
	v20 =	vmul.f32 v3, v29;
	[tilespmem:v23+s7+$0x0] =	vst.idx.msk $0xffff, v31;
	v23 =	vadd.s32 v30, v2  }
0x1bf: {  	v31 =	vmul.f32 v1, v29;
	v30 =	vadd.s32 $0x131, v0;
	[tilespmem:v26+s7+$0x0] =	vst.idx.msk $0xffff, v22;
	v22 =	vadd.s32 v28, v2  }
0x1c0: {  	v24 =	vadd.s32 v30, v2;
	v26 =	vadd.s32 $0x132, v0;
	v28 =	vmul.f32 v10, v25  }
0x1c1: {  	[tilespmem:v27+s7+$0x0] =	vst.idx.msk $0xffff, v31;
	v27 =	vmul.f32 v6, v29;
	v26 =	vadd.s32 v26, v2  }
0x1c2: {  	v31 =	vmul.f32 v4, v29;
	v29 =	vadd.s32 $0x133, v0;
	[tilespmem:v21+s7+$0x0] =	vst.idx.msk $0xffff, v20  }
0x1c3: {  	v30 =	vadd.s32 $0x134, v0;
	v21 =	vadd.s32 v29, v2;
	[tilespmem:v23+s7+$0x0] =	vst.idx.msk $0xffff, v27;
	v23 =	vmul.f32 v5, v28  }
0x1c4: {  	v20 =	vmul.f32 v1, v28;
	[tilespmem:v22+s7+$0x0] =	vst.idx.msk $0xffff, v31;
	v22 =	vadd.s32 v30, v2;
	v31 =	vadd.s32 $0x135, v0  }
0x1c5: {  	v30 =	vadd.s32 $0x136, v0;
	[tilespmem:v24+s7+$0x0] =	vst.idx.msk $0xffff, v23;
	v23 =	vadd.s32 v31, v2  }
0x1c6: {  	v24 =	vadd.s32 v30, v2;
	[tilespmem:v26+s7+$0x0] =	vst.idx.msk $0xffff, v20;
	v20 =	vmul.f32 v3, v28;
	v26 =	vadd.s32 $0x137, v0  }
0x1c7: {  	v29 =	vmul.f32 v9, v25;
	v27 =	vmul.f32 v6, v28;
	v26 =	vadd.s32 v26, v2  }
0x1c8: {  	v31 =	vmul.f32 v4, v28;
	v28 =	vadd.s32 $0x138, v0;
	[tilespmem:v21+s7+$0x0] =	vst.idx.msk $0xffff, v20  }
0x1c9: {  	v30 =	vadd.s32 $0x139, v0;
	v21 =	vadd.s32 v28, v2;
	[tilespmem:v22+s7+$0x0] =	vst.idx.msk $0xffff, v27;
	v22 =	vmul.f32 v5, v29  }
0x1ca: {  	v20 =	vmul.f32 v1, v29;
	[tilespmem:v23+s7+$0x0] =	vst.idx.msk $0xffff, v31;
	v23 =	vadd.s32 v30, v2;
	v31 =	vadd.s32 $0x13A, v0  }
0x1cb: {  	v30 =	vadd.s32 $0x13B, v0;
	[tilespmem:v24+s7+$0x0] =	vst.idx.msk $0xffff, v22;
	v22 =	vadd.s32 v31, v2  }
0x1cc: {  	v24 =	vadd.s32 v30, v2;
	[tilespmem:v26+s7+$0x0] =	vst.idx.msk $0xffff, v20;
	v20 =	vmul.f32 v3, v29;
	v26 =	vadd.s32 $0x13C, v0  }
0x1cd: {  	v28 =	vmul.f32 v8, v25;
	v27 =	vmul.f32 v6, v29;
	v26 =	vadd.s32 v26, v2  }
0x1ce: {  	v31 =	vmul.f32 v4, v29;
	v29 =	vadd.s32 $0x13D, v0;
	[tilespmem:v21+s7+$0x0] =	vst.idx.msk $0xffff, v20  }
0x1cf: {  	v30 =	vadd.s32 $0x13E, v0;
	v21 =	vadd.s32 v29, v2;
	[tilespmem:v23+s7+$0x0] =	vst.idx.msk $0xffff, v27;
	v23 =	vmul.f32 v5, v28  }
0x1d0: {  	v20 =	vmul.f32 v1, v28;
	[tilespmem:v22+s7+$0x0] =	vst.idx.msk $0xffff, v31;
	v22 =	vadd.s32 v30, v2;
	v31 =	vadd.s32 $0x13F, v0  }
0x1d1: {  	v30 =	vadd.s32 $0x140, v0;
	[tilespmem:v24+s7+$0x0] =	vst.idx.msk $0xffff, v23;
	v23 =	vadd.s32 v31, v2  }
0x1d2: {  	v24 =	vadd.s32 v30, v2;
	v31 =	vadd.s32 $0x141, v0;
	[tilespmem:v26+s7+$0x0] =	vst.idx.msk $0xffff, v20;
	v20 =	vmul.f32 v3, v28  }
0x1d3: {  	v25 =	vmul.f32 v7, v25;
	v30 =	vmul.f32 v6, v28;
	v26 =	vadd.s32 v31, v2  }
0x1d4: {  	v29 =	vadd.s32 $0x142, v0;
	v31 =	vmul.f32 v4, v28;
	[tilespmem:v21+s7+$0x0] =	vst.idx.msk $0xffff, v20  }
0x1d5: {  	v21 =	vadd.s32 v29, v2;
	[tilespmem:v22+s7+$0x0] =	vst.idx.msk $0xffff, v30;
	v22 =	vmul.f32 v5, v25;
	v30 =	vadd.s32 $0x143, v0  }
0x1d6: {  	v20 =	vmul.f32 v1, v25;
	[tilespmem:v23+s7+$0x0] =	vst.idx.msk $0xffff, v31;
	v23 =	vadd.s32 v30, v2;
	v31 =	vadd.s32 $0x144, v0  }
0x1d7: {  	v30 =	vadd.s32 $0x145, v0;
	[tilespmem:v24+s7+$0x0] =	vst.idx.msk $0xffff, v22;
	v22 =	vadd.s32 v31, v2;
	v24 =	vmul.f32 v14, v19  }
0x1d8: {  	[tilespmem:v26+s7+$0x0] =	vst.idx.msk $0xffff, v20;
	v20 =	vmul.f32 v3, v25;
	v26 =	vadd.s32 v30, v2  }
0x1d9: {  	v27 =	vadd.s32 $0x146, v0;
	v28 =	vmul.f32 v6, v25;
	v29 =	vmul.f32 v11, v24  }
0x1da: {  	v27 =	vadd.s32 v27, v2;
	v31 =	vmul.f32 v4, v25;
	v25 =	vadd.s32 $0x147, v0;
	[tilespmem:v21+s7+$0x0] =	vst.idx.msk $0xffff, v20  }
0x1db: {  	v30 =	vadd.s32 $0x148, v0;
	v21 =	vadd.s32 v25, v2;
	[tilespmem:v23+s7+$0x0] =	vst.idx.msk $0xffff, v28;
	v23 =	vmul.f32 v5, v29  }
0x1dc: {  	v28 =	vadd.s32 $0x149, v0;
	v20 =	vmul.f32 v3, v29;
	[tilespmem:v22+s7+$0x0] =	vst.idx.msk $0xffff, v31;
	v22 =	vadd.s32 v30, v2  }
0x1dd: {  	v31 =	vmul.f32 v1, v29;
	v30 =	vadd.s32 $0x14A, v0;
	[tilespmem:v26+s7+$0x0] =	vst.idx.msk $0xffff, v23;
	v23 =	vadd.s32 v28, v2  }
0x1de: {  	v25 =	vadd.s32 v30, v2;
	v26 =	vadd.s32 $0x14B, v0;
	v28 =	vmul.f32 v10, v24  }
0x1df: {  	[tilespmem:v27+s7+$0x0] =	vst.idx.msk $0xffff, v31;
	v27 =	vmul.f32 v6, v29;
	v26 =	vadd.s32 v26, v2  }
0x1e0: {  	v31 =	vmul.f32 v4, v29;
	v29 =	vadd.s32 $0x14C, v0;
	[tilespmem:v21+s7+$0x0] =	vst.idx.msk $0xffff, v20  }
0x1e1: {  	v30 =	vadd.s32 $0x14D, v0;
	v21 =	vadd.s32 v29, v2;
	[tilespmem:v22+s7+$0x0] =	vst.idx.msk $0xffff, v27;
	v22 =	vmul.f32 v5, v28  }
0x1e2: {  	v20 =	vmul.f32 v1, v28;
	[tilespmem:v23+s7+$0x0] =	vst.idx.msk $0xffff, v31;
	v23 =	vadd.s32 v30, v2;
	v31 =	vadd.s32 $0x14E, v0  }
0x1e3: {  	v30 =	vadd.s32 $0x14F, v0;
	[tilespmem:v25+s7+$0x0] =	vst.idx.msk $0xffff, v22;
	v22 =	vadd.s32 v31, v2  }
0x1e4: {  	v25 =	vadd.s32 v30, v2;
	[tilespmem:v26+s7+$0x0] =	vst.idx.msk $0xffff, v20;
	v20 =	vmul.f32 v3, v28;
	v26 =	vadd.s32 $0x150, v0  }
0x1e5: {  	v29 =	vmul.f32 v9, v24;
	v27 =	vmul.f32 v6, v28;
	v26 =	vadd.s32 v26, v2  }
0x1e6: {  	v31 =	vmul.f32 v4, v28;
	v28 =	vadd.s32 $0x151, v0;
	[tilespmem:v21+s7+$0x0] =	vst.idx.msk $0xffff, v20  }
0x1e7: {  	v30 =	vadd.s32 $0x152, v0;
	v21 =	vadd.s32 v28, v2;
	[tilespmem:v23+s7+$0x0] =	vst.idx.msk $0xffff, v27;
	v23 =	vmul.f32 v5, v29  }
0x1e8: {  	v20 =	vmul.f32 v1, v29;
	[tilespmem:v22+s7+$0x0] =	vst.idx.msk $0xffff, v31;
	v22 =	vadd.s32 v30, v2;
	v31 =	vadd.s32 $0x153, v0  }
0x1e9: {  	v30 =	vadd.s32 $0x154, v0;
	[tilespmem:v25+s7+$0x0] =	vst.idx.msk $0xffff, v23;
	v23 =	vadd.s32 v31, v2  }
0x1ea: {  	v25 =	vadd.s32 v30, v2;
	[tilespmem:v26+s7+$0x0] =	vst.idx.msk $0xffff, v20;
	v20 =	vmul.f32 v3, v29;
	v26 =	vadd.s32 $0x155, v0  }
0x1eb: {  	v28 =	vmul.f32 v8, v24;
	v27 =	vmul.f32 v6, v29;
	v26 =	vadd.s32 v26, v2  }
0x1ec: {  	v31 =	vmul.f32 v4, v29;
	v29 =	vadd.s32 $0x156, v0;
	[tilespmem:v21+s7+$0x0] =	vst.idx.msk $0xffff, v20  }
0x1ed: {  	v30 =	vadd.s32 $0x157, v0;
	v21 =	vadd.s32 v29, v2;
	[tilespmem:v22+s7+$0x0] =	vst.idx.msk $0xffff, v27;
	v22 =	vmul.f32 v5, v28  }
0x1ee: {  	v20 =	vmul.f32 v1, v28;
	[tilespmem:v23+s7+$0x0] =	vst.idx.msk $0xffff, v31;
	v23 =	vadd.s32 v30, v2;
	v31 =	vadd.s32 $0x158, v0  }
0x1ef: {  	v30 =	vadd.s32 $0x159, v0;
	[tilespmem:v25+s7+$0x0] =	vst.idx.msk $0xffff, v22;
	v22 =	vadd.s32 v31, v2  }
0x1f0: {  	v25 =	vadd.s32 v30, v2;
	v31 =	vadd.s32 $0x15A, v0;
	[tilespmem:v26+s7+$0x0] =	vst.idx.msk $0xffff, v20;
	v20 =	vmul.f32 v3, v28  }
0x1f1: {  	v24 =	vmul.f32 v7, v24;
	v30 =	vmul.f32 v6, v28;
	v26 =	vadd.s32 v31, v2  }
0x1f2: {  	v29 =	vadd.s32 $0x15B, v0;
	v31 =	vmul.f32 v4, v28;
	[tilespmem:v21+s7+$0x0] =	vst.idx.msk $0xffff, v20  }
0x1f3: {  	v21 =	vadd.s32 v29, v2;
	[tilespmem:v23+s7+$0x0] =	vst.idx.msk $0xffff, v30;
	v23 =	vmul.f32 v5, v24;
	v30 =	vadd.s32 $0x15C, v0  }
0x1f4: {  	v20 =	vmul.f32 v1, v24;
	[tilespmem:v22+s7+$0x0] =	vst.idx.msk $0xffff, v31;
	v22 =	vadd.s32 v30, v2;
	v31 =	vadd.s32 $0x15D, v0  }
0x1f5: {  	v19 =	vmul.f32 v13, v19;
	v30 =	vadd.s32 $0x15E, v0;
	[tilespmem:v25+s7+$0x0] =	vst.idx.msk $0xffff, v23;
	v23 =	vadd.s32 v31, v2  }
0x1f6: {  	v25 =	vadd.s32 v30, v2;
	[tilespmem:v26+s7+$0x0] =	vst.idx.msk $0xffff, v20;
	v20 =	vmul.f32 v3, v24;
	v26 =	vadd.s32 $0x15F, v0  }
0x1f7: {  	v27 =	vmul.f32 v6, v24;
	v28 =	vmul.f32 v11, v19;
	v26 =	vadd.s32 v26, v2  }
0x1f8: {  	v31 =	vmul.f32 v4, v24;
	v24 =	vadd.s32 $0x160, v0;
	[tilespmem:v21+s7+$0x0] =	vst.idx.msk $0xffff, v20  }
0x1f9: {  	v29 =	vadd.s32 $0x161, v0;
	v21 =	vadd.s32 v24, v2;
	[tilespmem:v22+s7+$0x0] =	vst.idx.msk $0xffff, v27;
	v22 =	vmul.f32 v5, v28  }
0x1fa: {  	v30 =	vmul.f32 v1, v28;
	[tilespmem:v23+s7+$0x0] =	vst.idx.msk $0xffff, v31;
	v23 =	vadd.s32 v29, v2;
	v31 =	vadd.s32 $0x162, v0  }
0x1fb: {  	v29 =	vadd.s32 $0x163, v0;
	[tilespmem:v25+s7+$0x0] =	vst.idx.msk $0xffff, v22;
	v22 =	vadd.s32 v31, v2  }
0x1fc: {  	v20 =	vmul.f32 v3, v28;
	v24 =	vadd.s32 v29, v2;
	[tilespmem:v26+s7+$0x0] =	vst.idx.msk $0xffff, v30;
	v30 =	vadd.s32 $0x164, v0  }
0x1fd: {  	v27 =	vmul.f32 v10, v19;
	v31 =	vmul.f32 v6, v28;
	v25 =	vadd.s32 v30, v2  }
0x1fe: {  	v28 =	vmul.f32 v4, v28;
	v29 =	vadd.s32 $0x165, v0;
	[tilespmem:v21+s7+$0x0] =	vst.idx.msk $0xffff, v20  }
0x1ff: {  	v30 =	vmul.f32 v5, v27;
	v21 =	vadd.s32 v29, v2;
	[tilespmem:v23+s7+$0x0] =	vst.idx.msk $0xffff, v31;
	v31 =	vadd.s32 $0x166, v0  }
0x200: {  	v29 =	vadd.s32 $0x167, v0;
	[tilespmem:v22+s7+$0x0] =	vst.idx.msk $0xffff, v28;
	v28 =	vmul.f32 v1, v27;
	v22 =	vadd.s32 v31, v2  }
0x201: {  	v23 =	vadd.s32 v29, v2;
	[tilespmem:v24+s7+$0x0] =	vst.idx.msk $0xffff, v30;
	v30 =	vadd.s32 $0x168, v0  }
0x202: {  	v20 =	vmul.f32 v3, v27;
	[tilespmem:v25+s7+$0x0] =	vst.idx.msk $0xffff, v28;
	v24 =	vadd.s32 v30, v2;
	v25 =	vadd.s32 $0x169, v0  }
0x203: {  	v26 =	vmul.f32 v6, v27;
	v28 =	vmul.f32 v9, v19;
	v25 =	vadd.s32 v25, v2  }
0x204: {  	v31 =	vmul.f32 v4, v27;
	v27 =	vadd.s32 $0x16A, v0;
	[tilespmem:v21+s7+$0x0] =	vst.idx.msk $0xffff, v20  }
0x205: {  	v29 =	vadd.s32 $0x16B, v0;
	v21 =	vadd.s32 v27, v2;
	[tilespmem:v22+s7+$0x0] =	vst.idx.msk $0xffff, v26;
	v22 =	vmul.f32 v5, v28  }
0x206: {  	v30 =	vmul.f32 v1, v28;
	[tilespmem:v23+s7+$0x0] =	vst.idx.msk $0xffff, v31;
	v23 =	vadd.s32 v29, v2;
	v31 =	vadd.s32 $0x16C, v0  }
0x207: {  	v29 =	vadd.s32 $0x16D, v0;
	[tilespmem:v24+s7+$0x0] =	vst.idx.msk $0xffff, v22;
	v22 =	vadd.s32 v31, v2  }
0x208: {  	v24 =	vadd.s32 v29, v2;
	v31 =	vadd.s32 $0x16E, v0;
	[tilespmem:v25+s7+$0x0] =	vst.idx.msk $0xffff, v30;
	v30 =	vmul.f32 v3, v28  }
0x209: {  	v27 =	vmul.f32 v8, v19;
	v26 =	vmul.f32 v6, v28;
	v25 =	vadd.s32 v31, v2  }
0x20a: {  	v31 =	vadd.s32 $0x16F, v0;
	[tilespmem:v21+s7+$0x0] =	vst.idx.msk $0xffff, v30;
	v30 =	vmul.f32 v4, v28  }
0x20b: {  	v29 =	vadd.s32 $0x170, v0;
	v28 =	vmul.f32 v5, v27;
	v21 =	vadd.s32 v31, v2;
	[tilespmem:v23+s7+$0x0] =	vst.idx.msk $0xffff, v26  }
0x20c: {  	v31 =	vadd.s32 $0x171, v0;
	[tilespmem:v22+s7+$0x0] =	vst.idx.msk $0xffff, v30;
	v30 =	vmul.f32 v1, v27;
	v22 =	vadd.s32 v29, v2  }
0x20d: {  	v23 =	vadd.s32 v31, v2;
	[tilespmem:v24+s7+$0x0] =	vst.idx.msk $0xffff, v28;
	v28 =	vadd.s32 $0x172, v0  }
0x20e: {  	v29 =	vmul.f32 v3, v27;
	[tilespmem:v25+s7+$0x0] =	vst.idx.msk $0xffff, v30;
	v24 =	vadd.s32 v28, v2;
	v30 =	vadd.s32 $0x173, v0  }
0x20f: {  	v19 =	vmul.f32 v7, v19;
	v31 =	vmul.f32 v6, v27;
	v25 =	vadd.s32 v30, v2  }
0x210: {  	v28 =	vmul.f32 v4, v27;
	[tilespmem:v21+s7+$0x0] =	vst.idx.msk $0xffff, v29;
	v29 =	vadd.s32 $0x174, v0  }
0x211: {  	v30 =	vmul.f32 v5, v19;
	v21 =	vadd.s32 v29, v2;
	[tilespmem:v22+s7+$0x0] =	vst.idx.msk $0xffff, v31;
	v31 =	vadd.s32 $0x175, v0  }
0x212: {  	v29 =	vadd.s32 $0x176, v0;
	[tilespmem:v23+s7+$0x0] =	vst.idx.msk $0xffff, v28;
	v28 =	vmul.f32 v1, v19;
	v23 =	vadd.s32 v31, v2  }
0x213: {  	v22 =	vadd.s32 v29, v2;
	[tilespmem:v24+s7+$0x0] =	vst.idx.msk $0xffff, v30;
	v24 =	vmul.f32 v17, v18;
	v30 =	vadd.s32 $0x177, v0  }
0x214: {  	v20 =	vmul.f32 v3, v19;
	[tilespmem:v25+s7+$0x0] =	vst.idx.msk $0xffff, v28;
	v25 =	vadd.s32 v30, v2  }
0x215: {  	v26 =	vadd.s32 $0x178, v0;
	v27 =	vmul.f32 v6, v19;
	v28 =	vmul.f32 v11, v24  }
0x216: {  	v26 =	vadd.s32 v26, v2;
	v19 =	vmul.f32 v4, v19;
	v31 =	vadd.s32 $0x179, v0;
	[tilespmem:v21+s7+$0x0] =	vst.idx.msk $0xffff, v20  }
0x217: {  	v30 =	vadd.s32 $0x17A, v0;
	v20 =	vadd.s32 v31, v2;
	[tilespmem:v23+s7+$0x0] =	vst.idx.msk $0xffff, v27;
	v29 =	vmul.f32 v5, v28  }
0x218: {  	v31 =	vmul.f32 v1, v28;
	v27 =	vadd.s32 $0x17B, v0;
	[tilespmem:v22+s7+$0x0] =	vst.idx.msk $0xffff, v19;
	v22 =	vadd.s32 v30, v2  }
0x219: {  	v21 =	vadd.s32 v27, v2;
	v19 =	vmul.f32 v3, v28;
	[tilespmem:v25+s7+$0x0] =	vst.idx.msk $0xffff, v29;
	v29 =	vadd.s32 $0x17C, v0  }
0x21a: {  	v30 =	vadd.s32 $0x17D, v0;
	v27 =	vmul.f32 v10, v24;
	v23 =	vadd.s32 v29, v2  }
0x21b: {  	v25 =	vadd.s32 v30, v2;
	[tilespmem:v26+s7+$0x0] =	vst.idx.msk $0xffff, v31;
	v31 =	vmul.f32 v6, v28  }
0x21c: {  	v28 =	vmul.f32 v4, v28;
	v29 =	vadd.s32 $0x17E, v0;
	[tilespmem:v20+s7+$0x0] =	vst.idx.msk $0xffff, v19  }
0x21d: {  	v30 =	vmul.f32 v5, v27;
	v20 =	vadd.s32 v29, v2;
	[tilespmem:v22+s7+$0x0] =	vst.idx.msk $0xffff, v31;
	v31 =	vadd.s32 $0x17F, v0  }
0x21e: {  	v29 =	vadd.s32 $0x180, v0;
	[tilespmem:v21+s7+$0x0] =	vst.idx.msk $0xffff, v28;
	v28 =	vmul.f32 v1, v27;
	v21 =	vadd.s32 v31, v2  }
0x21f: {  	v22 =	vadd.s32 v29, v2;
	[tilespmem:v23+s7+$0x0] =	vst.idx.msk $0xffff, v30;
	v30 =	vadd.s32 $0x181, v0  }
0x220: {  	v19 =	vmul.f32 v3, v27;
	[tilespmem:v25+s7+$0x0] =	vst.idx.msk $0xffff, v28;
	v23 =	vadd.s32 v30, v2;
	v25 =	vadd.s32 $0x182, v0  }
0x221: {  	v26 =	vmul.f32 v6, v27;
	v28 =	vmul.f32 v9, v24;
	v25 =	vadd.s32 v25, v2  }
0x222: {  	v31 =	vmul.f32 v4, v27;
	v27 =	vadd.s32 $0x183, v0;
	[tilespmem:v20+s7+$0x0] =	vst.idx.msk $0xffff, v19  }
0x223: {  	v29 =	vadd.s32 $0x184, v0;
	v20 =	vadd.s32 v27, v2;
	[tilespmem:v21+s7+$0x0] =	vst.idx.msk $0xffff, v26;
	v21 =	vmul.f32 v5, v28  }
0x224: {  	v30 =	vmul.f32 v1, v28;
	[tilespmem:v22+s7+$0x0] =	vst.idx.msk $0xffff, v31;
	v22 =	vadd.s32 v29, v2;
	v31 =	vadd.s32 $0x185, v0  }
0x225: {  	v29 =	vadd.s32 $0x186, v0;
	[tilespmem:v23+s7+$0x0] =	vst.idx.msk $0xffff, v21;
	v21 =	vadd.s32 v31, v2  }
0x226: {  	v23 =	vadd.s32 v29, v2;
	v31 =	vadd.s32 $0x187, v0;
	[tilespmem:v25+s7+$0x0] =	vst.idx.msk $0xffff, v30;
	v30 =	vmul.f32 v3, v28  }
0x227: {  	v27 =	vmul.f32 v8, v24;
	v26 =	vmul.f32 v6, v28;
	v25 =	vadd.s32 v31, v2  }
0x228: {  	v31 =	vadd.s32 $0x188, v0;
	[tilespmem:v20+s7+$0x0] =	vst.idx.msk $0xffff, v30;
	v30 =	vmul.f32 v4, v28  }
0x229: {  	v29 =	vadd.s32 $0x189, v0;
	v28 =	vmul.f32 v5, v27;
	v20 =	vadd.s32 v31, v2;
	[tilespmem:v22+s7+$0x0] =	vst.idx.msk $0xffff, v26  }
0x22a: {  	v31 =	vadd.s32 $0x18A, v0;
	[tilespmem:v21+s7+$0x0] =	vst.idx.msk $0xffff, v30;
	v30 =	vmul.f32 v1, v27;
	v21 =	vadd.s32 v29, v2  }
0x22b: {  	v22 =	vadd.s32 v31, v2;
	[tilespmem:v23+s7+$0x0] =	vst.idx.msk $0xffff, v28;
	v28 =	vadd.s32 $0x18B, v0  }
0x22c: {  	v29 =	vmul.f32 v3, v27;
	[tilespmem:v25+s7+$0x0] =	vst.idx.msk $0xffff, v30;
	v23 =	vadd.s32 v28, v2;
	v30 =	vadd.s32 $0x18C, v0  }
0x22d: {  	v24 =	vmul.f32 v7, v24;
	v31 =	vmul.f32 v6, v27;
	v25 =	vadd.s32 v30, v2  }
0x22e: {  	v28 =	vmul.f32 v4, v27;
	[tilespmem:v20+s7+$0x0] =	vst.idx.msk $0xffff, v29;
	v29 =	vadd.s32 $0x18D, v0  }
0x22f: {  	v30 =	vmul.f32 v5, v24;
	v20 =	vadd.s32 v29, v2;
	[tilespmem:v21+s7+$0x0] =	vst.idx.msk $0xffff, v31;
	v31 =	vadd.s32 $0x18E, v0  }
0x230: {  	v29 =	vadd.s32 $0x18F, v0;
	[tilespmem:v22+s7+$0x0] =	vst.idx.msk $0xffff, v28;
	v28 =	vmul.f32 v1, v24;
	v22 =	vadd.s32 v31, v2  }
0x231: {  	v21 =	vadd.s32 v29, v2;
	[tilespmem:v23+s7+$0x0] =	vst.idx.msk $0xffff, v30;
	v23 =	vmul.f32 v16, v18;
	v30 =	vadd.s32 $0x190, v0  }
0x232: {  	v19 =	vmul.f32 v3, v24;
	v26 =	vadd.s32 $0x191, v0;
	[tilespmem:v25+s7+$0x0] =	vst.idx.msk $0xffff, v28;
	v25 =	vadd.s32 v30, v2  }
0x233: {  	v26 =	vadd.s32 v26, v2;
	v27 =	vmul.f32 v6, v24;
	v28 =	vmul.f32 v11, v23  }
0x234: {  	v31 =	vmul.f32 v4, v24;
	v24 =	vadd.s32 $0x192, v0;
	[tilespmem:v20+s7+$0x0] =	vst.idx.msk $0xffff, v19  }
0x235: {  	v29 =	vadd.s32 $0x193, v0;
	v20 =	vadd.s32 v24, v2;
	[tilespmem:v22+s7+$0x0] =	vst.idx.msk $0xffff, v27;
	v22 =	vmul.f32 v5, v28  }
0x236: {  	v30 =	vmul.f32 v1, v28;
	[tilespmem:v21+s7+$0x0] =	vst.idx.msk $0xffff, v31;
	v21 =	vadd.s32 v29, v2;
	v31 =	vadd.s32 $0x194, v0  }
0x237: {  	v29 =	vadd.s32 $0x195, v0;
	[tilespmem:v25+s7+$0x0] =	vst.idx.msk $0xffff, v22;
	v22 =	vadd.s32 v31, v2  }
0x238: {  	v19 =	vmul.f32 v3, v28;
	v24 =	vadd.s32 v29, v2;
	[tilespmem:v26+s7+$0x0] =	vst.idx.msk $0xffff, v30;
	v30 =	vadd.s32 $0x196, v0  }
0x239: {  	v27 =	vmul.f32 v10, v23;
	v31 =	vmul.f32 v6, v28;
	v25 =	vadd.s32 v30, v2  }
0x23a: {  	v28 =	vmul.f32 v4, v28;
	v29 =	vadd.s32 $0x197, v0;
	[tilespmem:v20+s7+$0x0] =	vst.idx.msk $0xffff, v19  }
0x23b: {  	v30 =	vmul.f32 v5, v27;
	v20 =	vadd.s32 v29, v2;
	[tilespmem:v21+s7+$0x0] =	vst.idx.msk $0xffff, v31;
	v31 =	vadd.s32 $0x198, v0  }
0x23c: {  	v29 =	vadd.s32 $0x199, v0;
	[tilespmem:v22+s7+$0x0] =	vst.idx.msk $0xffff, v28;
	v28 =	vmul.f32 v1, v27;
	v22 =	vadd.s32 v31, v2  }
0x23d: {  	v21 =	vadd.s32 v29, v2;
	[tilespmem:v24+s7+$0x0] =	vst.idx.msk $0xffff, v30;
	v30 =	vadd.s32 $0x19A, v0  }
0x23e: {  	v19 =	vmul.f32 v3, v27;
	[tilespmem:v25+s7+$0x0] =	vst.idx.msk $0xffff, v28;
	v24 =	vadd.s32 v30, v2;
	v25 =	vadd.s32 $0x19B, v0  }
0x23f: {  	v26 =	vmul.f32 v6, v27;
	v28 =	vmul.f32 v9, v23;
	v25 =	vadd.s32 v25, v2  }
0x240: {  	v31 =	vmul.f32 v4, v27;
	v27 =	vadd.s32 $0x19C, v0;
	[tilespmem:v20+s7+$0x0] =	vst.idx.msk $0xffff, v19  }
0x241: {  	v29 =	vadd.s32 $0x19D, v0;
	v20 =	vadd.s32 v27, v2;
	[tilespmem:v22+s7+$0x0] =	vst.idx.msk $0xffff, v26;
	v22 =	vmul.f32 v5, v28  }
0x242: {  	v30 =	vmul.f32 v1, v28;
	[tilespmem:v21+s7+$0x0] =	vst.idx.msk $0xffff, v31;
	v21 =	vadd.s32 v29, v2;
	v31 =	vadd.s32 $0x19E, v0  }
0x243: {  	v29 =	vadd.s32 $0x19F, v0;
	[tilespmem:v24+s7+$0x0] =	vst.idx.msk $0xffff, v22;
	v22 =	vadd.s32 v31, v2  }
0x244: {  	v24 =	vadd.s32 v29, v2;
	v31 =	vadd.s32 $0x1A0, v0;
	[tilespmem:v25+s7+$0x0] =	vst.idx.msk $0xffff, v30;
	v30 =	vmul.f32 v3, v28  }
0x245: {  	v27 =	vmul.f32 v8, v23;
	v26 =	vmul.f32 v6, v28;
	v25 =	vadd.s32 v31, v2  }
0x246: {  	v31 =	vadd.s32 $0x1A1, v0;
	[tilespmem:v20+s7+$0x0] =	vst.idx.msk $0xffff, v30;
	v30 =	vmul.f32 v4, v28  }
0x247: {  	v29 =	vadd.s32 $0x1A2, v0;
	v28 =	vmul.f32 v5, v27;
	v20 =	vadd.s32 v31, v2;
	[tilespmem:v21+s7+$0x0] =	vst.idx.msk $0xffff, v26  }
0x248: {  	v31 =	vadd.s32 $0x1A3, v0;
	[tilespmem:v22+s7+$0x0] =	vst.idx.msk $0xffff, v30;
	v30 =	vmul.f32 v1, v27;
	v22 =	vadd.s32 v29, v2  }
0x249: {  	v21 =	vadd.s32 v31, v2;
	[tilespmem:v24+s7+$0x0] =	vst.idx.msk $0xffff, v28;
	v28 =	vadd.s32 $0x1A4, v0  }
0x24a: {  	v29 =	vmul.f32 v3, v27;
	[tilespmem:v25+s7+$0x0] =	vst.idx.msk $0xffff, v30;
	v24 =	vadd.s32 v28, v2;
	v30 =	vadd.s32 $0x1A5, v0  }
0x24b: {  	v23 =	vmul.f32 v7, v23;
	v31 =	vmul.f32 v6, v27;
	v25 =	vadd.s32 v30, v2  }
0x24c: {  	v28 =	vmul.f32 v4, v27;
	[tilespmem:v20+s7+$0x0] =	vst.idx.msk $0xffff, v29;
	v29 =	vadd.s32 $0x1A6, v0  }
0x24d: {  	v30 =	vmul.f32 v5, v23;
	v20 =	vadd.s32 v29, v2;
	[tilespmem:v22+s7+$0x0] =	vst.idx.msk $0xffff, v31;
	v31 =	vadd.s32 $0x1A7, v0  }
0x24e: {  	v29 =	vadd.s32 $0x1A8, v0;
	[tilespmem:v21+s7+$0x0] =	vst.idx.msk $0xffff, v28;
	v28 =	vmul.f32 v1, v23;
	v21 =	vadd.s32 v31, v2  }
0x24f: {  	v22 =	vadd.s32 v29, v2;
	[tilespmem:v24+s7+$0x0] =	vst.idx.msk $0xffff, v30;
	v24 =	vmul.f32 v15, v18;
	v30 =	vadd.s32 $0x1A9, v0  }
0x250: {  	v19 =	vmul.f32 v3, v23;
	[tilespmem:v25+s7+$0x0] =	vst.idx.msk $0xffff, v28;
	v25 =	vadd.s32 v30, v2  }
0x251: {  	v26 =	vadd.s32 $0x1AA, v0;
	v27 =	vmul.f32 v6, v23;
	v28 =	vmul.f32 v11, v24  }
0x252: {  	v26 =	vadd.s32 v26, v2;
	v31 =	vadd.s32 $0x1AB, v0;
	[tilespmem:v20+s7+$0x0] =	vst.idx.msk $0xffff, v19;
	v19 =	vmul.f32 v4, v23  }
0x253: {  	v30 =	vadd.s32 $0x1AC, v0;
	v20 =	vadd.s32 v31, v2;
	[tilespmem:v21+s7+$0x0] =	vst.idx.msk $0xffff, v27;
	v29 =	vmul.f32 v5, v28  }
0x254: {  	v31 =	vmul.f32 v1, v28;
	v27 =	vadd.s32 $0x1AD, v0;
	[tilespmem:v22+s7+$0x0] =	vst.idx.msk $0xffff, v19;
	v22 =	vadd.s32 v30, v2  }
0x255: {  	v21 =	vadd.s32 v27, v2;
	v19 =	vmul.f32 v3, v28;
	[tilespmem:v25+s7+$0x0] =	vst.idx.msk $0xffff, v29;
	v29 =	vadd.s32 $0x1AE, v0  }
0x256: {  	v30 =	vadd.s32 $0x1AF, v0;
	v27 =	vmul.f32 v10, v24;
	v23 =	vadd.s32 v29, v2  }
0x257: {  	v25 =	vadd.s32 v30, v2;
	[tilespmem:v26+s7+$0x0] =	vst.idx.msk $0xffff, v31;
	v31 =	vmul.f32 v6, v28  }
0x258: {  	v28 =	vmul.f32 v4, v28;
	v29 =	vadd.s32 $0x1B0, v0;
	[tilespmem:v20+s7+$0x0] =	vst.idx.msk $0xffff, v19  }
0x259: {  	v30 =	vmul.f32 v5, v27;
	v20 =	vadd.s32 v29, v2;
	[tilespmem:v22+s7+$0x0] =	vst.idx.msk $0xffff, v31;
	v31 =	vadd.s32 $0x1B1, v0  }
0x25a: {  	v29 =	vadd.s32 $0x1B2, v0;
	[tilespmem:v21+s7+$0x0] =	vst.idx.msk $0xffff, v28;
	v28 =	vmul.f32 v1, v27;
	v21 =	vadd.s32 v31, v2  }
0x25b: {  	v22 =	vadd.s32 v29, v2;
	[tilespmem:v23+s7+$0x0] =	vst.idx.msk $0xffff, v30;
	v30 =	vadd.s32 $0x1B3, v0  }
0x25c: {  	v19 =	vmul.f32 v3, v27;
	[tilespmem:v25+s7+$0x0] =	vst.idx.msk $0xffff, v28;
	v23 =	vadd.s32 v30, v2;
	v25 =	vadd.s32 $0x1B4, v0  }
0x25d: {  	v26 =	vmul.f32 v6, v27;
	v28 =	vmul.f32 v9, v24;
	v25 =	vadd.s32 v25, v2  }
0x25e: {  	v31 =	vmul.f32 v4, v27;
	v27 =	vadd.s32 $0x1B5, v0;
	[tilespmem:v20+s7+$0x0] =	vst.idx.msk $0xffff, v19  }
0x25f: {  	v29 =	vadd.s32 $0x1B6, v0;
	v20 =	vadd.s32 v27, v2;
	[tilespmem:v21+s7+$0x0] =	vst.idx.msk $0xffff, v26;
	v21 =	vmul.f32 v5, v28  }
0x260: {  	v30 =	vmul.f32 v1, v28;
	[tilespmem:v22+s7+$0x0] =	vst.idx.msk $0xffff, v31;
	v22 =	vadd.s32 v29, v2;
	v31 =	vadd.s32 $0x1B7, v0  }
0x261: {  	v29 =	vadd.s32 $0x1B8, v0;
	[tilespmem:v23+s7+$0x0] =	vst.idx.msk $0xffff, v21;
	v21 =	vadd.s32 v31, v2  }
0x262: {  	v23 =	vadd.s32 v29, v2;
	v31 =	vadd.s32 $0x1B9, v0;
	[tilespmem:v25+s7+$0x0] =	vst.idx.msk $0xffff, v30;
	v30 =	vmul.f32 v3, v28  }
0x263: {  	v27 =	vmul.f32 v8, v24;
	v26 =	vmul.f32 v6, v28;
	v25 =	vadd.s32 v31, v2  }
0x264: {  	v31 =	vadd.s32 $0x1BA, v0;
	[tilespmem:v20+s7+$0x0] =	vst.idx.msk $0xffff, v30;
	v30 =	vmul.f32 v4, v28  }
0x265: {  	v29 =	vadd.s32 $0x1BB, v0;
	v28 =	vmul.f32 v5, v27;
	v20 =	vadd.s32 v31, v2;
	[tilespmem:v22+s7+$0x0] =	vst.idx.msk $0xffff, v26  }
0x266: {  	v31 =	vadd.s32 $0x1BC, v0;
	[tilespmem:v21+s7+$0x0] =	vst.idx.msk $0xffff, v30;
	v30 =	vmul.f32 v1, v27;
	v21 =	vadd.s32 v29, v2  }
0x267: {  	v22 =	vadd.s32 v31, v2;
	[tilespmem:v23+s7+$0x0] =	vst.idx.msk $0xffff, v28;
	v28 =	vadd.s32 $0x1BD, v0  }
0x268: {  	v29 =	vmul.f32 v3, v27;
	[tilespmem:v25+s7+$0x0] =	vst.idx.msk $0xffff, v30;
	v23 =	vadd.s32 v28, v2;
	v30 =	vadd.s32 $0x1BE, v0  }
0x269: {  	v24 =	vmul.f32 v7, v24;
	v31 =	vmul.f32 v6, v27;
	v25 =	vadd.s32 v30, v2  }
0x26a: {  	v28 =	vmul.f32 v4, v27;
	[tilespmem:v20+s7+$0x0] =	vst.idx.msk $0xffff, v29;
	v29 =	vadd.s32 $0x1BF, v0  }
0x26b: {  	v30 =	vmul.f32 v5, v24;
	v20 =	vadd.s32 v29, v2;
	[tilespmem:v21+s7+$0x0] =	vst.idx.msk $0xffff, v31;
	v31 =	vadd.s32 $0x1C0, v0  }
0x26c: {  	v29 =	vadd.s32 $0x1C1, v0;
	[tilespmem:v22+s7+$0x0] =	vst.idx.msk $0xffff, v28;
	v28 =	vmul.f32 v1, v24;
	v22 =	vadd.s32 v31, v2  }
0x26d: {  	v21 =	vadd.s32 v29, v2;
	[tilespmem:v23+s7+$0x0] =	vst.idx.msk $0xffff, v30;
	v23 =	vmul.f32 v14, v18;
	v30 =	vadd.s32 $0x1C2, v0  }
0x26e: {  	v19 =	vmul.f32 v3, v24;
	v26 =	vadd.s32 $0x1C3, v0;
	[tilespmem:v25+s7+$0x0] =	vst.idx.msk $0xffff, v28;
	v25 =	vadd.s32 v30, v2  }
0x26f: {  	v26 =	vadd.s32 v26, v2;
	v27 =	vmul.f32 v6, v24;
	v28 =	vmul.f32 v11, v23  }
0x270: {  	v31 =	vmul.f32 v4, v24;
	v24 =	vadd.s32 $0x1C4, v0;
	[tilespmem:v20+s7+$0x0] =	vst.idx.msk $0xffff, v19  }
0x271: {  	v29 =	vadd.s32 $0x1C5, v0;
	v20 =	vadd.s32 v24, v2;
	[tilespmem:v22+s7+$0x0] =	vst.idx.msk $0xffff, v27;
	v22 =	vmul.f32 v5, v28  }
0x272: {  	v30 =	vmul.f32 v1, v28;
	[tilespmem:v21+s7+$0x0] =	vst.idx.msk $0xffff, v31;
	v21 =	vadd.s32 v29, v2;
	v31 =	vadd.s32 $0x1C6, v0  }
0x273: {  	v29 =	vadd.s32 $0x1C7, v0;
	[tilespmem:v25+s7+$0x0] =	vst.idx.msk $0xffff, v22;
	v22 =	vadd.s32 v31, v2  }
0x274: {  	v19 =	vmul.f32 v3, v28;
	v24 =	vadd.s32 v29, v2;
	[tilespmem:v26+s7+$0x0] =	vst.idx.msk $0xffff, v30;
	v30 =	vadd.s32 $0x1C8, v0  }
0x275: {  	v27 =	vmul.f32 v10, v23;
	v31 =	vmul.f32 v6, v28;
	v25 =	vadd.s32 v30, v2  }
0x276: {  	v28 =	vmul.f32 v4, v28;
	v29 =	vadd.s32 $0x1C9, v0;
	[tilespmem:v20+s7+$0x0] =	vst.idx.msk $0xffff, v19  }
0x277: {  	v30 =	vmul.f32 v5, v27;
	v20 =	vadd.s32 v29, v2;
	[tilespmem:v21+s7+$0x0] =	vst.idx.msk $0xffff, v31;
	v31 =	vadd.s32 $0x1CA, v0  }
0x278: {  	v29 =	vadd.s32 $0x1CB, v0;
	[tilespmem:v22+s7+$0x0] =	vst.idx.msk $0xffff, v28;
	v28 =	vmul.f32 v1, v27;
	v22 =	vadd.s32 v31, v2  }
0x279: {  	v21 =	vadd.s32 v29, v2;
	[tilespmem:v24+s7+$0x0] =	vst.idx.msk $0xffff, v30;
	v30 =	vadd.s32 $0x1CC, v0  }
0x27a: {  	v19 =	vmul.f32 v3, v27;
	[tilespmem:v25+s7+$0x0] =	vst.idx.msk $0xffff, v28;
	v24 =	vadd.s32 v30, v2;
	v25 =	vadd.s32 $0x1CD, v0  }
0x27b: {  	v26 =	vmul.f32 v6, v27;
	v28 =	vmul.f32 v9, v23;
	v25 =	vadd.s32 v25, v2  }
0x27c: {  	v31 =	vmul.f32 v4, v27;
	v27 =	vadd.s32 $0x1CE, v0;
	[tilespmem:v20+s7+$0x0] =	vst.idx.msk $0xffff, v19  }
0x27d: {  	v29 =	vadd.s32 $0x1CF, v0;
	v20 =	vadd.s32 v27, v2;
	[tilespmem:v22+s7+$0x0] =	vst.idx.msk $0xffff, v26;
	v22 =	vmul.f32 v5, v28  }
0x27e: {  	v30 =	vmul.f32 v1, v28;
	[tilespmem:v21+s7+$0x0] =	vst.idx.msk $0xffff, v31;
	v21 =	vadd.s32 v29, v2;
	v31 =	vadd.s32 $0x1D0, v0  }
0x27f: {  	[tilespmem:v24+s7+$0x0] =	vst.idx.msk $0xffff, v22;
	v22 =	vadd.s32 v31, v2  }
0x280: {  	v27 =	vmul.f32 v8, v23;
	v29 =	vadd.s32 $0x1D1, v0;
	[tilespmem:v25+s7+$0x0] =	vst.idx.msk $0xffff, v30;
	v30 =	vmul.f32 v3, v28  }
0x281: {  	v26 =	vmul.f32 v6, v28;
	v24 =	vadd.s32 v29, v2;
	v31 =	vadd.s32 $0x1D2, v0  }
0x282: {  	v25 =	vadd.s32 v31, v2;
	v31 =	vadd.s32 $0x1D3, v0;
	[tilespmem:v20+s7+$0x0] =	vst.idx.msk $0xffff, v30;
	v30 =	vmul.f32 v4, v28  }
0x283: {  	v29 =	vadd.s32 $0x1D4, v0;
	v20 =	vadd.s32 v31, v2;
	[tilespmem:v21+s7+$0x0] =	vst.idx.msk $0xffff, v26  }
0x284: {  	v28 =	vmul.f32 v5, v27;
	v31 =	vadd.s32 $0x1D5, v0;
	[tilespmem:v22+s7+$0x0] =	vst.idx.msk $0xffff, v30;
	v22 =	vadd.s32 v29, v2  }
0x285: {  	v21 =	vadd.s32 v31, v2;
	v30 =	vmul.f32 v1, v27  }
0x286: {  	v23 =	vmul.f32 v7, v23;
	v29 =	vmul.f32 v3, v27;
	[tilespmem:v24+s7+$0x0] =	vst.idx.msk $0xffff, v28;
	v28 =	vadd.s32 $0x1D6, v0  }
0x287: {  	v31 =	vmul.f32 v6, v27;
	[tilespmem:v25+s7+$0x0] =	vst.idx.msk $0xffff, v30;
	v24 =	vadd.s32 v28, v2;
	v30 =	vadd.s32 $0x1D7, v0  }
0x288: {  	v28 =	vmul.f32 v4, v27;
	v25 =	vadd.s32 v30, v2;
	[tilespmem:v20+s7+$0x0] =	vst.idx.msk $0xffff, v29;
	v29 =	vadd.s32 $0x1D8, v0  }
0x289: {  	v18 =	vmul.f32 v13, v18;
	v20 =	vadd.s32 v29, v2;
	[tilespmem:v22+s7+$0x0] =	vst.idx.msk $0xffff, v31;
	v31 =	vadd.s32 $0x1D9, v0  }
0x28a: {  	v30 =	vmul.f32 v5, v23;
	v29 =	vadd.s32 $0x1DA, v0;
	[tilespmem:v21+s7+$0x0] =	vst.idx.msk $0xffff, v28;
	v21 =	vadd.s32 v31, v2  }
0x28b: {  	v22 =	vadd.s32 v29, v2;
	v28 =	vmul.f32 v1, v23  }
0x28c: {  	v19 =	vmul.f32 v3, v23;
	v27 =	vmul.f32 v11, v18;
	[tilespmem:v24+s7+$0x0] =	vst.idx.msk $0xffff, v30;
	v30 =	vadd.s32 $0x1DB, v0  }
0x28d: {  	v31 =	vadd.s32 $0x1DC, v0;
	[tilespmem:v25+s7+$0x0] =	vst.idx.msk $0xffff, v28;
	v24 =	vadd.s32 v30, v2;
	v30 =	vmul.f32 v6, v23  }
0x28e: {  	v25 =	vadd.s32 v31, v2;
	v31 =	vmul.f32 v4, v23;
	v28 =	vadd.s32 $0x1DD, v0;
	[tilespmem:v20+s7+$0x0] =	vst.idx.msk $0xffff, v19  }
0x28f: {  	v20 =	vadd.s32 v28, v2;
	[tilespmem:v21+s7+$0x0] =	vst.idx.msk $0xffff, v30;
	v30 =	vadd.s32 $0x1DE, v0  }
0x290: {  	v26 =	vadd.s32 $0x1DF, v0;
	v29 =	vmul.f32 v5, v27;
	[tilespmem:v22+s7+$0x0] =	vst.idx.msk $0xffff, v31;
	v22 =	vadd.s32 v30, v2  }
0x291: {  	v28 =	vadd.s32 $0x1E0, v0;
	v21 =	vadd.s32 v26, v2;
	v31 =	vmul.f32 v1, v27  }
0x292: {  	v23 =	vadd.s32 v28, v2;
	[tilespmem:v24+s7+$0x0] =	vst.idx.msk $0xffff, v29;
	v29 =	vmul.f32 v3, v27  }
0x293: {  	v28 =	vmul.f32 v4, v27;
	v30 =	vadd.s32 $0x1E1, v0;
	[tilespmem:v25+s7+$0x0] =	vst.idx.msk $0xffff, v31;
	v31 =	vmul.f32 v6, v27  }
0x294: {  	v26 =	vmul.f32 v10, v18;
	v24 =	vadd.s32 v30, v2;
	[tilespmem:v20+s7+$0x0] =	vst.idx.msk $0xffff, v29;
	v29 =	vadd.s32 $0x1E2, v0  }
0x295: {  	v20 =	vadd.s32 v29, v2;
	[tilespmem:v22+s7+$0x0] =	vst.idx.msk $0xffff, v31;
	v31 =	vadd.s32 $0x1E3, v0  }
0x296: {  	v30 =	vmul.f32 v5, v26;
	v29 =	vadd.s32 $0x1E4, v0;
	[tilespmem:v21+s7+$0x0] =	vst.idx.msk $0xffff, v28;
	v21 =	vadd.s32 v31, v2  }
0x297: {  	v22 =	vadd.s32 v29, v2;
	v28 =	vmul.f32 v1, v26  }
0x298: {  	v19 =	vmul.f32 v3, v26;
	v27 =	vmul.f32 v9, v18;
	[tilespmem:v23+s7+$0x0] =	vst.idx.msk $0xffff, v30;
	v30 =	vadd.s32 $0x1E5, v0  }
0x299: {  	v31 =	vadd.s32 $0x1E6, v0;
	[tilespmem:v24+s7+$0x0] =	vst.idx.msk $0xffff, v28;
	v23 =	vadd.s32 v30, v2;
	v30 =	vmul.f32 v6, v26  }
0x29a: {  	v24 =	vadd.s32 v31, v2;
	v31 =	vmul.f32 v4, v26;
	v26 =	vadd.s32 $0x1E7, v0;
	[tilespmem:v20+s7+$0x0] =	vst.idx.msk $0xffff, v19  }
0x29b: {  	v29 =	vadd.s32 $0x1E8, v0;
	v20 =	vadd.s32 v26, v2;
	[tilespmem:v21+s7+$0x0] =	vst.idx.msk $0xffff, v30  }
0x29c: {  	v28 =	vmul.f32 v5, v27;
	[tilespmem:v22+s7+$0x0] =	vst.idx.msk $0xffff, v31;
	v22 =	vadd.s32 v29, v2;
	v31 =	vadd.s32 $0x1E9, v0  }
0x29d: {  	v26 =	vadd.s32 $0x1EA, v0;
	v30 =	vmul.f32 v1, v27;
	v21 =	vadd.s32 v31, v2  }
0x29e: {  	[tilespmem:v23+s7+$0x0] =	vst.idx.msk $0xffff, v28;
	v28 =	vmul.f32 v3, v27;
	v23 =	vadd.s32 v26, v2  }
0x29f: {  	v29 =	vadd.s32 $0x1EB, v0;
	v26 =	vmul.f32 v8, v18;
	[tilespmem:v24+s7+$0x0] =	vst.idx.msk $0xffff, v30;
	v30 =	vmul.f32 v6, v27  }
0x2a0: {  	v31 =	vmul.f32 v4, v27;
	v24 =	vadd.s32 v29, v2;
	v27 =	vadd.s32 $0x1EC, v0;
	[tilespmem:v20+s7+$0x0] =	vst.idx.msk $0xffff, v28  }
0x2a1: {  	v29 =	vadd.s32 $0x1ED, v0;
	v20 =	vadd.s32 v27, v2;
	[tilespmem:v22+s7+$0x0] =	vst.idx.msk $0xffff, v30  }
0x2a2: {  	v28 =	vmul.f32 v5, v26;
	[tilespmem:v21+s7+$0x0] =	vst.idx.msk $0xffff, v31;
	v21 =	vadd.s32 v29, v2;
	v31 =	vadd.s32 $0x1EE, v0  }
0x2a3: {  	v30 =	vmul.f32 v1, v26;
	v22 =	vadd.s32 v31, v2  }
0x2a4: {  	v18 =	vmul.f32 v7, v18;
	v27 =	vadd.s32 $0x1EF, v0;
	[tilespmem:v23+s7+$0x0] =	vst.idx.msk $0xffff, v28;
	v28 =	vmul.f32 v3, v26  }
0x2a5: {  	v29 =	vadd.s32 $0x1F0, v0;
	v23 =	vadd.s32 v27, v2;
	[tilespmem:v24+s7+$0x0] =	vst.idx.msk $0xffff, v30;
	v30 =	vmul.f32 v6, v26  }
0x2a6: {  	v31 =	vmul.f32 v4, v26;
	v27 =	vadd.s32 $0x1F1, v0;
	v24 =	vadd.s32 v29, v2;
	[tilespmem:v20+s7+$0x0] =	vst.idx.msk $0xffff, v28  }
0x2a7: {  	v17 =	vmul.f32 v17, v12;
	v29 =	vadd.s32 $0x1F2, v0;
	v20 =	vadd.s32 v27, v2;
	[tilespmem:v21+s7+$0x0] =	vst.idx.msk $0xffff, v30  }
0x2a8: {  	v28 =	vmul.f32 v5, v18;
	[tilespmem:v22+s7+$0x0] =	vst.idx.msk $0xffff, v31;
	v22 =	vadd.s32 v29, v2;
	v31 =	vadd.s32 $0x1F3, v0  }
0x2a9: {  	v16 =	vmul.f32 v16, v12;
	v30 =	vmul.f32 v1, v18;
	v21 =	vadd.s32 v31, v2  }
0x2aa: {  	v26 =	vmul.f32 v11, v17;
	v29 =	vmul.f32 v3, v18;
	[tilespmem:v23+s7+$0x0] =	vst.idx.msk $0xffff, v28;
	v28 =	vadd.s32 $0x1F4, v0  }
0x2ab: {  	v31 =	vmul.f32 v6, v18;
	[tilespmem:v24+s7+$0x0] =	vst.idx.msk $0xffff, v30;
	v23 =	vadd.s32 v28, v2;
	v30 =	vadd.s32 $0x1F5, v0  }
0x2ac: {  	v18 =	vmul.f32 v4, v18;
	v28 =	vadd.s32 $0x1F6, v0;
	v24 =	vadd.s32 v30, v2;
	[tilespmem:v20+s7+$0x0] =	vst.idx.msk $0xffff, v29  }
0x2ad: {  	v15 =	vmul.f32 v15, v12;
	v19 =	vadd.s32 v28, v2;
	v30 =	vadd.s32 $0x1F7, v0;
	[tilespmem:v22+s7+$0x0] =	vst.idx.msk $0xffff, v31  }
0x2ae: {  	v25 =	vadd.s32 $0x1F8, v0;
	v29 =	vmul.f32 v5, v26;
	[tilespmem:v21+s7+$0x0] =	vst.idx.msk $0xffff, v18;
	v21 =	vadd.s32 v30, v2  }
0x2af: {  	v14 =	vmul.f32 v14, v12;
	v20 =	vadd.s32 v25, v2;
	v31 =	vmul.f32 v1, v26  }
0x2b0: {  	v27 =	vadd.s32 $0x1F9, v0;
	v28 =	vmul.f32 v3, v26;
	v25 =	vmul.f32 v10, v17;
	[tilespmem:v23+s7+$0x0] =	vst.idx.msk $0xffff, v29  }
0x2b1: {  	v22 =	vadd.s32 v27, v2;
	v30 =	vmul.f32 v6, v26;
	v29 =	vadd.s32 $0x1FA, v0;
	[tilespmem:v24+s7+$0x0] =	vst.idx.msk $0xffff, v31  }
0x2b2: {  	v27 =	vadd.s32 $0x1FB, v0;
	v23 =	vadd.s32 v29, v2;
	v31 =	vmul.f32 v4, v26;
	[tilespmem:v19+s7+$0x0] =	vst.idx.msk $0xffff, v28  }
0x2b3: {  	v29 =	vadd.s32 $0x1FC, v0;
	v26 =	vmul.f32 v9, v17;
	v19 =	vadd.s32 v27, v2;
	[tilespmem:v21+s7+$0x0] =	vst.idx.msk $0xffff, v30  }
0x2b4: {  	v28 =	vmul.f32 v5, v25;
	[tilespmem:v20+s7+$0x0] =	vst.idx.msk $0xffff, v31;
	v20 =	vadd.s32 v29, v2;
	v31 =	vadd.s32 $0x1FD, v0  }
0x2b5: {  	v27 =	vadd.s32 $0x1FE, v0;
	v30 =	vmul.f32 v1, v25;
	v21 =	vadd.s32 v31, v2  }
0x2b6: {  	[tilespmem:v22+s7+$0x0] =	vst.idx.msk $0xffff, v28;
	v28 =	vmul.f32 v3, v25;
	v22 =	vadd.s32 v27, v2  }
0x2b7: {  	v29 =	vadd.s32 $0x1FF, v0;
	v31 =	vmul.f32 v4, v25;
	[tilespmem:v23+s7+$0x0] =	vst.idx.msk $0xffff, v30;
	v30 =	vmul.f32 v6, v25  }
0x2b8: {  	v27 =	vadd.s32 $0x200, v0;
	v23 =	vadd.s32 v29, v2;
	v25 =	vmul.f32 v8, v17;
	[tilespmem:v19+s7+$0x0] =	vst.idx.msk $0xffff, v28  }
0x2b9: {  	v29 =	vadd.s32 $0x201, v0;
	v17 =	vmul.f32 v7, v17;
	v19 =	vadd.s32 v27, v2;
	[tilespmem:v20+s7+$0x0] =	vst.idx.msk $0xffff, v30  }
0x2ba: {  	v28 =	vmul.f32 v5, v26;
	[tilespmem:v21+s7+$0x0] =	vst.idx.msk $0xffff, v31;
	v21 =	vadd.s32 v29, v2;
	v31 =	vadd.s32 $0x202, v0  }
0x2bb: {  	v27 =	vadd.s32 $0x203, v0;
	v30 =	vmul.f32 v1, v26;
	v20 =	vadd.s32 v31, v2  }
0x2bc: {  	v29 =	vadd.s32 $0x204, v0;
	[tilespmem:v22+s7+$0x0] =	vst.idx.msk $0xffff, v28;
	v28 =	vmul.f32 v3, v26;
	v22 =	vadd.s32 v27, v2  }
0x2bd: {  	[tilespmem:v23+s7+$0x0] =	vst.idx.msk $0xffff, v30;
	v30 =	vmul.f32 v6, v26;
	v23 =	vadd.s32 v29, v2  }
0x2be: {  	v31 =	vmul.f32 v4, v26;
	v29 =	vmul.f32 v5, v25;
	[tilespmem:v19+s7+$0x0] =	vst.idx.msk $0xffff, v28;
	v28 =	vadd.s32 $0x205, v0  }
0x2bf: {  	v26 =	vmul.f32 v11, v16;
	v19 =	vadd.s32 v28, v2;
	[tilespmem:v21+s7+$0x0] =	vst.idx.msk $0xffff, v30;
	v30 =	vadd.s32 $0x206, v0  }
0x2c0: {  	v28 =	vadd.s32 $0x207, v0;
	[tilespmem:v20+s7+$0x0] =	vst.idx.msk $0xffff, v31;
	v31 =	vmul.f32 v1, v25;
	v20 =	vadd.s32 v30, v2  }
0x2c1: {  	v21 =	vadd.s32 v28, v2;
	v28 =	vmul.f32 v4, v25;
	v30 =	vadd.s32 $0x208, v0;
	[tilespmem:v22+s7+$0x0] =	vst.idx.msk $0xffff, v29  }
0x2c2: {  	v27 =	vadd.s32 $0x20A, v0;
	v29 =	vmul.f32 v3, v25;
	v22 =	vadd.s32 v30, v2;
	[tilespmem:v23+s7+$0x0] =	vst.idx.msk $0xffff, v31  }
0x2c3: {  	v31 =	vmul.f32 v6, v25;
	v23 =	vadd.s32 v27, v2;
	v25 =	vmul.f32 v6, v17  }
0x2c4: {  	v30 =	vadd.s32 $0x209, v0;
	v27 =	vmul.f32 v5, v26;
	[tilespmem:v19+s7+$0x0] =	vst.idx.msk $0xffff, v29;
	v29 =	vmul.f32 v5, v17  }
0x2c5: {  	v19 =	vmul.f32 v1, v17;
	[tilespmem:v20+s7+$0x0] =	vst.idx.msk $0xffff, v31;
	v31 =	vadd.s32 v30, v2  }
0x2c6: {  	v30 =	vadd.s32 $0x20D, v0;
	v20 =	vadd.s32 $0x20E, v0;
	[tilespmem:v21+s7+$0x0] =	vst.idx.msk $0xffff, v28;
	v28 =	vadd.s32 $0x20B, v0  }
0x2c7: {  	v21 =	vmul.f32 v3, v17;
	v24 =	vadd.s32 v28, v2;
	[tilespmem:v22+s7+$0x0] =	vst.idx.msk $0xffff, v29;
	v29 =	vadd.s32 $0x20C, v0  }
0x2c8: {  	v17 =	vmul.f32 v4, v17;
	v20 =	vadd.s32 v20, v2;
	v18 =	vadd.s32 v29, v2  }
0x2c9: {  	v22 =	vadd.s32 v30, v2;
	v28 =	vadd.s32 $0x20F, v0;
	v30 =	vmul.f32 v10, v16  }
0x2ca: {  	v29 =	vmul.f32 v3, v26;
	v28 =	vadd.s32 v28, v2;
	[tilespmem:v31+s7+$0x0] =	vst.idx.msk $0xffff, v19  }
0x2cb: {  	v19 =	vmul.f32 v1, v26;
	[tilespmem:v23+s7+$0x0] =	vst.idx.msk $0xffff, v21;
	v21 =	vmul.f32 v6, v26;
	v23 =	vadd.s32 $0x210, v0  }
0x2cc: {  	v31 =	vadd.s32 $0x211, v0;
	[tilespmem:v24+s7+$0x0] =	vst.idx.msk $0xffff, v25;
	v23 =	vadd.s32 v23, v2;
	v24 =	vmul.f32 v4, v26  }
0x2cd: {  	v25 =	vmul.f32 v1, v30;
	[tilespmem:v18+s7+$0x0] =	vst.idx.msk $0xffff, v17;
	v17 =	vadd.s32 v31, v2;
	v31 =	vadd.s32 $0x212, v0  }
0x2ce: {  	v18 =	vmul.f32 v5, v30;
	[tilespmem:v22+s7+$0x0] =	vst.idx.msk $0xffff, v27;
	v22 =	vadd.s32 v31, v2;
	v31 =	vadd.s32 $0x213, v0  }
0x2cf: {  	v27 =	vmul.f32 v6, v30;
	[tilespmem:v20+s7+$0x0] =	vst.idx.msk $0xffff, v19;
	v19 =	vadd.s32 v31, v2;
	v31 =	vadd.s32 $0x214, v0  }
0x2d0: {  	v20 =	vmul.f32 v3, v30;
	[tilespmem:v28+s7+$0x0] =	vst.idx.msk $0xffff, v29;
	v26 =	vadd.s32 v31, v2;
	v28 =	vadd.s32 $0x215, v0  }
0x2d1: {  	[tilespmem:v23+s7+$0x0] =	vst.idx.msk $0xffff, v21;
	v21 =	vadd.s32 v28, v2;
	v23 =	vadd.s32 $0x216, v0;
	v28 =	vmul.f32 v9, v16  }
0x2d2: {  	[tilespmem:v17+s7+$0x0] =	vst.idx.msk $0xffff, v24;
	v17 =	vmul.f32 v4, v30;
	v23 =	vadd.s32 v23, v2;
	v30 =	vadd.s32 $0x217, v0  }
0x2d3: {  	v12 =	vmul.f32 v13, v12;
	v31 =	vadd.s32 $0x218, v0;
	[tilespmem:v22+s7+$0x0] =	vst.idx.msk $0xffff, v18;
	v22 =	vadd.s32 v30, v2  }
0x2d4: {  	v29 =	vadd.s32 $0x219, v0;
	v24 =	vadd.s32 v31, v2;
	v18 =	vmul.f32 v5, v28;
	[tilespmem:v19+s7+$0x0] =	vst.idx.msk $0xffff, v25  }
0x2d5: {  	v30 =	vadd.s32 $0x21A, v0;
	v19 =	vmul.f32 v1, v28;
	v25 =	vadd.s32 v29, v2;
	[tilespmem:v26+s7+$0x0] =	vst.idx.msk $0xffff, v20  }
0x2d6: {  	v31 =	vadd.s32 $0x21B, v0;
	v20 =	vmul.f32 v3, v28;
	v26 =	vadd.s32 v30, v2;
	[tilespmem:v21+s7+$0x0] =	vst.idx.msk $0xffff, v27  }
0x2d7: {  	v30 =	vadd.s32 $0x21C, v0;
	v21 =	vmul.f32 v6, v28;
	[tilespmem:v23+s7+$0x0] =	vst.idx.msk $0xffff, v17;
	v17 =	vadd.s32 v31, v2  }
0x2d8: {  	v23 =	vmul.f32 v8, v16;
	v31 =	vadd.s32 $0x21D, v0;
	[tilespmem:v22+s7+$0x0] =	vst.idx.msk $0xffff, v18;
	v22 =	vadd.s32 v30, v2  }
0x2d9: {  	v16 =	vmul.f32 v7, v16;
	v30 =	vadd.s32 $0x21E, v0;
	[tilespmem:v24+s7+$0x0] =	vst.idx.msk $0xffff, v19;
	v24 =	vadd.s32 v31, v2  }
0x2da: {  	v18 =	vmul.f32 v4, v28;
	v31 =	vadd.s32 $0x21F, v0;
	[tilespmem:v25+s7+$0x0] =	vst.idx.msk $0xffff, v20;
	v25 =	vadd.s32 v30, v2  }
0x2db: {  	v19 =	vmul.f32 v5, v23;
	v30 =	vadd.s32 $0x220, v0;
	[tilespmem:v26+s7+$0x0] =	vst.idx.msk $0xffff, v21;
	v26 =	vadd.s32 v31, v2  }
0x2dc: {  	v20 =	vmul.f32 v1, v23;
	v31 =	vadd.s32 $0x221, v0;
	[tilespmem:v17+s7+$0x0] =	vst.idx.msk $0xffff, v18;
	v18 =	vadd.s32 v30, v2  }
0x2dd: {  	v28 =	vadd.s32 $0x222, v0;
	v21 =	vmul.f32 v3, v23;
	[tilespmem:v22+s7+$0x0] =	vst.idx.msk $0xffff, v19;
	v19 =	vadd.s32 v31, v2  }
0x2de: {  	v29 =	vadd.s32 $0x223, v0;
	v17 =	vmul.f32 v6, v23;
	v22 =	vadd.s32 v28, v2;
	[tilespmem:v24+s7+$0x0] =	vst.idx.msk $0xffff, v20  }
0x2df: {  	v20 =	vmul.f32 v4, v23;
	v23 =	vadd.s32 v29, v2;
	[tilespmem:v25+s7+$0x0] =	vst.idx.msk $0xffff, v21  }
0x2e0: {  	v30 =	vmul.f32 v5, v16;
	v31 =	vadd.s32 $0x224, v0;
	v29 =	vmul.f32 v1, v16;
	[tilespmem:v26+s7+$0x0] =	vst.idx.msk $0xffff, v17  }
0x2e1: {  	v28 =	vadd.s32 $0x225, v0;
	v21 =	vmul.f32 v11, v15;
	v17 =	vadd.s32 v31, v2;
	[tilespmem:v18+s7+$0x0] =	vst.idx.msk $0xffff, v20  }
0x2e2: {  	v31 =	vadd.s32 $0x226, v0;
	v20 =	vadd.s32 v28, v2;
	[tilespmem:v19+s7+$0x0] =	vst.idx.msk $0xffff, v30;
	v30 =	vmul.f32 v3, v16  }
0x2e3: {  	v25 =	vmul.f32 v10, v15;
	[tilespmem:v22+s7+$0x0] =	vst.idx.msk $0xffff, v29;
	v22 =	vadd.s32 v31, v2  }
0x2e4: {  	v28 =	vmul.f32 v6, v16;
	v24 =	vmul.f32 v6, v21;
	[tilespmem:v23+s7+$0x0] =	vst.idx.msk $0xffff, v30;
	v30 =	vadd.s32 $0x227, v0  }
0x2e5: {  	v26 =	vmul.f32 v5, v25;
	v16 =	vmul.f32 v4, v16;
	v31 =	vadd.s32 v30, v2  }
0x2e6: {  	v27 =	vadd.s32 $0x228, v0;
	v19 =	vmul.f32 v4, v21;
	v29 =	vmul.f32 v5, v21;
	[tilespmem:v17+s7+$0x0] =	vst.idx.msk $0xffff, v28  }
0x2e7: {  	v17 =	vmul.f32 v1, v21;
	v28 =	vadd.s32 $0x229, v0;
	[tilespmem:v20+s7+$0x0] =	vst.idx.msk $0xffff, v16;
	v20 =	vadd.s32 v27, v2  }
0x2e8: {  	v30 =	vadd.s32 $0x22B, v0;
	v23 =	vadd.s32 v28, v2;
	[tilespmem:v22+s7+$0x0] =	vst.idx.msk $0xffff, v29;
	v29 =	vadd.s32 $0x22A, v0  }
0x2e9: {  	v16 =	vmul.f32 v3, v21;
	v27 =	vadd.s32 $0x22D, v0;
	v21 =	vadd.s32 v29, v2  }
0x2ea: {  	v28 =	vmul.f32 v3, v25;
	v22 =	vadd.s32 v30, v2;
	[tilespmem:v31+s7+$0x0] =	vst.idx.msk $0xffff, v17;
	v31 =	vadd.s32 $0x22C, v0  }
0x2eb: {  	v27 =	vadd.s32 v27, v2;
	v29 =	vmul.f32 v9, v15;
	v18 =	vadd.s32 v31, v2  }
0x2ec: {  	v17 =	vmul.f32 v1, v25;
	[tilespmem:v20+s7+$0x0] =	vst.idx.msk $0xffff, v16;
	v16 =	vmul.f32 v6, v25;
	v20 =	vadd.s32 $0x22E, v0  }
0x2ed: {  	v30 =	vadd.s32 $0x22F, v0;
	[tilespmem:v23+s7+$0x0] =	vst.idx.msk $0xffff, v24;
	v20 =	vadd.s32 v20, v2;
	v23 =	vmul.f32 v4, v25  }
0x2ee: {  	v31 =	vadd.s32 $0x230, v0;
	v24 =	vmul.f32 v1, v29;
	[tilespmem:v21+s7+$0x0] =	vst.idx.msk $0xffff, v19;
	v19 =	vadd.s32 v30, v2  }
0x2ef: {  	v21 =	vmul.f32 v5, v29;
	v30 =	vadd.s32 $0x231, v0;
	[tilespmem:v22+s7+$0x0] =	vst.idx.msk $0xffff, v26;
	v22 =	vadd.s32 v31, v2  }
0x2f0: {  	v31 =	vadd.s32 $0x232, v0;
	v26 =	vmul.f32 v6, v29;
	[tilespmem:v18+s7+$0x0] =	vst.idx.msk $0xffff, v17;
	v17 =	vadd.s32 v30, v2  }
0x2f1: {  	v18 =	vmul.f32 v3, v29;
	v25 =	vadd.s32 v31, v2;
	v30 =	vadd.s32 $0x233, v0;
	[tilespmem:v27+s7+$0x0] =	vst.idx.msk $0xffff, v28  }
0x2f2: {  	v31 =	vadd.s32 $0x234, v0;
	v27 =	vmul.f32 v8, v15;
	[tilespmem:v20+s7+$0x0] =	vst.idx.msk $0xffff, v16;
	v16 =	vadd.s32 v30, v2  }
0x2f3: {  	v15 =	vmul.f32 v7, v15;
	v20 =	vadd.s32 v31, v2;
	v30 =	vadd.s32 $0x235, v0;
	[tilespmem:v19+s7+$0x0] =	vst.idx.msk $0xffff, v23  }
0x2f4: {  	v31 =	vadd.s32 $0x236, v0;
	v19 =	vmul.f32 v4, v29;
	[tilespmem:v22+s7+$0x0] =	vst.idx.msk $0xffff, v21;
	v22 =	vadd.s32 v30, v2  }
0x2f5: {  	v28 =	vmul.f32 v1, v27;
	v23 =	vadd.s32 v31, v2;
	v29 =	vadd.s32 $0x237, v0;
	[tilespmem:v17+s7+$0x0] =	vst.idx.msk $0xffff, v24  }
0x2f6: {  	v21 =	vmul.f32 v5, v27;
	v30 =	vadd.s32 $0x238, v0;
	v24 =	vadd.s32 v29, v2;
	[tilespmem:v25+s7+$0x0] =	vst.idx.msk $0xffff, v18  }
0x2f7: {  	v31 =	vadd.s32 $0x239, v0;
	v18 =	vmul.f32 v3, v27;
	v25 =	vadd.s32 v30, v2;
	[tilespmem:v16+s7+$0x0] =	vst.idx.msk $0xffff, v26  }
0x2f8: {  	v16 =	vmul.f32 v6, v27;
	v26 =	vadd.s32 $0x23A, v0;
	[tilespmem:v20+s7+$0x0] =	vst.idx.msk $0xffff, v19;
	v19 =	vadd.s32 v31, v2  }
0x2f9: {  	v20 =	vadd.s32 v26, v2;
	[tilespmem:v22+s7+$0x0] =	vst.idx.msk $0xffff, v21;
	v21 =	vmul.f32 v4, v27;
	v27 =	vadd.s32 $0x23B, v0  }
0x2fa: {  	v29 =	vadd.s32 $0x23C, v0;
	[tilespmem:v23+s7+$0x0] =	vst.idx.msk $0xffff, v28;
	v28 =	vmul.f32 v5, v15;
	v22 =	vadd.s32 v27, v2  }
0x2fb: {  	v30 =	vadd.s32 $0x23D, v0;
	v23 =	vadd.s32 v29, v2;
	v27 =	vmul.f32 v6, v15;
	[tilespmem:v24+s7+$0x0] =	vst.idx.msk $0xffff, v18  }
0x2fc: {  	v31 =	vadd.s32 $0x23E, v0;
	v18 =	vmul.f32 v1, v15;
	v24 =	vadd.s32 v30, v2;
	[tilespmem:v25+s7+$0x0] =	vst.idx.msk $0xffff, v16  }
0x2fd: {  	v29 =	vadd.s32 $0x240, v0;
	v16 =	vmul.f32 v3, v15;
	v15 =	vmul.f32 v4, v15;
	[tilespmem:v19+s7+$0x0] =	vst.idx.msk $0xffff, v21  }
0x2fe: {  	v26 =	vadd.s32 $0x23F, v0;
	v19 =	vadd.s32 v31, v2;
	v21 =	vadd.s32 v29, v2;
	[tilespmem:v20+s7+$0x0] =	vst.idx.msk $0xffff, v28  }
0x2ff: {  	v31 =	vadd.s32 $0x242, v0;
	v28 =	vadd.s32 v26, v2;
	[tilespmem:v22+s7+$0x0] =	vst.idx.msk $0xffff, v18;
	v18 =	vmul.f32 v11, v14  }
0x300: {  	v30 =	vadd.s32 $0x241, v0;
	v22 =	vadd.s32 v31, v2;
	v11 =	vmul.f32 v11, v12;
	[tilespmem:v23+s7+$0x0] =	vst.idx.msk $0xffff, v16  }
0x301: {  	v16 =	vadd.s32 v30, v2;
	v23 =	vmul.f32 v9, v14;
	v9 =	vmul.f32 v9, v12  }
0x302: {  	v25 =	vadd.s32 $0x243, v0;
	[tilespmem:v24+s7+$0x0] =	vst.idx.msk $0xffff, v27;
	v24 =	vmul.f32 v5, v18;
	v26 =	vmul.f32 v1, v18  }
0x303: {  	v27 =	vadd.s32 $0x244, v0;
	v29 =	vmul.f32 v6, v18;
	[tilespmem:v19+s7+$0x0] =	vst.idx.msk $0xffff, v15;
	v19 =	vadd.s32 v25, v2  }
0x304: {  	v30 =	vadd.s32 $0x245, v0;
	v20 =	vadd.s32 v27, v2;
	[tilespmem:v28+s7+$0x0] =	vst.idx.msk $0xffff, v24;
	v28 =	vmul.f32 v3, v18  }
0x305: {  	v25 =	vadd.s32 $0x246, v0;
	v24 =	vadd.s32 v30, v2;
	[tilespmem:v21+s7+$0x0] =	vst.idx.msk $0xffff, v26;
	v21 =	vmul.f32 v10, v14  }
0x306: {  	v31 =	vmul.f32 v4, v18;
	v27 =	vadd.s32 $0x247, v0;
	v18 =	vadd.s32 v25, v2;
	[tilespmem:v16+s7+$0x0] =	vst.idx.msk $0xffff, v28  }
0x307: {  	v16 =	vadd.s32 v27, v2;
	v28 =	vadd.s32 $0x248, v0;
	[tilespmem:v22+s7+$0x0] =	vst.idx.msk $0xffff, v29;
	v26 =	vmul.f32 v5, v21  }
0x308: {  	v30 =	vadd.s32 $0x249, v0;
	v29 =	vmul.f32 v1, v21;
	[tilespmem:v19+s7+$0x0] =	vst.idx.msk $0xffff, v31;
	v19 =	vadd.s32 v28, v2  }
0x309: {  	v31 =	vmul.f32 v3, v21;
	[tilespmem:v20+s7+$0x0] =	vst.idx.msk $0xffff, v26;
	v20 =	vadd.s32 v30, v2  }
0x30a: {  	v15 =	vmul.f32 v1, v23;
	v26 =	vadd.s32 $0x24A, v0;
	[tilespmem:v24+s7+$0x0] =	vst.idx.msk $0xffff, v29;
	v24 =	vmul.f32 v6, v21  }
0x30b: {  	v25 =	vmul.f32 v4, v21;
	v28 =	vadd.s32 $0x24B, v0;
	v21 =	vadd.s32 v26, v2;
	[tilespmem:v18+s7+$0x0] =	vst.idx.msk $0xffff, v31  }
0x30c: {  	v27 =	vmul.f32 v5, v23;
	v29 =	vadd.s32 $0x24C, v0;
	[tilespmem:v16+s7+$0x0] =	vst.idx.msk $0xffff, v24;
	v16 =	vadd.s32 v28, v2  }
0x30d: {  	v17 =	vmul.f32 v3, v23;
	v30 =	vadd.s32 $0x24D, v0;
	[tilespmem:v19+s7+$0x0] =	vst.idx.msk $0xffff, v25;
	v19 =	vadd.s32 v29, v2  }
0x30e: {  	v18 =	vadd.s32 v30, v2;
	v31 =	vadd.s32 $0x24E, v0;
	[tilespmem:v20+s7+$0x0] =	vst.idx.msk $0xffff, v27;
	v20 =	vmul.f32 v8, v14  }
0x30f: {  	v10 =	vmul.f32 v10, v12;
	v28 =	vmul.f32 v6, v23;
	v22 =	vadd.s32 v31, v2  }
0x310: {  	v23 =	vmul.f32 v4, v23;
	v29 =	vadd.s32 $0x24F, v0;
	[tilespmem:v21+s7+$0x0] =	vst.idx.msk $0xffff, v15;
	v15 =	vmul.f32 v5, v20  }
0x311: {  	v30 =	vadd.s32 $0x250, v0;
	v21 =	vmul.f32 v1, v20;
	[tilespmem:v16+s7+$0x0] =	vst.idx.msk $0xffff, v17;
	v16 =	vadd.s32 v29, v2  }
0x312: {  	v31 =	vadd.s32 $0x251, v0;
	v24 =	vmul.f32 v6, v20;
	[tilespmem:v19+s7+$0x0] =	vst.idx.msk $0xffff, v28;
	v19 =	vadd.s32 v30, v2  }
0x313: {  	v17 =	vmul.f32 v3, v20;
	v28 =	vadd.s32 $0x252, v0;
	[tilespmem:v18+s7+$0x0] =	vst.idx.msk $0xffff, v23;
	v18 =	vadd.s32 v31, v2  }
0x314: {  	v29 =	vadd.s32 $0x253, v0;
	[tilespmem:v22+s7+$0x0] =	vst.idx.msk $0xffff, v15;
	v15 =	vmul.f32 v4, v20;
	v20 =	vadd.s32 v28, v2  }
0x315: {  	v14 =	vmul.f32 v7, v14;
	v30 =	vadd.s32 $0x254, v0;
	v22 =	vadd.s32 v29, v2  }
0x316: {  	v8 =	vmul.f32 v8, v12;
	v31 =	vadd.s32 $0x255, v0;
	v26 =	vadd.s32 v30, v2;
	[tilespmem:v16+s7+$0x0] =	vst.idx.msk $0xffff, v21  }
0x317: {  	v27 =	vadd.s32 $0x256, v0;
	v7 =	vmul.f32 v7, v12;
	v21 =	vadd.s32 v31, v2;
	[tilespmem:v19+s7+$0x0] =	vst.idx.msk $0xffff, v17  }
0x318: {  	v23 =	vmul.f32 v5, v14;
	v28 =	vadd.s32 $0x257, v0;
	[tilespmem:v18+s7+$0x0] =	vst.idx.msk $0xffff, v24;
	v18 =	vadd.s32 v27, v2  }
0x319: {  	v25 =	vmul.f32 v1, v14;
	v29 =	vadd.s32 $0x258, v0;
	[tilespmem:v20+s7+$0x0] =	vst.idx.msk $0xffff, v15;
	v15 =	vadd.s32 v28, v2  }
0x31a: {  	v30 =	vadd.s32 $0x259, v0;
	v16 =	vmul.f32 v3, v14;
	v20 =	vadd.s32 v29, v2;
	[tilespmem:v22+s7+$0x0] =	vst.idx.msk $0xffff, v23  }
0x31b: {  	v13 =	vadd.s32 v30, v2;
	v31 =	vadd.s32 $0x25A, v0;
	v17 =	vmul.f32 v6, v14;
	[tilespmem:v26+s7+$0x0] =	vst.idx.msk $0xffff, v25  }
0x31c: {  	v14 =	vmul.f32 v4, v14;
	v28 =	vadd.s32 $0x25B, v0;
	[tilespmem:v21+s7+$0x0] =	vst.idx.msk $0xffff, v16;
	v16 =	vadd.s32 v31, v2  }
0x31d: {  	v30 =	vadd.s32 $0x25C, v0;
	v19 =	vmul.f32 v5, v11;
	v29 =	vadd.s32 v28, v2;
	[tilespmem:v18+s7+$0x0] =	vst.idx.msk $0xffff, v17  }
0x31e: {  	v22 =	vmul.f32 v1, v11;
	v31 =	vadd.s32 $0x25D, v0;
	[tilespmem:v15+s7+$0x0] =	vst.idx.msk $0xffff, v14;
	v14 =	vadd.s32 v30, v2  }
0x31f: {  	v24 =	vadd.s32 $0x25E, v0;
	v23 =	vmul.f32 v3, v11;
	v15 =	vadd.s32 v31, v2;
	[tilespmem:v20+s7+$0x0] =	vst.idx.msk $0xffff, v19  }
0x320: {  	v26 =	vadd.s32 $0x25F, v0;
	v21 =	vmul.f32 v6, v11;
	v19 =	vadd.s32 v24, v2;
	[tilespmem:v13+s7+$0x0] =	vst.idx.msk $0xffff, v22  }
0x321: {  	v28 =	vadd.s32 $0x260, v0;
	v11 =	vmul.f32 v4, v11;
	v20 =	vadd.s32 v26, v2;
	[tilespmem:v16+s7+$0x0] =	vst.idx.msk $0xffff, v23  }
0x322: {  	v18 =	vmul.f32 v5, v10;
	v30 =	vadd.s32 $0x261, v0;
	[tilespmem:v29+s7+$0x0] =	vst.idx.msk $0xffff, v21;
	v29 =	vadd.s32 v28, v2  }
0x323: {  	v25 =	vmul.f32 v1, v10;
	v31 =	vadd.s32 v30, v2;
	v23 =	vadd.s32 $0x262, v0;
	[tilespmem:v14+s7+$0x0] =	vst.idx.msk $0xffff, v11  }
0x324: {  	v27 =	vmul.f32 v3, v10;
	v24 =	vadd.s32 $0x263, v0;
	v14 =	vadd.s32 v23, v2;
	[tilespmem:v15+s7+$0x0] =	vst.idx.msk $0xffff, v18  }
0x325: {  	v17 =	vmul.f32 v6, v10;
	v26 =	vadd.s32 $0x264, v0;
	v15 =	vadd.s32 v24, v2;
	[tilespmem:v19+s7+$0x0] =	vst.idx.msk $0xffff, v25  }
0x326: {  	v10 =	vmul.f32 v4, v10;
	v28 =	vadd.s32 $0x265, v0;
	v18 =	vadd.s32 v26, v2;
	[tilespmem:v20+s7+$0x0] =	vst.idx.msk $0xffff, v27  }
0x327: {  	v30 =	vadd.s32 $0x266, v0;
	v25 =	vmul.f32 v5, v9;
	v19 =	vadd.s32 v28, v2;
	[tilespmem:v29+s7+$0x0] =	vst.idx.msk $0xffff, v17  }
0x328: {  	v11 =	vadd.s32 v30, v2;
	v24 =	vadd.s32 $0x267, v0;
	v27 =	vmul.f32 v1, v9;
	[tilespmem:v31+s7+$0x0] =	vst.idx.msk $0xffff, v10  }
0x329: {  	v26 =	vadd.s32 $0x268, v0;
	v29 =	vmul.f32 v3, v9;
	[tilespmem:v14+s7+$0x0] =	vst.idx.msk $0xffff, v25;
	v25 =	vadd.s32 v24, v2  }
0x32a: {  	v31 =	vmul.f32 v6, v9;
	v14 =	vadd.s32 v26, v2;
	[tilespmem:v15+s7+$0x0] =	vst.idx.msk $0xffff, v27;
	v27 =	vadd.s32 $0x269, v0  }
0x32b: {  	v9 =	vmul.f32 v4, v9;
	[tilespmem:v18+s7+$0x0] =	vst.idx.msk $0xffff, v29;
	v15 =	vadd.s32 v27, v2;
	v29 =	vadd.s32 $0x26A, v0  }
0x32c: {  	v28 =	vmul.f32 v5, v8;
	[tilespmem:v19+s7+$0x0] =	vst.idx.msk $0xffff, v31;
	v17 =	vadd.s32 v29, v2;
	v31 =	vadd.s32 $0x26B, v0  }
0x32d: {  	v30 =	vmul.f32 v1, v8;
	v23 =	vadd.s32 $0x26C, v0;
	[tilespmem:v11+s7+$0x0] =	vst.idx.msk $0xffff, v9;
	v22 =	vadd.s32 v31, v2  }
0x32e: {  	v21 =	vmul.f32 v3, v8;
	v26 =	vadd.s32 $0x26D, v0;
	[tilespmem:v25+s7+$0x0] =	vst.idx.msk $0xffff, v28;
	v25 =	vadd.s32 v23, v2  }
0x32f: {  	v24 =	vmul.f32 v6, v8;
	v27 =	vadd.s32 v26, v2;
	v28 =	vadd.s32 $0x26E, v0;
	[tilespmem:v14+s7+$0x0] =	vst.idx.msk $0xffff, v30  }
0x330: {  	v8 =	vmul.f32 v4, v8;
	v29 =	vadd.s32 v28, v2;
	v30 =	vadd.s32 $0x26F, v0;
	[tilespmem:v15+s7+$0x0] =	vst.idx.msk $0xffff, v21  }
0x331: {  	v5 =	vmul.f32 v5, v7;
	v31 =	vadd.s32 $0x270, v0;
	v12 =	vadd.s32 v30, v2;
	[tilespmem:v17+s7+$0x0] =	vst.idx.msk $0xffff, v24  }
0x332: {  	v1 =	vmul.f32 v1, v7;
	v2 =	vadd.s32 v31, v2;
	[tilespmem:v22+s7+$0x0] =	vst.idx.msk $0xffff, v8  }
0x333: {  	v3 =	vmul.f32 v3, v7;
	[tilespmem:v25+s7+$0x0] =	vst.idx.msk $0xffff, v5  }
0x334: {  	[tilespmem:v27+s7+$0x0] =	vst.idx.msk $0xffff, v1;
	v1 =	vmul.f32 v6, v7  }
0x335: {  	[tilespmem:v29+s7+$0x0] =	vst.idx.msk $0xffff, v3;
	v3 =	vmul.f32 v4, v7  }
0x336: {  	[tilespmem:v12+s7+$0x0] =	vst.idx.msk $0xffff, v1  }
0x337: {  	s18 =	simm.s32 @!p0 $0x2800;
	s17 =	simm.s32 @!p0 $0x0;
	p1 =	seq.s32 @!p0 s16, $0x0;
	[tilespmem:v2+s7+$0x0] =	vst.idx.msk $0xffff, v3  }
0x338: {  	[hbm4b:s14+s17] =	stream.linear.scatter @!p0 [tilespmem:s18], [sflag:$0x1], $0x2710, $0x38;
	[tilespmem:$0x7680] =	vst v63  }
0x339: {  	s15 =	sadd.s32 $0x1, s15;
	p0 =	por p0, !p1  }
0x33a: {  	[hbm4b:s14+s2] =	stream.linear.scatter @p0 [tilespmem:s10], [sflag:$0x2], $0x2710, $0x38;
	[tilespmem:$0x7680] =	vst v63  }
0x33b: {  	p0 =	sne.s32 s15, $0x20  }
.Ltmp0:
0x33c: {  	_ = 	snop;
	(pc) =	sbr.rel @p0 .LBB2_2-.Ltmp0, $2  }
0x33d: {  	_ =	sdelay $0x2  }
0x33e: {  	s13 =	sadd.s32 $0x10, s13;
	s12 =	sadd.s32 $0x10, s12;
	s14 =	sadd.s32 $0x4E2, s14  }
0x33f: {  	s11 =	sadd.s32 $0x1, s11  }
0x340: {  	_ =	swait.ge [sflag:s8], $0x2710;
	p0 =	sne.s32 s11, s4  }
.Ltmp1:
0x341: {  	[sflag:s8] =	ssyncset.done $0x0;
	(pc) =	sbr.rel @p0 .LBB2_1-.Ltmp1, $4  }
0x342: {  	[sflag:s8] =	ssyncadd.s32 $0xFFFFD8F0  }
0x343: {  	_ =	swait.ge [sflag:s9], $0x2710  }
0x344: {  	[sflag:s9] =	ssyncset.done $0x0  }
0x345: {  	[sflag:s9] =	ssyncadd.s32 $0xFFFFD8F0  }
0x346: {  	_ =	sfence.sel $0x180000  }
0x347: {  	[bflag:$0x0] =	sbarrier.arrive $0xFFFF  }
0x348: {  	p0 =	sne.s32 s1, $0x0;
	_ =	strace $0x90000047  }
0x349: {  	s0 =	sadd.s32 @!p0 $0x100000, s0;
	[bflag:$0x2] =	sbarrier.arrive $0xFFFF  }
0x34a: {  	[sflag:s0] =	ssyncadd.tile.s32 @!p0 $0x1;
	_ =	shalt  }
.Lfunc_end2:
_tile_overlayer_lowered:
.L_overlay_start_2:
0x34b: {  	(tag) =	ssettag $0x2  }
0x34c: {  	s0 =	rddreg [dreg:$0x0];
	s2 =	stileid.u32  }
0x34d: {  	s1 =	rddreg [dreg:$0x1];
	p0 =	sne.s32 s2, $0x0  }
0x34e: {  	s3 =	rddreg [dreg:$0x2];
	[bflag:$0x3] =	sbarrier.arrive $0xFFFF;
	s2 =	simm.s32 @!p0 $0x1C03  }
0x34f: {  	[timem:s3], [sflag:s2] =	dma.local @!p0 [hbm:s0], s1  }
0x350: {  	s0 =	simm.s32 @!p0 $0x3  }
0x351: {  	_ =	swait.ge @!p0 [sflag:s0], s1  }
0x352: {  	s1 =	ssub.s32 @!p0 $0x0, s1;
	[sflag:s0] =	ssyncset.done @!p0 $0x0  }
0x353: {  	[sflag:s0] =	ssyncadd.s32 @!p0 s1  }
0x354: {  	[bflag:$0x3] =	sbarrier.arrive $0xFFFF  }
0x355: {  	_ =	shalt  }

// kernel: sparse-core-data-format-call.cloned.1.call-start
scs
called_computation_lowered:
.L_overlay_start_0:
0x0: {  	s2 =	sld [smem:$0x3FD9]  }
0x1: {  	s3 =	sld [smem:$0x3FFE];
	_ =	sdelay $0x1  }
0x2: {  	s1 =	srdreg.scid  }
0x3: {  	s0 =	sand.u32 $0x1, s1  }
0x4: {  	s18 =	sshll.u32 s0, $0xA;
	s2 =	sadd.s32 s3, s2  }
0x5: {  	s2 =	sadd.s32 s2, s18  }
0x6: {  	[smem:$0x3FC4] =	sst s2  }
0x7: {  	_ = 	snop  }
0x8: {  	s2 =	sld [smem:$0x3FD0];
	(tm) =	ssettm $0x1  }
0x9: {  	s19 =	sld [smem:$0x3FFB];
	_ =	sdelay $0x3  }
0xa: {  	_ =	strace s19  }
0xb: {  	s3 =	sld [smem:$0x3FFC];
	_ =	sdelay $0x3  }
0xc: {  	_ =	strace s3  }
0xd: {  	s3 =	sld [smem:$0x3FFD];
	_ =	sdelay $0x3  }
0xe: {  	_ =	strace s3  }
0xf: {  	_ =	strace $0x8FFFFFFF  }
0x10: {  	s20 =	sld [smem:$0x3FDB];
	_ =	sdelay $0x1  }
0x11: {  	s4 =	simm.s32 $_scs_section_size  }
0x12: {  	s5 =	simm.s32 $_size__tile_overlayer_lowered;
	s6 =	simm.s32 $_tile_overlayer_lowered  }
0x13: {  	s23 =	simm.s32 $0x1BFF;
	s22 =	sshll.u32 s6, $0x1;
	s3 =	sadd.s32 s4, s20  }
0x14: {  	s7 =	simm.s32 $0x0;
	s21 =	sshll.u32 s5, $0x1;
	s5 =	sadd.s32 s22, s3  }
0x15: {  	[timem:s7], [sflag:s23] =	dma.local [hbm:s5], s21  }
0x16: {  	_ =	swait.ge [sflag:s23], s21  }
0x17: {  	s4 =	ssub.s32 $0x0, s21;
	[sflag:s23] =	ssyncset.done $0x0  }
0x18: {  	[sflag:s23] =	ssyncadd.s32 s4;
	_ =	sdelay $0x1  }
0x19: {  	s24 =	simm.s32 $0x1B8B  }
0x1a: {  	_ =	swait.ge [sflag:s24], $0x1  }
0x1b: {  	[sflag:s24] =	ssyncset.done $0x0  }
0x1c: {  	s26 =	simm.s32 $0x1B8E;
	s25 =	sld [smem:$0x3FFE];
	[sflag:s24] =	ssyncadd.s32 $0xFFFFFFFF  }
0x1d: {  	s27 =	simm.s32 $execute0_lowered;
	[smem:$0x3FD2] =	sst s26  }
0x1e: {  	s5 =	sshll.u32 s27, $0x1;
	_ =	strace $0x80000049;
	[dreg:$0x1] =	wrdreg $0xFFFFFFFF  }
0x1f: {  	s28 =	simm.s32 $_size_execute0_lowered;
	s3 =	sadd.s32 s3, s5;
	[dreg:$0x0] =	wrdreg $0x0  }
0x20: {  	s5 =	sshll.u32 s28, $0x1;
	[dreg:$0x2] =	wrdreg s3  }
0x21: {  	[dreg:$0x3] =	wrdreg s5  }
0x22: {  	[dreg:$0x4] =	wrdreg $0xC0  }
0x23: {  	_ =	task [dreg:s7], $0x5FFFF  }
0x24: {  	[dreg:$0x1] =	wrdreg $0xFFFFFFFF  }
0x25: {  	[dreg:$0x0] =	wrdreg $0x60  }
0x26: {  	[dreg:$0x2] =	wrdreg s25  }
0x27: {  	[dreg:$0x3] =	wrdreg s2  }
0x28: {  	[dreg:$0x4] =	wrdreg $0x9  }
0x29: {  	_ =	task.clear_ibuf [dreg:s7], $0x5FFFF;
	_ =	strace $0x90000049  }
0x2a: {  	s29 =	simm.s32 $0x9;
	_ =	strace $0x8000004B  }
0x2b: {  	_ =	swait.ge [sflag:s29], $0x1  }
0x2c: {  	[sflag:s29] =	ssyncadd.s32 $0xFFFFFFFF  }
0x2d: {  	_ =	strace $0x9000004B  }
0x2e: {  	_ =	sfence  }
0x2f: {  	s30 =	sld [smem:$0x0];
	_ =	sdelay $0x2  }
0x30: {  	s31 =	sshll.u32 s1, $0xD;
	s1 =	sshrl.u32 s1, $0x2  }
0x31: {  	s3 =	sand.u32 $0x4000, s31;
	s1 =	sadd.s32 s1, s30  }
0x32: {  	s0 =	sor.u32 s3, s0;
	s1 =	sshll.u32 s1, $0x11  }
0x33: {  	s0 =	sor.u32 s1, s0  }
0x34: {  	s0 =	sadd.s32 $0x8F2B, s0  }
0x35: {  	[sflag:s0] =	ssyncadd.remote.s32 $0x1  }
0x36: {  	_ =	sfence.sel $0xFFFF  }
0x37: {  	[dreg:$0x0] =	wrdreg $0xFFFFFFFF;
	(pc) =	sbr.abs _section_cstart, $3  }
0x38: {  	[dreg:$0x1] =	wrdreg $0xFFFFFFFF  }
0x39: {  	_ =	task.clear_ibuf [dreg:s7], $0x2FFFF;
	_ =	strace $0x9FFFFFFF  }
0x3a: {  	(tm) =	ssettm $0x7FFFFFFF  }
0x3b: {  	_ =	shalt  }
tec
execute0_lowered:
.L_overlay_start_1:
0x0: {  	(tag) =	ssettag $0x1  }
0x1: {  	s0 =	srdreg.scid  }
0x2: {  	s1 =	sshll.u32 s0, $0x4  }
0x3: {  	s6 =	rddreg [dreg:$0x0];
	s0 =	stileid.u32;
	s1 =	sand.u32 $0x10, s1  }
0x4: {  	s3 =	rddreg [dreg:$0x1];
	s1 =	sor.u32 s0, s1  }
0x5: {  	s5 =	simm.s32 $0x1;
	s31 =	simm.s32 $0x2;
	s2 =	sshll.u32 s1, $0x7  }
0x6: {  	s15 =	simm.s32 $0x0;
	s8 =	simm.s32 $0x20000;
	s4 =	ssub.s32 $0x4000, s2  }
0x7: {  	s14 =	simm.s32 $0x0;
	s9 =	simm.s32 $0x0;
	s30 =	sand.u32 $0xF80, s4  }
0x8: {  	s10 =	simm.s32 $0x0;
	s11 =	simm.s32 $0x0;
	p0 =	sne.s32 s30, $0x0  }
.Ltmp0:
0x9: {  	s7 =	sshrl.u32 s4, $0xC;
	s5 =	simm.s32 @!p0 $0x0;
	(pc) =	sbr.rel .LBB1_1-.Ltmp0, $4  }
0xa: {  	s13 =	simm.s32 $0x0;
	s1 =	rddreg [dreg:$0x2];
	s5 =	sadd.s32 s5, s7  }
0xb: {  	_ =	strace $0x8000004A;
	s4 =	simm.s32 $0x1;
	s5 =	smul.u32 $0x5, s5  }
0xc: {  	s6 =	sadd.s32 $0x800, s6;
	s12 =	smov.u32 s2;
	[sflag:s4] =	ssyncpa.u1 $0x0  }
0xd: {  	[sflag:s31] =	ssyncpa.u1 $0x0;
	p0 =	por $0x0, $0x0;
	s7 =	sadd.s32 $0x1, s5  }
.LBB1_4:
0xe: {  	s20 =	sshra.s32 s20, $0x2  }
0xf: {  	s28 =	sand.u32 $0x78, s10;
	s21 =	sshll.u32 s9, $0xE;
	s22 =	sshll.u32 s10, $0x3  }
0x10: {  	s24 =	sshll.u32 s9, $0x7;
	p1 =	sgt.s32 s9, $0x1F8;
	s30 =	sshra.s32 s9, $0x1F  }
0x11: {  	s26 =	sshra.s32 s10, $0x1F;
	s19 =	sadd.s32 s20, s19;
	s21 =	sand.u32 $0xFFFE0000, s21  }
0x12: {  	v5 =	vld [tilespmem:s17+$0xFFFFFFD0];
	[tilespmem:s18+$0x2040 ss:$0x81] =	vst.msk $0xffff, v4;
	s23 =	sand.u32 $0xFFFFFC00, s22;
	s29 =	sand.u32 $0x380, s24;
	s22 =	sand.u32 $0x3C00, s22  }
0x13: {  	v58 =	vld [tilespmem:s17+$0xFFFFFFE0];
	[tilespmem:s18+$0x2850 ss:$0x81] =	vst.msk $0xffff, v3;
	s21 =	sadd.s32 s23, s21;
	s20 =	sor.u32 s28, s22;
	s22 =	smov.u32 s9  }
0x14: {  	v59 =	vld [tilespmem:s17+$0xFFFFFFF0];
	[tilespmem:s18+$0x3060 ss:$0x81] =	vst.msk $0xffff, v2;
	s24 =	sand.u32 s30, s9;
	s21 =	sshrl.u32 s21, $0xE;
	s22 =	simm.s32 @!p1 $0x1F8  }
0x15: {  	v60 =	vld [tilespmem:s17+$0x0];
	[tilespmem:s18+$0x0 ss:$0x81] =	vst.msk $0xffff, v1;
	p1 =	sgt.s32 s10, $0x3F80;
	s31 =	ssub.s32 s22, s24;
	s22 =	smov.u32 s10  }
0x16: {  	v61 =	vld [tilespmem:s17+$0x10];
	[tilespmem:s19+$0x3870 ss:$0x81] =	vst.msk $0xffff, v0;
	s25 =	smulhi.u32 $0x67B23B, s21;
	s24 =	sand.u32 s26, s10;
	s22 =	simm.s32 @!p1 $0x3F80  }
0x17: {  	v62 =	vld [tilespmem:s17+$0x20];
	s20 =	sor.u32 s29, s20;
	[tilespmem:s19+$0x810 ss:$0x81] =	vst.msk $0xffff, v5;
	s27 =	sadd.s32 $0xFFFFFE08, s31;
	s22 =	ssub.s32 s22, s24  }
0x18: {  	v63 =	vld [tilespmem:s17+$0xFFFFFFC0];
	[tilespmem:s19+$0x1020 ss:$0x81] =	vst.msk $0xffff, v58;
	s18 =	ssub.s32 $0x278, s31;
	s28 =	smul.u32 $0x278, s25;
	s29 =	sadd.s32 $0xFFFFC080, s22  }
0x19: {  	[tilespmem:s19+$0x1830 ss:$0x81] =	vst.msk $0xffff, v59;
	p1 =	sgt.s32 s27, $0x7F;
	s22 =	ssub.s32 $0x4000, s22;
	p2 =	sgt.s32 s29, $0x7F  }
0x1a: {  	s30 =	sand.u32 $0x7, s10;
	[tilespmem:s19+$0x2040 ss:$0x81] =	vst.msk $0xffff, v60;
	s18 =	simm.s32 @p1 $0x0;
	s22 =	simm.s32 @p2 $0x0  }
0x1b: {  	s20 =	sshrl.u32 s20, $0x3;
	[tilespmem:s19+$0x2850 ss:$0x81] =	vst.msk $0xffff, v61;
	s17 =	ssub.s32 s21, s28;
	s18 =	smul.u32 s22, s18  }
0x1c: {  	[tilespmem:s19+$0x3060 ss:$0x81] =	vst.msk $0xffff, v62;
	s20 =	sadd.s32 s3, s20;
	s21 =	sshll.u32 s30, $0x12;
	s17 =	sshll.u32 s17, $0xB  }
0x1d: {  	[tilespmem:s19+$0x0 ss:$0x81] =	vst.msk $0xffff, v63;
	s31 =	sor.u32 $0x400, s21;
	s17 =	sadd.s32 s17, s20;
	s18 =	sand.u32 $0x3FFFFFFF, s18  }
0x1e: {  	[hbm4b:s17+s31] =	stream.strided.scatter [tilespmem:s16], [sflag:$0x2], s18, s8, s31, $0x20;
	[tilespmem:$0x10100] =	vst v63  }
.LBB1_5:
0x1f: {  	p1 =	slt.u32 s13, $0x2  }
0x20: {  	s17 =	smov.u32 s15;
	p2 =	sgt.s32 @!p1 s15, $0x1F8;
	s16 =	sshra.s32 @!p1 s15, $0x1F  }
0x21: {  	p3 =	sgt.s32 @!p1 s14, $0x3F80;
	s18 =	sshra.s32 @!p1 s14, $0x1F;
	p2 =	por !p2, p1  }
0x22: {  	s15 =	sand.u32 @!p1 s16, s15;
	p3 =	por !p3, p1;
	s16 =	smov.u32 s14  }
0x23: {  	s14 =	sand.u32 @!p1 s18, s14;
	s17 =	simm.s32 @p2 $0x1F8;
	s16 =	simm.s32 @p3 $0x3F80  }
0x24: {  	s15 =	ssub.s32 @!p1 s17, s15;
	s14 =	ssub.s32 @!p1 s16, s14  }
0x25: {  	s18 =	smov.u32 s12;
	s16 =	sadd.s32 @!p1 $0xFFFFFE08, s15;
	s17 =	sadd.s32 @!p1 $0xFFFFC080, s14  }
0x26: {  	s15 =	ssub.s32 @!p1 $0x278, s15;
	p2 =	sgt.s32 @!p1 s16, $0x7F;
	p3 =	sgt.s32 @!p1 s17, $0x7F  }
0x27: {  	s14 =	ssub.s32 @!p1 $0x4000, s14;
	p2 =	por !p2, p1;
	p3 =	por !p3, p1  }
0x28: {  	s16 =	sadd.s32 $0x80, s11;
	s15 =	simm.s32 @!p2 $0x0;
	s14 =	simm.s32 @!p3 $0x0  }
0x29: {  	p2 =	sgt.s32 s16, $0x270;
	s14 =	smul.u32 @!p1 s14, s15;
	s15 =	sadd.s32 $0x1000, s12  }
0x2a: {  	s18 =	smov.u32 @p2 s15  }
0x2b: {  	s16 =	simm.s32 @p2 $0x0;
	p2 =	sgt.s32 s18, $0x3FFF  }
0x2c: {  	s18 =	smov.u32 @p2 s2;
	p2 =	sne.s32 s13, s7  }
.Ltmp1:
0x2d: {  	p0 =	por !p0, !p0;
	s17 =	simm.s32 @!p1 $0x2;
	(pc) =	sbr.rel @!p2 .LBB1_6-.Ltmp1, $4  }
0x2e: {  	s15 =	smov.u32 s9;
	s9 =	smov.u32 s11;
	s14 =	sand.u32 @!p1 $0x3FFFFFFF, s14  }
0x2f: {  	s11 =	smov.u32 s16;
	_ =	swait.ge @!p1 [sflag:s17], s14;
	s19 =	ssub.s32 @!p1 $0x0, s14  }
0x30: {  	s14 =	smov.u32 s10;
	s13 =	sadd.s32 $0x1, s13;
	[sflag:s17] =	ssyncset.done @!p1 $0x0  }
0x31: {  	s10 =	smov.u32 s12;
	s12 =	smov.u32 s18;
	[sflag:s17] =	ssyncadd.s32 @!p1 s19  }
.LBB1_1:
0x32: {  	p1 =	sge.u32 s13, s5  }
0x33: {  	s16 =	sshrl.u32 @!p1 s12, $0x3  }
0x34: {  	s17 =	sshll.u32 @!p1 s11, $0x3;
	s16 =	smul.u32 @!p1 $0x1400, s16  }
0x35: {  	s18 =	sshll.u32 @!p1 s12, $0x7;
	s17 =	sand.u32 @!p1 $0xFFFFFC00, s17  }
0x36: {  	s16 =	sadd.s32 @!p1 s16, s17;
	s17 =	sand.u32 @!p1 $0x380, s18  }
0x37: {  	s18 =	sand.u32 @!p1 $0x7F, s11;
	s16 =	sor.u32 @!p1 s17, s16  }
0x38: {  	s17 =	sor.u32 @!p1 s18, s16  }
0x39: {  	s18 =	smulhi.u32 @!p1 $0xCCCCCCCD, s17;
	_ =	sdelay $0x1  }
0x3a: {  	s16 =	smulhi.u32 @!p1 $0xCCCCCCCD, s16;
	s18 =	sshrl.u32 @!p1 s18, $0x9  }
0x3b: {  	s18 =	smul.u32 @!p1 $0x280, s18  }
0x3c: {  	s31 =	sadd.s32 $0xFFFFFFFF, s13;
	s19 =	sxor.u32 @!p1 $0xFFFFFFFF, s13;
	s16 =	sshrl.u32 @!p1 s16, $0x9  }
0x3d: {  	s19 =	sshll.u32 @!p1 s19, $0xE;
	s16 =	sand.u32 @!p1 $0x3FFF, s16;
	s17 =	ssub.s32 @!p1 s17, s18  }
0x3e: {  	s16 =	smul.u32 @!p1 $0x50, s16;
	s18 =	sshrl.u32 @!p1 s17, $0x3;
	s17 =	sand.u32 @!p1 $0x7, s17  }
0x3f: {  	s19 =	sand.u32 @!p1 $0x4000, s19;
	s18 =	sadd.s32 @!p1 s6, s18;
	s17 =	sshll.u32 @!p1 s17, $0x12  }
0x40: {  	s16 =	sadd.s32 @!p1 s16, s18;
	s17 =	sor.u32 @!p1 $0x400, s17;
	s18 =	simm.s32 @!p1 $0x1400  }
0x41: {  	[tilespmem:s19], [sflag:$0x1] =	stream.strided.gather @!p1 [hbm4b:s16+s17], $0x4000, s18, s17, $0x38;
	[tilespmem:$0x10100] =	vst v63  }
0x42: {  	p1 =	sge.u32 s31, s5  }
.Ltmp2:
0x43: {  	_ = 	snop;
	(pc) =	sbr.rel @p1 .LBB1_5-.Ltmp2, $1  }
0x44: {  	_ =	sdelay $0x3  }
0x45: {  	s16 =	simm.s32 $0x1  }
0x46: {  	_ =	swait.ge [sflag:s4], $0x4000;
	s16 =	simm.s32 @!p0 $0x0  }
0x47: {  	[sflag:s4] =	ssyncset.done $0x0;
	s17 =	sshll.u32 s16, $0xE  }
0x48: {  	[sflag:s4] =	ssyncadd.s32 $0xFFFFC000;
	s17 =	sor.u32 $0x40, s17  }
0x49: {  	s16 =	smul.u32 $0x10200, s16;
	v0 =	vld [tilespmem:s17+$0x30]  }
0x4a: {  	v1 =	vld [tilespmem:s17+$0xFFFFFFD0]  }
0x4b: {  	s16 =	sshrl.u32 s16, $0x2;
	v5 =	vld [tilespmem:s17+$0xFFFFFFE0]  }
0x4c: {  	v6 =	vld [tilespmem:s17+$0xFFFFFFF0];
	s19 =	sor.u32 $0x8000, s16  }
0x4d: {  	s31 =	sand.u32 $0x1, s13;
	v4 =	vld [tilespmem:s17+$0x0];
	s18 =	sadd.s32 $0x0, s19  }
0x4e: {  	v3 =	vld [tilespmem:s17+$0x10];
	s16 =	smul.u32 $0x10200, s31;
	[tilespmem:s18+$0x3870 ss:$0x81] =	vst.msk $0xffff, v0  }
0x4f: {  	v2 =	vld [tilespmem:s17+$0x20];
	[tilespmem:s18+$0x810 ss:$0x81] =	vst.msk $0xffff, v1  }
0x50: {  	s16 =	sshrl.u32 s16, $0x2;
	v1 =	vld [tilespmem:s17+$0xFFFFFFC0];
	[tilespmem:s18+$0x1020 ss:$0x81] =	vst.msk $0xffff, v5;
	s17 =	sadd.s32 $0x80, s17  }
0x51: {  	s20 =	simm.s32 $0x4;
	s21 =	simm.s32 $0x8;
	s16 =	sor.u32 $0x8000, s16;
	[tilespmem:s18+$0x1830 ss:$0x81] =	vst.msk $0xffff, v6;
	v0 =	vld [tilespmem:s17+$0x30]  }
.LBB1_3:
0x52: {  	p1 =	sne.s32 s21, $0x1FC;
	v5 =	vld [tilespmem:s17+$0xFFFFFFD0];
	[tilespmem:s18+$0x2040 ss:$0x81] =	vst.msk $0xffff, v4  }
0x53: {  	v6 =	vld [tilespmem:s17+$0xFFFFFFE0];
	[tilespmem:s18+$0x2850 ss:$0x81] =	vst.msk $0xffff, v3  }
0x54: {  	s22 =	sshra.s32 s20, $0x2;
	s20 =	smov.u32 s21;
	v7 =	vld [tilespmem:s17+$0xFFFFFFF0];
	[tilespmem:s18+$0x3060 ss:$0x81] =	vst.msk $0xffff, v2  }
.Ltmp3:
0x55: {  	v4 =	vld [tilespmem:s17+$0x0];
	[tilespmem:s18+$0x0 ss:$0x81] =	vst.msk $0xffff, v1;
	s18 =	sadd.s32 s22, s19;
	(pc) =	sbr.rel @p1 .LBB1_3-.Ltmp3, $4  }
0x56: {  	v3 =	vld [tilespmem:s17+$0x10];
	[tilespmem:s18+$0x3870 ss:$0x81] =	vst.msk $0xffff, v0  }
0x57: {  	[tilespmem:s18+$0x810 ss:$0x81] =	vst.msk $0xffff, v5;
	v2 =	vld [tilespmem:s17+$0x20]  }
0x58: {  	v1 =	vld [tilespmem:s17+$0xFFFFFFC0];
	[tilespmem:s18+$0x1020 ss:$0x81] =	vst.msk $0xffff, v6;
	s17 =	sadd.s32 $0x80, s17  }
0x59: {  	s21 =	sadd.s32 $0x4, s21;
	v0 =	vld [tilespmem:s17+$0x30];
	[tilespmem:s18+$0x1830 ss:$0x81] =	vst.msk $0xffff, v7  }
.Ltmp4:
0x5a: {  	_ = 	snop;
	(pc) =	sbr.rel .LBB1_4-.Ltmp4, $1  }
0x5b: {  	_ =	sdelay $0x3  }
.LBB1_6:
0x5c: {  	_ =	sfence.sel $0x180000  }
0x5d: {  	s2 =	simm.s32 $0x1;
	[bflag:$0x0] =	sbarrier.arrive $0xFFFF  }
0x5e: {  	s31 =	simm.s32 $0x2;
	[sflag:s2] =	ssyncpa.u1 $0x1  }
0x5f: {  	[sflag:s31] =	ssyncpa.u1 $0x1  }
0x60: {  	p0 =	sne.s32 s0, $0x0;
	_ =	strace $0x9000004A  }
0x61: {  	s0 =	sadd.s32 @!p0 $0x100000, s1;
	[bflag:$0x2] =	sbarrier.arrive $0xFFFF  }
0x62: {  	[sflag:s0] =	ssyncadd.tile.s32 @!p0 $0x1;
	_ =	shalt  }
.Lfunc_end1:
_tile_overlayer_lowered:
.L_overlay_start_2:
0x63: {  	(tag) =	ssettag $0x2  }
0x64: {  	s0 =	rddreg [dreg:$0x0];
	s2 =	stileid.u32  }
0x65: {  	s1 =	rddreg [dreg:$0x1];
	p0 =	sne.s32 s2, $0x0  }
0x66: {  	s3 =	rddreg [dreg:$0x2];
	[bflag:$0x3] =	sbarrier.arrive $0xFFFF;
	s2 =	simm.s32 @!p0 $0x1C01  }
0x67: {  	[timem:s3], [sflag:s2] =	dma.local @!p0 [hbm:s0], s1  }
0x68: {  	s0 =	simm.s32 @!p0 $0x1  }
0x69: {  	_ =	swait.ge @!p0 [sflag:s0], s1  }
0x6a: {  	s1 =	ssub.s32 @!p0 $0x0, s1;
	[sflag:s0] =	ssyncset.done @!p0 $0x0  }
0x6b: {  	[sflag:s0] =	ssyncadd.s32 @!p0 s1  }
0x6c: {  	[bflag:$0x3] =	sbarrier.arrive $0xFFFF  }
0x6d: {  	_ =	shalt  }

</sc_bundles>
